<compile_context>
chip_gen: v7x
topology: tpu7x:2x2x1
jax: 0.10.2.dev20260603
libtpu: 0.0.44.dev20260713+nightly
codegen_flags: <defaults>
</compile_context>

<pallas_src>
import functools

import jax
import jax.numpy as jnp
from jax import lax
from jax.experimental import pallas as pl
from jax.experimental.pallas import tpu as pltpu
from jax.experimental.pallas import tpu_sc as plsc

EMBED = 576
HEADS = 18
POINTS = 12
FRAMES = 3
DEPTH = 2 * FRAMES - 1
BS = 4
H = 32
W = 32
NQ = H * W
HD = EMBED // HEADS
NW = HD // 2
PAIRS = BS * HEADS
QCHUNKS = 4
QC = NQ // QCHUNKS
TASKS = PAIRS * QCHUNKS
WORKERS = 32
TASKS_PER_W = TASKS // WORKERS
LANES = 16
GROUPS = QC // LANES


def _mm_bias_kernel(a_ref, b_ref, bias_ref, o_ref):
    o_ref[...] = (
        jnp.dot(a_ref[...], b_ref[...], preferred_element_type=jnp.float32)
        + bias_ref[...]
    )


def _mm_bias(a, b, bias, bm, out_dtype=jnp.float32):
    m, k = a.shape
    n = b.shape[1]

    def body(a_ref, b_ref, bias_ref, o_ref):
        acc = jnp.dot(a_ref[...], b_ref[...], preferred_element_type=jnp.float32)
        o_ref[...] = (acc + bias_ref[...]).astype(out_dtype)

    return pl.pallas_call(
        body,
        grid=(m // bm,),
        in_specs=[
            pl.BlockSpec((bm, k), lambda i: (i, 0)),
            pl.BlockSpec((k, n), lambda i: (0, 0)),
            pl.BlockSpec((1, n), lambda i: (0, 0)),
        ],
        out_specs=pl.BlockSpec((bm, n), lambda i: (i, 0)),
        out_shape=jax.ShapeDtypeStruct((m, n), out_dtype),
    )(a, b, bias.reshape(1, n))


def _add_mm_kernel(x_ref, y_ref, b_ref, bias_ref, o_ref):
    q = x_ref[...] + y_ref[...]
    o_ref[...] = (
        jnp.dot(q, b_ref[...], preferred_element_type=jnp.float32)
        + bias_ref[...]
    )


def _add_mm_bias(x, y, b, bias, bm):
    m, k = x.shape
    n = b.shape[1]
    return pl.pallas_call(
        _add_mm_kernel,
        grid=(m // bm,),
        in_specs=[
            pl.BlockSpec((bm, k), lambda i: (i, 0)),
            pl.BlockSpec((bm, k), lambda i: (i, 0)),
            pl.BlockSpec((k, n), lambda i: (0, 0)),
            pl.BlockSpec((1, n), lambda i: (0, 0)),
        ],
        out_specs=pl.BlockSpec((bm, n), lambda i: (i, 0)),
        out_shape=jax.ShapeDtypeStruct((m, n), jnp.float32),
    )(x, y, b, bias.reshape(1, n))


def _clampi(v, hi):
    return jnp.minimum(jnp.maximum(v, 0), hi)


def _floor_parts(coord, hi_f):
    c = jnp.minimum(jnp.maximum(coord, -1.0), hi_f)
    t = c.astype(jnp.int32)
    tf = t.astype(jnp.float32)
    adj = tf > c
    fl_i = t - jnp.where(adj, 1, 0)
    fl_f = tf - jnp.where(adj, 1.0, 0.0)
    return fl_i, c - fl_f


def _sc_sample(vol_words, coords):
    DHW = DEPTH * H * W
    mesh = plsc.VectorSubcoreMesh(core_axis_name="c", subcore_axis_name="s")

    @functools.partial(
        pl.kernel,
        mesh=mesh,
        out_type=jax.ShapeDtypeStruct((PAIRS, QCHUNKS, HD, QC), jnp.float32),
        compiler_params=pltpu.CompilerParams(needs_layout_passes=False),
        scratch_types=[
            pltpu.VMEM((NW * DHW,), jnp.int32),
            pltpu.VMEM((4, POINTS, QC), jnp.float32),
            pltpu.VMEM((POINTS, LANES), jnp.float32),
            pltpu.VMEM((HD, QC), jnp.float32),
        ],
    )
    def sampler(coords_hbm, vol_hbm, out_hbm, vol_v, cv, swv, aggv):
        wid = lax.axis_index("s") * 2 + lax.axis_index("c")
        base_task = wid * TASKS_PER_W

        def task_body(t, prev_pair):
            task = base_task + t
            pair = task // QCHUNKS
            qc = task % QCHUNKS

            @pl.when(pair != prev_pair)
            def _():
                pltpu.sync_copy(vol_hbm.at[pair], vol_v)

            pltpu.sync_copy(coords_hbm.at[pair, qc], cv)

            def g_body(g, carry):
                qo = g * LANES
                logits = [cv[3, p, pl.ds(qo, LANES)] for p in range(POINTS)]
                m = logits[0]
                for p in range(1, POINTS):
                    m = jnp.maximum(m, logits[p])
                exps = [jnp.exp(l - m) for l in logits]
                ssum = exps[0]
                for p in range(1, POINTS):
                    ssum = ssum + exps[p]
                rs = 1.0 / ssum
                for p in range(POINTS):
                    swv[p, :] = exps[p] * rs

                def p_body(p, accs):
                    xs = cv[0, p, pl.ds(qo, LANES)]
                    ys = cv[1, p, pl.ds(qo, LANES)]
                    zs = cv[2, p, pl.ds(qo, LANES)]
                    ws = swv[p, :]
                    xf, fx = _floor_parts(xs, float(W))
                    yf, fy = _floor_parts(ys, float(H))
                    zf, fz = _floor_parts(zs, float(DEPTH))
                    wx = (1.0 - fx, fx)
                    wy = (1.0 - fy, fy)
                    wz = (1.0 - fz, fz)
                    xi = (xf, xf + 1)
                    yi = (yf, yf + 1)
                    zi = (zf, zf + 1)
                    vx = [(d >= 0) & (d <= W - 1) for d in xi]
                    vy = [(d >= 0) & (d <= H - 1) for d in yi]
                    vz = [(d >= 0) & (d <= DEPTH - 1) for d in zi]
                    xc = [_clampi(d, W - 1) for d in xi]
                    ysh = [_clampi(d, H - 1) * W for d in yi]
                    zsh = [_clampi(d, DEPTH - 1) * (H * W) for d in zi]
                    wzs = [w * ws for w in wz]
                    accs = list(accs)
                    for dz in (0, 1):
                        for dy in (0, 1):
                            zy = zsh[dz] + ysh[dy]
                            vzy = vz[dz] & vy[dy]
                            wyz = wy[dy] * wzs[dz]
                            for dx in (0, 1):
                                row = zy + xc[dx]
                                wv = jnp.where(vzy & vx[dx],
                                               wyz * wx[dx], 0.0)
                                for cw in range(NW):
                                    gw = plsc.load_gather(
                                        vol_v, [row + jnp.int32(cw * DHW)])
                                    lo = plsc.bitcast(
                                        lax.shift_left(gw, 16), jnp.float32)
                                    hi = plsc.bitcast(
                                        gw & jnp.int32(-65536), jnp.float32)
                                    accs[2 * cw] = accs[2 * cw] + wv * lo
                                    accs[2 * cw + 1] = (
                                        accs[2 * cw + 1] + wv * hi)
                    return tuple(accs)

                zero = jnp.zeros((LANES,), jnp.float32)
                accs = lax.fori_loop(
                    0, POINTS, p_body, tuple(zero for _ in range(HD)))
                for ch in range(HD):
                    aggv[ch, pl.ds(qo, LANES)] = accs[ch]
                return carry

            lax.fori_loop(0, GROUPS, g_body, 0)
            pltpu.sync_copy(aggv, out_hbm.at[pair, qc])
            return pair

        lax.fori_loop(0, TASKS_PER_W, task_body, jnp.int32(-1))

    return sampler(coords, vol_words)


def kernel(query, value, query_pos, spatial_shapes, W_off, b_off, W_attn,
           b_attn, W_val, b_val, W_out, b_out):
    bs, nq, _ = query.shape
    del spatial_shapes

    v = _mm_bias(value.reshape(bs * nq * DEPTH, EMBED), W_val, b_val, 2048,
                 out_dtype=jnp.bfloat16)
    vol = v.reshape(bs, DEPTH * H * W, HEADS, HD).transpose(0, 2, 1, 3)
    vol_words = (
        lax.bitcast_convert_type(
            vol.reshape(PAIRS, DEPTH * H * W, NW, 2), jnp.int32)
        .transpose(0, 2, 1)
        .reshape(PAIRS, NW * DEPTH * H * W)
    )

    W_oa = jnp.concatenate([W_off, W_attn], axis=1)
    b_oa = jnp.concatenate([b_off, b_attn], axis=0)
    oa = _add_mm_bias(query.reshape(bs * nq, EMBED),
                      query_pos.reshape(bs * nq, EMBED), W_oa, b_oa, 1024)
    off = oa[:, :HEADS * POINTS * 3].reshape(bs, nq, HEADS, POINTS, 3)
    attn = oa[:, HEADS * POINTS * 3:].reshape(bs, nq, HEADS, POINTS)

    qs = jnp.arange(nq, dtype=jnp.int32)
    xq = (qs % W).astype(jnp.float32)
    yq = (qs // W).astype(jnp.float32)
    x = off[..., 0] + xq[None, :, None, None]
    y = off[..., 1] + yq[None, :, None, None]
    z = off[..., 2] * (float(DEPTH) / float(FRAMES)) - 0.5
    coords = jnp.stack([x, y, z, attn], axis=0)
    coords = coords.transpose(1, 3, 0, 4, 2)
    coords = coords.reshape(bs, HEADS, 4, POINTS, QCHUNKS, QC)
    coords = coords.transpose(0, 1, 4, 2, 3, 5).reshape(
        PAIRS, QCHUNKS, 4, POINTS, QC)

    agg = _sc_sample(vol_words, coords)

    agg = (agg.reshape(bs, HEADS, QCHUNKS, HD, QC)
           .transpose(0, 2, 4, 1, 3)
           .reshape(bs * nq, EMBED))
    return _mm_bias(agg, W_out, b_out, 1024).reshape(bs, nq, EMBED)

# --- scband reference (transcript-rebuilt; emitter-appended) ---
"""Pipeline reference for scband-deformable-spatial-attention-layer3-d-9156870275453 (READ-ONLY COPY).

The authoritative reference and input builder live on the scoring server;
editing this copy changes nothing except your own understanding.
"""

import jax, jax.numpy as jnp
import numpy as np

EMBED = 576
HEADS = 18
POINTS = 12
FRAMES = 3
DEPTH = 2 * FRAMES - 1
BS = 4
H = 32
W = 32
NQ = H * W
HD = EMBED // HEADS


def _grid_init_bias():
    theta = np.arange(8) * (2.0 * np.pi / 8)
    yaw = np.stack([np.cos(theta), np.sin(theta), np.zeros(8)], -1)
    roll = np.stack([np.zeros(8), np.cos(theta), np.sin(theta)], -1)
    pitch = np.stack([np.cos(theta), np.zeros(8), np.sin(theta)], -1)
    grid = np.concatenate([yaw, pitch[[1, 2, 3, 5, 6, 7]], roll[[1, 3, 5, 7]]], 0)
    grid = grid / np.abs(grid).max(-1, keepdims=True)
    grid = np.tile(grid.reshape(HEADS, 1, 1, 3), (1, 1, POINTS, 1))
    for i in range(POINTS):
        grid[:, :, i, :] *= (i + 1)
    return jnp.asarray(grid.reshape(-1), dtype=jnp.float32)


def _xavier_uniform(key, fan_in, fan_out):
    a = float(np.sqrt(6.0 / (fan_in + fan_out)))
    return jax.random.uniform(key, (fan_in, fan_out), jnp.float32, -a, a)


def setup_inputs(seed: int = 0):
    key = jax.random.key(seed)
    ks = jax.random.split(key, 8)
    return {
        "query": jax.random.normal(ks[0], (BS, NQ, EMBED), jnp.float32),
        "value": jax.random.normal(ks[1], (BS, NQ * DEPTH, EMBED), jnp.float32),
        "query_pos": jax.random.normal(ks[2], (BS, NQ, EMBED), jnp.float32) * 0.02,
        "spatial_shapes": jnp.array([H, W], jnp.int32),
        "W_off": jax.random.normal(ks[3], (EMBED, HEADS * POINTS * 3), jnp.float32) * 0.01,
        "b_off": _grid_init_bias(),
        "W_attn": jax.random.normal(ks[4], (EMBED, HEADS * POINTS), jnp.float32) * 0.02,
        "b_attn": jnp.zeros((HEADS * POINTS,), jnp.float32),
        "W_val": _xavier_uniform(ks[5], EMBED, EMBED),
        "b_val": jnp.zeros((EMBED,), jnp.float32),
        "W_out": _xavier_uniform(ks[6], EMBED, EMBED),
        "b_out": jnp.zeros((EMBED,), jnp.float32),
    }


def _grid_sample_3d(vol, grid):
    # vol: (N, C, D, H, W); grid: (N, P, 3) with xyz in [-1, 1]
    # trilinear interpolation, zero padding, align_corners=False (torch grid_sample semantics)
    N, C, Dd, Hh, Ww = vol.shape
    P = grid.shape[1]
    x = (grid[..., 0] + 1.0) * 0.5 * Ww - 0.5
    y = (grid[..., 1] + 1.0) * 0.5 * Hh - 0.5
    z = (grid[..., 2] + 1.0) * 0.5 * Dd - 0.5
    x0 = jnp.floor(x); y0 = jnp.floor(y); z0 = jnp.floor(z)
    fx = x - x0; fy = y - y0; fz = z - z0
    vol_flat = vol.reshape(N, C, Dd * Hh * Ww)
    out = jnp.zeros((N, C, P), vol.dtype)
    for dz in (0, 1):
        for dy in (0, 1):
            for dx in (0, 1):
                xi = x0 + dx; yi = y0 + dy; zi = z0 + dz
                wx = fx if dx else (1.0 - fx)
                wy = fy if dy else (1.0 - fy)
                wz = fz if dz else (1.0 - fz)
                wgt = wx * wy * wz
                valid = (xi >= 0) & (xi < Ww) & (yi >= 0) & (yi < Hh) & (zi >= 0) & (zi < Dd)
                xi_c = jnp.clip(xi, 0, Ww - 1).astype(jnp.int32)
                yi_c = jnp.clip(yi, 0, Hh - 1).astype(jnp.int32)
                zi_c = jnp.clip(zi, 0, Dd - 1).astype(jnp.int32)
                idx = (zi_c * Hh + yi_c) * Ww + xi_c
                idx_b = jnp.broadcast_to(idx[:, None, :], (N, C, P))
                vals = jnp.take_along_axis(vol_flat, idx_b, axis=2)
                out = out + vals * (wgt * valid.astype(vol.dtype))[:, None, :]
    return out


def _forward(query, value, query_pos, spatial_shapes, W_off, b_off, W_attn, b_attn, W_val, b_val, W_out, b_out):
    bs, nq, _ = query.shape
    h = H; w = W
    hf = spatial_shapes[0].astype(jnp.float32)
    wf = spatial_shapes[1].astype(jnp.float32)
    q = query + query_pos
    v = value @ W_val + b_val
    off = (q @ W_off + b_off).reshape(bs, nq, HEADS, POINTS, 3)
    aw = jax.nn.softmax((q @ W_attn + b_attn).reshape(bs, nq, HEADS, POINTS), axis=-1)
    ys = jnp.linspace(0.5, h - 0.5, h) / hf
    xs = jnp.linspace(0.5, w - 0.5, w) / wf
    ref_y, ref_x = jnp.meshgrid(ys, xs, indexing="ij")
    ref = jnp.stack([ref_x.reshape(-1), ref_y.reshape(-1), jnp.zeros(h * w)], -1)
    normalizer = jnp.stack([wf, hf, jnp.asarray(FRAMES, jnp.float32)])
    loc = ref[None, :, None, None, :] + off / normalizer
    grid = 2.0 * loc - 1.0
    vol = v.reshape(bs, DEPTH, h, w, HEADS, HD).transpose(0, 4, 5, 1, 2, 3).reshape(bs * HEADS, HD, DEPTH, h, w)
    g = grid.transpose(0, 2, 1, 3, 4).reshape(bs * HEADS, nq * POINTS, 3)
    sampled = _grid_sample_3d(vol, g).reshape(bs, HEADS, HD, nq, POINTS)
    awt = aw.transpose(0, 2, 1, 3)[:, :, None, :, :]
    agg = (sampled * awt).sum(-1)
    agg = agg.transpose(0, 3, 1, 2).reshape(bs, nq, HEADS * HD)
    return agg @ W_out + b_out


def reference(query, value, query_pos, spatial_shapes, W_off, b_off, W_attn, b_attn, W_val, b_val, W_out, b_out):
    return _forward(query, value, query_pos, spatial_shapes, W_off, b_off, W_attn, b_attn, W_val, b_val, W_out, b_out)

if __name__ == "__main__":
    import jax
    _d = setup_inputs()
    print(jax.jit(kernel)(*tuple(_d.values())))

</pallas_src>

<mosaic_0001>
#map = affine_map<(d0, d1) -> (0, 0, 0, 0, 0)>
#map1 = affine_map<(d0, d1) -> (0, 0)>
#map2 = affine_map<(d0, d1) -> (0, 0, 0, 0)>
module attributes {stable_mosaic.version = 14 : i64} {
  func.func @sampler(%arg0: i32, %arg1: i32, %arg2: memref<72x4x4x12x256xf32, #tpu.memory_space<hbm>>, %arg3: memref<72x81920xi32, #tpu.memory_space<hbm>>, %arg4: memref<72x4x32x256xf32, #tpu.memory_space<hbm>>, %arg5: memref<81920xi32, #tpu.memory_space<vmem>>, %arg6: memref<4x12x256xf32, #tpu.memory_space<vmem>>, %arg7: memref<12x16xf32, #tpu.memory_space<vmem>>, %arg8: memref<32x256xf32, #tpu.memory_space<vmem>>) attributes {dimension_semantics = [#tpu.dimension_semantics<core_parallel>, #tpu.dimension_semantics<subcore_parallel>], iteration_bounds = array<i64: 2, 16>, scalar_prefetch = 0 : i64, scratch_operands = 4 : i64, tpu.core_type = #tpu.core_type<sc_vector_subcore>, window_params = [{transform_indices = #map}, {transform_indices = #map1}, {transform_indices = #map2}]} {
    %mul3A = arith.constant 2 : i32
    %mul3A_0 = arith.muli %arg1, %mul3A : i32
    %add3A = arith.addi %mul3A_0, %arg0 : i32
    %mul3A_1 = arith.constant 9 : i32
    %mul3A_2 = arith.muli %add3A, %mul3A_1 : i32
    %scan3A = arith.constant -1 : i32
    %scan3A_3 = arith.constant 0 : i32
    %scan3A_4 = arith.constant 9 : i32
    %scan3A_5 = arith.addi %scan3A_3, %scan3A_4 : i32
    %scan3A_6 = arith.constant 1 : i32
    %scan3A_7 = scf.for %scan3A_9 = %scan3A_3 to %scan3A_5 step %scan3A_6 iter_args(%scan3A_10 = %scan3A) -> (i32)  : i32 {
      %add3A_11 = arith.addi %mul3A_2, %scan3A_9 : i32
      %jit3A = arith.constant 4 : i32
      %div3A = arith.divsi %add3A_11, %jit3A : i32
      %sign3A = arith.constant 0 : i32
      %sign3A_12 = arith.cmpi sgt, %add3A_11, %sign3A : i32
      %sign3A_13 = arith.extui %sign3A_12 : i1 to i32
      %sign3A_14 = arith.constant 0 : i32
      %sign3A_15 = arith.cmpi slt, %add3A_11, %sign3A_14 : i32
      %sign3A_16 = arith.extui %sign3A_15 : i1 to i32
      %sign3A_17 = arith.subi %sign3A_13, %sign3A_16 : i32
      %sign3A_18 = arith.constant 0 : i32
      %sign3A_19 = arith.cmpi sgt, %jit3A, %sign3A_18 : i32
      %sign3A_20 = arith.extui %sign3A_19 : i1 to i32
      %sign3A_21 = arith.constant 0 : i32
      %sign3A_22 = arith.cmpi slt, %jit3A, %sign3A_21 : i32
      %sign3A_23 = arith.extui %sign3A_22 : i1 to i32
      %sign3A_24 = arith.subi %sign3A_20, %sign3A_23 : i32
      %ne3A = arith.cmpi ne, %sign3A_17, %sign3A_24 : i32
      %rem3A = arith.remsi %add3A_11, %jit3A : i32
      %ne3A_25 = arith.constant 0 : i32
      %ne3A_26 = arith.cmpi ne, %rem3A, %ne3A_25 : i32
      %and3A = arith.andi %ne3A, %ne3A_26 : i1
      %sub3A = arith.constant 1 : i32
      %sub3A_27 = arith.subi %div3A, %sub3A : i32
      %select_n3A = arith.select %and3A, %sub3A_27, %div3A : i32
      %jit3A_28 = arith.constant 4 : i32
      %eq3A = arith.constant 0 : i32
      %eq3A_29 = arith.cmpi eq, %jit3A_28, %eq3A : i32
      %jit3A_30 = arith.constant 1 : i32
      %select_n3A_31 = arith.select %eq3A_29, %jit3A_30, %jit3A_28 : i32
      %rem3A_32 = arith.remsi %add3A_11, %select_n3A_31 : i32
      %ne3A_33 = arith.constant 0 : i32
      %ne3A_34 = arith.cmpi ne, %rem3A_32, %ne3A_33 : i32
      %lt3A = arith.constant 0 : i32
      %lt3A_35 = arith.cmpi slt, %rem3A_32, %lt3A : i32
      %lt3A_36 = arith.constant 0 : i32
      %lt3A_37 = arith.cmpi slt, %select_n3A_31, %lt3A_36 : i32
      %ne3A_38 = arith.xori %lt3A_35, %lt3A_37 : i1
      %and3A_39 = arith.andi %ne3A_38, %ne3A_34 : i1
      %add3A_40 = arith.addi %rem3A_32, %select_n3A_31 : i32
      %select_n3A_41 = arith.select %and3A_39, %add3A_40, %rem3A_32 : i32
      %ne3A_42 = arith.cmpi ne, %select_n3A, %scan3A_10 : i32
      %convert_element_type3A = arith.extui %ne3A_42 : i1 to i32
      %cond3A = arith.constant 0 : i32
      %cond3A_43 = arith.cmpi ne, %convert_element_type3A, %cond3A : i32
      scf.if %cond3A_43 {
        "tpu.region"() ({
          %run_scoped3A = tpu.sem_alloc : memref<!tpu.dma_semaphore, #tpu.memory_space<semaphore_mem>>
          %dma_start3A = arith.constant 0 : i32
          %dma_start3A_50 = tpu.memref_slice %arg3[%select_n3A, %dma_start3A] : memref<72x81920xi32, #tpu.memory_space<hbm>> -> memref<1x81920xi32, #tpu.memory_space<hbm>>
          %dma_start3A_51 = tpu.memref_squeeze %dma_start3A_50 : memref<1x81920xi32, #tpu.memory_space<hbm>> -> memref<81920xi32, #tpu.memory_space<hbm>>
          %dma_start3A_52 = arith.constant 0 : i32
          %dma_start3A_53 = tpu.memref_slice %arg3[%select_n3A, %dma_start3A_52] : memref<72x81920xi32, #tpu.memory_space<hbm>> -> memref<1x81920xi32, #tpu.memory_space<hbm>>
          %dma_start3A_54 = tpu.memref_squeeze %dma_start3A_53 : memref<1x81920xi32, #tpu.memory_space<hbm>> -> memref<81920xi32, #tpu.memory_space<hbm>>
          tpu.enqueue_dma source(%dma_start3A_54 : memref<81920xi32, #tpu.memory_space<hbm>>) target(%arg5 : memref<81920xi32, #tpu.memory_space<vmem>>) target_semaphore(%run_scoped3A : memref<!tpu.dma_semaphore, #tpu.memory_space<semaphore_mem>>)
          %dma_wait3A = arith.constant 0 : i32
          %dma_wait3A_55 = tpu.memref_slice %arg3[%select_n3A, %dma_wait3A] : memref<72x81920xi32, #tpu.memory_space<hbm>> -> memref<1x81920xi32, #tpu.memory_space<hbm>>
          %dma_wait3A_56 = tpu.memref_squeeze %dma_wait3A_55 : memref<1x81920xi32, #tpu.memory_space<hbm>> -> memref<81920xi32, #tpu.memory_space<hbm>>
          %dma_wait3A_57 = arith.constant 0 : i32
          %dma_wait3A_58 = tpu.memref_slice %arg3[%select_n3A, %dma_wait3A_57] : memref<72x81920xi32, #tpu.memory_space<hbm>> -> memref<1x81920xi32, #tpu.memory_space<hbm>>
          %dma_wait3A_59 = tpu.memref_squeeze %dma_wait3A_58 : memref<1x81920xi32, #tpu.memory_space<hbm>> -> memref<81920xi32, #tpu.memory_space<hbm>>
          tpu.wait_dma2 semaphore(%run_scoped3A : memref<!tpu.dma_semaphore, #tpu.memory_space<semaphore_mem>>) src(%dma_wait3A_59 : memref<81920xi32, #tpu.memory_space<hbm>>) dst(%arg5 : memref<81920xi32, #tpu.memory_space<vmem>>)
          tpu.yield
        }) : () -> ()
      } else {
      }
      "tpu.region"() ({
        %run_scoped3A = tpu.sem_alloc : memref<!tpu.dma_semaphore, #tpu.memory_space<semaphore_mem>>
        %dma_start3A = arith.constant 0 : i32
        %dma_start3A_50 = arith.constant 0 : i32
        %dma_start3A_51 = arith.constant 0 : i32
        %dma_start3A_52 = tpu.memref_slice %arg2[%select_n3A, %select_n3A_41, %dma_start3A, %dma_start3A_50, %dma_start3A_51] : memref<72x4x4x12x256xf32, #tpu.memory_space<hbm>> -> memref<1x1x4x12x256xf32, #tpu.memory_space<hbm>>
        %dma_start3A_53 = tpu.memref_squeeze %dma_start3A_52 : memref<1x1x4x12x256xf32, #tpu.memory_space<hbm>> -> memref<4x12x256xf32, #tpu.memory_space<hbm>>
        %dma_start3A_54 = arith.constant 0 : i32
        %dma_start3A_55 = arith.constant 0 : i32
        %dma_start3A_56 = arith.constant 0 : i32
        %dma_start3A_57 = tpu.memref_slice %arg2[%select_n3A, %select_n3A_41, %dma_start3A_54, %dma_start3A_55, %dma_start3A_56] : memref<72x4x4x12x256xf32, #tpu.memory_space<hbm>> -> memref<1x1x4x12x256xf32, #tpu.memory_space<hbm>>
        %dma_start3A_58 = tpu.memref_squeeze %dma_start3A_57 : memref<1x1x4x12x256xf32, #tpu.memory_space<hbm>> -> memref<4x12x256xf32, #tpu.memory_space<hbm>>
        tpu.enqueue_dma source(%dma_start3A_58 : memref<4x12x256xf32, #tpu.memory_space<hbm>>) target(%arg6 : memref<4x12x256xf32, #tpu.memory_space<vmem>>) target_semaphore(%run_scoped3A : memref<!tpu.dma_semaphore, #tpu.memory_space<semaphore_mem>>)
        %dma_wait3A = arith.constant 0 : i32
        %dma_wait3A_59 = arith.constant 0 : i32
        %dma_wait3A_60 = arith.constant 0 : i32
        %dma_wait3A_61 = tpu.memref_slice %arg2[%select_n3A, %select_n3A_41, %dma_wait3A, %dma_wait3A_59, %dma_wait3A_60] : memref<72x4x4x12x256xf32, #tpu.memory_space<hbm>> -> memref<1x1x4x12x256xf32, #tpu.memory_space<hbm>>
        %dma_wait3A_62 = tpu.memref_squeeze %dma_wait3A_61 : memref<1x1x4x12x256xf32, #tpu.memory_space<hbm>> -> memref<4x12x256xf32, #tpu.memory_space<hbm>>
        %dma_wait3A_63 = arith.constant 0 : i32
        %dma_wait3A_64 = arith.constant 0 : i32
        %dma_wait3A_65 = arith.constant 0 : i32
        %dma_wait3A_66 = tpu.memref_slice %arg2[%select_n3A, %select_n3A_41, %dma_wait3A_63, %dma_wait3A_64, %dma_wait3A_65] : memref<72x4x4x12x256xf32, #tpu.memory_space<hbm>> -> memref<1x1x4x12x256xf32, #tpu.memory_space<hbm>>
        %dma_wait3A_67 = tpu.memref_squeeze %dma_wait3A_66 : memref<1x1x4x12x256xf32, #tpu.memory_space<hbm>> -> memref<4x12x256xf32, #tpu.memory_space<hbm>>
        tpu.wait_dma2 semaphore(%run_scoped3A : memref<!tpu.dma_semaphore, #tpu.memory_space<semaphore_mem>>) src(%dma_wait3A_67 : memref<4x12x256xf32, #tpu.memory_space<hbm>>) dst(%arg6 : memref<4x12x256xf32, #tpu.memory_space<vmem>>)
        tpu.yield
      }) : () -> ()
      %scan3A_44 = arith.constant 0 : i32
      %scan3A_45 = arith.constant 0 : i32
      %scan3A_46 = arith.constant 16 : i32
      %scan3A_47 = arith.addi %scan3A_45, %scan3A_46 : i32
      %scan3A_48 = arith.constant 1 : i32
      scf.for %scan3A_50 = %scan3A_45 to %scan3A_47 step %scan3A_48  : i32 {
        %mul3A_51 = arith.constant 16 : i32
        %mul3A_52 = arith.muli %scan3A_50, %mul3A_51 : i32
        %get3A = arith.constant 3 : i32
        %get3A_53 = arith.constant 0 : i32
        %get3A_54 = arith.index_cast %get3A : i32 to index
        %get3A_55 = arith.index_cast %get3A_53 : i32 to index
        %get3A_56 = arith.index_cast %mul3A_52 : i32 to index
        %get3A_57 = tpu.vector_load %arg6[%get3A_54, %get3A_55, %get3A_56] {strides = array<i32>} : memref<4x12x256xf32, #tpu.memory_space<vmem>>, vector<16xf32>,
        %get3A_58 = arith.constant 3 : i32
        %get3A_59 = arith.constant 1 : i32
        %get3A_60 = arith.index_cast %get3A_58 : i32 to index
        %get3A_61 = arith.index_cast %get3A_59 : i32 to index
        %get3A_62 = arith.index_cast %mul3A_52 : i32 to index
        %get3A_63 = tpu.vector_load %arg6[%get3A_60, %get3A_61, %get3A_62] {strides = array<i32>} : memref<4x12x256xf32, #tpu.memory_space<vmem>>, vector<16xf32>,
        %get3A_64 = arith.constant 3 : i32
        %get3A_65 = arith.constant 2 : i32
        %get3A_66 = arith.index_cast %get3A_64 : i32 to index
        %get3A_67 = arith.index_cast %get3A_65 : i32 to index
        %get3A_68 = arith.index_cast %mul3A_52 : i32 to index
        %get3A_69 = tpu.vector_load %arg6[%get3A_66, %get3A_67, %get3A_68] {strides = array<i32>} : memref<4x12x256xf32, #tpu.memory_space<vmem>>, vector<16xf32>,
        %get3A_70 = arith.constant 3 : i32
        %get3A_71 = arith.constant 3 : i32
        %get3A_72 = arith.index_cast %get3A_70 : i32 to index
        %get3A_73 = arith.index_cast %get3A_71 : i32 to index
        %get3A_74 = arith.index_cast %mul3A_52 : i32 to index
        %get3A_75 = tpu.vector_load %arg6[%get3A_72, %get3A_73, %get3A_74] {strides = array<i32>} : memref<4x12x256xf32, #tpu.memory_space<vmem>>, vector<16xf32>,
        %get3A_76 = arith.constant 3 : i32
        %get3A_77 = arith.constant 4 : i32
        %get3A_78 = arith.index_cast %get3A_76 : i32 to index
        %get3A_79 = arith.index_cast %get3A_77 : i32 to index
        %get3A_80 = arith.index_cast %mul3A_52 : i32 to index
        %get3A_81 = tpu.vector_load %arg6[%get3A_78, %get3A_79, %get3A_80] {strides = array<i32>} : memref<4x12x256xf32, #tpu.memory_space<vmem>>, vector<16xf32>,
        %get3A_82 = arith.constant 3 : i32
        %get3A_83 = arith.constant 5 : i32
        %get3A_84 = arith.index_cast %get3A_82 : i32 to index
        %get3A_85 = arith.index_cast %get3A_83 : i32 to index
        %get3A_86 = arith.index_cast %mul3A_52 : i32 to index
        %get3A_87 = tpu.vector_load %arg6[%get3A_84, %get3A_85, %get3A_86] {strides = array<i32>} : memref<4x12x256xf32, #tpu.memory_space<vmem>>, vector<16xf32>,
        %get3A_88 = arith.constant 3 : i32
        %get3A_89 = arith.constant 6 : i32
        %get3A_90 = arith.index_cast %get3A_88 : i32 to index
        %get3A_91 = arith.index_cast %get3A_89 : i32 to index
        %get3A_92 = arith.index_cast %mul3A_52 : i32 to index
        %get3A_93 = tpu.vector_load %arg6[%get3A_90, %get3A_91, %get3A_92] {strides = array<i32>} : memref<4x12x256xf32, #tpu.memory_space<vmem>>, vector<16xf32>,
        %get3A_94 = arith.constant 3 : i32
        %get3A_95 = arith.constant 7 : i32
        %get3A_96 = arith.index_cast %get3A_94 : i32 to index
        %get3A_97 = arith.index_cast %get3A_95 : i32 to index
        %get3A_98 = arith.index_cast %mul3A_52 : i32 to index
        %get3A_99 = tpu.vector_load %arg6[%get3A_96, %get3A_97, %get3A_98] {strides = array<i32>} : memref<4x12x256xf32, #tpu.memory_space<vmem>>, vector<16xf32>,
        %get3A_100 = arith.constant 3 : i32
        %get3A_101 = arith.constant 8 : i32
        %get3A_102 = arith.index_cast %get3A_100 : i32 to index
        %get3A_103 = arith.index_cast %get3A_101 : i32 to index
        %get3A_104 = arith.index_cast %mul3A_52 : i32 to index
        %get3A_105 = tpu.vector_load %arg6[%get3A_102, %get3A_103, %get3A_104] {strides = array<i32>} : memref<4x12x256xf32, #tpu.memory_space<vmem>>, vector<16xf32>,
        %get3A_106 = arith.constant 3 : i32
        %get3A_107 = arith.constant 9 : i32
        %get3A_108 = arith.index_cast %get3A_106 : i32 to index
        %get3A_109 = arith.index_cast %get3A_107 : i32 to index
        %get3A_110 = arith.index_cast %mul3A_52 : i32 to index
        %get3A_111 = tpu.vector_load %arg6[%get3A_108, %get3A_109, %get3A_110] {strides = array<i32>} : memref<4x12x256xf32, #tpu.memory_space<vmem>>, vector<16xf32>,
        %get3A_112 = arith.constant 3 : i32
        %get3A_113 = arith.constant 10 : i32
        %get3A_114 = arith.index_cast %get3A_112 : i32 to index
        %get3A_115 = arith.index_cast %get3A_113 : i32 to index
        %get3A_116 = arith.index_cast %mul3A_52 : i32 to index
        %get3A_117 = tpu.vector_load %arg6[%get3A_114, %get3A_115, %get3A_116] {strides = array<i32>} : memref<4x12x256xf32, #tpu.memory_space<vmem>>, vector<16xf32>,
        %get3A_118 = arith.constant 3 : i32
        %get3A_119 = arith.constant 11 : i32
        %get3A_120 = arith.index_cast %get3A_118 : i32 to index
        %get3A_121 = arith.index_cast %get3A_119 : i32 to index
        %get3A_122 = arith.index_cast %mul3A_52 : i32 to index
        %get3A_123 = tpu.vector_load %arg6[%get3A_120, %get3A_121, %get3A_122] {strides = array<i32>} : memref<4x12x256xf32, #tpu.memory_space<vmem>>, vector<16xf32>,
        %max3A = arith.maximumf %get3A_57, %get3A_63 : vector<16xf32>
        %max3A_124 = arith.maximumf %max3A, %get3A_69 : vector<16xf32>
        %max3A_125 = arith.maximumf %max3A_124, %get3A_75 : vector<16xf32>
        %max3A_126 = arith.maximumf %max3A_125, %get3A_81 : vector<16xf32>
        %max3A_127 = arith.maximumf %max3A_126, %get3A_87 : vector<16xf32>
        %max3A_128 = arith.maximumf %max3A_127, %get3A_93 : vector<16xf32>
        %max3A_129 = arith.maximumf %max3A_128, %get3A_99 : vector<16xf32>
        %max3A_130 = arith.maximumf %max3A_129, %get3A_105 : vector<16xf32>
        %max3A_131 = arith.maximumf %max3A_130, %get3A_111 : vector<16xf32>
        %max3A_132 = arith.maximumf %max3A_131, %get3A_117 : vector<16xf32>
        %max3A_133 = arith.maximumf %max3A_132, %get3A_123 : vector<16xf32>
        %sub3A_134 = arith.subf %get3A_57, %max3A_133 : vector<16xf32>
        %exp3A = math.exp %sub3A_134 : vector<16xf32>
        %sub3A_135 = arith.subf %get3A_63, %max3A_133 : vector<16xf32>
        %exp3A_136 = math.exp %sub3A_135 : vector<16xf32>
        %sub3A_137 = arith.subf %get3A_69, %max3A_133 : vector<16xf32>
        %exp3A_138 = math.exp %sub3A_137 : vector<16xf32>
        %sub3A_139 = arith.subf %get3A_75, %max3A_133 : vector<16xf32>
        %exp3A_140 = math.exp %sub3A_139 : vector<16xf32>
        %sub3A_141 = arith.subf %get3A_81, %max3A_133 : vector<16xf32>
        %exp3A_142 = math.exp %sub3A_141 : vector<16xf32>
        %sub3A_143 = arith.subf %get3A_87, %max3A_133 : vector<16xf32>
        %exp3A_144 = math.exp %sub3A_143 : vector<16xf32>
        %sub3A_145 = arith.subf %get3A_93, %max3A_133 : vector<16xf32>
        %exp3A_146 = math.exp %sub3A_145 : vector<16xf32>
        %sub3A_147 = arith.subf %get3A_99, %max3A_133 : vector<16xf32>
        %exp3A_148 = math.exp %sub3A_147 : vector<16xf32>
        %sub3A_149 = arith.subf %get3A_105, %max3A_133 : vector<16xf32>
        %exp3A_150 = math.exp %sub3A_149 : vector<16xf32>
        %sub3A_151 = arith.subf %get3A_111, %max3A_133 : vector<16xf32>
        %exp3A_152 = math.exp %sub3A_151 : vector<16xf32>
        %sub3A_153 = arith.subf %get3A_117, %max3A_133 : vector<16xf32>
        %exp3A_154 = math.exp %sub3A_153 : vector<16xf32>
        %sub3A_155 = arith.subf %get3A_123, %max3A_133 : vector<16xf32>
        %exp3A_156 = math.exp %sub3A_155 : vector<16xf32>
        %add3A_157 = arith.addf %exp3A, %exp3A_136 : vector<16xf32>
        %add3A_158 = arith.addf %add3A_157, %exp3A_138 : vector<16xf32>
        %add3A_159 = arith.addf %add3A_158, %exp3A_140 : vector<16xf32>
        %add3A_160 = arith.addf %add3A_159, %exp3A_142 : vector<16xf32>
        %add3A_161 = arith.addf %add3A_160, %exp3A_144 : vector<16xf32>
        %add3A_162 = arith.addf %add3A_161, %exp3A_146 : vector<16xf32>
        %add3A_163 = arith.addf %add3A_162, %exp3A_148 : vector<16xf32>
        %add3A_164 = arith.addf %add3A_163, %exp3A_150 : vector<16xf32>
        %add3A_165 = arith.addf %add3A_164, %exp3A_152 : vector<16xf32>
        %add3A_166 = arith.addf %add3A_165, %exp3A_154 : vector<16xf32>
        %add3A_167 = arith.addf %add3A_166, %exp3A_156 : vector<16xf32>
        %div3A_168 = arith.constant 1.000000e+00 : f32
        %div3A_169 = vector.broadcast %div3A_168 : f32 to vector<16xf32>
        %div3A_170 = arith.divf %div3A_169, %add3A_167 : vector<16xf32>
        %mul3A_171 = arith.mulf %exp3A, %div3A_170 : vector<16xf32>
        %swap3A = arith.constant 0 : i32
        %swap3A_172 = arith.index_cast %swap3A : i32 to index
        %swap3A_173 = arith.constant 0 : index
        %swap3A_174 = tpu.vector_load %arg7[%swap3A_172, %swap3A_173] {strides = array<i32>} : memref<12x16xf32, #tpu.memory_space<vmem>>, vector<16xf32>,
        tpu.vector_store %arg7[%swap3A_172, %swap3A_173], %mul3A_171 {strides = array<i32>} : memref<12x16xf32, #tpu.memory_space<vmem>>, vector<16xf32>,
        %mul3A_175 = arith.mulf %exp3A_136, %div3A_170 : vector<16xf32>
        %swap3A_176 = arith.constant 1 : i32
        %swap3A_177 = arith.index_cast %swap3A_176 : i32 to index
        %swap3A_178 = arith.constant 0 : index
        %swap3A_179 = tpu.vector_load %arg7[%swap3A_177, %swap3A_178] {strides = array<i32>} : memref<12x16xf32, #tpu.memory_space<vmem>>, vector<16xf32>,
        tpu.vector_store %arg7[%swap3A_177, %swap3A_178], %mul3A_175 {strides = array<i32>} : memref<12x16xf32, #tpu.memory_space<vmem>>, vector<16xf32>,
        %mul3A_180 = arith.mulf %exp3A_138, %div3A_170 : vector<16xf32>
        %swap3A_181 = arith.constant 2 : i32
        %swap3A_182 = arith.index_cast %swap3A_181 : i32 to index
        %swap3A_183 = arith.constant 0 : index
        %swap3A_184 = tpu.vector_load %arg7[%swap3A_182, %swap3A_183] {strides = array<i32>} : memref<12x16xf32, #tpu.memory_space<vmem>>, vector<16xf32>,
        tpu.vector_store %arg7[%swap3A_182, %swap3A_183], %mul3A_180 {strides = array<i32>} : memref<12x16xf32, #tpu.memory_space<vmem>>, vector<16xf32>,
        %mul3A_185 = arith.mulf %exp3A_140, %div3A_170 : vector<16xf32>
        %swap3A_186 = arith.constant 3 : i32
        %swap3A_187 = arith.index_cast %swap3A_186 : i32 to index
        %swap3A_188 = arith.constant 0 : index
        %swap3A_189 = tpu.vector_load %arg7[%swap3A_187, %swap3A_188] {strides = array<i32>} : memref<12x16xf32, #tpu.memory_space<vmem>>, vector<16xf32>,
        tpu.vector_store %arg7[%swap3A_187, %swap3A_188], %mul3A_185 {strides = array<i32>} : memref<12x16xf32, #tpu.memory_space<vmem>>, vector<16xf32>,
        %mul3A_190 = arith.mulf %exp3A_142, %div3A_170 : vector<16xf32>
        %swap3A_191 = arith.constant 4 : i32
        %swap3A_192 = arith.index_cast %swap3A_191 : i32 to index
        %swap3A_193 = arith.constant 0 : index
        %swap3A_194 = tpu.vector_load %arg7[%swap3A_192, %swap3A_193] {strides = array<i32>} : memref<12x16xf32, #tpu.memory_space<vmem>>, vector<16xf32>,
        tpu.vector_store %arg7[%swap3A_192, %swap3A_193], %mul3A_190 {strides = array<i32>} : memref<12x16xf32, #tpu.memory_space<vmem>>, vector<16xf32>,
        %mul3A_195 = arith.mulf %exp3A_144, %div3A_170 : vector<16xf32>
        %swap3A_196 = arith.constant 5 : i32
        %swap3A_197 = arith.index_cast %swap3A_196 : i32 to index
        %swap3A_198 = arith.constant 0 : index
        %swap3A_199 = tpu.vector_load %arg7[%swap3A_197, %swap3A_198] {strides = array<i32>} : memref<12x16xf32, #tpu.memory_space<vmem>>, vector<16xf32>,
        tpu.vector_store %arg7[%swap3A_197, %swap3A_198], %mul3A_195 {strides = array<i32>} : memref<12x16xf32, #tpu.memory_space<vmem>>, vector<16xf32>,
        %mul3A_200 = arith.mulf %exp3A_146, %div3A_170 : vector<16xf32>
        %swap3A_201 = arith.constant 6 : i32
        %swap3A_202 = arith.index_cast %swap3A_201 : i32 to index
        %swap3A_203 = arith.constant 0 : index
        %swap3A_204 = tpu.vector_load %arg7[%swap3A_202, %swap3A_203] {strides = array<i32>} : memref<12x16xf32, #tpu.memory_space<vmem>>, vector<16xf32>,
        tpu.vector_store %arg7[%swap3A_202, %swap3A_203], %mul3A_200 {strides = array<i32>} : memref<12x16xf32, #tpu.memory_space<vmem>>, vector<16xf32>,
        %mul3A_205 = arith.mulf %exp3A_148, %div3A_170 : vector<16xf32>
        %swap3A_206 = arith.constant 7 : i32
        %swap3A_207 = arith.index_cast %swap3A_206 : i32 to index
        %swap3A_208 = arith.constant 0 : index
        %swap3A_209 = tpu.vector_load %arg7[%swap3A_207, %swap3A_208] {strides = array<i32>} : memref<12x16xf32, #tpu.memory_space<vmem>>, vector<16xf32>,
        tpu.vector_store %arg7[%swap3A_207, %swap3A_208], %mul3A_205 {strides = array<i32>} : memref<12x16xf32, #tpu.memory_space<vmem>>, vector<16xf32>,
        %mul3A_210 = arith.mulf %exp3A_150, %div3A_170 : vector<16xf32>
        %swap3A_211 = arith.constant 8 : i32
        %swap3A_212 = arith.index_cast %swap3A_211 : i32 to index
        %swap3A_213 = arith.constant 0 : index
        %swap3A_214 = tpu.vector_load %arg7[%swap3A_212, %swap3A_213] {strides = array<i32>} : memref<12x16xf32, #tpu.memory_space<vmem>>, vector<16xf32>,
        tpu.vector_store %arg7[%swap3A_212, %swap3A_213], %mul3A_210 {strides = array<i32>} : memref<12x16xf32, #tpu.memory_space<vmem>>, vector<16xf32>,
        %mul3A_215 = arith.mulf %exp3A_152, %div3A_170 : vector<16xf32>
        %swap3A_216 = arith.constant 9 : i32
        %swap3A_217 = arith.index_cast %swap3A_216 : i32 to index
        %swap3A_218 = arith.constant 0 : index
        %swap3A_219 = tpu.vector_load %arg7[%swap3A_217, %swap3A_218] {strides = array<i32>} : memref<12x16xf32, #tpu.memory_space<vmem>>, vector<16xf32>,
        tpu.vector_store %arg7[%swap3A_217, %swap3A_218], %mul3A_215 {strides = array<i32>} : memref<12x16xf32, #tpu.memory_space<vmem>>, vector<16xf32>,
        %mul3A_220 = arith.mulf %exp3A_154, %div3A_170 : vector<16xf32>
        %swap3A_221 = arith.constant 10 : i32
        %swap3A_222 = arith.index_cast %swap3A_221 : i32 to index
        %swap3A_223 = arith.constant 0 : index
        %swap3A_224 = tpu.vector_load %arg7[%swap3A_222, %swap3A_223] {strides = array<i32>} : memref<12x16xf32, #tpu.memory_space<vmem>>, vector<16xf32>,
        tpu.vector_store %arg7[%swap3A_222, %swap3A_223], %mul3A_220 {strides = array<i32>} : memref<12x16xf32, #tpu.memory_space<vmem>>, vector<16xf32>,
        %mul3A_225 = arith.mulf %exp3A_156, %div3A_170 : vector<16xf32>
        %swap3A_226 = arith.constant 11 : i32
        %swap3A_227 = arith.index_cast %swap3A_226 : i32 to index
        %swap3A_228 = arith.constant 0 : index
        %swap3A_229 = tpu.vector_load %arg7[%swap3A_227, %swap3A_228] {strides = array<i32>} : memref<12x16xf32, #tpu.memory_space<vmem>>, vector<16xf32>,
        tpu.vector_store %arg7[%swap3A_227, %swap3A_228], %mul3A_225 {strides = array<i32>} : memref<12x16xf32, #tpu.memory_space<vmem>>, vector<16xf32>,
        %broadcast_in_dim3A = arith.constant 0.000000e+00 : f32
        %broadcast_in_dim3A_230 = vector.broadcast %broadcast_in_dim3A : f32 to vector<16xf32>
        %scan3A_231 = arith.constant 0 : i32
        %scan3A_232 = arith.constant 12 : i32
        %scan3A_233 = arith.addi %scan3A_231, %scan3A_232 : i32
        %scan3A_234 = arith.constant 1 : i32
        %scan3A_235:32 = scf.for %scan3A_365 = %scan3A_231 to %scan3A_233 step %scan3A_234 iter_args(%scan3A_366 = %broadcast_in_dim3A_230, %scan3A_367 = %broadcast_in_dim3A_230, %scan3A_368 = %broadcast_in_dim3A_230, %scan3A_369 = %broadcast_in_dim3A_230, %scan3A_370 = %broadcast_in_dim3A_230, %scan3A_371 = %broadcast_in_dim3A_230, %scan3A_372 = %broadcast_in_dim3A_230, %scan3A_373 = %broadcast_in_dim3A_230, %scan3A_374 = %broadcast_in_dim3A_230, %scan3A_375 = %broadcast_in_dim3A_230, %scan3A_376 = %broadcast_in_dim3A_230, %scan3A_377 = %broadcast_in_dim3A_230, %scan3A_378 = %broadcast_in_dim3A_230, %scan3A_379 = %broadcast_in_dim3A_230, %scan3A_380 = %broadcast_in_dim3A_230, %scan3A_381 = %broadcast_in_dim3A_230, %scan3A_382 = %broadcast_in_dim3A_230, %scan3A_383 = %broadcast_in_dim3A_230, %scan3A_384 = %broadcast_in_dim3A_230, %scan3A_385 = %broadcast_in_dim3A_230, %scan3A_386 = %broadcast_in_dim3A_230, %scan3A_387 = %broadcast_in_dim3A_230, %scan3A_388 = %broadcast_in_dim3A_230, %scan3A_389 = %broadcast_in_dim3A_230, %scan3A_390 = %broadcast_in_dim3A_230, %scan3A_391 = %broadcast_in_dim3A_230, %scan3A_392 = %broadcast_in_dim3A_230, %scan3A_393 = %broadcast_in_dim3A_230, %scan3A_394 = %broadcast_in_dim3A_230, %scan3A_395 = %broadcast_in_dim3A_230, %scan3A_396 = %broadcast_in_dim3A_230, %scan3A_397 = %broadcast_in_dim3A_230) -> (vector<16xf32>, vector<16xf32>, vector<16xf32>, vector<16xf32>, vector<16xf32>, vector<16xf32>, vector<16xf32>, vector<16xf32>, vector<16xf32>, vector<16xf32>, vector<16xf32>, vector<16xf32>, vector<16xf32>, vector<16xf32>, vector<16xf32>, vector<16xf32>, vector<16xf32>, vector<16xf32>, vector<16xf32>, vector<16xf32>, vector<16xf32>, vector<16xf32>, vector<16xf32>, vector<16xf32>, vector<16xf32>, vector<16xf32>, vector<16xf32>, vector<16xf32>, vector<16xf32>, vector<16xf32>, vector<16xf32>, vector<16xf32>)  : i32 {
          %get3A_398 = arith.constant 0 : i32
          %get3A_399 = arith.index_cast %get3A_398 : i32 to index
          %get3A_400 = arith.index_cast %scan3A_365 : i32 to index
          %get3A_401 = arith.index_cast %mul3A_52 : i32 to index
          %get3A_402 = tpu.vector_load %arg6[%get3A_399, %get3A_400, %get3A_401] {strides = array<i32>} : memref<4x12x256xf32, #tpu.memory_space<vmem>>, vector<16xf32>,
          %get3A_403 = arith.constant 1 : i32
          %get3A_404 = arith.index_cast %get3A_403 : i32 to index
          %get3A_405 = arith.index_cast %scan3A_365 : i32 to index
          %get3A_406 = arith.index_cast %mul3A_52 : i32 to index
          %get3A_407 = tpu.vector_load %arg6[%get3A_404, %get3A_405, %get3A_406] {strides = array<i32>} : memref<4x12x256xf32, #tpu.memory_space<vmem>>, vector<16xf32>,
          %get3A_408 = arith.constant 2 : i32
          %get3A_409 = arith.index_cast %get3A_408 : i32 to index
          %get3A_410 = arith.index_cast %scan3A_365 : i32 to index
          %get3A_411 = arith.index_cast %mul3A_52 : i32 to index
          %get3A_412 = tpu.vector_load %arg6[%get3A_409, %get3A_410, %get3A_411] {strides = array<i32>} : memref<4x12x256xf32, #tpu.memory_space<vmem>>, vector<16xf32>,
          %get3A_413 = arith.index_cast %scan3A_365 : i32 to index
          %get3A_414 = arith.constant 0 : index
          %get3A_415 = tpu.vector_load %arg7[%get3A_413, %get3A_414] {strides = array<i32>} : memref<12x16xf32, #tpu.memory_space<vmem>>, vector<16xf32>,
          %max3A_416 = arith.constant -1.000000e+00 : f32
          %max3A_417 = vector.broadcast %max3A_416 : f32 to vector<16xf32>
          %max3A_418 = arith.maximumf %get3A_402, %max3A_417 : vector<16xf32>
          %min3A = arith.constant 3.200000e+01 : f32
          %min3A_419 = vector.broadcast %min3A : f32 to vector<16xf32>
          %min3A_420 = arith.minimumf %max3A_418, %min3A_419 : vector<16xf32>
          %convert_element_type3A_421 = arith.fptosi %min3A_420 : vector<16xf32> to vector<16xi32>
          %convert_element_type3A_422 = arith.sitofp %convert_element_type3A_421 : vector<16xi32> to vector<16xf32>
          %gt3A = arith.cmpf ogt, %convert_element_type3A_422, %min3A_420 : vector<16xf32>
          %jit3A_423 = arith.constant 1 : i32
          %jit3A_424 = arith.constant 0 : i32
          %broadcast_in_dim3A_425 = vector.broadcast %jit3A_423 : i32 to vector<16xi32>
          %broadcast_in_dim3A_426 = vector.broadcast %jit3A_424 : i32 to vector<16xi32>
          %select_n3A_427 = arith.select %gt3A, %broadcast_in_dim3A_425, %broadcast_in_dim3A_426 : vector<16xi1>, vector<16xi32>
          %sub3A_428 = arith.subi %convert_element_type3A_421, %select_n3A_427 : vector<16xi32>
          %jit3A_429 = arith.constant 1.000000e+00 : f32
          %jit3A_430 = arith.constant 0.000000e+00 : f32
          %broadcast_in_dim3A_431 = vector.broadcast %jit3A_429 : f32 to vector<16xf32>
          %broadcast_in_dim3A_432 = vector.broadcast %jit3A_430 : f32 to vector<16xf32>
          %select_n3A_433 = arith.select %gt3A, %broadcast_in_dim3A_431, %broadcast_in_dim3A_432 : vector<16xi1>, vector<16xf32>
          %sub3A_434 = arith.subf %convert_element_type3A_422, %select_n3A_433 : vector<16xf32>
          %sub3A_435 = arith.subf %min3A_420, %sub3A_434 : vector<16xf32>
          %max3A_436 = arith.constant -1.000000e+00 : f32
          %max3A_437 = vector.broadcast %max3A_436 : f32 to vector<16xf32>
          %max3A_438 = arith.maximumf %get3A_407, %max3A_437 : vector<16xf32>
          %min3A_439 = arith.constant 3.200000e+01 : f32
          %min3A_440 = vector.broadcast %min3A_439 : f32 to vector<16xf32>
          %min3A_441 = arith.minimumf %max3A_438, %min3A_440 : vector<16xf32>
          %convert_element_type3A_442 = arith.fptosi %min3A_441 : vector<16xf32> to vector<16xi32>
          %convert_element_type3A_443 = arith.sitofp %convert_element_type3A_442 : vector<16xi32> to vector<16xf32>
          %gt3A_444 = arith.cmpf ogt, %convert_element_type3A_443, %min3A_441 : vector<16xf32>
          %jit3A_445 = arith.constant 1 : i32
          %jit3A_446 = arith.constant 0 : i32
          %broadcast_in_dim3A_447 = vector.broadcast %jit3A_445 : i32 to vector<16xi32>
          %broadcast_in_dim3A_448 = vector.broadcast %jit3A_446 : i32 to vector<16xi32>
          %select_n3A_449 = arith.select %gt3A_444, %broadcast_in_dim3A_447, %broadcast_in_dim3A_448 : vector<16xi1>, vector<16xi32>
          %sub3A_450 = arith.subi %convert_element_type3A_442, %select_n3A_449 : vector<16xi32>
          %jit3A_451 = arith.constant 1.000000e+00 : f32
          %jit3A_452 = arith.constant 0.000000e+00 : f32
          %broadcast_in_dim3A_453 = vector.broadcast %jit3A_451 : f32 to vector<16xf32>
          %broadcast_in_dim3A_454 = vector.broadcast %jit3A_452 : f32 to vector<16xf32>
          %select_n3A_455 = arith.select %gt3A_444, %broadcast_in_dim3A_453, %broadcast_in_dim3A_454 : vector<16xi1>, vector<16xf32>
          %sub3A_456 = arith.subf %convert_element_type3A_443, %select_n3A_455 : vector<16xf32>
          %sub3A_457 = arith.subf %min3A_441, %sub3A_456 : vector<16xf32>
          %max3A_458 = arith.constant -1.000000e+00 : f32
          %max3A_459 = vector.broadcast %max3A_458 : f32 to vector<16xf32>
          %max3A_460 = arith.maximumf %get3A_412, %max3A_459 : vector<16xf32>
          %min3A_461 = arith.constant 5.000000e+00 : f32
          %min3A_462 = vector.broadcast %min3A_461 : f32 to vector<16xf32>
          %min3A_463 = arith.minimumf %max3A_460, %min3A_462 : vector<16xf32>
          %convert_element_type3A_464 = arith.fptosi %min3A_463 : vector<16xf32> to vector<16xi32>
          %convert_element_type3A_465 = arith.sitofp %convert_element_type3A_464 : vector<16xi32> to vector<16xf32>
          %gt3A_466 = arith.cmpf ogt, %convert_element_type3A_465, %min3A_463 : vector<16xf32>
          %jit3A_467 = arith.constant 1 : i32
          %jit3A_468 = arith.constant 0 : i32
          %broadcast_in_dim3A_469 = vector.broadcast %jit3A_467 : i32 to vector<16xi32>
          %broadcast_in_dim3A_470 = vector.broadcast %jit3A_468 : i32 to vector<16xi32>
          %select_n3A_471 = arith.select %gt3A_466, %broadcast_in_dim3A_469, %broadcast_in_dim3A_470 : vector<16xi1>, vector<16xi32>
          %sub3A_472 = arith.subi %convert_element_type3A_464, %select_n3A_471 : vector<16xi32>
          %jit3A_473 = arith.constant 1.000000e+00 : f32
          %jit3A_474 = arith.constant 0.000000e+00 : f32
          %broadcast_in_dim3A_475 = vector.broadcast %jit3A_473 : f32 to vector<16xf32>
          %broadcast_in_dim3A_476 = vector.broadcast %jit3A_474 : f32 to vector<16xf32>
          %select_n3A_477 = arith.select %gt3A_466, %broadcast_in_dim3A_475, %broadcast_in_dim3A_476 : vector<16xi1>, vector<16xf32>
          %sub3A_478 = arith.subf %convert_element_type3A_465, %select_n3A_477 : vector<16xf32>
          %sub3A_479 = arith.subf %min3A_463, %sub3A_478 : vector<16xf32>
          %sub3A_480 = arith.constant 1.000000e+00 : f32
          %sub3A_481 = vector.broadcast %sub3A_480 : f32 to vector<16xf32>
          %sub3A_482 = arith.subf %sub3A_481, %sub3A_435 : vector<16xf32>
          %sub3A_483 = arith.constant 1.000000e+00 : f32
          %sub3A_484 = vector.broadcast %sub3A_483 : f32 to vector<16xf32>
          %sub3A_485 = arith.subf %sub3A_484, %sub3A_457 : vector<16xf32>
          %sub3A_486 = arith.constant 1.000000e+00 : f32
          %sub3A_487 = vector.broadcast %sub3A_486 : f32 to vector<16xf32>
          %sub3A_488 = arith.subf %sub3A_487, %sub3A_479 : vector<16xf32>
          %add3A_489 = arith.constant 1 : i32
          %add3A_490 = vector.broadcast %add3A_489 : i32 to vector<16xi32>
          %add3A_491 = arith.addi %sub3A_428, %add3A_490 : vector<16xi32>
          %add3A_492 = arith.constant 1 : i32
          %add3A_493 = vector.broadcast %add3A_492 : i32 to vector<16xi32>
          %add3A_494 = arith.addi %sub3A_450, %add3A_493 : vector<16xi32>
          %add3A_495 = arith.constant 1 : i32
          %add3A_496 = vector.broadcast %add3A_495 : i32 to vector<16xi32>
          %add3A_497 = arith.addi %sub3A_472, %add3A_496 : vector<16xi32>
          %ge3A = arith.constant 0 : i32
          %ge3A_498 = vector.broadcast %ge3A : i32 to vector<16xi32>
          %ge3A_499 = arith.cmpi sge, %sub3A_428, %ge3A_498 : vector<16xi32>
          %le3A = arith.constant 31 : i32
          %le3A_500 = vector.broadcast %le3A : i32 to vector<16xi32>
          %le3A_501 = arith.cmpi sle, %sub3A_428, %le3A_500 : vector<16xi32>
          %and3A_502 = arith.andi %ge3A_499, %le3A_501 : vector<16xi1>
          %ge3A_503 = arith.constant 0 : i32
          %ge3A_504 = vector.broadcast %ge3A_503 : i32 to vector<16xi32>
          %ge3A_505 = arith.cmpi sge, %add3A_491, %ge3A_504 : vector<16xi32>
          %le3A_506 = arith.constant 31 : i32
          %le3A_507 = vector.broadcast %le3A_506 : i32 to vector<16xi32>
          %le3A_508 = arith.cmpi sle, %add3A_491, %le3A_507 : vector<16xi32>
          %and3A_509 = arith.andi %ge3A_505, %le3A_508 : vector<16xi1>
          %ge3A_510 = arith.constant 0 : i32
          %ge3A_511 = vector.broadcast %ge3A_510 : i32 to vector<16xi32>
          %ge3A_512 = arith.cmpi sge, %sub3A_450, %ge3A_511 : vector<16xi32>
          %le3A_513 = arith.constant 31 : i32
          %le3A_514 = vector.broadcast %le3A_513 : i32 to vector<16xi32>
          %le3A_515 = arith.cmpi sle, %sub3A_450, %le3A_514 : vector<16xi32>
          %and3A_516 = arith.andi %ge3A_512, %le3A_515 : vector<16xi1>
          %ge3A_517 = arith.constant 0 : i32
          %ge3A_518 = vector.broadcast %ge3A_517 : i32 to vector<16xi32>
          %ge3A_519 = arith.cmpi sge, %add3A_494, %ge3A_518 : vector<16xi32>
          %le3A_520 = arith.constant 31 : i32
          %le3A_521 = vector.broadcast %le3A_520 : i32 to vector<16xi32>
          %le3A_522 = arith.cmpi sle, %add3A_494, %le3A_521 : vector<16xi32>
          %and3A_523 = arith.andi %ge3A_519, %le3A_522 : vector<16xi1>
          %ge3A_524 = arith.constant 0 : i32
          %ge3A_525 = vector.broadcast %ge3A_524 : i32 to vector<16xi32>
          %ge3A_526 = arith.cmpi sge, %sub3A_472, %ge3A_525 : vector<16xi32>
          %le3A_527 = arith.constant 4 : i32
          %le3A_528 = vector.broadcast %le3A_527 : i32 to vector<16xi32>
          %le3A_529 = arith.cmpi sle, %sub3A_472, %le3A_528 : vector<16xi32>
          %and3A_530 = arith.andi %ge3A_526, %le3A_529 : vector<16xi1>
          %ge3A_531 = arith.constant 0 : i32
          %ge3A_532 = vector.broadcast %ge3A_531 : i32 to vector<16xi32>
          %ge3A_533 = arith.cmpi sge, %add3A_497, %ge3A_532 : vector<16xi32>
          %le3A_534 = arith.constant 4 : i32
          %le3A_535 = vector.broadcast %le3A_534 : i32 to vector<16xi32>
          %le3A_536 = arith.cmpi sle, %add3A_497, %le3A_535 : vector<16xi32>
          %and3A_537 = arith.andi %ge3A_533, %le3A_536 : vector<16xi1>
          %max3A_538 = arith.constant 0 : i32
          %max3A_539 = vector.broadcast %max3A_538 : i32 to vector<16xi32>
          %max3A_540 = arith.maxsi %sub3A_428, %max3A_539 : vector<16xi32>
          %min3A_541 = arith.constant 31 : i32
          %min3A_542 = vector.broadcast %min3A_541 : i32 to vector<16xi32>
          %min3A_543 = arith.minsi %max3A_540, %min3A_542 : vector<16xi32>
          %max3A_544 = arith.constant 0 : i32
          %max3A_545 = vector.broadcast %max3A_544 : i32 to vector<16xi32>
          %max3A_546 = arith.maxsi %add3A_491, %max3A_545 : vector<16xi32>
          %min3A_547 = arith.constant 31 : i32
          %min3A_548 = vector.broadcast %min3A_547 : i32 to vector<16xi32>
          %min3A_549 = arith.minsi %max3A_546, %min3A_548 : vector<16xi32>
          %max3A_550 = arith.constant 0 : i32
          %max3A_551 = vector.broadcast %max3A_550 : i32 to vector<16xi32>
          %max3A_552 = arith.maxsi %sub3A_450, %max3A_551 : vector<16xi32>
          %min3A_553 = arith.constant 31 : i32
          %min3A_554 = vector.broadcast %min3A_553 : i32 to vector<16xi32>
          %min3A_555 = arith.minsi %max3A_552, %min3A_554 : vector<16xi32>
          %mul3A_556 = arith.constant 32 : i32
          %mul3A_557 = vector.broadcast %mul3A_556 : i32 to vector<16xi32>
          %mul3A_558 = arith.muli %min3A_555, %mul3A_557 : vector<16xi32>
          %max3A_559 = arith.constant 0 : i32
          %max3A_560 = vector.broadcast %max3A_559 : i32 to vector<16xi32>
          %max3A_561 = arith.maxsi %add3A_494, %max3A_560 : vector<16xi32>
          %min3A_562 = arith.constant 31 : i32
          %min3A_563 = vector.broadcast %min3A_562 : i32 to vector<16xi32>
          %min3A_564 = arith.minsi %max3A_561, %min3A_563 : vector<16xi32>
          %mul3A_565 = arith.constant 32 : i32
          %mul3A_566 = vector.broadcast %mul3A_565 : i32 to vector<16xi32>
          %mul3A_567 = arith.muli %min3A_564, %mul3A_566 : vector<16xi32>
          %max3A_568 = arith.constant 0 : i32
          %max3A_569 = vector.broadcast %max3A_568 : i32 to vector<16xi32>
          %max3A_570 = arith.maxsi %sub3A_472, %max3A_569 : vector<16xi32>
          %min3A_571 = arith.constant 4 : i32
          %min3A_572 = vector.broadcast %min3A_571 : i32 to vector<16xi32>
          %min3A_573 = arith.minsi %max3A_570, %min3A_572 : vector<16xi32>
          %mul3A_574 = arith.constant 1024 : i32
          %mul3A_575 = vector.broadcast %mul3A_574 : i32 to vector<16xi32>
          %mul3A_576 = arith.muli %min3A_573, %mul3A_575 : vector<16xi32>
          %max3A_577 = arith.constant 0 : i32
          %max3A_578 = vector.broadcast %max3A_577 : i32 to vector<16xi32>
          %max3A_579 = arith.maxsi %add3A_497, %max3A_578 : vector<16xi32>
          %min3A_580 = arith.constant 4 : i32
          %min3A_581 = vector.broadcast %min3A_580 : i32 to vector<16xi32>
          %min3A_582 = arith.minsi %max3A_579, %min3A_581 : vector<16xi32>
          %mul3A_583 = arith.constant 1024 : i32
          %mul3A_584 = vector.broadcast %mul3A_583 : i32 to vector<16xi32>
          %mul3A_585 = arith.muli %min3A_582, %mul3A_584 : vector<16xi32>
          %mul3A_586 = arith.mulf %sub3A_488, %get3A_415 : vector<16xf32>
          %mul3A_587 = arith.mulf %sub3A_479, %get3A_415 : vector<16xf32>
          %add3A_588 = arith.addi %mul3A_576, %mul3A_558 : vector<16xi32>
          %and3A_589 = arith.andi %and3A_530, %and3A_516 : vector<16xi1>
          %mul3A_590 = arith.mulf %sub3A_485, %mul3A_586 : vector<16xf32>
          %add3A_591 = arith.addi %add3A_588, %min3A_543 : vector<16xi32>
          %and3A_592 = arith.andi %and3A_589, %and3A_502 : vector<16xi1>
          %mul3A_593 = arith.mulf %mul3A_590, %sub3A_482 : vector<16xf32>
          %jit3A_594 = arith.constant 0.000000e+00 : f32
          %broadcast_in_dim3A_595 = vector.broadcast %jit3A_594 : f32 to vector<16xf32>
          %select_n3A_596 = arith.select %and3A_592, %mul3A_593, %broadcast_in_dim3A_595 : vector<16xi1>, vector<16xf32>
          %add3A_597 = arith.constant 0 : i32
          %add3A_598 = vector.broadcast %add3A_597 : i32 to vector<16xi32>
          %add3A_599 = arith.addi %add3A_591, %add3A_598 : vector<16xi32>
          %gather3A = tpu.vector_load_idx %arg5[%add3A_599] : memref<81920xi32, #tpu.memory_space<vmem>>[vector<16xi32>], vector<16xi32>,
          %shift_left3A = arith.constant 16 : i32
          %shift_left3A_600 = vector.broadcast %shift_left3A : i32 to vector<16xi32>
          %shift_left3A_601 = arith.shli %gather3A, %shift_left3A_600 : vector<16xi32>
          %bitcast3A = vector.bitcast %shift_left3A_601 : vector<16xi32> to vector<16xf32>
          %and3A_602 = arith.constant -65536 : i32
          %and3A_603 = vector.broadcast %and3A_602 : i32 to vector<16xi32>
          %and3A_604 = arith.andi %gather3A, %and3A_603 : vector<16xi32>
          %bitcast3A_605 = vector.bitcast %and3A_604 : vector<16xi32> to vector<16xf32>
          %mul3A_606 = arith.mulf %select_n3A_596, %bitcast3A : vector<16xf32>
          %add3A_607 = arith.addf %scan3A_366, %mul3A_606 : vector<16xf32>
          %mul3A_608 = arith.mulf %select_n3A_596, %bitcast3A_605 : vector<16xf32>
          %add3A_609 = arith.addf %scan3A_367, %mul3A_608 : vector<16xf32>
          %add3A_610 = arith.constant 5120 : i32
          %add3A_611 = vector.broadcast %add3A_610 : i32 to vector<16xi32>
          %add3A_612 = arith.addi %add3A_591, %add3A_611 : vector<16xi32>
          %gather3A_613 = tpu.vector_load_idx %arg5[%add3A_612] : memref<81920xi32, #tpu.memory_space<vmem>>[vector<16xi32>], vector<16xi32>,
          %shift_left3A_614 = arith.constant 16 : i32
          %shift_left3A_615 = vector.broadcast %shift_left3A_614 : i32 to vector<16xi32>
          %shift_left3A_616 = arith.shli %gather3A_613, %shift_left3A_615 : vector<16xi32>
          %bitcast3A_617 = vector.bitcast %shift_left3A_616 : vector<16xi32> to vector<16xf32>
          %and3A_618 = arith.constant -65536 : i32
          %and3A_619 = vector.broadcast %and3A_618 : i32 to vector<16xi32>
          %and3A_620 = arith.andi %gather3A_613, %and3A_619 : vector<16xi32>
          %bitcast3A_621 = vector.bitcast %and3A_620 : vector<16xi32> to vector<16xf32>
          %mul3A_622 = arith.mulf %select_n3A_596, %bitcast3A_617 : vector<16xf32>
          %add3A_623 = arith.addf %scan3A_368, %mul3A_622 : vector<16xf32>
          %mul3A_624 = arith.mulf %select_n3A_596, %bitcast3A_621 : vector<16xf32>
          %add3A_625 = arith.addf %scan3A_369, %mul3A_624 : vector<16xf32>
          %add3A_626 = arith.constant 10240 : i32
          %add3A_627 = vector.broadcast %add3A_626 : i32 to vector<16xi32>
          %add3A_628 = arith.addi %add3A_591, %add3A_627 : vector<16xi32>
          %gather3A_629 = tpu.vector_load_idx %arg5[%add3A_628] : memref<81920xi32, #tpu.memory_space<vmem>>[vector<16xi32>], vector<16xi32>,
          %shift_left3A_630 = arith.constant 16 : i32
          %shift_left3A_631 = vector.broadcast %shift_left3A_630 : i32 to vector<16xi32>
          %shift_left3A_632 = arith.shli %gather3A_629, %shift_left3A_631 : vector<16xi32>
          %bitcast3A_633 = vector.bitcast %shift_left3A_632 : vector<16xi32> to vector<16xf32>
          %and3A_634 = arith.constant -65536 : i32
          %and3A_635 = vector.broadcast %and3A_634 : i32 to vector<16xi32>
          %and3A_636 = arith.andi %gather3A_629, %and3A_635 : vector<16xi32>
          %bitcast3A_637 = vector.bitcast %and3A_636 : vector<16xi32> to vector<16xf32>
          %mul3A_638 = arith.mulf %select_n3A_596, %bitcast3A_633 : vector<16xf32>
          %add3A_639 = arith.addf %scan3A_370, %mul3A_638 : vector<16xf32>
          %mul3A_640 = arith.mulf %select_n3A_596, %bitcast3A_637 : vector<16xf32>
          %add3A_641 = arith.addf %scan3A_371, %mul3A_640 : vector<16xf32>
          %add3A_642 = arith.constant 15360 : i32
          %add3A_643 = vector.broadcast %add3A_642 : i32 to vector<16xi32>
          %add3A_644 = arith.addi %add3A_591, %add3A_643 : vector<16xi32>
          %gather3A_645 = tpu.vector_load_idx %arg5[%add3A_644] : memref<81920xi32, #tpu.memory_space<vmem>>[vector<16xi32>], vector<16xi32>,
          %shift_left3A_646 = arith.constant 16 : i32
          %shift_left3A_647 = vector.broadcast %shift_left3A_646 : i32 to vector<16xi32>
          %shift_left3A_648 = arith.shli %gather3A_645, %shift_left3A_647 : vector<16xi32>
          %bitcast3A_649 = vector.bitcast %shift_left3A_648 : vector<16xi32> to vector<16xf32>
          %and3A_650 = arith.constant -65536 : i32
          %and3A_651 = vector.broadcast %and3A_650 : i32 to vector<16xi32>
          %and3A_652 = arith.andi %gather3A_645, %and3A_651 : vector<16xi32>
          %bitcast3A_653 = vector.bitcast %and3A_652 : vector<16xi32> to vector<16xf32>
          %mul3A_654 = arith.mulf %select_n3A_596, %bitcast3A_649 : vector<16xf32>
          %add3A_655 = arith.addf %scan3A_372, %mul3A_654 : vector<16xf32>
          %mul3A_656 = arith.mulf %select_n3A_596, %bitcast3A_653 : vector<16xf32>
          %add3A_657 = arith.addf %scan3A_373, %mul3A_656 : vector<16xf32>
          %add3A_658 = arith.constant 20480 : i32
          %add3A_659 = vector.broadcast %add3A_658 : i32 to vector<16xi32>
          %add3A_660 = arith.addi %add3A_591, %add3A_659 : vector<16xi32>
          %gather3A_661 = tpu.vector_load_idx %arg5[%add3A_660] : memref<81920xi32, #tpu.memory_space<vmem>>[vector<16xi32>], vector<16xi32>,
          %shift_left3A_662 = arith.constant 16 : i32
          %shift_left3A_663 = vector.broadcast %shift_left3A_662 : i32 to vector<16xi32>
          %shift_left3A_664 = arith.shli %gather3A_661, %shift_left3A_663 : vector<16xi32>
          %bitcast3A_665 = vector.bitcast %shift_left3A_664 : vector<16xi32> to vector<16xf32>
          %and3A_666 = arith.constant -65536 : i32
          %and3A_667 = vector.broadcast %and3A_666 : i32 to vector<16xi32>
          %and3A_668 = arith.andi %gather3A_661, %and3A_667 : vector<16xi32>
          %bitcast3A_669 = vector.bitcast %and3A_668 : vector<16xi32> to vector<16xf32>
          %mul3A_670 = arith.mulf %select_n3A_596, %bitcast3A_665 : vector<16xf32>
          %add3A_671 = arith.addf %scan3A_374, %mul3A_670 : vector<16xf32>
          %mul3A_672 = arith.mulf %select_n3A_596, %bitcast3A_669 : vector<16xf32>
          %add3A_673 = arith.addf %scan3A_375, %mul3A_672 : vector<16xf32>
          %add3A_674 = arith.constant 25600 : i32
          %add3A_675 = vector.broadcast %add3A_674 : i32 to vector<16xi32>
          %add3A_676 = arith.addi %add3A_591, %add3A_675 : vector<16xi32>
          %gather3A_677 = tpu.vector_load_idx %arg5[%add3A_676] : memref<81920xi32, #tpu.memory_space<vmem>>[vector<16xi32>], vector<16xi32>,
          %shift_left3A_678 = arith.constant 16 : i32
          %shift_left3A_679 = vector.broadcast %shift_left3A_678 : i32 to vector<16xi32>
          %shift_left3A_680 = arith.shli %gather3A_677, %shift_left3A_679 : vector<16xi32>
          %bitcast3A_681 = vector.bitcast %shift_left3A_680 : vector<16xi32> to vector<16xf32>
          %and3A_682 = arith.constant -65536 : i32
          %and3A_683 = vector.broadcast %and3A_682 : i32 to vector<16xi32>
          %and3A_684 = arith.andi %gather3A_677, %and3A_683 : vector<16xi32>
          %bitcast3A_685 = vector.bitcast %and3A_684 : vector<16xi32> to vector<16xf32>
          %mul3A_686 = arith.mulf %select_n3A_596, %bitcast3A_681 : vector<16xf32>
          %add3A_687 = arith.addf %scan3A_376, %mul3A_686 : vector<16xf32>
          %mul3A_688 = arith.mulf %select_n3A_596, %bitcast3A_685 : vector<16xf32>
          %add3A_689 = arith.addf %scan3A_377, %mul3A_688 : vector<16xf32>
          %add3A_690 = arith.constant 30720 : i32
          %add3A_691 = vector.broadcast %add3A_690 : i32 to vector<16xi32>
          %add3A_692 = arith.addi %add3A_591, %add3A_691 : vector<16xi32>
          %gather3A_693 = tpu.vector_load_idx %arg5[%add3A_692] : memref<81920xi32, #tpu.memory_space<vmem>>[vector<16xi32>], vector<16xi32>,
          %shift_left3A_694 = arith.constant 16 : i32
          %shift_left3A_695 = vector.broadcast %shift_left3A_694 : i32 to vector<16xi32>
          %shift_left3A_696 = arith.shli %gather3A_693, %shift_left3A_695 : vector<16xi32>
          %bitcast3A_697 = vector.bitcast %shift_left3A_696 : vector<16xi32> to vector<16xf32>
          %and3A_698 = arith.constant -65536 : i32
          %and3A_699 = vector.broadcast %and3A_698 : i32 to vector<16xi32>
          %and3A_700 = arith.andi %gather3A_693, %and3A_699 : vector<16xi32>
          %bitcast3A_701 = vector.bitcast %and3A_700 : vector<16xi32> to vector<16xf32>
          %mul3A_702 = arith.mulf %select_n3A_596, %bitcast3A_697 : vector<16xf32>
          %add3A_703 = arith.addf %scan3A_378, %mul3A_702 : vector<16xf32>
          %mul3A_704 = arith.mulf %select_n3A_596, %bitcast3A_701 : vector<16xf32>
          %add3A_705 = arith.addf %scan3A_379, %mul3A_704 : vector<16xf32>
          %add3A_706 = arith.constant 35840 : i32
          %add3A_707 = vector.broadcast %add3A_706 : i32 to vector<16xi32>
          %add3A_708 = arith.addi %add3A_591, %add3A_707 : vector<16xi32>
          %gather3A_709 = tpu.vector_load_idx %arg5[%add3A_708] : memref<81920xi32, #tpu.memory_space<vmem>>[vector<16xi32>], vector<16xi32>,
          %shift_left3A_710 = arith.constant 16 : i32
          %shift_left3A_711 = vector.broadcast %shift_left3A_710 : i32 to vector<16xi32>
          %shift_left3A_712 = arith.shli %gather3A_709, %shift_left3A_711 : vector<16xi32>
          %bitcast3A_713 = vector.bitcast %shift_left3A_712 : vector<16xi32> to vector<16xf32>
          %and3A_714 = arith.constant -65536 : i32
          %and3A_715 = vector.broadcast %and3A_714 : i32 to vector<16xi32>
          %and3A_716 = arith.andi %gather3A_709, %and3A_715 : vector<16xi32>
          %bitcast3A_717 = vector.bitcast %and3A_716 : vector<16xi32> to vector<16xf32>
          %mul3A_718 = arith.mulf %select_n3A_596, %bitcast3A_713 : vector<16xf32>
          %add3A_719 = arith.addf %scan3A_380, %mul3A_718 : vector<16xf32>
          %mul3A_720 = arith.mulf %select_n3A_596, %bitcast3A_717 : vector<16xf32>
          %add3A_721 = arith.addf %scan3A_381, %mul3A_720 : vector<16xf32>
          %add3A_722 = arith.constant 40960 : i32
          %add3A_723 = vector.broadcast %add3A_722 : i32 to vector<16xi32>
          %add3A_724 = arith.addi %add3A_591, %add3A_723 : vector<16xi32>
          %gather3A_725 = tpu.vector_load_idx %arg5[%add3A_724] : memref<81920xi32, #tpu.memory_space<vmem>>[vector<16xi32>], vector<16xi32>,
          %shift_left3A_726 = arith.constant 16 : i32
          %shift_left3A_727 = vector.broadcast %shift_left3A_726 : i32 to vector<16xi32>
          %shift_left3A_728 = arith.shli %gather3A_725, %shift_left3A_727 : vector<16xi32>
          %bitcast3A_729 = vector.bitcast %shift_left3A_728 : vector<16xi32> to vector<16xf32>
          %and3A_730 = arith.constant -65536 : i32
          %and3A_731 = vector.broadcast %and3A_730 : i32 to vector<16xi32>
          %and3A_732 = arith.andi %gather3A_725, %and3A_731 : vector<16xi32>
          %bitcast3A_733 = vector.bitcast %and3A_732 : vector<16xi32> to vector<16xf32>
          %mul3A_734 = arith.mulf %select_n3A_596, %bitcast3A_729 : vector<16xf32>
          %add3A_735 = arith.addf %scan3A_382, %mul3A_734 : vector<16xf32>
          %mul3A_736 = arith.mulf %select_n3A_596, %bitcast3A_733 : vector<16xf32>
          %add3A_737 = arith.addf %scan3A_383, %mul3A_736 : vector<16xf32>
          %add3A_738 = arith.constant 46080 : i32
          %add3A_739 = vector.broadcast %add3A_738 : i32 to vector<16xi32>
          %add3A_740 = arith.addi %add3A_591, %add3A_739 : vector<16xi32>
          %gather3A_741 = tpu.vector_load_idx %arg5[%add3A_740] : memref<81920xi32, #tpu.memory_space<vmem>>[vector<16xi32>], vector<16xi32>,
          %shift_left3A_742 = arith.constant 16 : i32
          %shift_left3A_743 = vector.broadcast %shift_left3A_742 : i32 to vector<16xi32>
          %shift_left3A_744 = arith.shli %gather3A_741, %shift_left3A_743 : vector<16xi32>
          %bitcast3A_745 = vector.bitcast %shift_left3A_744 : vector<16xi32> to vector<16xf32>
          %and3A_746 = arith.constant -65536 : i32
          %and3A_747 = vector.broadcast %and3A_746 : i32 to vector<16xi32>
          %and3A_748 = arith.andi %gather3A_741, %and3A_747 : vector<16xi32>
          %bitcast3A_749 = vector.bitcast %and3A_748 : vector<16xi32> to vector<16xf32>
          %mul3A_750 = arith.mulf %select_n3A_596, %bitcast3A_745 : vector<16xf32>
          %add3A_751 = arith.addf %scan3A_384, %mul3A_750 : vector<16xf32>
          %mul3A_752 = arith.mulf %select_n3A_596, %bitcast3A_749 : vector<16xf32>
          %add3A_753 = arith.addf %scan3A_385, %mul3A_752 : vector<16xf32>
          %add3A_754 = arith.constant 51200 : i32
          %add3A_755 = vector.broadcast %add3A_754 : i32 to vector<16xi32>
          %add3A_756 = arith.addi %add3A_591, %add3A_755 : vector<16xi32>
          %gather3A_757 = tpu.vector_load_idx %arg5[%add3A_756] : memref<81920xi32, #tpu.memory_space<vmem>>[vector<16xi32>], vector<16xi32>,
          %shift_left3A_758 = arith.constant 16 : i32
          %shift_left3A_759 = vector.broadcast %shift_left3A_758 : i32 to vector<16xi32>
          %shift_left3A_760 = arith.shli %gather3A_757, %shift_left3A_759 : vector<16xi32>
          %bitcast3A_761 = vector.bitcast %shift_left3A_760 : vector<16xi32> to vector<16xf32>
          %and3A_762 = arith.constant -65536 : i32
          %and3A_763 = vector.broadcast %and3A_762 : i32 to vector<16xi32>
          %and3A_764 = arith.andi %gather3A_757, %and3A_763 : vector<16xi32>
          %bitcast3A_765 = vector.bitcast %and3A_764 : vector<16xi32> to vector<16xf32>
          %mul3A_766 = arith.mulf %select_n3A_596, %bitcast3A_761 : vector<16xf32>
          %add3A_767 = arith.addf %scan3A_386, %mul3A_766 : vector<16xf32>
          %mul3A_768 = arith.mulf %select_n3A_596, %bitcast3A_765 : vector<16xf32>
          %add3A_769 = arith.addf %scan3A_387, %mul3A_768 : vector<16xf32>
          %add3A_770 = arith.constant 56320 : i32
          %add3A_771 = vector.broadcast %add3A_770 : i32 to vector<16xi32>
          %add3A_772 = arith.addi %add3A_591, %add3A_771 : vector<16xi32>
          %gather3A_773 = tpu.vector_load_idx %arg5[%add3A_772] : memref<81920xi32, #tpu.memory_space<vmem>>[vector<16xi32>], vector<16xi32>,
          %shift_left3A_774 = arith.constant 16 : i32
          %shift_left3A_775 = vector.broadcast %shift_left3A_774 : i32 to vector<16xi32>
          %shift_left3A_776 = arith.shli %gather3A_773, %shift_left3A_775 : vector<16xi32>
          %bitcast3A_777 = vector.bitcast %shift_left3A_776 : vector<16xi32> to vector<16xf32>
          %and3A_778 = arith.constant -65536 : i32
          %and3A_779 = vector.broadcast %and3A_778 : i32 to vector<16xi32>
          %and3A_780 = arith.andi %gather3A_773, %and3A_779 : vector<16xi32>
          %bitcast3A_781 = vector.bitcast %and3A_780 : vector<16xi32> to vector<16xf32>
          %mul3A_782 = arith.mulf %select_n3A_596, %bitcast3A_777 : vector<16xf32>
          %add3A_783 = arith.addf %scan3A_388, %mul3A_782 : vector<16xf32>
          %mul3A_784 = arith.mulf %select_n3A_596, %bitcast3A_781 : vector<16xf32>
          %add3A_785 = arith.addf %scan3A_389, %mul3A_784 : vector<16xf32>
          %add3A_786 = arith.constant 61440 : i32
          %add3A_787 = vector.broadcast %add3A_786 : i32 to vector<16xi32>
          %add3A_788 = arith.addi %add3A_591, %add3A_787 : vector<16xi32>
          %gather3A_789 = tpu.vector_load_idx %arg5[%add3A_788] : memref<81920xi32, #tpu.memory_space<vmem>>[vector<16xi32>], vector<16xi32>,
          %shift_left3A_790 = arith.constant 16 : i32
          %shift_left3A_791 = vector.broadcast %shift_left3A_790 : i32 to vector<16xi32>
          %shift_left3A_792 = arith.shli %gather3A_789, %shift_left3A_791 : vector<16xi32>
          %bitcast3A_793 = vector.bitcast %shift_left3A_792 : vector<16xi32> to vector<16xf32>
          %and3A_794 = arith.constant -65536 : i32
          %and3A_795 = vector.broadcast %and3A_794 : i32 to vector<16xi32>
          %and3A_796 = arith.andi %gather3A_789, %and3A_795 : vector<16xi32>
          %bitcast3A_797 = vector.bitcast %and3A_796 : vector<16xi32> to vector<16xf32>
          %mul3A_798 = arith.mulf %select_n3A_596, %bitcast3A_793 : vector<16xf32>
          %add3A_799 = arith.addf %scan3A_390, %mul3A_798 : vector<16xf32>
          %mul3A_800 = arith.mulf %select_n3A_596, %bitcast3A_797 : vector<16xf32>
          %add3A_801 = arith.addf %scan3A_391, %mul3A_800 : vector<16xf32>
          %add3A_802 = arith.constant 66560 : i32
          %add3A_803 = vector.broadcast %add3A_802 : i32 to vector<16xi32>
          %add3A_804 = arith.addi %add3A_591, %add3A_803 : vector<16xi32>
          %gather3A_805 = tpu.vector_load_idx %arg5[%add3A_804] : memref<81920xi32, #tpu.memory_space<vmem>>[vector<16xi32>], vector<16xi32>,
          %shift_left3A_806 = arith.constant 16 : i32
          %shift_left3A_807 = vector.broadcast %shift_left3A_806 : i32 to vector<16xi32>
          %shift_left3A_808 = arith.shli %gather3A_805, %shift_left3A_807 : vector<16xi32>
          %bitcast3A_809 = vector.bitcast %shift_left3A_808 : vector<16xi32> to vector<16xf32>
          %and3A_810 = arith.constant -65536 : i32
          %and3A_811 = vector.broadcast %and3A_810 : i32 to vector<16xi32>
          %and3A_812 = arith.andi %gather3A_805, %and3A_811 : vector<16xi32>
          %bitcast3A_813 = vector.bitcast %and3A_812 : vector<16xi32> to vector<16xf32>
          %mul3A_814 = arith.mulf %select_n3A_596, %bitcast3A_809 : vector<16xf32>
          %add3A_815 = arith.addf %scan3A_392, %mul3A_814 : vector<16xf32>
          %mul3A_816 = arith.mulf %select_n3A_596, %bitcast3A_813 : vector<16xf32>
          %add3A_817 = arith.addf %scan3A_393, %mul3A_816 : vector<16xf32>
          %add3A_818 = arith.constant 71680 : i32
          %add3A_819 = vector.broadcast %add3A_818 : i32 to vector<16xi32>
          %add3A_820 = arith.addi %add3A_591, %add3A_819 : vector<16xi32>
          %gather3A_821 = tpu.vector_load_idx %arg5[%add3A_820] : memref<81920xi32, #tpu.memory_space<vmem>>[vector<16xi32>], vector<16xi32>,
          %shift_left3A_822 = arith.constant 16 : i32
          %shift_left3A_823 = vector.broadcast %shift_left3A_822 : i32 to vector<16xi32>
          %shift_left3A_824 = arith.shli %gather3A_821, %shift_left3A_823 : vector<16xi32>
          %bitcast3A_825 = vector.bitcast %shift_left3A_824 : vector<16xi32> to vector<16xf32>
          %and3A_826 = arith.constant -65536 : i32
          %and3A_827 = vector.broadcast %and3A_826 : i32 to vector<16xi32>
          %and3A_828 = arith.andi %gather3A_821, %and3A_827 : vector<16xi32>
          %bitcast3A_829 = vector.bitcast %and3A_828 : vector<16xi32> to vector<16xf32>
          %mul3A_830 = arith.mulf %select_n3A_596, %bitcast3A_825 : vector<16xf32>
          %add3A_831 = arith.addf %scan3A_394, %mul3A_830 : vector<16xf32>
          %mul3A_832 = arith.mulf %select_n3A_596, %bitcast3A_829 : vector<16xf32>
          %add3A_833 = arith.addf %scan3A_395, %mul3A_832 : vector<16xf32>
          %add3A_834 = arith.constant 76800 : i32
          %add3A_835 = vector.broadcast %add3A_834 : i32 to vector<16xi32>
          %add3A_836 = arith.addi %add3A_591, %add3A_835 : vector<16xi32>
          %gather3A_837 = tpu.vector_load_idx %arg5[%add3A_836] : memref<81920xi32, #tpu.memory_space<vmem>>[vector<16xi32>], vector<16xi32>,
          %shift_left3A_838 = arith.constant 16 : i32
          %shift_left3A_839 = vector.broadcast %shift_left3A_838 : i32 to vector<16xi32>
          %shift_left3A_840 = arith.shli %gather3A_837, %shift_left3A_839 : vector<16xi32>
          %bitcast3A_841 = vector.bitcast %shift_left3A_840 : vector<16xi32> to vector<16xf32>
          %and3A_842 = arith.constant -65536 : i32
          %and3A_843 = vector.broadcast %and3A_842 : i32 to vector<16xi32>
          %and3A_844 = arith.andi %gather3A_837, %and3A_843 : vector<16xi32>
          %bitcast3A_845 = vector.bitcast %and3A_844 : vector<16xi32> to vector<16xf32>
          %mul3A_846 = arith.mulf %select_n3A_596, %bitcast3A_841 : vector<16xf32>
          %add3A_847 = arith.addf %scan3A_396, %mul3A_846 : vector<16xf32>
          %mul3A_848 = arith.mulf %select_n3A_596, %bitcast3A_845 : vector<16xf32>
          %add3A_849 = arith.addf %scan3A_397, %mul3A_848 : vector<16xf32>
          %add3A_850 = arith.addi %add3A_588, %min3A_549 : vector<16xi32>
          %and3A_851 = arith.andi %and3A_589, %and3A_509 : vector<16xi1>
          %mul3A_852 = arith.mulf %mul3A_590, %sub3A_435 : vector<16xf32>
          %jit3A_853 = arith.constant 0.000000e+00 : f32
          %broadcast_in_dim3A_854 = vector.broadcast %jit3A_853 : f32 to vector<16xf32>
          %select_n3A_855 = arith.select %and3A_851, %mul3A_852, %broadcast_in_dim3A_854 : vector<16xi1>, vector<16xf32>
          %add3A_856 = arith.constant 0 : i32
          %add3A_857 = vector.broadcast %add3A_856 : i32 to vector<16xi32>
          %add3A_858 = arith.addi %add3A_850, %add3A_857 : vector<16xi32>
          %gather3A_859 = tpu.vector_load_idx %arg5[%add3A_858] : memref<81920xi32, #tpu.memory_space<vmem>>[vector<16xi32>], vector<16xi32>,
          %shift_left3A_860 = arith.constant 16 : i32
          %shift_left3A_861 = vector.broadcast %shift_left3A_860 : i32 to vector<16xi32>
          %shift_left3A_862 = arith.shli %gather3A_859, %shift_left3A_861 : vector<16xi32>
          %bitcast3A_863 = vector.bitcast %shift_left3A_862 : vector<16xi32> to vector<16xf32>
          %and3A_864 = arith.constant -65536 : i32
          %and3A_865 = vector.broadcast %and3A_864 : i32 to vector<16xi32>
          %and3A_866 = arith.andi %gather3A_859, %and3A_865 : vector<16xi32>
          %bitcast3A_867 = vector.bitcast %and3A_866 : vector<16xi32> to vector<16xf32>
          %mul3A_868 = arith.mulf %select_n3A_855, %bitcast3A_863 : vector<16xf32>
          %add3A_869 = arith.addf %add3A_607, %mul3A_868 : vector<16xf32>
          %mul3A_870 = arith.mulf %select_n3A_855, %bitcast3A_867 : vector<16xf32>
          %add3A_871 = arith.addf %add3A_609, %mul3A_870 : vector<16xf32>
          %add3A_872 = arith.constant 5120 : i32
          %add3A_873 = vector.broadcast %add3A_872 : i32 to vector<16xi32>
          %add3A_874 = arith.addi %add3A_850, %add3A_873 : vector<16xi32>
          %gather3A_875 = tpu.vector_load_idx %arg5[%add3A_874] : memref<81920xi32, #tpu.memory_space<vmem>>[vector<16xi32>], vector<16xi32>,
          %shift_left3A_876 = arith.constant 16 : i32
          %shift_left3A_877 = vector.broadcast %shift_left3A_876 : i32 to vector<16xi32>
          %shift_left3A_878 = arith.shli %gather3A_875, %shift_left3A_877 : vector<16xi32>
          %bitcast3A_879 = vector.bitcast %shift_left3A_878 : vector<16xi32> to vector<16xf32>
          %and3A_880 = arith.constant -65536 : i32
          %and3A_881 = vector.broadcast %and3A_880 : i32 to vector<16xi32>
          %and3A_882 = arith.andi %gather3A_875, %and3A_881 : vector<16xi32>
          %bitcast3A_883 = vector.bitcast %and3A_882 : vector<16xi32> to vector<16xf32>
          %mul3A_884 = arith.mulf %select_n3A_855, %bitcast3A_879 : vector<16xf32>
          %add3A_885 = arith.addf %add3A_623, %mul3A_884 : vector<16xf32>
          %mul3A_886 = arith.mulf %select_n3A_855, %bitcast3A_883 : vector<16xf32>
          %add3A_887 = arith.addf %add3A_625, %mul3A_886 : vector<16xf32>
          %add3A_888 = arith.constant 10240 : i32
          %add3A_889 = vector.broadcast %add3A_888 : i32 to vector<16xi32>
          %add3A_890 = arith.addi %add3A_850, %add3A_889 : vector<16xi32>
          %gather3A_891 = tpu.vector_load_idx %arg5[%add3A_890] : memref<81920xi32, #tpu.memory_space<vmem>>[vector<16xi32>], vector<16xi32>,
          %shift_left3A_892 = arith.constant 16 : i32
          %shift_left3A_893 = vector.broadcast %shift_left3A_892 : i32 to vector<16xi32>
          %shift_left3A_894 = arith.shli %gather3A_891, %shift_left3A_893 : vector<16xi32>
          %bitcast3A_895 = vector.bitcast %shift_left3A_894 : vector<16xi32> to vector<16xf32>
          %and3A_896 = arith.constant -65536 : i32
          %and3A_897 = vector.broadcast %and3A_896 : i32 to vector<16xi32>
          %and3A_898 = arith.andi %gather3A_891, %and3A_897 : vector<16xi32>
          %bitcast3A_899 = vector.bitcast %and3A_898 : vector<16xi32> to vector<16xf32>
          %mul3A_900 = arith.mulf %select_n3A_855, %bitcast3A_895 : vector<16xf32>
          %add3A_901 = arith.addf %add3A_639, %mul3A_900 : vector<16xf32>
          %mul3A_902 = arith.mulf %select_n3A_855, %bitcast3A_899 : vector<16xf32>
          %add3A_903 = arith.addf %add3A_641, %mul3A_902 : vector<16xf32>
          %add3A_904 = arith.constant 15360 : i32
          %add3A_905 = vector.broadcast %add3A_904 : i32 to vector<16xi32>
          %add3A_906 = arith.addi %add3A_850, %add3A_905 : vector<16xi32>
          %gather3A_907 = tpu.vector_load_idx %arg5[%add3A_906] : memref<81920xi32, #tpu.memory_space<vmem>>[vector<16xi32>], vector<16xi32>,
          %shift_left3A_908 = arith.constant 16 : i32
          %shift_left3A_909 = vector.broadcast %shift_left3A_908 : i32 to vector<16xi32>
          %shift_left3A_910 = arith.shli %gather3A_907, %shift_left3A_909 : vector<16xi32>
          %bitcast3A_911 = vector.bitcast %shift_left3A_910 : vector<16xi32> to vector<16xf32>
          %and3A_912 = arith.constant -65536 : i32
          %and3A_913 = vector.broadcast %and3A_912 : i32 to vector<16xi32>
          %and3A_914 = arith.andi %gather3A_907, %and3A_913 : vector<16xi32>
          %bitcast3A_915 = vector.bitcast %and3A_914 : vector<16xi32> to vector<16xf32>
          %mul3A_916 = arith.mulf %select_n3A_855, %bitcast3A_911 : vector<16xf32>
          %add3A_917 = arith.addf %add3A_655, %mul3A_916 : vector<16xf32>
          %mul3A_918 = arith.mulf %select_n3A_855, %bitcast3A_915 : vector<16xf32>
          %add3A_919 = arith.addf %add3A_657, %mul3A_918 : vector<16xf32>
          %add3A_920 = arith.constant 20480 : i32
          %add3A_921 = vector.broadcast %add3A_920 : i32 to vector<16xi32>
          %add3A_922 = arith.addi %add3A_850, %add3A_921 : vector<16xi32>
          %gather3A_923 = tpu.vector_load_idx %arg5[%add3A_922] : memref<81920xi32, #tpu.memory_space<vmem>>[vector<16xi32>], vector<16xi32>,
          %shift_left3A_924 = arith.constant 16 : i32
          %shift_left3A_925 = vector.broadcast %shift_left3A_924 : i32 to vector<16xi32>
          %shift_left3A_926 = arith.shli %gather3A_923, %shift_left3A_925 : vector<16xi32>
          %bitcast3A_927 = vector.bitcast %shift_left3A_926 : vector<16xi32> to vector<16xf32>
          %and3A_928 = arith.constant -65536 : i32
          %and3A_929 = vector.broadcast %and3A_928 : i32 to vector<16xi32>
          %and3A_930 = arith.andi %gather3A_923, %and3A_929 : vector<16xi32>
          %bitcast3A_931 = vector.bitcast %and3A_930 : vector<16xi32> to vector<16xf32>
          %mul3A_932 = arith.mulf %select_n3A_855, %bitcast3A_927 : vector<16xf32>
          %add3A_933 = arith.addf %add3A_671, %mul3A_932 : vector<16xf32>
          %mul3A_934 = arith.mulf %select_n3A_855, %bitcast3A_931 : vector<16xf32>
          %add3A_935 = arith.addf %add3A_673, %mul3A_934 : vector<16xf32>
          %add3A_936 = arith.constant 25600 : i32
          %add3A_937 = vector.broadcast %add3A_936 : i32 to vector<16xi32>
          %add3A_938 = arith.addi %add3A_850, %add3A_937 : vector<16xi32>
          %gather3A_939 = tpu.vector_load_idx %arg5[%add3A_938] : memref<81920xi32, #tpu.memory_space<vmem>>[vector<16xi32>], vector<16xi32>,
          %shift_left3A_940 = arith.constant 16 : i32
          %shift_left3A_941 = vector.broadcast %shift_left3A_940 : i32 to vector<16xi32>
          %shift_left3A_942 = arith.shli %gather3A_939, %shift_left3A_941 : vector<16xi32>
          %bitcast3A_943 = vector.bitcast %shift_left3A_942 : vector<16xi32> to vector<16xf32>
          %and3A_944 = arith.constant -65536 : i32
          %and3A_945 = vector.broadcast %and3A_944 : i32 to vector<16xi32>
          %and3A_946 = arith.andi %gather3A_939, %and3A_945 : vector<16xi32>
          %bitcast3A_947 = vector.bitcast %and3A_946 : vector<16xi32> to vector<16xf32>
          %mul3A_948 = arith.mulf %select_n3A_855, %bitcast3A_943 : vector<16xf32>
          %add3A_949 = arith.addf %add3A_687, %mul3A_948 : vector<16xf32>
          %mul3A_950 = arith.mulf %select_n3A_855, %bitcast3A_947 : vector<16xf32>
          %add3A_951 = arith.addf %add3A_689, %mul3A_950 : vector<16xf32>
          %add3A_952 = arith.constant 30720 : i32
          %add3A_953 = vector.broadcast %add3A_952 : i32 to vector<16xi32>
          %add3A_954 = arith.addi %add3A_850, %add3A_953 : vector<16xi32>
          %gather3A_955 = tpu.vector_load_idx %arg5[%add3A_954] : memref<81920xi32, #tpu.memory_space<vmem>>[vector<16xi32>], vector<16xi32>,
          %shift_left3A_956 = arith.constant 16 : i32
          %shift_left3A_957 = vector.broadcast %shift_left3A_956 : i32 to vector<16xi32>
          %shift_left3A_958 = arith.shli %gather3A_955, %shift_left3A_957 : vector<16xi32>
          %bitcast3A_959 = vector.bitcast %shift_left3A_958 : vector<16xi32> to vector<16xf32>
          %and3A_960 = arith.constant -65536 : i32
          %and3A_961 = vector.broadcast %and3A_960 : i32 to vector<16xi32>
          %and3A_962 = arith.andi %gather3A_955, %and3A_961 : vector<16xi32>
          %bitcast3A_963 = vector.bitcast %and3A_962 : vector<16xi32> to vector<16xf32>
          %mul3A_964 = arith.mulf %select_n3A_855, %bitcast3A_959 : vector<16xf32>
          %add3A_965 = arith.addf %add3A_703, %mul3A_964 : vector<16xf32>
          %mul3A_966 = arith.mulf %select_n3A_855, %bitcast3A_963 : vector<16xf32>
          %add3A_967 = arith.addf %add3A_705, %mul3A_966 : vector<16xf32>
          %add3A_968 = arith.constant 35840 : i32
          %add3A_969 = vector.broadcast %add3A_968 : i32 to vector<16xi32>
          %add3A_970 = arith.addi %add3A_850, %add3A_969 : vector<16xi32>
          %gather3A_971 = tpu.vector_load_idx %arg5[%add3A_970] : memref<81920xi32, #tpu.memory_space<vmem>>[vector<16xi32>], vector<16xi32>,
          %shift_left3A_972 = arith.constant 16 : i32
          %shift_left3A_973 = vector.broadcast %shift_left3A_972 : i32 to vector<16xi32>
          %shift_left3A_974 = arith.shli %gather3A_971, %shift_left3A_973 : vector<16xi32>
          %bitcast3A_975 = vector.bitcast %shift_left3A_974 : vector<16xi32> to vector<16xf32>
          %and3A_976 = arith.constant -65536 : i32
          %and3A_977 = vector.broadcast %and3A_976 : i32 to vector<16xi32>
          %and3A_978 = arith.andi %gather3A_971, %and3A_977 : vector<16xi32>
          %bitcast3A_979 = vector.bitcast %and3A_978 : vector<16xi32> to vector<16xf32>
          %mul3A_980 = arith.mulf %select_n3A_855, %bitcast3A_975 : vector<16xf32>
          %add3A_981 = arith.addf %add3A_719, %mul3A_980 : vector<16xf32>
          %mul3A_982 = arith.mulf %select_n3A_855, %bitcast3A_979 : vector<16xf32>
          %add3A_983 = arith.addf %add3A_721, %mul3A_982 : vector<16xf32>
          %add3A_984 = arith.constant 40960 : i32
          %add3A_985 = vector.broadcast %add3A_984 : i32 to vector<16xi32>
          %add3A_986 = arith.addi %add3A_850, %add3A_985 : vector<16xi32>
          %gather3A_987 = tpu.vector_load_idx %arg5[%add3A_986] : memref<81920xi32, #tpu.memory_space<vmem>>[vector<16xi32>], vector<16xi32>,
          %shift_left3A_988 = arith.constant 16 : i32
          %shift_left3A_989 = vector.broadcast %shift_left3A_988 : i32 to vector<16xi32>
          %shift_left3A_990 = arith.shli %gather3A_987, %shift_left3A_989 : vector<16xi32>
          %bitcast3A_991 = vector.bitcast %shift_left3A_990 : vector<16xi32> to vector<16xf32>
          %and3A_992 = arith.constant -65536 : i32
          %and3A_993 = vector.broadcast %and3A_992 : i32 to vector<16xi32>
          %and3A_994 = arith.andi %gather3A_987, %and3A_993 : vector<16xi32>
          %bitcast3A_995 = vector.bitcast %and3A_994 : vector<16xi32> to vector<16xf32>
          %mul3A_996 = arith.mulf %select_n3A_855, %bitcast3A_991 : vector<16xf32>
          %add3A_997 = arith.addf %add3A_735, %mul3A_996 : vector<16xf32>
          %mul3A_998 = arith.mulf %select_n3A_855, %bitcast3A_995 : vector<16xf32>
          %add3A_999 = arith.addf %add3A_737, %mul3A_998 : vector<16xf32>
          %add3A_1000 = arith.constant 46080 : i32
          %add3A_1001 = vector.broadcast %add3A_1000 : i32 to vector<16xi32>
          %add3A_1002 = arith.addi %add3A_850, %add3A_1001 : vector<16xi32>
          %gather3A_1003 = tpu.vector_load_idx %arg5[%add3A_1002] : memref<81920xi32, #tpu.memory_space<vmem>>[vector<16xi32>], vector<16xi32>,
          %shift_left3A_1004 = arith.constant 16 : i32
          %shift_left3A_1005 = vector.broadcast %shift_left3A_1004 : i32 to vector<16xi32>
          %shift_left3A_1006 = arith.shli %gather3A_1003, %shift_left3A_1005 : vector<16xi32>
          %bitcast3A_1007 = vector.bitcast %shift_left3A_1006 : vector<16xi32> to vector<16xf32>
          %and3A_1008 = arith.constant -65536 : i32
          %and3A_1009 = vector.broadcast %and3A_1008 : i32 to vector<16xi32>
          %and3A_1010 = arith.andi %gather3A_1003, %and3A_1009 : vector<16xi32>
          %bitcast3A_1011 = vector.bitcast %and3A_1010 : vector<16xi32> to vector<16xf32>
          %mul3A_1012 = arith.mulf %select_n3A_855, %bitcast3A_1007 : vector<16xf32>
          %add3A_1013 = arith.addf %add3A_751, %mul3A_1012 : vector<16xf32>
          %mul3A_1014 = arith.mulf %select_n3A_855, %bitcast3A_1011 : vector<16xf32>
          %add3A_1015 = arith.addf %add3A_753, %mul3A_1014 : vector<16xf32>
          %add3A_1016 = arith.constant 51200 : i32
          %add3A_1017 = vector.broadcast %add3A_1016 : i32 to vector<16xi32>
          %add3A_1018 = arith.addi %add3A_850, %add3A_1017 : vector<16xi32>
          %gather3A_1019 = tpu.vector_load_idx %arg5[%add3A_1018] : memref<81920xi32, #tpu.memory_space<vmem>>[vector<16xi32>], vector<16xi32>,
          %shift_left3A_1020 = arith.constant 16 : i32
          %shift_left3A_1021 = vector.broadcast %shift_left3A_1020 : i32 to vector<16xi32>
          %shift_left3A_1022 = arith.shli %gather3A_1019, %shift_left3A_1021 : vector<16xi32>
          %bitcast3A_1023 = vector.bitcast %shift_left3A_1022 : vector<16xi32> to vector<16xf32>
          %and3A_1024 = arith.constant -65536 : i32
          %and3A_1025 = vector.broadcast %and3A_1024 : i32 to vector<16xi32>
          %and3A_1026 = arith.andi %gather3A_1019, %and3A_1025 : vector<16xi32>
          %bitcast3A_1027 = vector.bitcast %and3A_1026 : vector<16xi32> to vector<16xf32>
          %mul3A_1028 = arith.mulf %select_n3A_855, %bitcast3A_1023 : vector<16xf32>
          %add3A_1029 = arith.addf %add3A_767, %mul3A_1028 : vector<16xf32>
          %mul3A_1030 = arith.mulf %select_n3A_855, %bitcast3A_1027 : vector<16xf32>
          %add3A_1031 = arith.addf %add3A_769, %mul3A_1030 : vector<16xf32>
          %add3A_1032 = arith.constant 56320 : i32
          %add3A_1033 = vector.broadcast %add3A_1032 : i32 to vector<16xi32>
          %add3A_1034 = arith.addi %add3A_850, %add3A_1033 : vector<16xi32>
          %gather3A_1035 = tpu.vector_load_idx %arg5[%add3A_1034] : memref<81920xi32, #tpu.memory_space<vmem>>[vector<16xi32>], vector<16xi32>,
          %shift_left3A_1036 = arith.constant 16 : i32
          %shift_left3A_1037 = vector.broadcast %shift_left3A_1036 : i32 to vector<16xi32>
          %shift_left3A_1038 = arith.shli %gather3A_1035, %shift_left3A_1037 : vector<16xi32>
          %bitcast3A_1039 = vector.bitcast %shift_left3A_1038 : vector<16xi32> to vector<16xf32>
          %and3A_1040 = arith.constant -65536 : i32
          %and3A_1041 = vector.broadcast %and3A_1040 : i32 to vector<16xi32>
          %and3A_1042 = arith.andi %gather3A_1035, %and3A_1041 : vector<16xi32>
          %bitcast3A_1043 = vector.bitcast %and3A_1042 : vector<16xi32> to vector<16xf32>
          %mul3A_1044 = arith.mulf %select_n3A_855, %bitcast3A_1039 : vector<16xf32>
          %add3A_1045 = arith.addf %add3A_783, %mul3A_1044 : vector<16xf32>
          %mul3A_1046 = arith.mulf %select_n3A_855, %bitcast3A_1043 : vector<16xf32>
          %add3A_1047 = arith.addf %add3A_785, %mul3A_1046 : vector<16xf32>
          %add3A_1048 = arith.constant 61440 : i32
          %add3A_1049 = vector.broadcast %add3A_1048 : i32 to vector<16xi32>
          %add3A_1050 = arith.addi %add3A_850, %add3A_1049 : vector<16xi32>
          %gather3A_1051 = tpu.vector_load_idx %arg5[%add3A_1050] : memref<81920xi32, #tpu.memory_space<vmem>>[vector<16xi32>], vector<16xi32>,
          %shift_left3A_1052 = arith.constant 16 : i32
          %shift_left3A_1053 = vector.broadcast %shift_left3A_1052 : i32 to vector<16xi32>
          %shift_left3A_1054 = arith.shli %gather3A_1051, %shift_left3A_1053 : vector<16xi32>
          %bitcast3A_1055 = vector.bitcast %shift_left3A_1054 : vector<16xi32> to vector<16xf32>
          %and3A_1056 = arith.constant -65536 : i32
          %and3A_1057 = vector.broadcast %and3A_1056 : i32 to vector<16xi32>
          %and3A_1058 = arith.andi %gather3A_1051, %and3A_1057 : vector<16xi32>
          %bitcast3A_1059 = vector.bitcast %and3A_1058 : vector<16xi32> to vector<16xf32>
          %mul3A_1060 = arith.mulf %select_n3A_855, %bitcast3A_1055 : vector<16xf32>
          %add3A_1061 = arith.addf %add3A_799, %mul3A_1060 : vector<16xf32>
          %mul3A_1062 = arith.mulf %select_n3A_855, %bitcast3A_1059 : vector<16xf32>
          %add3A_1063 = arith.addf %add3A_801, %mul3A_1062 : vector<16xf32>
          %add3A_1064 = arith.constant 66560 : i32
          %add3A_1065 = vector.broadcast %add3A_1064 : i32 to vector<16xi32>
          %add3A_1066 = arith.addi %add3A_850, %add3A_1065 : vector<16xi32>
          %gather3A_1067 = tpu.vector_load_idx %arg5[%add3A_1066] : memref<81920xi32, #tpu.memory_space<vmem>>[vector<16xi32>], vector<16xi32>,
          %shift_left3A_1068 = arith.constant 16 : i32
          %shift_left3A_1069 = vector.broadcast %shift_left3A_1068 : i32 to vector<16xi32>
          %shift_left3A_1070 = arith.shli %gather3A_1067, %shift_left3A_1069 : vector<16xi32>
          %bitcast3A_1071 = vector.bitcast %shift_left3A_1070 : vector<16xi32> to vector<16xf32>
          %and3A_1072 = arith.constant -65536 : i32
          %and3A_1073 = vector.broadcast %and3A_1072 : i32 to vector<16xi32>
          %and3A_1074 = arith.andi %gather3A_1067, %and3A_1073 : vector<16xi32>
          %bitcast3A_1075 = vector.bitcast %and3A_1074 : vector<16xi32> to vector<16xf32>
          %mul3A_1076 = arith.mulf %select_n3A_855, %bitcast3A_1071 : vector<16xf32>
          %add3A_1077 = arith.addf %add3A_815, %mul3A_1076 : vector<16xf32>
          %mul3A_1078 = arith.mulf %select_n3A_855, %bitcast3A_1075 : vector<16xf32>
          %add3A_1079 = arith.addf %add3A_817, %mul3A_1078 : vector<16xf32>
          %add3A_1080 = arith.constant 71680 : i32
          %add3A_1081 = vector.broadcast %add3A_1080 : i32 to vector<16xi32>
          %add3A_1082 = arith.addi %add3A_850, %add3A_1081 : vector<16xi32>
          %gather3A_1083 = tpu.vector_load_idx %arg5[%add3A_1082] : memref<81920xi32, #tpu.memory_space<vmem>>[vector<16xi32>], vector<16xi32>,
          %shift_left3A_1084 = arith.constant 16 : i32
          %shift_left3A_1085 = vector.broadcast %shift_left3A_1084 : i32 to vector<16xi32>
          %shift_left3A_1086 = arith.shli %gather3A_1083, %shift_left3A_1085 : vector<16xi32>
          %bitcast3A_1087 = vector.bitcast %shift_left3A_1086 : vector<16xi32> to vector<16xf32>
          %and3A_1088 = arith.constant -65536 : i32
          %and3A_1089 = vector.broadcast %and3A_1088 : i32 to vector<16xi32>
          %and3A_1090 = arith.andi %gather3A_1083, %and3A_1089 : vector<16xi32>
          %bitcast3A_1091 = vector.bitcast %and3A_1090 : vector<16xi32> to vector<16xf32>
          %mul3A_1092 = arith.mulf %select_n3A_855, %bitcast3A_1087 : vector<16xf32>
          %add3A_1093 = arith.addf %add3A_831, %mul3A_1092 : vector<16xf32>
          %mul3A_1094 = arith.mulf %select_n3A_855, %bitcast3A_1091 : vector<16xf32>
          %add3A_1095 = arith.addf %add3A_833, %mul3A_1094 : vector<16xf32>
          %add3A_1096 = arith.constant 76800 : i32
          %add3A_1097 = vector.broadcast %add3A_1096 : i32 to vector<16xi32>
          %add3A_1098 = arith.addi %add3A_850, %add3A_1097 : vector<16xi32>
          %gather3A_1099 = tpu.vector_load_idx %arg5[%add3A_1098] : memref<81920xi32, #tpu.memory_space<vmem>>[vector<16xi32>], vector<16xi32>,
          %shift_left3A_1100 = arith.constant 16 : i32
          %shift_left3A_1101 = vector.broadcast %shift_left3A_1100 : i32 to vector<16xi32>
          %shift_left3A_1102 = arith.shli %gather3A_1099, %shift_left3A_1101 : vector<16xi32>
          %bitcast3A_1103 = vector.bitcast %shift_left3A_1102 : vector<16xi32> to vector<16xf32>
          %and3A_1104 = arith.constant -65536 : i32
          %and3A_1105 = vector.broadcast %and3A_1104 : i32 to vector<16xi32>
          %and3A_1106 = arith.andi %gather3A_1099, %and3A_1105 : vector<16xi32>
          %bitcast3A_1107 = vector.bitcast %and3A_1106 : vector<16xi32> to vector<16xf32>
          %mul3A_1108 = arith.mulf %select_n3A_855, %bitcast3A_1103 : vector<16xf32>
          %add3A_1109 = arith.addf %add3A_847, %mul3A_1108 : vector<16xf32>
          %mul3A_1110 = arith.mulf %select_n3A_855, %bitcast3A_1107 : vector<16xf32>
          %add3A_1111 = arith.addf %add3A_849, %mul3A_1110 : vector<16xf32>
          %add3A_1112 = arith.addi %mul3A_576, %mul3A_567 : vector<16xi32>
          %and3A_1113 = arith.andi %and3A_530, %and3A_523 : vector<16xi1>
          %mul3A_1114 = arith.mulf %sub3A_457, %mul3A_586 : vector<16xf32>
          %add3A_1115 = arith.addi %add3A_1112, %min3A_543 : vector<16xi32>
          %and3A_1116 = arith.andi %and3A_1113, %and3A_502 : vector<16xi1>
          %mul3A_1117 = arith.mulf %mul3A_1114, %sub3A_482 : vector<16xf32>
          %jit3A_1118 = arith.constant 0.000000e+00 : f32
          %broadcast_in_dim3A_1119 = vector.broadcast %jit3A_1118 : f32 to vector<16xf32>
          %select_n3A_1120 = arith.select %and3A_1116, %mul3A_1117, %broadcast_in_dim3A_1119 : vector<16xi1>, vector<16xf32>
          %add3A_1121 = arith.constant 0 : i32
          %add3A_1122 = vector.broadcast %add3A_1121 : i32 to vector<16xi32>
          %add3A_1123 = arith.addi %add3A_1115, %add3A_1122 : vector<16xi32>
          %gather3A_1124 = tpu.vector_load_idx %arg5[%add3A_1123] : memref<81920xi32, #tpu.memory_space<vmem>>[vector<16xi32>], vector<16xi32>,
          %shift_left3A_1125 = arith.constant 16 : i32
          %shift_left3A_1126 = vector.broadcast %shift_left3A_1125 : i32 to vector<16xi32>
          %shift_left3A_1127 = arith.shli %gather3A_1124, %shift_left3A_1126 : vector<16xi32>
          %bitcast3A_1128 = vector.bitcast %shift_left3A_1127 : vector<16xi32> to vector<16xf32>
          %and3A_1129 = arith.constant -65536 : i32
          %and3A_1130 = vector.broadcast %and3A_1129 : i32 to vector<16xi32>
          %and3A_1131 = arith.andi %gather3A_1124, %and3A_1130 : vector<16xi32>
          %bitcast3A_1132 = vector.bitcast %and3A_1131 : vector<16xi32> to vector<16xf32>
          %mul3A_1133 = arith.mulf %select_n3A_1120, %bitcast3A_1128 : vector<16xf32>
          %add3A_1134 = arith.addf %add3A_869, %mul3A_1133 : vector<16xf32>
          %mul3A_1135 = arith.mulf %select_n3A_1120, %bitcast3A_1132 : vector<16xf32>
          %add3A_1136 = arith.addf %add3A_871, %mul3A_1135 : vector<16xf32>
          %add3A_1137 = arith.constant 5120 : i32
          %add3A_1138 = vector.broadcast %add3A_1137 : i32 to vector<16xi32>
          %add3A_1139 = arith.addi %add3A_1115, %add3A_1138 : vector<16xi32>
          %gather3A_1140 = tpu.vector_load_idx %arg5[%add3A_1139] : memref<81920xi32, #tpu.memory_space<vmem>>[vector<16xi32>], vector<16xi32>,
          %shift_left3A_1141 = arith.constant 16 : i32
          %shift_left3A_1142 = vector.broadcast %shift_left3A_1141 : i32 to vector<16xi32>
          %shift_left3A_1143 = arith.shli %gather3A_1140, %shift_left3A_1142 : vector<16xi32>
          %bitcast3A_1144 = vector.bitcast %shift_left3A_1143 : vector<16xi32> to vector<16xf32>
          %and3A_1145 = arith.constant -65536 : i32
          %and3A_1146 = vector.broadcast %and3A_1145 : i32 to vector<16xi32>
          %and3A_1147 = arith.andi %gather3A_1140, %and3A_1146 : vector<16xi32>
          %bitcast3A_1148 = vector.bitcast %and3A_1147 : vector<16xi32> to vector<16xf32>
          %mul3A_1149 = arith.mulf %select_n3A_1120, %bitcast3A_1144 : vector<16xf32>
          %add3A_1150 = arith.addf %add3A_885, %mul3A_1149 : vector<16xf32>
          %mul3A_1151 = arith.mulf %select_n3A_1120, %bitcast3A_1148 : vector<16xf32>
          %add3A_1152 = arith.addf %add3A_887, %mul3A_1151 : vector<16xf32>
          %add3A_1153 = arith.constant 10240 : i32
          %add3A_1154 = vector.broadcast %add3A_1153 : i32 to vector<16xi32>
          %add3A_1155 = arith.addi %add3A_1115, %add3A_1154 : vector<16xi32>
          %gather3A_1156 = tpu.vector_load_idx %arg5[%add3A_1155] : memref<81920xi32, #tpu.memory_space<vmem>>[vector<16xi32>], vector<16xi32>,
          %shift_left3A_1157 = arith.constant 16 : i32
          %shift_left3A_1158 = vector.broadcast %shift_left3A_1157 : i32 to vector<16xi32>
          %shift_left3A_1159 = arith.shli %gather3A_1156, %shift_left3A_1158 : vector<16xi32>
          %bitcast3A_1160 = vector.bitcast %shift_left3A_1159 : vector<16xi32> to vector<16xf32>
          %and3A_1161 = arith.constant -65536 : i32
          %and3A_1162 = vector.broadcast %and3A_1161 : i32 to vector<16xi32>
          %and3A_1163 = arith.andi %gather3A_1156, %and3A_1162 : vector<16xi32>
          %bitcast3A_1164 = vector.bitcast %and3A_1163 : vector<16xi32> to vector<16xf32>
          %mul3A_1165 = arith.mulf %select_n3A_1120, %bitcast3A_1160 : vector<16xf32>
          %add3A_1166 = arith.addf %add3A_901, %mul3A_1165 : vector<16xf32>
          %mul3A_1167 = arith.mulf %select_n3A_1120, %bitcast3A_1164 : vector<16xf32>
          %add3A_1168 = arith.addf %add3A_903, %mul3A_1167 : vector<16xf32>
          %add3A_1169 = arith.constant 15360 : i32
          %add3A_1170 = vector.broadcast %add3A_1169 : i32 to vector<16xi32>
          %add3A_1171 = arith.addi %add3A_1115, %add3A_1170 : vector<16xi32>
          %gather3A_1172 = tpu.vector_load_idx %arg5[%add3A_1171] : memref<81920xi32, #tpu.memory_space<vmem>>[vector<16xi32>], vector<16xi32>,
          %shift_left3A_1173 = arith.constant 16 : i32
          %shift_left3A_1174 = vector.broadcast %shift_left3A_1173 : i32 to vector<16xi32>
          %shift_left3A_1175 = arith.shli %gather3A_1172, %shift_left3A_1174 : vector<16xi32>
          %bitcast3A_1176 = vector.bitcast %shift_left3A_1175 : vector<16xi32> to vector<16xf32>
          %and3A_1177 = arith.constant -65536 : i32
          %and3A_1178 = vector.broadcast %and3A_1177 : i32 to vector<16xi32>
          %and3A_1179 = arith.andi %gather3A_1172, %and3A_1178 : vector<16xi32>
          %bitcast3A_1180 = vector.bitcast %and3A_1179 : vector<16xi32> to vector<16xf32>
          %mul3A_1181 = arith.mulf %select_n3A_1120, %bitcast3A_1176 : vector<16xf32>
          %add3A_1182 = arith.addf %add3A_917, %mul3A_1181 : vector<16xf32>
          %mul3A_1183 = arith.mulf %select_n3A_1120, %bitcast3A_1180 : vector<16xf32>
          %add3A_1184 = arith.addf %add3A_919, %mul3A_1183 : vector<16xf32>
          %add3A_1185 = arith.constant 20480 : i32
          %add3A_1186 = vector.broadcast %add3A_1185 : i32 to vector<16xi32>
          %add3A_1187 = arith.addi %add3A_1115, %add3A_1186 : vector<16xi32>
          %gather3A_1188 = tpu.vector_load_idx %arg5[%add3A_1187] : memref<81920xi32, #tpu.memory_space<vmem>>[vector<16xi32>], vector<16xi32>,
          %shift_left3A_1189 = arith.constant 16 : i32
          %shift_left3A_1190 = vector.broadcast %shift_left3A_1189 : i32 to vector<16xi32>
          %shift_left3A_1191 = arith.shli %gather3A_1188, %shift_left3A_1190 : vector<16xi32>
          %bitcast3A_1192 = vector.bitcast %shift_left3A_1191 : vector<16xi32> to vector<16xf32>
          %and3A_1193 = arith.constant -65536 : i32
          %and3A_1194 = vector.broadcast %and3A_1193 : i32 to vector<16xi32>
          %and3A_1195 = arith.andi %gather3A_1188, %and3A_1194 : vector<16xi32>
          %bitcast3A_1196 = vector.bitcast %and3A_1195 : vector<16xi32> to vector<16xf32>
          %mul3A_1197 = arith.mulf %select_n3A_1120, %bitcast3A_1192 : vector<16xf32>
          %add3A_1198 = arith.addf %add3A_933, %mul3A_1197 : vector<16xf32>
          %mul3A_1199 = arith.mulf %select_n3A_1120, %bitcast3A_1196 : vector<16xf32>
          %add3A_1200 = arith.addf %add3A_935, %mul3A_1199 : vector<16xf32>
          %add3A_1201 = arith.constant 25600 : i32
          %add3A_1202 = vector.broadcast %add3A_1201 : i32 to vector<16xi32>
          %add3A_1203 = arith.addi %add3A_1115, %add3A_1202 : vector<16xi32>
          %gather3A_1204 = tpu.vector_load_idx %arg5[%add3A_1203] : memref<81920xi32, #tpu.memory_space<vmem>>[vector<16xi32>], vector<16xi32>,
          %shift_left3A_1205 = arith.constant 16 : i32
          %shift_left3A_1206 = vector.broadcast %shift_left3A_1205 : i32 to vector<16xi32>
          %shift_left3A_1207 = arith.shli %gather3A_1204, %shift_left3A_1206 : vector<16xi32>
          %bitcast3A_1208 = vector.bitcast %shift_left3A_1207 : vector<16xi32> to vector<16xf32>
          %and3A_1209 = arith.constant -65536 : i32
          %and3A_1210 = vector.broadcast %and3A_1209 : i32 to vector<16xi32>
          %and3A_1211 = arith.andi %gather3A_1204, %and3A_1210 : vector<16xi32>
          %bitcast3A_1212 = vector.bitcast %and3A_1211 : vector<16xi32> to vector<16xf32>
          %mul3A_1213 = arith.mulf %select_n3A_1120, %bitcast3A_1208 : vector<16xf32>
          %add3A_1214 = arith.addf %add3A_949, %mul3A_1213 : vector<16xf32>
          %mul3A_1215 = arith.mulf %select_n3A_1120, %bitcast3A_1212 : vector<16xf32>
          %add3A_1216 = arith.addf %add3A_951, %mul3A_1215 : vector<16xf32>
          %add3A_1217 = arith.constant 30720 : i32
          %add3A_1218 = vector.broadcast %add3A_1217 : i32 to vector<16xi32>
          %add3A_1219 = arith.addi %add3A_1115, %add3A_1218 : vector<16xi32>
          %gather3A_1220 = tpu.vector_load_idx %arg5[%add3A_1219] : memref<81920xi32, #tpu.memory_space<vmem>>[vector<16xi32>], vector<16xi32>,
          %shift_left3A_1221 = arith.constant 16 : i32
          %shift_left3A_1222 = vector.broadcast %shift_left3A_1221 : i32 to vector<16xi32>
          %shift_left3A_1223 = arith.shli %gather3A_1220, %shift_left3A_1222 : vector<16xi32>
          %bitcast3A_1224 = vector.bitcast %shift_left3A_1223 : vector<16xi32> to vector<16xf32>
          %and3A_1225 = arith.constant -65536 : i32
          %and3A_1226 = vector.broadcast %and3A_1225 : i32 to vector<16xi32>
          %and3A_1227 = arith.andi %gather3A_1220, %and3A_1226 : vector<16xi32>
          %bitcast3A_1228 = vector.bitcast %and3A_1227 : vector<16xi32> to vector<16xf32>
          %mul3A_1229 = arith.mulf %select_n3A_1120, %bitcast3A_1224 : vector<16xf32>
          %add3A_1230 = arith.addf %add3A_965, %mul3A_1229 : vector<16xf32>
          %mul3A_1231 = arith.mulf %select_n3A_1120, %bitcast3A_1228 : vector<16xf32>
          %add3A_1232 = arith.addf %add3A_967, %mul3A_1231 : vector<16xf32>
          %add3A_1233 = arith.constant 35840 : i32
          %add3A_1234 = vector.broadcast %add3A_1233 : i32 to vector<16xi32>
          %add3A_1235 = arith.addi %add3A_1115, %add3A_1234 : vector<16xi32>
          %gather3A_1236 = tpu.vector_load_idx %arg5[%add3A_1235] : memref<81920xi32, #tpu.memory_space<vmem>>[vector<16xi32>], vector<16xi32>,
          %shift_left3A_1237 = arith.constant 16 : i32
          %shift_left3A_1238 = vector.broadcast %shift_left3A_1237 : i32 to vector<16xi32>
          %shift_left3A_1239 = arith.shli %gather3A_1236, %shift_left3A_1238 : vector<16xi32>
          %bitcast3A_1240 = vector.bitcast %shift_left3A_1239 : vector<16xi32> to vector<16xf32>
          %and3A_1241 = arith.constant -65536 : i32
          %and3A_1242 = vector.broadcast %and3A_1241 : i32 to vector<16xi32>
          %and3A_1243 = arith.andi %gather3A_1236, %and3A_1242 : vector<16xi32>
          %bitcast3A_1244 = vector.bitcast %and3A_1243 : vector<16xi32> to vector<16xf32>
          %mul3A_1245 = arith.mulf %select_n3A_1120, %bitcast3A_1240 : vector<16xf32>
          %add3A_1246 = arith.addf %add3A_981, %mul3A_1245 : vector<16xf32>
          %mul3A_1247 = arith.mulf %select_n3A_1120, %bitcast3A_1244 : vector<16xf32>
          %add3A_1248 = arith.addf %add3A_983, %mul3A_1247 : vector<16xf32>
          %add3A_1249 = arith.constant 40960 : i32
          %add3A_1250 = vector.broadcast %add3A_1249 : i32 to vector<16xi32>
          %add3A_1251 = arith.addi %add3A_1115, %add3A_1250 : vector<16xi32>
          %gather3A_1252 = tpu.vector_load_idx %arg5[%add3A_1251] : memref<81920xi32, #tpu.memory_space<vmem>>[vector<16xi32>], vector<16xi32>,
          %shift_left3A_1253 = arith.constant 16 : i32
          %shift_left3A_1254 = vector.broadcast %shift_left3A_1253 : i32 to vector<16xi32>
          %shift_left3A_1255 = arith.shli %gather3A_1252, %shift_left3A_1254 : vector<16xi32>
          %bitcast3A_1256 = vector.bitcast %shift_left3A_1255 : vector<16xi32> to vector<16xf32>
          %and3A_1257 = arith.constant -65536 : i32
          %and3A_1258 = vector.broadcast %and3A_1257 : i32 to vector<16xi32>
          %and3A_1259 = arith.andi %gather3A_1252, %and3A_1258 : vector<16xi32>
          %bitcast3A_1260 = vector.bitcast %and3A_1259 : vector<16xi32> to vector<16xf32>
          %mul3A_1261 = arith.mulf %select_n3A_1120, %bitcast3A_1256 : vector<16xf32>
          %add3A_1262 = arith.addf %add3A_997, %mul3A_1261 : vector<16xf32>
          %mul3A_1263 = arith.mulf %select_n3A_1120, %bitcast3A_1260 : vector<16xf32>
          %add3A_1264 = arith.addf %add3A_999, %mul3A_1263 : vector<16xf32>
          %add3A_1265 = arith.constant 46080 : i32
          %add3A_1266 = vector.broadcast %add3A_1265 : i32 to vector<16xi32>
          %add3A_1267 = arith.addi %add3A_1115, %add3A_1266 : vector<16xi32>
          %gather3A_1268 = tpu.vector_load_idx %arg5[%add3A_1267] : memref<81920xi32, #tpu.memory_space<vmem>>[vector<16xi32>], vector<16xi32>,
          %shift_left3A_1269 = arith.constant 16 : i32
          %shift_left3A_1270 = vector.broadcast %shift_left3A_1269 : i32 to vector<16xi32>
          %shift_left3A_1271 = arith.shli %gather3A_1268, %shift_left3A_1270 : vector<16xi32>
          %bitcast3A_1272 = vector.bitcast %shift_left3A_1271 : vector<16xi32> to vector<16xf32>
          %and3A_1273 = arith.constant -65536 : i32
          %and3A_1274 = vector.broadcast %and3A_1273 : i32 to vector<16xi32>
          %and3A_1275 = arith.andi %gather3A_1268, %and3A_1274 : vector<16xi32>
          %bitcast3A_1276 = vector.bitcast %and3A_1275 : vector<16xi32> to vector<16xf32>
          %mul3A_1277 = arith.mulf %select_n3A_1120, %bitcast3A_1272 : vector<16xf32>
          %add3A_1278 = arith.addf %add3A_1013, %mul3A_1277 : vector<16xf32>
          %mul3A_1279 = arith.mulf %select_n3A_1120, %bitcast3A_1276 : vector<16xf32>
          %add3A_1280 = arith.addf %add3A_1015, %mul3A_1279 : vector<16xf32>
          %add3A_1281 = arith.constant 51200 : i32
          %add3A_1282 = vector.broadcast %add3A_1281 : i32 to vector<16xi32>
          %add3A_1283 = arith.addi %add3A_1115, %add3A_1282 : vector<16xi32>
          %gather3A_1284 = tpu.vector_load_idx %arg5[%add3A_1283] : memref<81920xi32, #tpu.memory_space<vmem>>[vector<16xi32>], vector<16xi32>,
          %shift_left3A_1285 = arith.constant 16 : i32
          %shift_left3A_1286 = vector.broadcast %shift_left3A_1285 : i32 to vector<16xi32>
          %shift_left3A_1287 = arith.shli %gather3A_1284, %shift_left3A_1286 : vector<16xi32>
          %bitcast3A_1288 = vector.bitcast %shift_left3A_1287 : vector<16xi32> to vector<16xf32>
          %and3A_1289 = arith.constant -65536 : i32
          %and3A_1290 = vector.broadcast %and3A_1289 : i32 to vector<16xi32>
          %and3A_1291 = arith.andi %gather3A_1284, %and3A_1290 : vector<16xi32>
          %bitcast3A_1292 = vector.bitcast %and3A_1291 : vector<16xi32> to vector<16xf32>
          %mul3A_1293 = arith.mulf %select_n3A_1120, %bitcast3A_1288 : vector<16xf32>
          %add3A_1294 = arith.addf %add3A_1029, %mul3A_1293 : vector<16xf32>
          %mul3A_1295 = arith.mulf %select_n3A_1120, %bitcast3A_1292 : vector<16xf32>
          %add3A_1296 = arith.addf %add3A_1031, %mul3A_1295 : vector<16xf32>
          %add3A_1297 = arith.constant 56320 : i32
          %add3A_1298 = vector.broadcast %add3A_1297 : i32 to vector<16xi32>
          %add3A_1299 = arith.addi %add3A_1115, %add3A_1298 : vector<16xi32>
          %gather3A_1300 = tpu.vector_load_idx %arg5[%add3A_1299] : memref<81920xi32, #tpu.memory_space<vmem>>[vector<16xi32>], vector<16xi32>,
          %shift_left3A_1301 = arith.constant 16 : i32
          %shift_left3A_1302 = vector.broadcast %shift_left3A_1301 : i32 to vector<16xi32>
          %shift_left3A_1303 = arith.shli %gather3A_1300, %shift_left3A_1302 : vector<16xi32>
          %bitcast3A_1304 = vector.bitcast %shift_left3A_1303 : vector<16xi32> to vector<16xf32>
          %and3A_1305 = arith.constant -65536 : i32
          %and3A_1306 = vector.broadcast %and3A_1305 : i32 to vector<16xi32>
          %and3A_1307 = arith.andi %gather3A_1300, %and3A_1306 : vector<16xi32>
          %bitcast3A_1308 = vector.bitcast %and3A_1307 : vector<16xi32> to vector<16xf32>
          %mul3A_1309 = arith.mulf %select_n3A_1120, %bitcast3A_1304 : vector<16xf32>
          %add3A_1310 = arith.addf %add3A_1045, %mul3A_1309 : vector<16xf32>
          %mul3A_1311 = arith.mulf %select_n3A_1120, %bitcast3A_1308 : vector<16xf32>
          %add3A_1312 = arith.addf %add3A_1047, %mul3A_1311 : vector<16xf32>
          %add3A_1313 = arith.constant 61440 : i32
          %add3A_1314 = vector.broadcast %add3A_1313 : i32 to vector<16xi32>
          %add3A_1315 = arith.addi %add3A_1115, %add3A_1314 : vector<16xi32>
          %gather3A_1316 = tpu.vector_load_idx %arg5[%add3A_1315] : memref<81920xi32, #tpu.memory_space<vmem>>[vector<16xi32>], vector<16xi32>,
          %shift_left3A_1317 = arith.constant 16 : i32
          %shift_left3A_1318 = vector.broadcast %shift_left3A_1317 : i32 to vector<16xi32>
          %shift_left3A_1319 = arith.shli %gather3A_1316, %shift_left3A_1318 : vector<16xi32>
          %bitcast3A_1320 = vector.bitcast %shift_left3A_1319 : vector<16xi32> to vector<16xf32>
          %and3A_1321 = arith.constant -65536 : i32
          %and3A_1322 = vector.broadcast %and3A_1321 : i32 to vector<16xi32>
          %and3A_1323 = arith.andi %gather3A_1316, %and3A_1322 : vector<16xi32>
          %bitcast3A_1324 = vector.bitcast %and3A_1323 : vector<16xi32> to vector<16xf32>
          %mul3A_1325 = arith.mulf %select_n3A_1120, %bitcast3A_1320 : vector<16xf32>
          %add3A_1326 = arith.addf %add3A_1061, %mul3A_1325 : vector<16xf32>
          %mul3A_1327 = arith.mulf %select_n3A_1120, %bitcast3A_1324 : vector<16xf32>
          %add3A_1328 = arith.addf %add3A_1063, %mul3A_1327 : vector<16xf32>
          %add3A_1329 = arith.constant 66560 : i32
          %add3A_1330 = vector.broadcast %add3A_1329 : i32 to vector<16xi32>
          %add3A_1331 = arith.addi %add3A_1115, %add3A_1330 : vector<16xi32>
          %gather3A_1332 = tpu.vector_load_idx %arg5[%add3A_1331] : memref<81920xi32, #tpu.memory_space<vmem>>[vector<16xi32>], vector<16xi32>,
          %shift_left3A_1333 = arith.constant 16 : i32
          %shift_left3A_1334 = vector.broadcast %shift_left3A_1333 : i32 to vector<16xi32>
          %shift_left3A_1335 = arith.shli %gather3A_1332, %shift_left3A_1334 : vector<16xi32>
          %bitcast3A_1336 = vector.bitcast %shift_left3A_1335 : vector<16xi32> to vector<16xf32>
          %and3A_1337 = arith.constant -65536 : i32
          %and3A_1338 = vector.broadcast %and3A_1337 : i32 to vector<16xi32>
          %and3A_1339 = arith.andi %gather3A_1332, %and3A_1338 : vector<16xi32>
          %bitcast3A_1340 = vector.bitcast %and3A_1339 : vector<16xi32> to vector<16xf32>
          %mul3A_1341 = arith.mulf %select_n3A_1120, %bitcast3A_1336 : vector<16xf32>
          %add3A_1342 = arith.addf %add3A_1077, %mul3A_1341 : vector<16xf32>
          %mul3A_1343 = arith.mulf %select_n3A_1120, %bitcast3A_1340 : vector<16xf32>
          %add3A_1344 = arith.addf %add3A_1079, %mul3A_1343 : vector<16xf32>
          %add3A_1345 = arith.constant 71680 : i32
          %add3A_1346 = vector.broadcast %add3A_1345 : i32 to vector<16xi32>
          %add3A_1347 = arith.addi %add3A_1115, %add3A_1346 : vector<16xi32>
          %gather3A_1348 = tpu.vector_load_idx %arg5[%add3A_1347] : memref<81920xi32, #tpu.memory_space<vmem>>[vector<16xi32>], vector<16xi32>,
          %shift_left3A_1349 = arith.constant 16 : i32
          %shift_left3A_1350 = vector.broadcast %shift_left3A_1349 : i32 to vector<16xi32>
          %shift_left3A_1351 = arith.shli %gather3A_1348, %shift_left3A_1350 : vector<16xi32>
          %bitcast3A_1352 = vector.bitcast %shift_left3A_1351 : vector<16xi32> to vector<16xf32>
          %and3A_1353 = arith.constant -65536 : i32
          %and3A_1354 = vector.broadcast %and3A_1353 : i32 to vector<16xi32>
          %and3A_1355 = arith.andi %gather3A_1348, %and3A_1354 : vector<16xi32>
          %bitcast3A_1356 = vector.bitcast %and3A_1355 : vector<16xi32> to vector<16xf32>
          %mul3A_1357 = arith.mulf %select_n3A_1120, %bitcast3A_1352 : vector<16xf32>
          %add3A_1358 = arith.addf %add3A_1093, %mul3A_1357 : vector<16xf32>
          %mul3A_1359 = arith.mulf %select_n3A_1120, %bitcast3A_1356 : vector<16xf32>
          %add3A_1360 = arith.addf %add3A_1095, %mul3A_1359 : vector<16xf32>
          %add3A_1361 = arith.constant 76800 : i32
          %add3A_1362 = vector.broadcast %add3A_1361 : i32 to vector<16xi32>
          %add3A_1363 = arith.addi %add3A_1115, %add3A_1362 : vector<16xi32>
          %gather3A_1364 = tpu.vector_load_idx %arg5[%add3A_1363] : memref<81920xi32, #tpu.memory_space<vmem>>[vector<16xi32>], vector<16xi32>,
          %shift_left3A_1365 = arith.constant 16 : i32
          %shift_left3A_1366 = vector.broadcast %shift_left3A_1365 : i32 to vector<16xi32>
          %shift_left3A_1367 = arith.shli %gather3A_1364, %shift_left3A_1366 : vector<16xi32>
          %bitcast3A_1368 = vector.bitcast %shift_left3A_1367 : vector<16xi32> to vector<16xf32>
          %and3A_1369 = arith.constant -65536 : i32
          %and3A_1370 = vector.broadcast %and3A_1369 : i32 to vector<16xi32>
          %and3A_1371 = arith.andi %gather3A_1364, %and3A_1370 : vector<16xi32>
          %bitcast3A_1372 = vector.bitcast %and3A_1371 : vector<16xi32> to vector<16xf32>
          %mul3A_1373 = arith.mulf %select_n3A_1120, %bitcast3A_1368 : vector<16xf32>
          %add3A_1374 = arith.addf %add3A_1109, %mul3A_1373 : vector<16xf32>
          %mul3A_1375 = arith.mulf %select_n3A_1120, %bitcast3A_1372 : vector<16xf32>
          %add3A_1376 = arith.addf %add3A_1111, %mul3A_1375 : vector<16xf32>
          %add3A_1377 = arith.addi %add3A_1112, %min3A_549 : vector<16xi32>
          %and3A_1378 = arith.andi %and3A_1113, %and3A_509 : vector<16xi1>
          %mul3A_1379 = arith.mulf %mul3A_1114, %sub3A_435 : vector<16xf32>
          %jit3A_1380 = arith.constant 0.000000e+00 : f32
          %broadcast_in_dim3A_1381 = vector.broadcast %jit3A_1380 : f32 to vector<16xf32>
          %select_n3A_1382 = arith.select %and3A_1378, %mul3A_1379, %broadcast_in_dim3A_1381 : vector<16xi1>, vector<16xf32>
          %add3A_1383 = arith.constant 0 : i32
          %add3A_1384 = vector.broadcast %add3A_1383 : i32 to vector<16xi32>
          %add3A_1385 = arith.addi %add3A_1377, %add3A_1384 : vector<16xi32>
          %gather3A_1386 = tpu.vector_load_idx %arg5[%add3A_1385] : memref<81920xi32, #tpu.memory_space<vmem>>[vector<16xi32>], vector<16xi32>,
          %shift_left3A_1387 = arith.constant 16 : i32
          %shift_left3A_1388 = vector.broadcast %shift_left3A_1387 : i32 to vector<16xi32>
          %shift_left3A_1389 = arith.shli %gather3A_1386, %shift_left3A_1388 : vector<16xi32>
          %bitcast3A_1390 = vector.bitcast %shift_left3A_1389 : vector<16xi32> to vector<16xf32>
          %and3A_1391 = arith.constant -65536 : i32
          %and3A_1392 = vector.broadcast %and3A_1391 : i32 to vector<16xi32>
          %and3A_1393 = arith.andi %gather3A_1386, %and3A_1392 : vector<16xi32>
          %bitcast3A_1394 = vector.bitcast %and3A_1393 : vector<16xi32> to vector<16xf32>
          %mul3A_1395 = arith.mulf %select_n3A_1382, %bitcast3A_1390 : vector<16xf32>
          %add3A_1396 = arith.addf %add3A_1134, %mul3A_1395 : vector<16xf32>
          %mul3A_1397 = arith.mulf %select_n3A_1382, %bitcast3A_1394 : vector<16xf32>
          %add3A_1398 = arith.addf %add3A_1136, %mul3A_1397 : vector<16xf32>
          %add3A_1399 = arith.constant 5120 : i32
          %add3A_1400 = vector.broadcast %add3A_1399 : i32 to vector<16xi32>
          %add3A_1401 = arith.addi %add3A_1377, %add3A_1400 : vector<16xi32>
          %gather3A_1402 = tpu.vector_load_idx %arg5[%add3A_1401] : memref<81920xi32, #tpu.memory_space<vmem>>[vector<16xi32>], vector<16xi32>,
          %shift_left3A_1403 = arith.constant 16 : i32
          %shift_left3A_1404 = vector.broadcast %shift_left3A_1403 : i32 to vector<16xi32>
          %shift_left3A_1405 = arith.shli %gather3A_1402, %shift_left3A_1404 : vector<16xi32>
          %bitcast3A_1406 = vector.bitcast %shift_left3A_1405 : vector<16xi32> to vector<16xf32>
          %and3A_1407 = arith.constant -65536 : i32
          %and3A_1408 = vector.broadcast %and3A_1407 : i32 to vector<16xi32>
          %and3A_1409 = arith.andi %gather3A_1402, %and3A_1408 : vector<16xi32>
          %bitcast3A_1410 = vector.bitcast %and3A_1409 : vector<16xi32> to vector<16xf32>
          %mul3A_1411 = arith.mulf %select_n3A_1382, %bitcast3A_1406 : vector<16xf32>
          %add3A_1412 = arith.addf %add3A_1150, %mul3A_1411 : vector<16xf32>
          %mul3A_1413 = arith.mulf %select_n3A_1382, %bitcast3A_1410 : vector<16xf32>
          %add3A_1414 = arith.addf %add3A_1152, %mul3A_1413 : vector<16xf32>
          %add3A_1415 = arith.constant 10240 : i32
          %add3A_1416 = vector.broadcast %add3A_1415 : i32 to vector<16xi32>
          %add3A_1417 = arith.addi %add3A_1377, %add3A_1416 : vector<16xi32>
          %gather3A_1418 = tpu.vector_load_idx %arg5[%add3A_1417] : memref<81920xi32, #tpu.memory_space<vmem>>[vector<16xi32>], vector<16xi32>,
          %shift_left3A_1419 = arith.constant 16 : i32
          %shift_left3A_1420 = vector.broadcast %shift_left3A_1419 : i32 to vector<16xi32>
          %shift_left3A_1421 = arith.shli %gather3A_1418, %shift_left3A_1420 : vector<16xi32>
          %bitcast3A_1422 = vector.bitcast %shift_left3A_1421 : vector<16xi32> to vector<16xf32>
          %and3A_1423 = arith.constant -65536 : i32
          %and3A_1424 = vector.broadcast %and3A_1423 : i32 to vector<16xi32>
          %and3A_1425 = arith.andi %gather3A_1418, %and3A_1424 : vector<16xi32>
          %bitcast3A_1426 = vector.bitcast %and3A_1425 : vector<16xi32> to vector<16xf32>
          %mul3A_1427 = arith.mulf %select_n3A_1382, %bitcast3A_1422 : vector<16xf32>
          %add3A_1428 = arith.addf %add3A_1166, %mul3A_1427 : vector<16xf32>
          %mul3A_1429 = arith.mulf %select_n3A_1382, %bitcast3A_1426 : vector<16xf32>
          %add3A_1430 = arith.addf %add3A_1168, %mul3A_1429 : vector<16xf32>
          %add3A_1431 = arith.constant 15360 : i32
          %add3A_1432 = vector.broadcast %add3A_1431 : i32 to vector<16xi32>
          %add3A_1433 = arith.addi %add3A_1377, %add3A_1432 : vector<16xi32>
          %gather3A_1434 = tpu.vector_load_idx %arg5[%add3A_1433] : memref<81920xi32, #tpu.memory_space<vmem>>[vector<16xi32>], vector<16xi32>,
          %shift_left3A_1435 = arith.constant 16 : i32
          %shift_left3A_1436 = vector.broadcast %shift_left3A_1435 : i32 to vector<16xi32>
          %shift_left3A_1437 = arith.shli %gather3A_1434, %shift_left3A_1436 : vector<16xi32>
          %bitcast3A_1438 = vector.bitcast %shift_left3A_1437 : vector<16xi32> to vector<16xf32>
          %and3A_1439 = arith.constant -65536 : i32
          %and3A_1440 = vector.broadcast %and3A_1439 : i32 to vector<16xi32>
          %and3A_1441 = arith.andi %gather3A_1434, %and3A_1440 : vector<16xi32>
          %bitcast3A_1442 = vector.bitcast %and3A_1441 : vector<16xi32> to vector<16xf32>
          %mul3A_1443 = arith.mulf %select_n3A_1382, %bitcast3A_1438 : vector<16xf32>
          %add3A_1444 = arith.addf %add3A_1182, %mul3A_1443 : vector<16xf32>
          %mul3A_1445 = arith.mulf %select_n3A_1382, %bitcast3A_1442 : vector<16xf32>
          %add3A_1446 = arith.addf %add3A_1184, %mul3A_1445 : vector<16xf32>
          %add3A_1447 = arith.constant 20480 : i32
          %add3A_1448 = vector.broadcast %add3A_1447 : i32 to vector<16xi32>
          %add3A_1449 = arith.addi %add3A_1377, %add3A_1448 : vector<16xi32>
          %gather3A_1450 = tpu.vector_load_idx %arg5[%add3A_1449] : memref<81920xi32, #tpu.memory_space<vmem>>[vector<16xi32>], vector<16xi32>,
          %shift_left3A_1451 = arith.constant 16 : i32
          %shift_left3A_1452 = vector.broadcast %shift_left3A_1451 : i32 to vector<16xi32>
          %shift_left3A_1453 = arith.shli %gather3A_1450, %shift_left3A_1452 : vector<16xi32>
          %bitcast3A_1454 = vector.bitcast %shift_left3A_1453 : vector<16xi32> to vector<16xf32>
          %and3A_1455 = arith.constant -65536 : i32
          %and3A_1456 = vector.broadcast %and3A_1455 : i32 to vector<16xi32>
          %and3A_1457 = arith.andi %gather3A_1450, %and3A_1456 : vector<16xi32>
          %bitcast3A_1458 = vector.bitcast %and3A_1457 : vector<16xi32> to vector<16xf32>
          %mul3A_1459 = arith.mulf %select_n3A_1382, %bitcast3A_1454 : vector<16xf32>
          %add3A_1460 = arith.addf %add3A_1198, %mul3A_1459 : vector<16xf32>
          %mul3A_1461 = arith.mulf %select_n3A_1382, %bitcast3A_1458 : vector<16xf32>
          %add3A_1462 = arith.addf %add3A_1200, %mul3A_1461 : vector<16xf32>
          %add3A_1463 = arith.constant 25600 : i32
          %add3A_1464 = vector.broadcast %add3A_1463 : i32 to vector<16xi32>
          %add3A_1465 = arith.addi %add3A_1377, %add3A_1464 : vector<16xi32>
          %gather3A_1466 = tpu.vector_load_idx %arg5[%add3A_1465] : memref<81920xi32, #tpu.memory_space<vmem>>[vector<16xi32>], vector<16xi32>,
          %shift_left3A_1467 = arith.constant 16 : i32
          %shift_left3A_1468 = vector.broadcast %shift_left3A_1467 : i32 to vector<16xi32>
          %shift_left3A_1469 = arith.shli %gather3A_1466, %shift_left3A_1468 : vector<16xi32>
          %bitcast3A_1470 = vector.bitcast %shift_left3A_1469 : vector<16xi32> to vector<16xf32>
          %and3A_1471 = arith.constant -65536 : i32
          %and3A_1472 = vector.broadcast %and3A_1471 : i32 to vector<16xi32>
          %and3A_1473 = arith.andi %gather3A_1466, %and3A_1472 : vector<16xi32>
          %bitcast3A_1474 = vector.bitcast %and3A_1473 : vector<16xi32> to vector<16xf32>
          %mul3A_1475 = arith.mulf %select_n3A_1382, %bitcast3A_1470 : vector<16xf32>
          %add3A_1476 = arith.addf %add3A_1214, %mul3A_1475 : vector<16xf32>
          %mul3A_1477 = arith.mulf %select_n3A_1382, %bitcast3A_1474 : vector<16xf32>
          %add3A_1478 = arith.addf %add3A_1216, %mul3A_1477 : vector<16xf32>
          %add3A_1479 = arith.constant 30720 : i32
          %add3A_1480 = vector.broadcast %add3A_1479 : i32 to vector<16xi32>
          %add3A_1481 = arith.addi %add3A_1377, %add3A_1480 : vector<16xi32>
          %gather3A_1482 = tpu.vector_load_idx %arg5[%add3A_1481] : memref<81920xi32, #tpu.memory_space<vmem>>[vector<16xi32>], vector<16xi32>,
          %shift_left3A_1483 = arith.constant 16 : i32
          %shift_left3A_1484 = vector.broadcast %shift_left3A_1483 : i32 to vector<16xi32>
          %shift_left3A_1485 = arith.shli %gather3A_1482, %shift_left3A_1484 : vector<16xi32>
          %bitcast3A_1486 = vector.bitcast %shift_left3A_1485 : vector<16xi32> to vector<16xf32>
          %and3A_1487 = arith.constant -65536 : i32
          %and3A_1488 = vector.broadcast %and3A_1487 : i32 to vector<16xi32>
          %and3A_1489 = arith.andi %gather3A_1482, %and3A_1488 : vector<16xi32>
          %bitcast3A_1490 = vector.bitcast %and3A_1489 : vector<16xi32> to vector<16xf32>
          %mul3A_1491 = arith.mulf %select_n3A_1382, %bitcast3A_1486 : vector<16xf32>
          %add3A_1492 = arith.addf %add3A_1230, %mul3A_1491 : vector<16xf32>
          %mul3A_1493 = arith.mulf %select_n3A_1382, %bitcast3A_1490 : vector<16xf32>
          %add3A_1494 = arith.addf %add3A_1232, %mul3A_1493 : vector<16xf32>
          %add3A_1495 = arith.constant 35840 : i32
          %add3A_1496 = vector.broadcast %add3A_1495 : i32 to vector<16xi32>
          %add3A_1497 = arith.addi %add3A_1377, %add3A_1496 : vector<16xi32>
          %gather3A_1498 = tpu.vector_load_idx %arg5[%add3A_1497] : memref<81920xi32, #tpu.memory_space<vmem>>[vector<16xi32>], vector<16xi32>,
          %shift_left3A_1499 = arith.constant 16 : i32
          %shift_left3A_1500 = vector.broadcast %shift_left3A_1499 : i32 to vector<16xi32>
          %shift_left3A_1501 = arith.shli %gather3A_1498, %shift_left3A_1500 : vector<16xi32>
          %bitcast3A_1502 = vector.bitcast %shift_left3A_1501 : vector<16xi32> to vector<16xf32>
          %and3A_1503 = arith.constant -65536 : i32
          %and3A_1504 = vector.broadcast %and3A_1503 : i32 to vector<16xi32>
          %and3A_1505 = arith.andi %gather3A_1498, %and3A_1504 : vector<16xi32>
          %bitcast3A_1506 = vector.bitcast %and3A_1505 : vector<16xi32> to vector<16xf32>
          %mul3A_1507 = arith.mulf %select_n3A_1382, %bitcast3A_1502 : vector<16xf32>
          %add3A_1508 = arith.addf %add3A_1246, %mul3A_1507 : vector<16xf32>
          %mul3A_1509 = arith.mulf %select_n3A_1382, %bitcast3A_1506 : vector<16xf32>
          %add3A_1510 = arith.addf %add3A_1248, %mul3A_1509 : vector<16xf32>
          %add3A_1511 = arith.constant 40960 : i32
          %add3A_1512 = vector.broadcast %add3A_1511 : i32 to vector<16xi32>
          %add3A_1513 = arith.addi %add3A_1377, %add3A_1512 : vector<16xi32>
          %gather3A_1514 = tpu.vector_load_idx %arg5[%add3A_1513] : memref<81920xi32, #tpu.memory_space<vmem>>[vector<16xi32>], vector<16xi32>,
          %shift_left3A_1515 = arith.constant 16 : i32
          %shift_left3A_1516 = vector.broadcast %shift_left3A_1515 : i32 to vector<16xi32>
          %shift_left3A_1517 = arith.shli %gather3A_1514, %shift_left3A_1516 : vector<16xi32>
          %bitcast3A_1518 = vector.bitcast %shift_left3A_1517 : vector<16xi32> to vector<16xf32>
          %and3A_1519 = arith.constant -65536 : i32
          %and3A_1520 = vector.broadcast %and3A_1519 : i32 to vector<16xi32>
          %and3A_1521 = arith.andi %gather3A_1514, %and3A_1520 : vector<16xi32>
          %bitcast3A_1522 = vector.bitcast %and3A_1521 : vector<16xi32> to vector<16xf32>
          %mul3A_1523 = arith.mulf %select_n3A_1382, %bitcast3A_1518 : vector<16xf32>
          %add3A_1524 = arith.addf %add3A_1262, %mul3A_1523 : vector<16xf32>
          %mul3A_1525 = arith.mulf %select_n3A_1382, %bitcast3A_1522 : vector<16xf32>
          %add3A_1526 = arith.addf %add3A_1264, %mul3A_1525 : vector<16xf32>
          %add3A_1527 = arith.constant 46080 : i32
          %add3A_1528 = vector.broadcast %add3A_1527 : i32 to vector<16xi32>
          %add3A_1529 = arith.addi %add3A_1377, %add3A_1528 : vector<16xi32>
          %gather3A_1530 = tpu.vector_load_idx %arg5[%add3A_1529] : memref<81920xi32, #tpu.memory_space<vmem>>[vector<16xi32>], vector<16xi32>,
          %shift_left3A_1531 = arith.constant 16 : i32
          %shift_left3A_1532 = vector.broadcast %shift_left3A_1531 : i32 to vector<16xi32>
          %shift_left3A_1533 = arith.shli %gather3A_1530, %shift_left3A_1532 : vector<16xi32>
          %bitcast3A_1534 = vector.bitcast %shift_left3A_1533 : vector<16xi32> to vector<16xf32>
          %and3A_1535 = arith.constant -65536 : i32
          %and3A_1536 = vector.broadcast %and3A_1535 : i32 to vector<16xi32>
          %and3A_1537 = arith.andi %gather3A_1530, %and3A_1536 : vector<16xi32>
          %bitcast3A_1538 = vector.bitcast %and3A_1537 : vector<16xi32> to vector<16xf32>
          %mul3A_1539 = arith.mulf %select_n3A_1382, %bitcast3A_1534 : vector<16xf32>
          %add3A_1540 = arith.addf %add3A_1278, %mul3A_1539 : vector<16xf32>
          %mul3A_1541 = arith.mulf %select_n3A_1382, %bitcast3A_1538 : vector<16xf32>
          %add3A_1542 = arith.addf %add3A_1280, %mul3A_1541 : vector<16xf32>
          %add3A_1543 = arith.constant 51200 : i32
          %add3A_1544 = vector.broadcast %add3A_1543 : i32 to vector<16xi32>
          %add3A_1545 = arith.addi %add3A_1377, %add3A_1544 : vector<16xi32>
          %gather3A_1546 = tpu.vector_load_idx %arg5[%add3A_1545] : memref<81920xi32, #tpu.memory_space<vmem>>[vector<16xi32>], vector<16xi32>,
          %shift_left3A_1547 = arith.constant 16 : i32
          %shift_left3A_1548 = vector.broadcast %shift_left3A_1547 : i32 to vector<16xi32>
          %shift_left3A_1549 = arith.shli %gather3A_1546, %shift_left3A_1548 : vector<16xi32>
          %bitcast3A_1550 = vector.bitcast %shift_left3A_1549 : vector<16xi32> to vector<16xf32>
          %and3A_1551 = arith.constant -65536 : i32
          %and3A_1552 = vector.broadcast %and3A_1551 : i32 to vector<16xi32>
          %and3A_1553 = arith.andi %gather3A_1546, %and3A_1552 : vector<16xi32>
          %bitcast3A_1554 = vector.bitcast %and3A_1553 : vector<16xi32> to vector<16xf32>
          %mul3A_1555 = arith.mulf %select_n3A_1382, %bitcast3A_1550 : vector<16xf32>
          %add3A_1556 = arith.addf %add3A_1294, %mul3A_1555 : vector<16xf32>
          %mul3A_1557 = arith.mulf %select_n3A_1382, %bitcast3A_1554 : vector<16xf32>
          %add3A_1558 = arith.addf %add3A_1296, %mul3A_1557 : vector<16xf32>
          %add3A_1559 = arith.constant 56320 : i32
          %add3A_1560 = vector.broadcast %add3A_1559 : i32 to vector<16xi32>
          %add3A_1561 = arith.addi %add3A_1377, %add3A_1560 : vector<16xi32>
          %gather3A_1562 = tpu.vector_load_idx %arg5[%add3A_1561] : memref<81920xi32, #tpu.memory_space<vmem>>[vector<16xi32>], vector<16xi32>,
          %shift_left3A_1563 = arith.constant 16 : i32
          %shift_left3A_1564 = vector.broadcast %shift_left3A_1563 : i32 to vector<16xi32>
          %shift_left3A_1565 = arith.shli %gather3A_1562, %shift_left3A_1564 : vector<16xi32>
          %bitcast3A_1566 = vector.bitcast %shift_left3A_1565 : vector<16xi32> to vector<16xf32>
          %and3A_1567 = arith.constant -65536 : i32
          %and3A_1568 = vector.broadcast %and3A_1567 : i32 to vector<16xi32>
          %and3A_1569 = arith.andi %gather3A_1562, %and3A_1568 : vector<16xi32>
          %bitcast3A_1570 = vector.bitcast %and3A_1569 : vector<16xi32> to vector<16xf32>
          %mul3A_1571 = arith.mulf %select_n3A_1382, %bitcast3A_1566 : vector<16xf32>
          %add3A_1572 = arith.addf %add3A_1310, %mul3A_1571 : vector<16xf32>
          %mul3A_1573 = arith.mulf %select_n3A_1382, %bitcast3A_1570 : vector<16xf32>
          %add3A_1574 = arith.addf %add3A_1312, %mul3A_1573 : vector<16xf32>
          %add3A_1575 = arith.constant 61440 : i32
          %add3A_1576 = vector.broadcast %add3A_1575 : i32 to vector<16xi32>
          %add3A_1577 = arith.addi %add3A_1377, %add3A_1576 : vector<16xi32>
          %gather3A_1578 = tpu.vector_load_idx %arg5[%add3A_1577] : memref<81920xi32, #tpu.memory_space<vmem>>[vector<16xi32>], vector<16xi32>,
          %shift_left3A_1579 = arith.constant 16 : i32
          %shift_left3A_1580 = vector.broadcast %shift_left3A_1579 : i32 to vector<16xi32>
          %shift_left3A_1581 = arith.shli %gather3A_1578, %shift_left3A_1580 : vector<16xi32>
          %bitcast3A_1582 = vector.bitcast %shift_left3A_1581 : vector<16xi32> to vector<16xf32>
          %and3A_1583 = arith.constant -65536 : i32
          %and3A_1584 = vector.broadcast %and3A_1583 : i32 to vector<16xi32>
          %and3A_1585 = arith.andi %gather3A_1578, %and3A_1584 : vector<16xi32>
          %bitcast3A_1586 = vector.bitcast %and3A_1585 : vector<16xi32> to vector<16xf32>
          %mul3A_1587 = arith.mulf %select_n3A_1382, %bitcast3A_1582 : vector<16xf32>
          %add3A_1588 = arith.addf %add3A_1326, %mul3A_1587 : vector<16xf32>
          %mul3A_1589 = arith.mulf %select_n3A_1382, %bitcast3A_1586 : vector<16xf32>
          %add3A_1590 = arith.addf %add3A_1328, %mul3A_1589 : vector<16xf32>
          %add3A_1591 = arith.constant 66560 : i32
          %add3A_1592 = vector.broadcast %add3A_1591 : i32 to vector<16xi32>
          %add3A_1593 = arith.addi %add3A_1377, %add3A_1592 : vector<16xi32>
          %gather3A_1594 = tpu.vector_load_idx %arg5[%add3A_1593] : memref<81920xi32, #tpu.memory_space<vmem>>[vector<16xi32>], vector<16xi32>,
          %shift_left3A_1595 = arith.constant 16 : i32
          %shift_left3A_1596 = vector.broadcast %shift_left3A_1595 : i32 to vector<16xi32>
          %shift_left3A_1597 = arith.shli %gather3A_1594, %shift_left3A_1596 : vector<16xi32>
          %bitcast3A_1598 = vector.bitcast %shift_left3A_1597 : vector<16xi32> to vector<16xf32>
          %and3A_1599 = arith.constant -65536 : i32
          %and3A_1600 = vector.broadcast %and3A_1599 : i32 to vector<16xi32>
          %and3A_1601 = arith.andi %gather3A_1594, %and3A_1600 : vector<16xi32>
          %bitcast3A_1602 = vector.bitcast %and3A_1601 : vector<16xi32> to vector<16xf32>
          %mul3A_1603 = arith.mulf %select_n3A_1382, %bitcast3A_1598 : vector<16xf32>
          %add3A_1604 = arith.addf %add3A_1342, %mul3A_1603 : vector<16xf32>
          %mul3A_1605 = arith.mulf %select_n3A_1382, %bitcast3A_1602 : vector<16xf32>
          %add3A_1606 = arith.addf %add3A_1344, %mul3A_1605 : vector<16xf32>
          %add3A_1607 = arith.constant 71680 : i32
          %add3A_1608 = vector.broadcast %add3A_1607 : i32 to vector<16xi32>
          %add3A_1609 = arith.addi %add3A_1377, %add3A_1608 : vector<16xi32>
          %gather3A_1610 = tpu.vector_load_idx %arg5[%add3A_1609] : memref<81920xi32, #tpu.memory_space<vmem>>[vector<16xi32>], vector<16xi32>,
          %shift_left3A_1611 = arith.constant 16 : i32
          %shift_left3A_1612 = vector.broadcast %shift_left3A_1611 : i32 to vector<16xi32>
          %shift_left3A_1613 = arith.shli %gather3A_1610, %shift_left3A_1612 : vector<16xi32>
          %bitcast3A_1614 = vector.bitcast %shift_left3A_1613 : vector<16xi32> to vector<16xf32>
          %and3A_1615 = arith.constant -65536 : i32
          %and3A_1616 = vector.broadcast %and3A_1615 : i32 to vector<16xi32>
          %and3A_1617 = arith.andi %gather3A_1610, %and3A_1616 : vector<16xi32>
          %bitcast3A_1618 = vector.bitcast %and3A_1617 : vector<16xi32> to vector<16xf32>
          %mul3A_1619 = arith.mulf %select_n3A_1382, %bitcast3A_1614 : vector<16xf32>
          %add3A_1620 = arith.addf %add3A_1358, %mul3A_1619 : vector<16xf32>
          %mul3A_1621 = arith.mulf %select_n3A_1382, %bitcast3A_1618 : vector<16xf32>
          %add3A_1622 = arith.addf %add3A_1360, %mul3A_1621 : vector<16xf32>
          %add3A_1623 = arith.constant 76800 : i32
          %add3A_1624 = vector.broadcast %add3A_1623 : i32 to vector<16xi32>
          %add3A_1625 = arith.addi %add3A_1377, %add3A_1624 : vector<16xi32>
          %gather3A_1626 = tpu.vector_load_idx %arg5[%add3A_1625] : memref<81920xi32, #tpu.memory_space<vmem>>[vector<16xi32>], vector<16xi32>,
          %shift_left3A_1627 = arith.constant 16 : i32
          %shift_left3A_1628 = vector.broadcast %shift_left3A_1627 : i32 to vector<16xi32>
          %shift_left3A_1629 = arith.shli %gather3A_1626, %shift_left3A_1628 : vector<16xi32>
          %bitcast3A_1630 = vector.bitcast %shift_left3A_1629 : vector<16xi32> to vector<16xf32>
          %and3A_1631 = arith.constant -65536 : i32
          %and3A_1632 = vector.broadcast %and3A_1631 : i32 to vector<16xi32>
          %and3A_1633 = arith.andi %gather3A_1626, %and3A_1632 : vector<16xi32>
          %bitcast3A_1634 = vector.bitcast %and3A_1633 : vector<16xi32> to vector<16xf32>
          %mul3A_1635 = arith.mulf %select_n3A_1382, %bitcast3A_1630 : vector<16xf32>
          %add3A_1636 = arith.addf %add3A_1374, %mul3A_1635 : vector<16xf32>
          %mul3A_1637 = arith.mulf %select_n3A_1382, %bitcast3A_1634 : vector<16xf32>
          %add3A_1638 = arith.addf %add3A_1376, %mul3A_1637 : vector<16xf32>
          %add3A_1639 = arith.addi %mul3A_585, %mul3A_558 : vector<16xi32>
          %and3A_1640 = arith.andi %and3A_537, %and3A_516 : vector<16xi1>
          %mul3A_1641 = arith.mulf %sub3A_485, %mul3A_587 : vector<16xf32>
          %add3A_1642 = arith.addi %add3A_1639, %min3A_543 : vector<16xi32>
          %and3A_1643 = arith.andi %and3A_1640, %and3A_502 : vector<16xi1>
          %mul3A_1644 = arith.mulf %mul3A_1641, %sub3A_482 : vector<16xf32>
          %jit3A_1645 = arith.constant 0.000000e+00 : f32
          %broadcast_in_dim3A_1646 = vector.broadcast %jit3A_1645 : f32 to vector<16xf32>
          %select_n3A_1647 = arith.select %and3A_1643, %mul3A_1644, %broadcast_in_dim3A_1646 : vector<16xi1>, vector<16xf32>
          %add3A_1648 = arith.constant 0 : i32
          %add3A_1649 = vector.broadcast %add3A_1648 : i32 to vector<16xi32>
          %add3A_1650 = arith.addi %add3A_1642, %add3A_1649 : vector<16xi32>
          %gather3A_1651 = tpu.vector_load_idx %arg5[%add3A_1650] : memref<81920xi32, #tpu.memory_space<vmem>>[vector<16xi32>], vector<16xi32>,
          %shift_left3A_1652 = arith.constant 16 : i32
          %shift_left3A_1653 = vector.broadcast %shift_left3A_1652 : i32 to vector<16xi32>
          %shift_left3A_1654 = arith.shli %gather3A_1651, %shift_left3A_1653 : vector<16xi32>
          %bitcast3A_1655 = vector.bitcast %shift_left3A_1654 : vector<16xi32> to vector<16xf32>
          %and3A_1656 = arith.constant -65536 : i32
          %and3A_1657 = vector.broadcast %and3A_1656 : i32 to vector<16xi32>
          %and3A_1658 = arith.andi %gather3A_1651, %and3A_1657 : vector<16xi32>
          %bitcast3A_1659 = vector.bitcast %and3A_1658 : vector<16xi32> to vector<16xf32>
          %mul3A_1660 = arith.mulf %select_n3A_1647, %bitcast3A_1655 : vector<16xf32>
          %add3A_1661 = arith.addf %add3A_1396, %mul3A_1660 : vector<16xf32>
          %mul3A_1662 = arith.mulf %select_n3A_1647, %bitcast3A_1659 : vector<16xf32>
          %add3A_1663 = arith.addf %add3A_1398, %mul3A_1662 : vector<16xf32>
          %add3A_1664 = arith.constant 5120 : i32
          %add3A_1665 = vector.broadcast %add3A_1664 : i32 to vector<16xi32>
          %add3A_1666 = arith.addi %add3A_1642, %add3A_1665 : vector<16xi32>
          %gather3A_1667 = tpu.vector_load_idx %arg5[%add3A_1666] : memref<81920xi32, #tpu.memory_space<vmem>>[vector<16xi32>], vector<16xi32>,
          %shift_left3A_1668 = arith.constant 16 : i32
          %shift_left3A_1669 = vector.broadcast %shift_left3A_1668 : i32 to vector<16xi32>
          %shift_left3A_1670 = arith.shli %gather3A_1667, %shift_left3A_1669 : vector<16xi32>
          %bitcast3A_1671 = vector.bitcast %shift_left3A_1670 : vector<16xi32> to vector<16xf32>
          %and3A_1672 = arith.constant -65536 : i32
          %and3A_1673 = vector.broadcast %and3A_1672 : i32 to vector<16xi32>
          %and3A_1674 = arith.andi %gather3A_1667, %and3A_1673 : vector<16xi32>
          %bitcast3A_1675 = vector.bitcast %and3A_1674 : vector<16xi32> to vector<16xf32>
          %mul3A_1676 = arith.mulf %select_n3A_1647, %bitcast3A_1671 : vector<16xf32>
          %add3A_1677 = arith.addf %add3A_1412, %mul3A_1676 : vector<16xf32>
          %mul3A_1678 = arith.mulf %select_n3A_1647, %bitcast3A_1675 : vector<16xf32>
          %add3A_1679 = arith.addf %add3A_1414, %mul3A_1678 : vector<16xf32>
          %add3A_1680 = arith.constant 10240 : i32
          %add3A_1681 = vector.broadcast %add3A_1680 : i32 to vector<16xi32>
          %add3A_1682 = arith.addi %add3A_1642, %add3A_1681 : vector<16xi32>
          %gather3A_1683 = tpu.vector_load_idx %arg5[%add3A_1682] : memref<81920xi32, #tpu.memory_space<vmem>>[vector<16xi32>], vector<16xi32>,
          %shift_left3A_1684 = arith.constant 16 : i32
          %shift_left3A_1685 = vector.broadcast %shift_left3A_1684 : i32 to vector<16xi32>
          %shift_left3A_1686 = arith.shli %gather3A_1683, %shift_left3A_1685 : vector<16xi32>
          %bitcast3A_1687 = vector.bitcast %shift_left3A_1686 : vector<16xi32> to vector<16xf32>
          %and3A_1688 = arith.constant -65536 : i32
          %and3A_1689 = vector.broadcast %and3A_1688 : i32 to vector<16xi32>
          %and3A_1690 = arith.andi %gather3A_1683, %and3A_1689 : vector<16xi32>
          %bitcast3A_1691 = vector.bitcast %and3A_1690 : vector<16xi32> to vector<16xf32>
          %mul3A_1692 = arith.mulf %select_n3A_1647, %bitcast3A_1687 : vector<16xf32>
          %add3A_1693 = arith.addf %add3A_1428, %mul3A_1692 : vector<16xf32>
          %mul3A_1694 = arith.mulf %select_n3A_1647, %bitcast3A_1691 : vector<16xf32>
          %add3A_1695 = arith.addf %add3A_1430, %mul3A_1694 : vector<16xf32>
          %add3A_1696 = arith.constant 15360 : i32
          %add3A_1697 = vector.broadcast %add3A_1696 : i32 to vector<16xi32>
          %add3A_1698 = arith.addi %add3A_1642, %add3A_1697 : vector<16xi32>
          %gather3A_1699 = tpu.vector_load_idx %arg5[%add3A_1698] : memref<81920xi32, #tpu.memory_space<vmem>>[vector<16xi32>], vector<16xi32>,
          %shift_left3A_1700 = arith.constant 16 : i32
          %shift_left3A_1701 = vector.broadcast %shift_left3A_1700 : i32 to vector<16xi32>
          %shift_left3A_1702 = arith.shli %gather3A_1699, %shift_left3A_1701 : vector<16xi32>
          %bitcast3A_1703 = vector.bitcast %shift_left3A_1702 : vector<16xi32> to vector<16xf32>
          %and3A_1704 = arith.constant -65536 : i32
          %and3A_1705 = vector.broadcast %and3A_1704 : i32 to vector<16xi32>
          %and3A_1706 = arith.andi %gather3A_1699, %and3A_1705 : vector<16xi32>
          %bitcast3A_1707 = vector.bitcast %and3A_1706 : vector<16xi32> to vector<16xf32>
          %mul3A_1708 = arith.mulf %select_n3A_1647, %bitcast3A_1703 : vector<16xf32>
          %add3A_1709 = arith.addf %add3A_1444, %mul3A_1708 : vector<16xf32>
          %mul3A_1710 = arith.mulf %select_n3A_1647, %bitcast3A_1707 : vector<16xf32>
          %add3A_1711 = arith.addf %add3A_1446, %mul3A_1710 : vector<16xf32>
          %add3A_1712 = arith.constant 20480 : i32
          %add3A_1713 = vector.broadcast %add3A_1712 : i32 to vector<16xi32>
          %add3A_1714 = arith.addi %add3A_1642, %add3A_1713 : vector<16xi32>
          %gather3A_1715 = tpu.vector_load_idx %arg5[%add3A_1714] : memref<81920xi32, #tpu.memory_space<vmem>>[vector<16xi32>], vector<16xi32>,
          %shift_left3A_1716 = arith.constant 16 : i32
          %shift_left3A_1717 = vector.broadcast %shift_left3A_1716 : i32 to vector<16xi32>
          %shift_left3A_1718 = arith.shli %gather3A_1715, %shift_left3A_1717 : vector<16xi32>
          %bitcast3A_1719 = vector.bitcast %shift_left3A_1718 : vector<16xi32> to vector<16xf32>
          %and3A_1720 = arith.constant -65536 : i32
          %and3A_1721 = vector.broadcast %and3A_1720 : i32 to vector<16xi32>
          %and3A_1722 = arith.andi %gather3A_1715, %and3A_1721 : vector<16xi32>
          %bitcast3A_1723 = vector.bitcast %and3A_1722 : vector<16xi32> to vector<16xf32>
          %mul3A_1724 = arith.mulf %select_n3A_1647, %bitcast3A_1719 : vector<16xf32>
          %add3A_1725 = arith.addf %add3A_1460, %mul3A_1724 : vector<16xf32>
          %mul3A_1726 = arith.mulf %select_n3A_1647, %bitcast3A_1723 : vector<16xf32>
          %add3A_1727 = arith.addf %add3A_1462, %mul3A_1726 : vector<16xf32>
          %add3A_1728 = arith.constant 25600 : i32
          %add3A_1729 = vector.broadcast %add3A_1728 : i32 to vector<16xi32>
          %add3A_1730 = arith.addi %add3A_1642, %add3A_1729 : vector<16xi32>
          %gather3A_1731 = tpu.vector_load_idx %arg5[%add3A_1730] : memref<81920xi32, #tpu.memory_space<vmem>>[vector<16xi32>], vector<16xi32>,
          %shift_left3A_1732 = arith.constant 16 : i32
          %shift_left3A_1733 = vector.broadcast %shift_left3A_1732 : i32 to vector<16xi32>
          %shift_left3A_1734 = arith.shli %gather3A_1731, %shift_left3A_1733 : vector<16xi32>
          %bitcast3A_1735 = vector.bitcast %shift_left3A_1734 : vector<16xi32> to vector<16xf32>
          %and3A_1736 = arith.constant -65536 : i32
          %and3A_1737 = vector.broadcast %and3A_1736 : i32 to vector<16xi32>
          %and3A_1738 = arith.andi %gather3A_1731, %and3A_1737 : vector<16xi32>
          %bitcast3A_1739 = vector.bitcast %and3A_1738 : vector<16xi32> to vector<16xf32>
          %mul3A_1740 = arith.mulf %select_n3A_1647, %bitcast3A_1735 : vector<16xf32>
          %add3A_1741 = arith.addf %add3A_1476, %mul3A_1740 : vector<16xf32>
          %mul3A_1742 = arith.mulf %select_n3A_1647, %bitcast3A_1739 : vector<16xf32>
          %add3A_1743 = arith.addf %add3A_1478, %mul3A_1742 : vector<16xf32>
          %add3A_1744 = arith.constant 30720 : i32
          %add3A_1745 = vector.broadcast %add3A_1744 : i32 to vector<16xi32>
          %add3A_1746 = arith.addi %add3A_1642, %add3A_1745 : vector<16xi32>
          %gather3A_1747 = tpu.vector_load_idx %arg5[%add3A_1746] : memref<81920xi32, #tpu.memory_space<vmem>>[vector<16xi32>], vector<16xi32>,
          %shift_left3A_1748 = arith.constant 16 : i32
          %shift_left3A_1749 = vector.broadcast %shift_left3A_1748 : i32 to vector<16xi32>
          %shift_left3A_1750 = arith.shli %gather3A_1747, %shift_left3A_1749 : vector<16xi32>
          %bitcast3A_1751 = vector.bitcast %shift_left3A_1750 : vector<16xi32> to vector<16xf32>
          %and3A_1752 = arith.constant -65536 : i32
          %and3A_1753 = vector.broadcast %and3A_1752 : i32 to vector<16xi32>
          %and3A_1754 = arith.andi %gather3A_1747, %and3A_1753 : vector<16xi32>
          %bitcast3A_1755 = vector.bitcast %and3A_1754 : vector<16xi32> to vector<16xf32>
          %mul3A_1756 = arith.mulf %select_n3A_1647, %bitcast3A_1751 : vector<16xf32>
          %add3A_1757 = arith.addf %add3A_1492, %mul3A_1756 : vector<16xf32>
          %mul3A_1758 = arith.mulf %select_n3A_1647, %bitcast3A_1755 : vector<16xf32>
          %add3A_1759 = arith.addf %add3A_1494, %mul3A_1758 : vector<16xf32>
          %add3A_1760 = arith.constant 35840 : i32
          %add3A_1761 = vector.broadcast %add3A_1760 : i32 to vector<16xi32>
          %add3A_1762 = arith.addi %add3A_1642, %add3A_1761 : vector<16xi32>
          %gather3A_1763 = tpu.vector_load_idx %arg5[%add3A_1762] : memref<81920xi32, #tpu.memory_space<vmem>>[vector<16xi32>], vector<16xi32>,
          %shift_left3A_1764 = arith.constant 16 : i32
          %shift_left3A_1765 = vector.broadcast %shift_left3A_1764 : i32 to vector<16xi32>
          %shift_left3A_1766 = arith.shli %gather3A_1763, %shift_left3A_1765 : vector<16xi32>
          %bitcast3A_1767 = vector.bitcast %shift_left3A_1766 : vector<16xi32> to vector<16xf32>
          %and3A_1768 = arith.constant -65536 : i32
          %and3A_1769 = vector.broadcast %and3A_1768 : i32 to vector<16xi32>
          %and3A_1770 = arith.andi %gather3A_1763, %and3A_1769 : vector<16xi32>
          %bitcast3A_1771 = vector.bitcast %and3A_1770 : vector<16xi32> to vector<16xf32>
          %mul3A_1772 = arith.mulf %select_n3A_1647, %bitcast3A_1767 : vector<16xf32>
          %add3A_1773 = arith.addf %add3A_1508, %mul3A_1772 : vector<16xf32>
          %mul3A_1774 = arith.mulf %select_n3A_1647, %bitcast3A_1771 : vector<16xf32>
          %add3A_1775 = arith.addf %add3A_1510, %mul3A_1774 : vector<16xf32>
          %add3A_1776 = arith.constant 40960 : i32
          %add3A_1777 = vector.broadcast %add3A_1776 : i32 to vector<16xi32>
          %add3A_1778 = arith.addi %add3A_1642, %add3A_1777 : vector<16xi32>
          %gather3A_1779 = tpu.vector_load_idx %arg5[%add3A_1778] : memref<81920xi32, #tpu.memory_space<vmem>>[vector<16xi32>], vector<16xi32>,
          %shift_left3A_1780 = arith.constant 16 : i32
          %shift_left3A_1781 = vector.broadcast %shift_left3A_1780 : i32 to vector<16xi32>
          %shift_left3A_1782 = arith.shli %gather3A_1779, %shift_left3A_1781 : vector<16xi32>
          %bitcast3A_1783 = vector.bitcast %shift_left3A_1782 : vector<16xi32> to vector<16xf32>
          %and3A_1784 = arith.constant -65536 : i32
          %and3A_1785 = vector.broadcast %and3A_1784 : i32 to vector<16xi32>
          %and3A_1786 = arith.andi %gather3A_1779, %and3A_1785 : vector<16xi32>
          %bitcast3A_1787 = vector.bitcast %and3A_1786 : vector<16xi32> to vector<16xf32>
          %mul3A_1788 = arith.mulf %select_n3A_1647, %bitcast3A_1783 : vector<16xf32>
          %add3A_1789 = arith.addf %add3A_1524, %mul3A_1788 : vector<16xf32>
          %mul3A_1790 = arith.mulf %select_n3A_1647, %bitcast3A_1787 : vector<16xf32>
          %add3A_1791 = arith.addf %add3A_1526, %mul3A_1790 : vector<16xf32>
          %add3A_1792 = arith.constant 46080 : i32
          %add3A_1793 = vector.broadcast %add3A_1792 : i32 to vector<16xi32>
          %add3A_1794 = arith.addi %add3A_1642, %add3A_1793 : vector<16xi32>
          %gather3A_1795 = tpu.vector_load_idx %arg5[%add3A_1794] : memref<81920xi32, #tpu.memory_space<vmem>>[vector<16xi32>], vector<16xi32>,
          %shift_left3A_1796 = arith.constant 16 : i32
          %shift_left3A_1797 = vector.broadcast %shift_left3A_1796 : i32 to vector<16xi32>
          %shift_left3A_1798 = arith.shli %gather3A_1795, %shift_left3A_1797 : vector<16xi32>
          %bitcast3A_1799 = vector.bitcast %shift_left3A_1798 : vector<16xi32> to vector<16xf32>
          %and3A_1800 = arith.constant -65536 : i32
          %and3A_1801 = vector.broadcast %and3A_1800 : i32 to vector<16xi32>
          %and3A_1802 = arith.andi %gather3A_1795, %and3A_1801 : vector<16xi32>
          %bitcast3A_1803 = vector.bitcast %and3A_1802 : vector<16xi32> to vector<16xf32>
          %mul3A_1804 = arith.mulf %select_n3A_1647, %bitcast3A_1799 : vector<16xf32>
          %add3A_1805 = arith.addf %add3A_1540, %mul3A_1804 : vector<16xf32>
          %mul3A_1806 = arith.mulf %select_n3A_1647, %bitcast3A_1803 : vector<16xf32>
          %add3A_1807 = arith.addf %add3A_1542, %mul3A_1806 : vector<16xf32>
          %add3A_1808 = arith.constant 51200 : i32
          %add3A_1809 = vector.broadcast %add3A_1808 : i32 to vector<16xi32>
          %add3A_1810 = arith.addi %add3A_1642, %add3A_1809 : vector<16xi32>
          %gather3A_1811 = tpu.vector_load_idx %arg5[%add3A_1810] : memref<81920xi32, #tpu.memory_space<vmem>>[vector<16xi32>], vector<16xi32>,
          %shift_left3A_1812 = arith.constant 16 : i32
          %shift_left3A_1813 = vector.broadcast %shift_left3A_1812 : i32 to vector<16xi32>
          %shift_left3A_1814 = arith.shli %gather3A_1811, %shift_left3A_1813 : vector<16xi32>
          %bitcast3A_1815 = vector.bitcast %shift_left3A_1814 : vector<16xi32> to vector<16xf32>
          %and3A_1816 = arith.constant -65536 : i32
          %and3A_1817 = vector.broadcast %and3A_1816 : i32 to vector<16xi32>
          %and3A_1818 = arith.andi %gather3A_1811, %and3A_1817 : vector<16xi32>
          %bitcast3A_1819 = vector.bitcast %and3A_1818 : vector<16xi32> to vector<16xf32>
          %mul3A_1820 = arith.mulf %select_n3A_1647, %bitcast3A_1815 : vector<16xf32>
          %add3A_1821 = arith.addf %add3A_1556, %mul3A_1820 : vector<16xf32>
          %mul3A_1822 = arith.mulf %select_n3A_1647, %bitcast3A_1819 : vector<16xf32>
          %add3A_1823 = arith.addf %add3A_1558, %mul3A_1822 : vector<16xf32>
          %add3A_1824 = arith.constant 56320 : i32
          %add3A_1825 = vector.broadcast %add3A_1824 : i32 to vector<16xi32>
          %add3A_1826 = arith.addi %add3A_1642, %add3A_1825 : vector<16xi32>
          %gather3A_1827 = tpu.vector_load_idx %arg5[%add3A_1826] : memref<81920xi32, #tpu.memory_space<vmem>>[vector<16xi32>], vector<16xi32>,
          %shift_left3A_1828 = arith.constant 16 : i32
          %shift_left3A_1829 = vector.broadcast %shift_left3A_1828 : i32 to vector<16xi32>
          %shift_left3A_1830 = arith.shli %gather3A_1827, %shift_left3A_1829 : vector<16xi32>
          %bitcast3A_1831 = vector.bitcast %shift_left3A_1830 : vector<16xi32> to vector<16xf32>
          %and3A_1832 = arith.constant -65536 : i32
          %and3A_1833 = vector.broadcast %and3A_1832 : i32 to vector<16xi32>
          %and3A_1834 = arith.andi %gather3A_1827, %and3A_1833 : vector<16xi32>
          %bitcast3A_1835 = vector.bitcast %and3A_1834 : vector<16xi32> to vector<16xf32>
          %mul3A_1836 = arith.mulf %select_n3A_1647, %bitcast3A_1831 : vector<16xf32>
          %add3A_1837 = arith.addf %add3A_1572, %mul3A_1836 : vector<16xf32>
          %mul3A_1838 = arith.mulf %select_n3A_1647, %bitcast3A_1835 : vector<16xf32>
          %add3A_1839 = arith.addf %add3A_1574, %mul3A_1838 : vector<16xf32>
          %add3A_1840 = arith.constant 61440 : i32
          %add3A_1841 = vector.broadcast %add3A_1840 : i32 to vector<16xi32>
          %add3A_1842 = arith.addi %add3A_1642, %add3A_1841 : vector<16xi32>
          %gather3A_1843 = tpu.vector_load_idx %arg5[%add3A_1842] : memref<81920xi32, #tpu.memory_space<vmem>>[vector<16xi32>], vector<16xi32>,
          %shift_left3A_1844 = arith.constant 16 : i32
          %shift_left3A_1845 = vector.broadcast %shift_left3A_1844 : i32 to vector<16xi32>
          %shift_left3A_1846 = arith.shli %gather3A_1843, %shift_left3A_1845 : vector<16xi32>
          %bitcast3A_1847 = vector.bitcast %shift_left3A_1846 : vector<16xi32> to vector<16xf32>
          %and3A_1848 = arith.constant -65536 : i32
          %and3A_1849 = vector.broadcast %and3A_1848 : i32 to vector<16xi32>
          %and3A_1850 = arith.andi %gather3A_1843, %and3A_1849 : vector<16xi32>
          %bitcast3A_1851 = vector.bitcast %and3A_1850 : vector<16xi32> to vector<16xf32>
          %mul3A_1852 = arith.mulf %select_n3A_1647, %bitcast3A_1847 : vector<16xf32>
          %add3A_1853 = arith.addf %add3A_1588, %mul3A_1852 : vector<16xf32>
          %mul3A_1854 = arith.mulf %select_n3A_1647, %bitcast3A_1851 : vector<16xf32>
          %add3A_1855 = arith.addf %add3A_1590, %mul3A_1854 : vector<16xf32>
          %add3A_1856 = arith.constant 66560 : i32
          %add3A_1857 = vector.broadcast %add3A_1856 : i32 to vector<16xi32>
          %add3A_1858 = arith.addi %add3A_1642, %add3A_1857 : vector<16xi32>
          %gather3A_1859 = tpu.vector_load_idx %arg5[%add3A_1858] : memref<81920xi32, #tpu.memory_space<vmem>>[vector<16xi32>], vector<16xi32>,
          %shift_left3A_1860 = arith.constant 16 : i32
          %shift_left3A_1861 = vector.broadcast %shift_left3A_1860 : i32 to vector<16xi32>
          %shift_left3A_1862 = arith.shli %gather3A_1859, %shift_left3A_1861 : vector<16xi32>
          %bitcast3A_1863 = vector.bitcast %shift_left3A_1862 : vector<16xi32> to vector<16xf32>
          %and3A_1864 = arith.constant -65536 : i32
          %and3A_1865 = vector.broadcast %and3A_1864 : i32 to vector<16xi32>
          %and3A_1866 = arith.andi %gather3A_1859, %and3A_1865 : vector<16xi32>
          %bitcast3A_1867 = vector.bitcast %and3A_1866 : vector<16xi32> to vector<16xf32>
          %mul3A_1868 = arith.mulf %select_n3A_1647, %bitcast3A_1863 : vector<16xf32>
          %add3A_1869 = arith.addf %add3A_1604, %mul3A_1868 : vector<16xf32>
          %mul3A_1870 = arith.mulf %select_n3A_1647, %bitcast3A_1867 : vector<16xf32>
          %add3A_1871 = arith.addf %add3A_1606, %mul3A_1870 : vector<16xf32>
          %add3A_1872 = arith.constant 71680 : i32
          %add3A_1873 = vector.broadcast %add3A_1872 : i32 to vector<16xi32>
          %add3A_1874 = arith.addi %add3A_1642, %add3A_1873 : vector<16xi32>
          %gather3A_1875 = tpu.vector_load_idx %arg5[%add3A_1874] : memref<81920xi32, #tpu.memory_space<vmem>>[vector<16xi32>], vector<16xi32>,
          %shift_left3A_1876 = arith.constant 16 : i32
          %shift_left3A_1877 = vector.broadcast %shift_left3A_1876 : i32 to vector<16xi32>
          %shift_left3A_1878 = arith.shli %gather3A_1875, %shift_left3A_1877 : vector<16xi32>
          %bitcast3A_1879 = vector.bitcast %shift_left3A_1878 : vector<16xi32> to vector<16xf32>
          %and3A_1880 = arith.constant -65536 : i32
          %and3A_1881 = vector.broadcast %and3A_1880 : i32 to vector<16xi32>
          %and3A_1882 = arith.andi %gather3A_1875, %and3A_1881 : vector<16xi32>
          %bitcast3A_1883 = vector.bitcast %and3A_1882 : vector<16xi32> to vector<16xf32>
          %mul3A_1884 = arith.mulf %select_n3A_1647, %bitcast3A_1879 : vector<16xf32>
          %add3A_1885 = arith.addf %add3A_1620, %mul3A_1884 : vector<16xf32>
          %mul3A_1886 = arith.mulf %select_n3A_1647, %bitcast3A_1883 : vector<16xf32>
          %add3A_1887 = arith.addf %add3A_1622, %mul3A_1886 : vector<16xf32>
          %add3A_1888 = arith.constant 76800 : i32
          %add3A_1889 = vector.broadcast %add3A_1888 : i32 to vector<16xi32>
          %add3A_1890 = arith.addi %add3A_1642, %add3A_1889 : vector<16xi32>
          %gather3A_1891 = tpu.vector_load_idx %arg5[%add3A_1890] : memref<81920xi32, #tpu.memory_space<vmem>>[vector<16xi32>], vector<16xi32>,
          %shift_left3A_1892 = arith.constant 16 : i32
          %shift_left3A_1893 = vector.broadcast %shift_left3A_1892 : i32 to vector<16xi32>
          %shift_left3A_1894 = arith.shli %gather3A_1891, %shift_left3A_1893 : vector<16xi32>
          %bitcast3A_1895 = vector.bitcast %shift_left3A_1894 : vector<16xi32> to vector<16xf32>
          %and3A_1896 = arith.constant -65536 : i32
          %and3A_1897 = vector.broadcast %and3A_1896 : i32 to vector<16xi32>
          %and3A_1898 = arith.andi %gather3A_1891, %and3A_1897 : vector<16xi32>
          %bitcast3A_1899 = vector.bitcast %and3A_1898 : vector<16xi32> to vector<16xf32>
          %mul3A_1900 = arith.mulf %select_n3A_1647, %bitcast3A_1895 : vector<16xf32>
          %add3A_1901 = arith.addf %add3A_1636, %mul3A_1900 : vector<16xf32>
          %mul3A_1902 = arith.mulf %select_n3A_1647, %bitcast3A_1899 : vector<16xf32>
          %add3A_1903 = arith.addf %add3A_1638, %mul3A_1902 : vector<16xf32>
          %add3A_1904 = arith.addi %add3A_1639, %min3A_549 : vector<16xi32>
          %and3A_1905 = arith.andi %and3A_1640, %and3A_509 : vector<16xi1>
          %mul3A_1906 = arith.mulf %mul3A_1641, %sub3A_435 : vector<16xf32>
          %jit3A_1907 = arith.constant 0.000000e+00 : f32
          %broadcast_in_dim3A_1908 = vector.broadcast %jit3A_1907 : f32 to vector<16xf32>
          %select_n3A_1909 = arith.select %and3A_1905, %mul3A_1906, %broadcast_in_dim3A_1908 : vector<16xi1>, vector<16xf32>
          %add3A_1910 = arith.constant 0 : i32
          %add3A_1911 = vector.broadcast %add3A_1910 : i32 to vector<16xi32>
          %add3A_1912 = arith.addi %add3A_1904, %add3A_1911 : vector<16xi32>
          %gather3A_1913 = tpu.vector_load_idx %arg5[%add3A_1912] : memref<81920xi32, #tpu.memory_space<vmem>>[vector<16xi32>], vector<16xi32>,
          %shift_left3A_1914 = arith.constant 16 : i32
          %shift_left3A_1915 = vector.broadcast %shift_left3A_1914 : i32 to vector<16xi32>
          %shift_left3A_1916 = arith.shli %gather3A_1913, %shift_left3A_1915 : vector<16xi32>
          %bitcast3A_1917 = vector.bitcast %shift_left3A_1916 : vector<16xi32> to vector<16xf32>
          %and3A_1918 = arith.constant -65536 : i32
          %and3A_1919 = vector.broadcast %and3A_1918 : i32 to vector<16xi32>
          %and3A_1920 = arith.andi %gather3A_1913, %and3A_1919 : vector<16xi32>
          %bitcast3A_1921 = vector.bitcast %and3A_1920 : vector<16xi32> to vector<16xf32>
          %mul3A_1922 = arith.mulf %select_n3A_1909, %bitcast3A_1917 : vector<16xf32>
          %add3A_1923 = arith.addf %add3A_1661, %mul3A_1922 : vector<16xf32>
          %mul3A_1924 = arith.mulf %select_n3A_1909, %bitcast3A_1921 : vector<16xf32>
          %add3A_1925 = arith.addf %add3A_1663, %mul3A_1924 : vector<16xf32>
          %add3A_1926 = arith.constant 5120 : i32
          %add3A_1927 = vector.broadcast %add3A_1926 : i32 to vector<16xi32>
          %add3A_1928 = arith.addi %add3A_1904, %add3A_1927 : vector<16xi32>
          %gather3A_1929 = tpu.vector_load_idx %arg5[%add3A_1928] : memref<81920xi32, #tpu.memory_space<vmem>>[vector<16xi32>], vector<16xi32>,
          %shift_left3A_1930 = arith.constant 16 : i32
          %shift_left3A_1931 = vector.broadcast %shift_left3A_1930 : i32 to vector<16xi32>
          %shift_left3A_1932 = arith.shli %gather3A_1929, %shift_left3A_1931 : vector<16xi32>
          %bitcast3A_1933 = vector.bitcast %shift_left3A_1932 : vector<16xi32> to vector<16xf32>
          %and3A_1934 = arith.constant -65536 : i32
          %and3A_1935 = vector.broadcast %and3A_1934 : i32 to vector<16xi32>
          %and3A_1936 = arith.andi %gather3A_1929, %and3A_1935 : vector<16xi32>
          %bitcast3A_1937 = vector.bitcast %and3A_1936 : vector<16xi32> to vector<16xf32>
          %mul3A_1938 = arith.mulf %select_n3A_1909, %bitcast3A_1933 : vector<16xf32>
          %add3A_1939 = arith.addf %add3A_1677, %mul3A_1938 : vector<16xf32>
          %mul3A_1940 = arith.mulf %select_n3A_1909, %bitcast3A_1937 : vector<16xf32>
          %add3A_1941 = arith.addf %add3A_1679, %mul3A_1940 : vector<16xf32>
          %add3A_1942 = arith.constant 10240 : i32
          %add3A_1943 = vector.broadcast %add3A_1942 : i32 to vector<16xi32>
          %add3A_1944 = arith.addi %add3A_1904, %add3A_1943 : vector<16xi32>
          %gather3A_1945 = tpu.vector_load_idx %arg5[%add3A_1944] : memref<81920xi32, #tpu.memory_space<vmem>>[vector<16xi32>], vector<16xi32>,
          %shift_left3A_1946 = arith.constant 16 : i32
          %shift_left3A_1947 = vector.broadcast %shift_left3A_1946 : i32 to vector<16xi32>
          %shift_left3A_1948 = arith.shli %gather3A_1945, %shift_left3A_1947 : vector<16xi32>
          %bitcast3A_1949 = vector.bitcast %shift_left3A_1948 : vector<16xi32> to vector<16xf32>
          %and3A_1950 = arith.constant -65536 : i32
          %and3A_1951 = vector.broadcast %and3A_1950 : i32 to vector<16xi32>
          %and3A_1952 = arith.andi %gather3A_1945, %and3A_1951 : vector<16xi32>
          %bitcast3A_1953 = vector.bitcast %and3A_1952 : vector<16xi32> to vector<16xf32>
          %mul3A_1954 = arith.mulf %select_n3A_1909, %bitcast3A_1949 : vector<16xf32>
          %add3A_1955 = arith.addf %add3A_1693, %mul3A_1954 : vector<16xf32>
          %mul3A_1956 = arith.mulf %select_n3A_1909, %bitcast3A_1953 : vector<16xf32>
          %add3A_1957 = arith.addf %add3A_1695, %mul3A_1956 : vector<16xf32>
          %add3A_1958 = arith.constant 15360 : i32
          %add3A_1959 = vector.broadcast %add3A_1958 : i32 to vector<16xi32>
          %add3A_1960 = arith.addi %add3A_1904, %add3A_1959 : vector<16xi32>
          %gather3A_1961 = tpu.vector_load_idx %arg5[%add3A_1960] : memref<81920xi32, #tpu.memory_space<vmem>>[vector<16xi32>], vector<16xi32>,
          %shift_left3A_1962 = arith.constant 16 : i32
          %shift_left3A_1963 = vector.broadcast %shift_left3A_1962 : i32 to vector<16xi32>
          %shift_left3A_1964 = arith.shli %gather3A_1961, %shift_left3A_1963 : vector<16xi32>
          %bitcast3A_1965 = vector.bitcast %shift_left3A_1964 : vector<16xi32> to vector<16xf32>
          %and3A_1966 = arith.constant -65536 : i32
          %and3A_1967 = vector.broadcast %and3A_1966 : i32 to vector<16xi32>
          %and3A_1968 = arith.andi %gather3A_1961, %and3A_1967 : vector<16xi32>
          %bitcast3A_1969 = vector.bitcast %and3A_1968 : vector<16xi32> to vector<16xf32>
          %mul3A_1970 = arith.mulf %select_n3A_1909, %bitcast3A_1965 : vector<16xf32>
          %add3A_1971 = arith.addf %add3A_1709, %mul3A_1970 : vector<16xf32>
          %mul3A_1972 = arith.mulf %select_n3A_1909, %bitcast3A_1969 : vector<16xf32>
          %add3A_1973 = arith.addf %add3A_1711, %mul3A_1972 : vector<16xf32>
          %add3A_1974 = arith.constant 20480 : i32
          %add3A_1975 = vector.broadcast %add3A_1974 : i32 to vector<16xi32>
          %add3A_1976 = arith.addi %add3A_1904, %add3A_1975 : vector<16xi32>
          %gather3A_1977 = tpu.vector_load_idx %arg5[%add3A_1976] : memref<81920xi32, #tpu.memory_space<vmem>>[vector<16xi32>], vector<16xi32>,
          %shift_left3A_1978 = arith.constant 16 : i32
          %shift_left3A_1979 = vector.broadcast %shift_left3A_1978 : i32 to vector<16xi32>
          %shift_left3A_1980 = arith.shli %gather3A_1977, %shift_left3A_1979 : vector<16xi32>
          %bitcast3A_1981 = vector.bitcast %shift_left3A_1980 : vector<16xi32> to vector<16xf32>
          %and3A_1982 = arith.constant -65536 : i32
          %and3A_1983 = vector.broadcast %and3A_1982 : i32 to vector<16xi32>
          %and3A_1984 = arith.andi %gather3A_1977, %and3A_1983 : vector<16xi32>
          %bitcast3A_1985 = vector.bitcast %and3A_1984 : vector<16xi32> to vector<16xf32>
          %mul3A_1986 = arith.mulf %select_n3A_1909, %bitcast3A_1981 : vector<16xf32>
          %add3A_1987 = arith.addf %add3A_1725, %mul3A_1986 : vector<16xf32>
          %mul3A_1988 = arith.mulf %select_n3A_1909, %bitcast3A_1985 : vector<16xf32>
          %add3A_1989 = arith.addf %add3A_1727, %mul3A_1988 : vector<16xf32>
          %add3A_1990 = arith.constant 25600 : i32
          %add3A_1991 = vector.broadcast %add3A_1990 : i32 to vector<16xi32>
          %add3A_1992 = arith.addi %add3A_1904, %add3A_1991 : vector<16xi32>
          %gather3A_1993 = tpu.vector_load_idx %arg5[%add3A_1992] : memref<81920xi32, #tpu.memory_space<vmem>>[vector<16xi32>], vector<16xi32>,
          %shift_left3A_1994 = arith.constant 16 : i32
          %shift_left3A_1995 = vector.broadcast %shift_left3A_1994 : i32 to vector<16xi32>
          %shift_left3A_1996 = arith.shli %gather3A_1993, %shift_left3A_1995 : vector<16xi32>
          %bitcast3A_1997 = vector.bitcast %shift_left3A_1996 : vector<16xi32> to vector<16xf32>
          %and3A_1998 = arith.constant -65536 : i32
          %and3A_1999 = vector.broadcast %and3A_1998 : i32 to vector<16xi32>
          %and3A_2000 = arith.andi %gather3A_1993, %and3A_1999 : vector<16xi32>
          %bitcast3A_2001 = vector.bitcast %and3A_2000 : vector<16xi32> to vector<16xf32>
          %mul3A_2002 = arith.mulf %select_n3A_1909, %bitcast3A_1997 : vector<16xf32>
          %add3A_2003 = arith.addf %add3A_1741, %mul3A_2002 : vector<16xf32>
          %mul3A_2004 = arith.mulf %select_n3A_1909, %bitcast3A_2001 : vector<16xf32>
          %add3A_2005 = arith.addf %add3A_1743, %mul3A_2004 : vector<16xf32>
          %add3A_2006 = arith.constant 30720 : i32
          %add3A_2007 = vector.broadcast %add3A_2006 : i32 to vector<16xi32>
          %add3A_2008 = arith.addi %add3A_1904, %add3A_2007 : vector<16xi32>
          %gather3A_2009 = tpu.vector_load_idx %arg5[%add3A_2008] : memref<81920xi32, #tpu.memory_space<vmem>>[vector<16xi32>], vector<16xi32>,
          %shift_left3A_2010 = arith.constant 16 : i32
          %shift_left3A_2011 = vector.broadcast %shift_left3A_2010 : i32 to vector<16xi32>
          %shift_left3A_2012 = arith.shli %gather3A_2009, %shift_left3A_2011 : vector<16xi32>
          %bitcast3A_2013 = vector.bitcast %shift_left3A_2012 : vector<16xi32> to vector<16xf32>
          %and3A_2014 = arith.constant -65536 : i32
          %and3A_2015 = vector.broadcast %and3A_2014 : i32 to vector<16xi32>
          %and3A_2016 = arith.andi %gather3A_2009, %and3A_2015 : vector<16xi32>
          %bitcast3A_2017 = vector.bitcast %and3A_2016 : vector<16xi32> to vector<16xf32>
          %mul3A_2018 = arith.mulf %select_n3A_1909, %bitcast3A_2013 : vector<16xf32>
          %add3A_2019 = arith.addf %add3A_1757, %mul3A_2018 : vector<16xf32>
          %mul3A_2020 = arith.mulf %select_n3A_1909, %bitcast3A_2017 : vector<16xf32>
          %add3A_2021 = arith.addf %add3A_1759, %mul3A_2020 : vector<16xf32>
          %add3A_2022 = arith.constant 35840 : i32
          %add3A_2023 = vector.broadcast %add3A_2022 : i32 to vector<16xi32>
          %add3A_2024 = arith.addi %add3A_1904, %add3A_2023 : vector<16xi32>
          %gather3A_2025 = tpu.vector_load_idx %arg5[%add3A_2024] : memref<81920xi32, #tpu.memory_space<vmem>>[vector<16xi32>], vector<16xi32>,
          %shift_left3A_2026 = arith.constant 16 : i32
          %shift_left3A_2027 = vector.broadcast %shift_left3A_2026 : i32 to vector<16xi32>
          %shift_left3A_2028 = arith.shli %gather3A_2025, %shift_left3A_2027 : vector<16xi32>
          %bitcast3A_2029 = vector.bitcast %shift_left3A_2028 : vector<16xi32> to vector<16xf32>
          %and3A_2030 = arith.constant -65536 : i32
          %and3A_2031 = vector.broadcast %and3A_2030 : i32 to vector<16xi32>
          %and3A_2032 = arith.andi %gather3A_2025, %and3A_2031 : vector<16xi32>
          %bitcast3A_2033 = vector.bitcast %and3A_2032 : vector<16xi32> to vector<16xf32>
          %mul3A_2034 = arith.mulf %select_n3A_1909, %bitcast3A_2029 : vector<16xf32>
          %add3A_2035 = arith.addf %add3A_1773, %mul3A_2034 : vector<16xf32>
          %mul3A_2036 = arith.mulf %select_n3A_1909, %bitcast3A_2033 : vector<16xf32>
          %add3A_2037 = arith.addf %add3A_1775, %mul3A_2036 : vector<16xf32>
          %add3A_2038 = arith.constant 40960 : i32
          %add3A_2039 = vector.broadcast %add3A_2038 : i32 to vector<16xi32>
          %add3A_2040 = arith.addi %add3A_1904, %add3A_2039 : vector<16xi32>
          %gather3A_2041 = tpu.vector_load_idx %arg5[%add3A_2040] : memref<81920xi32, #tpu.memory_space<vmem>>[vector<16xi32>], vector<16xi32>,
          %shift_left3A_2042 = arith.constant 16 : i32
          %shift_left3A_2043 = vector.broadcast %shift_left3A_2042 : i32 to vector<16xi32>
          %shift_left3A_2044 = arith.shli %gather3A_2041, %shift_left3A_2043 : vector<16xi32>
          %bitcast3A_2045 = vector.bitcast %shift_left3A_2044 : vector<16xi32> to vector<16xf32>
          %and3A_2046 = arith.constant -65536 : i32
          %and3A_2047 = vector.broadcast %and3A_2046 : i32 to vector<16xi32>
          %and3A_2048 = arith.andi %gather3A_2041, %and3A_2047 : vector<16xi32>
          %bitcast3A_2049 = vector.bitcast %and3A_2048 : vector<16xi32> to vector<16xf32>
          %mul3A_2050 = arith.mulf %select_n3A_1909, %bitcast3A_2045 : vector<16xf32>
          %add3A_2051 = arith.addf %add3A_1789, %mul3A_2050 : vector<16xf32>
          %mul3A_2052 = arith.mulf %select_n3A_1909, %bitcast3A_2049 : vector<16xf32>
          %add3A_2053 = arith.addf %add3A_1791, %mul3A_2052 : vector<16xf32>
          %add3A_2054 = arith.constant 46080 : i32
          %add3A_2055 = vector.broadcast %add3A_2054 : i32 to vector<16xi32>
          %add3A_2056 = arith.addi %add3A_1904, %add3A_2055 : vector<16xi32>
          %gather3A_2057 = tpu.vector_load_idx %arg5[%add3A_2056] : memref<81920xi32, #tpu.memory_space<vmem>>[vector<16xi32>], vector<16xi32>,
          %shift_left3A_2058 = arith.constant 16 : i32
          %shift_left3A_2059 = vector.broadcast %shift_left3A_2058 : i32 to vector<16xi32>
          %shift_left3A_2060 = arith.shli %gather3A_2057, %shift_left3A_2059 : vector<16xi32>
          %bitcast3A_2061 = vector.bitcast %shift_left3A_2060 : vector<16xi32> to vector<16xf32>
          %and3A_2062 = arith.constant -65536 : i32
          %and3A_2063 = vector.broadcast %and3A_2062 : i32 to vector<16xi32>
          %and3A_2064 = arith.andi %gather3A_2057, %and3A_2063 : vector<16xi32>
          %bitcast3A_2065 = vector.bitcast %and3A_2064 : vector<16xi32> to vector<16xf32>
          %mul3A_2066 = arith.mulf %select_n3A_1909, %bitcast3A_2061 : vector<16xf32>
          %add3A_2067 = arith.addf %add3A_1805, %mul3A_2066 : vector<16xf32>
          %mul3A_2068 = arith.mulf %select_n3A_1909, %bitcast3A_2065 : vector<16xf32>
          %add3A_2069 = arith.addf %add3A_1807, %mul3A_2068 : vector<16xf32>
          %add3A_2070 = arith.constant 51200 : i32
          %add3A_2071 = vector.broadcast %add3A_2070 : i32 to vector<16xi32>
          %add3A_2072 = arith.addi %add3A_1904, %add3A_2071 : vector<16xi32>
          %gather3A_2073 = tpu.vector_load_idx %arg5[%add3A_2072] : memref<81920xi32, #tpu.memory_space<vmem>>[vector<16xi32>], vector<16xi32>,
          %shift_left3A_2074 = arith.constant 16 : i32
          %shift_left3A_2075 = vector.broadcast %shift_left3A_2074 : i32 to vector<16xi32>
          %shift_left3A_2076 = arith.shli %gather3A_2073, %shift_left3A_2075 : vector<16xi32>
          %bitcast3A_2077 = vector.bitcast %shift_left3A_2076 : vector<16xi32> to vector<16xf32>
          %and3A_2078 = arith.constant -65536 : i32
          %and3A_2079 = vector.broadcast %and3A_2078 : i32 to vector<16xi32>
          %and3A_2080 = arith.andi %gather3A_2073, %and3A_2079 : vector<16xi32>
          %bitcast3A_2081 = vector.bitcast %and3A_2080 : vector<16xi32> to vector<16xf32>
          %mul3A_2082 = arith.mulf %select_n3A_1909, %bitcast3A_2077 : vector<16xf32>
          %add3A_2083 = arith.addf %add3A_1821, %mul3A_2082 : vector<16xf32>
          %mul3A_2084 = arith.mulf %select_n3A_1909, %bitcast3A_2081 : vector<16xf32>
          %add3A_2085 = arith.addf %add3A_1823, %mul3A_2084 : vector<16xf32>
          %add3A_2086 = arith.constant 56320 : i32
          %add3A_2087 = vector.broadcast %add3A_2086 : i32 to vector<16xi32>
          %add3A_2088 = arith.addi %add3A_1904, %add3A_2087 : vector<16xi32>
          %gather3A_2089 = tpu.vector_load_idx %arg5[%add3A_2088] : memref<81920xi32, #tpu.memory_space<vmem>>[vector<16xi32>], vector<16xi32>,
          %shift_left3A_2090 = arith.constant 16 : i32
          %shift_left3A_2091 = vector.broadcast %shift_left3A_2090 : i32 to vector<16xi32>
          %shift_left3A_2092 = arith.shli %gather3A_2089, %shift_left3A_2091 : vector<16xi32>
          %bitcast3A_2093 = vector.bitcast %shift_left3A_2092 : vector<16xi32> to vector<16xf32>
          %and3A_2094 = arith.constant -65536 : i32
          %and3A_2095 = vector.broadcast %and3A_2094 : i32 to vector<16xi32>
          %and3A_2096 = arith.andi %gather3A_2089, %and3A_2095 : vector<16xi32>
          %bitcast3A_2097 = vector.bitcast %and3A_2096 : vector<16xi32> to vector<16xf32>
          %mul3A_2098 = arith.mulf %select_n3A_1909, %bitcast3A_2093 : vector<16xf32>
          %add3A_2099 = arith.addf %add3A_1837, %mul3A_2098 : vector<16xf32>
          %mul3A_2100 = arith.mulf %select_n3A_1909, %bitcast3A_2097 : vector<16xf32>
          %add3A_2101 = arith.addf %add3A_1839, %mul3A_2100 : vector<16xf32>
          %add3A_2102 = arith.constant 61440 : i32
          %add3A_2103 = vector.broadcast %add3A_2102 : i32 to vector<16xi32>
          %add3A_2104 = arith.addi %add3A_1904, %add3A_2103 : vector<16xi32>
          %gather3A_2105 = tpu.vector_load_idx %arg5[%add3A_2104] : memref<81920xi32, #tpu.memory_space<vmem>>[vector<16xi32>], vector<16xi32>,
          %shift_left3A_2106 = arith.constant 16 : i32
          %shift_left3A_2107 = vector.broadcast %shift_left3A_2106 : i32 to vector<16xi32>
          %shift_left3A_2108 = arith.shli %gather3A_2105, %shift_left3A_2107 : vector<16xi32>
          %bitcast3A_2109 = vector.bitcast %shift_left3A_2108 : vector<16xi32> to vector<16xf32>
          %and3A_2110 = arith.constant -65536 : i32
          %and3A_2111 = vector.broadcast %and3A_2110 : i32 to vector<16xi32>
          %and3A_2112 = arith.andi %gather3A_2105, %and3A_2111 : vector<16xi32>
          %bitcast3A_2113 = vector.bitcast %and3A_2112 : vector<16xi32> to vector<16xf32>
          %mul3A_2114 = arith.mulf %select_n3A_1909, %bitcast3A_2109 : vector<16xf32>
          %add3A_2115 = arith.addf %add3A_1853, %mul3A_2114 : vector<16xf32>
          %mul3A_2116 = arith.mulf %select_n3A_1909, %bitcast3A_2113 : vector<16xf32>
          %add3A_2117 = arith.addf %add3A_1855, %mul3A_2116 : vector<16xf32>
          %add3A_2118 = arith.constant 66560 : i32
          %add3A_2119 = vector.broadcast %add3A_2118 : i32 to vector<16xi32>
          %add3A_2120 = arith.addi %add3A_1904, %add3A_2119 : vector<16xi32>
          %gather3A_2121 = tpu.vector_load_idx %arg5[%add3A_2120] : memref<81920xi32, #tpu.memory_space<vmem>>[vector<16xi32>], vector<16xi32>,
          %shift_left3A_2122 = arith.constant 16 : i32
          %shift_left3A_2123 = vector.broadcast %shift_left3A_2122 : i32 to vector<16xi32>
          %shift_left3A_2124 = arith.shli %gather3A_2121, %shift_left3A_2123 : vector<16xi32>
          %bitcast3A_2125 = vector.bitcast %shift_left3A_2124 : vector<16xi32> to vector<16xf32>
          %and3A_2126 = arith.constant -65536 : i32
          %and3A_2127 = vector.broadcast %and3A_2126 : i32 to vector<16xi32>
          %and3A_2128 = arith.andi %gather3A_2121, %and3A_2127 : vector<16xi32>
          %bitcast3A_2129 = vector.bitcast %and3A_2128 : vector<16xi32> to vector<16xf32>
          %mul3A_2130 = arith.mulf %select_n3A_1909, %bitcast3A_2125 : vector<16xf32>
          %add3A_2131 = arith.addf %add3A_1869, %mul3A_2130 : vector<16xf32>
          %mul3A_2132 = arith.mulf %select_n3A_1909, %bitcast3A_2129 : vector<16xf32>
          %add3A_2133 = arith.addf %add3A_1871, %mul3A_2132 : vector<16xf32>
          %add3A_2134 = arith.constant 71680 : i32
          %add3A_2135 = vector.broadcast %add3A_2134 : i32 to vector<16xi32>
          %add3A_2136 = arith.addi %add3A_1904, %add3A_2135 : vector<16xi32>
          %gather3A_2137 = tpu.vector_load_idx %arg5[%add3A_2136] : memref<81920xi32, #tpu.memory_space<vmem>>[vector<16xi32>], vector<16xi32>,
          %shift_left3A_2138 = arith.constant 16 : i32
          %shift_left3A_2139 = vector.broadcast %shift_left3A_2138 : i32 to vector<16xi32>
          %shift_left3A_2140 = arith.shli %gather3A_2137, %shift_left3A_2139 : vector<16xi32>
          %bitcast3A_2141 = vector.bitcast %shift_left3A_2140 : vector<16xi32> to vector<16xf32>
          %and3A_2142 = arith.constant -65536 : i32
          %and3A_2143 = vector.broadcast %and3A_2142 : i32 to vector<16xi32>
          %and3A_2144 = arith.andi %gather3A_2137, %and3A_2143 : vector<16xi32>
          %bitcast3A_2145 = vector.bitcast %and3A_2144 : vector<16xi32> to vector<16xf32>
          %mul3A_2146 = arith.mulf %select_n3A_1909, %bitcast3A_2141 : vector<16xf32>
          %add3A_2147 = arith.addf %add3A_1885, %mul3A_2146 : vector<16xf32>
          %mul3A_2148 = arith.mulf %select_n3A_1909, %bitcast3A_2145 : vector<16xf32>
          %add3A_2149 = arith.addf %add3A_1887, %mul3A_2148 : vector<16xf32>
          %add3A_2150 = arith.constant 76800 : i32
          %add3A_2151 = vector.broadcast %add3A_2150 : i32 to vector<16xi32>
          %add3A_2152 = arith.addi %add3A_1904, %add3A_2151 : vector<16xi32>
          %gather3A_2153 = tpu.vector_load_idx %arg5[%add3A_2152] : memref<81920xi32, #tpu.memory_space<vmem>>[vector<16xi32>], vector<16xi32>,
          %shift_left3A_2154 = arith.constant 16 : i32
          %shift_left3A_2155 = vector.broadcast %shift_left3A_2154 : i32 to vector<16xi32>
          %shift_left3A_2156 = arith.shli %gather3A_2153, %shift_left3A_2155 : vector<16xi32>
          %bitcast3A_2157 = vector.bitcast %shift_left3A_2156 : vector<16xi32> to vector<16xf32>
          %and3A_2158 = arith.constant -65536 : i32
          %and3A_2159 = vector.broadcast %and3A_2158 : i32 to vector<16xi32>
          %and3A_2160 = arith.andi %gather3A_2153, %and3A_2159 : vector<16xi32>
          %bitcast3A_2161 = vector.bitcast %and3A_2160 : vector<16xi32> to vector<16xf32>
          %mul3A_2162 = arith.mulf %select_n3A_1909, %bitcast3A_2157 : vector<16xf32>
          %add3A_2163 = arith.addf %add3A_1901, %mul3A_2162 : vector<16xf32>
          %mul3A_2164 = arith.mulf %select_n3A_1909, %bitcast3A_2161 : vector<16xf32>
          %add3A_2165 = arith.addf %add3A_1903, %mul3A_2164 : vector<16xf32>
          %add3A_2166 = arith.addi %mul3A_585, %mul3A_567 : vector<16xi32>
          %and3A_2167 = arith.andi %and3A_537, %and3A_523 : vector<16xi1>
          %mul3A_2168 = arith.mulf %sub3A_457, %mul3A_587 : vector<16xf32>
          %add3A_2169 = arith.addi %add3A_2166, %min3A_543 : vector<16xi32>
          %and3A_2170 = arith.andi %and3A_2167, %and3A_502 : vector<16xi1>
          %mul3A_2171 = arith.mulf %mul3A_2168, %sub3A_482 : vector<16xf32>
          %jit3A_2172 = arith.constant 0.000000e+00 : f32
          %broadcast_in_dim3A_2173 = vector.broadcast %jit3A_2172 : f32 to vector<16xf32>
          %select_n3A_2174 = arith.select %and3A_2170, %mul3A_2171, %broadcast_in_dim3A_2173 : vector<16xi1>, vector<16xf32>
          %add3A_2175 = arith.constant 0 : i32
          %add3A_2176 = vector.broadcast %add3A_2175 : i32 to vector<16xi32>
          %add3A_2177 = arith.addi %add3A_2169, %add3A_2176 : vector<16xi32>
          %gather3A_2178 = tpu.vector_load_idx %arg5[%add3A_2177] : memref<81920xi32, #tpu.memory_space<vmem>>[vector<16xi32>], vector<16xi32>,
          %shift_left3A_2179 = arith.constant 16 : i32
          %shift_left3A_2180 = vector.broadcast %shift_left3A_2179 : i32 to vector<16xi32>
          %shift_left3A_2181 = arith.shli %gather3A_2178, %shift_left3A_2180 : vector<16xi32>
          %bitcast3A_2182 = vector.bitcast %shift_left3A_2181 : vector<16xi32> to vector<16xf32>
          %and3A_2183 = arith.constant -65536 : i32
          %and3A_2184 = vector.broadcast %and3A_2183 : i32 to vector<16xi32>
          %and3A_2185 = arith.andi %gather3A_2178, %and3A_2184 : vector<16xi32>
          %bitcast3A_2186 = vector.bitcast %and3A_2185 : vector<16xi32> to vector<16xf32>
          %mul3A_2187 = arith.mulf %select_n3A_2174, %bitcast3A_2182 : vector<16xf32>
          %add3A_2188 = arith.addf %add3A_1923, %mul3A_2187 : vector<16xf32>
          %mul3A_2189 = arith.mulf %select_n3A_2174, %bitcast3A_2186 : vector<16xf32>
          %add3A_2190 = arith.addf %add3A_1925, %mul3A_2189 : vector<16xf32>
          %add3A_2191 = arith.constant 5120 : i32
          %add3A_2192 = vector.broadcast %add3A_2191 : i32 to vector<16xi32>
          %add3A_2193 = arith.addi %add3A_2169, %add3A_2192 : vector<16xi32>
          %gather3A_2194 = tpu.vector_load_idx %arg5[%add3A_2193] : memref<81920xi32, #tpu.memory_space<vmem>>[vector<16xi32>], vector<16xi32>,
          %shift_left3A_2195 = arith.constant 16 : i32
          %shift_left3A_2196 = vector.broadcast %shift_left3A_2195 : i32 to vector<16xi32>
          %shift_left3A_2197 = arith.shli %gather3A_2194, %shift_left3A_2196 : vector<16xi32>
          %bitcast3A_2198 = vector.bitcast %shift_left3A_2197 : vector<16xi32> to vector<16xf32>
          %and3A_2199 = arith.constant -65536 : i32
          %and3A_2200 = vector.broadcast %and3A_2199 : i32 to vector<16xi32>
          %and3A_2201 = arith.andi %gather3A_2194, %and3A_2200 : vector<16xi32>
          %bitcast3A_2202 = vector.bitcast %and3A_2201 : vector<16xi32> to vector<16xf32>
          %mul3A_2203 = arith.mulf %select_n3A_2174, %bitcast3A_2198 : vector<16xf32>
          %add3A_2204 = arith.addf %add3A_1939, %mul3A_2203 : vector<16xf32>
          %mul3A_2205 = arith.mulf %select_n3A_2174, %bitcast3A_2202 : vector<16xf32>
          %add3A_2206 = arith.addf %add3A_1941, %mul3A_2205 : vector<16xf32>
          %add3A_2207 = arith.constant 10240 : i32
          %add3A_2208 = vector.broadcast %add3A_2207 : i32 to vector<16xi32>
          %add3A_2209 = arith.addi %add3A_2169, %add3A_2208 : vector<16xi32>
          %gather3A_2210 = tpu.vector_load_idx %arg5[%add3A_2209] : memref<81920xi32, #tpu.memory_space<vmem>>[vector<16xi32>], vector<16xi32>,
          %shift_left3A_2211 = arith.constant 16 : i32
          %shift_left3A_2212 = vector.broadcast %shift_left3A_2211 : i32 to vector<16xi32>
          %shift_left3A_2213 = arith.shli %gather3A_2210, %shift_left3A_2212 : vector<16xi32>
          %bitcast3A_2214 = vector.bitcast %shift_left3A_2213 : vector<16xi32> to vector<16xf32>
          %and3A_2215 = arith.constant -65536 : i32
          %and3A_2216 = vector.broadcast %and3A_2215 : i32 to vector<16xi32>
          %and3A_2217 = arith.andi %gather3A_2210, %and3A_2216 : vector<16xi32>
          %bitcast3A_2218 = vector.bitcast %and3A_2217 : vector<16xi32> to vector<16xf32>
          %mul3A_2219 = arith.mulf %select_n3A_2174, %bitcast3A_2214 : vector<16xf32>
          %add3A_2220 = arith.addf %add3A_1955, %mul3A_2219 : vector<16xf32>
          %mul3A_2221 = arith.mulf %select_n3A_2174, %bitcast3A_2218 : vector<16xf32>
          %add3A_2222 = arith.addf %add3A_1957, %mul3A_2221 : vector<16xf32>
          %add3A_2223 = arith.constant 15360 : i32
          %add3A_2224 = vector.broadcast %add3A_2223 : i32 to vector<16xi32>
          %add3A_2225 = arith.addi %add3A_2169, %add3A_2224 : vector<16xi32>
          %gather3A_2226 = tpu.vector_load_idx %arg5[%add3A_2225] : memref<81920xi32, #tpu.memory_space<vmem>>[vector<16xi32>], vector<16xi32>,
          %shift_left3A_2227 = arith.constant 16 : i32
          %shift_left3A_2228 = vector.broadcast %shift_left3A_2227 : i32 to vector<16xi32>
          %shift_left3A_2229 = arith.shli %gather3A_2226, %shift_left3A_2228 : vector<16xi32>
          %bitcast3A_2230 = vector.bitcast %shift_left3A_2229 : vector<16xi32> to vector<16xf32>
          %and3A_2231 = arith.constant -65536 : i32
          %and3A_2232 = vector.broadcast %and3A_2231 : i32 to vector<16xi32>
          %and3A_2233 = arith.andi %gather3A_2226, %and3A_2232 : vector<16xi32>
          %bitcast3A_2234 = vector.bitcast %and3A_2233 : vector<16xi32> to vector<16xf32>
          %mul3A_2235 = arith.mulf %select_n3A_2174, %bitcast3A_2230 : vector<16xf32>
          %add3A_2236 = arith.addf %add3A_1971, %mul3A_2235 : vector<16xf32>
          %mul3A_2237 = arith.mulf %select_n3A_2174, %bitcast3A_2234 : vector<16xf32>
          %add3A_2238 = arith.addf %add3A_1973, %mul3A_2237 : vector<16xf32>
          %add3A_2239 = arith.constant 20480 : i32
          %add3A_2240 = vector.broadcast %add3A_2239 : i32 to vector<16xi32>
          %add3A_2241 = arith.addi %add3A_2169, %add3A_2240 : vector<16xi32>
          %gather3A_2242 = tpu.vector_load_idx %arg5[%add3A_2241] : memref<81920xi32, #tpu.memory_space<vmem>>[vector<16xi32>], vector<16xi32>,
          %shift_left3A_2243 = arith.constant 16 : i32
          %shift_left3A_2244 = vector.broadcast %shift_left3A_2243 : i32 to vector<16xi32>
          %shift_left3A_2245 = arith.shli %gather3A_2242, %shift_left3A_2244 : vector<16xi32>
          %bitcast3A_2246 = vector.bitcast %shift_left3A_2245 : vector<16xi32> to vector<16xf32>
          %and3A_2247 = arith.constant -65536 : i32
          %and3A_2248 = vector.broadcast %and3A_2247 : i32 to vector<16xi32>
          %and3A_2249 = arith.andi %gather3A_2242, %and3A_2248 : vector<16xi32>
          %bitcast3A_2250 = vector.bitcast %and3A_2249 : vector<16xi32> to vector<16xf32>
          %mul3A_2251 = arith.mulf %select_n3A_2174, %bitcast3A_2246 : vector<16xf32>
          %add3A_2252 = arith.addf %add3A_1987, %mul3A_2251 : vector<16xf32>
          %mul3A_2253 = arith.mulf %select_n3A_2174, %bitcast3A_2250 : vector<16xf32>
          %add3A_2254 = arith.addf %add3A_1989, %mul3A_2253 : vector<16xf32>
          %add3A_2255 = arith.constant 25600 : i32
          %add3A_2256 = vector.broadcast %add3A_2255 : i32 to vector<16xi32>
          %add3A_2257 = arith.addi %add3A_2169, %add3A_2256 : vector<16xi32>
          %gather3A_2258 = tpu.vector_load_idx %arg5[%add3A_2257] : memref<81920xi32, #tpu.memory_space<vmem>>[vector<16xi32>], vector<16xi32>,
          %shift_left3A_2259 = arith.constant 16 : i32
          %shift_left3A_2260 = vector.broadcast %shift_left3A_2259 : i32 to vector<16xi32>
          %shift_left3A_2261 = arith.shli %gather3A_2258, %shift_left3A_2260 : vector<16xi32>
          %bitcast3A_2262 = vector.bitcast %shift_left3A_2261 : vector<16xi32> to vector<16xf32>
          %and3A_2263 = arith.constant -65536 : i32
          %and3A_2264 = vector.broadcast %and3A_2263 : i32 to vector<16xi32>
          %and3A_2265 = arith.andi %gather3A_2258, %and3A_2264 : vector<16xi32>
          %bitcast3A_2266 = vector.bitcast %and3A_2265 : vector<16xi32> to vector<16xf32>
          %mul3A_2267 = arith.mulf %select_n3A_2174, %bitcast3A_2262 : vector<16xf32>
          %add3A_2268 = arith.addf %add3A_2003, %mul3A_2267 : vector<16xf32>
          %mul3A_2269 = arith.mulf %select_n3A_2174, %bitcast3A_2266 : vector<16xf32>
          %add3A_2270 = arith.addf %add3A_2005, %mul3A_2269 : vector<16xf32>
          %add3A_2271 = arith.constant 30720 : i32
          %add3A_2272 = vector.broadcast %add3A_2271 : i32 to vector<16xi32>
          %add3A_2273 = arith.addi %add3A_2169, %add3A_2272 : vector<16xi32>
          %gather3A_2274 = tpu.vector_load_idx %arg5[%add3A_2273] : memref<81920xi32, #tpu.memory_space<vmem>>[vector<16xi32>], vector<16xi32>,
          %shift_left3A_2275 = arith.constant 16 : i32
          %shift_left3A_2276 = vector.broadcast %shift_left3A_2275 : i32 to vector<16xi32>
          %shift_left3A_2277 = arith.shli %gather3A_2274, %shift_left3A_2276 : vector<16xi32>
          %bitcast3A_2278 = vector.bitcast %shift_left3A_2277 : vector<16xi32> to vector<16xf32>
          %and3A_2279 = arith.constant -65536 : i32
          %and3A_2280 = vector.broadcast %and3A_2279 : i32 to vector<16xi32>
          %and3A_2281 = arith.andi %gather3A_2274, %and3A_2280 : vector<16xi32>
          %bitcast3A_2282 = vector.bitcast %and3A_2281 : vector<16xi32> to vector<16xf32>
          %mul3A_2283 = arith.mulf %select_n3A_2174, %bitcast3A_2278 : vector<16xf32>
          %add3A_2284 = arith.addf %add3A_2019, %mul3A_2283 : vector<16xf32>
          %mul3A_2285 = arith.mulf %select_n3A_2174, %bitcast3A_2282 : vector<16xf32>
          %add3A_2286 = arith.addf %add3A_2021, %mul3A_2285 : vector<16xf32>
          %add3A_2287 = arith.constant 35840 : i32
          %add3A_2288 = vector.broadcast %add3A_2287 : i32 to vector<16xi32>
          %add3A_2289 = arith.addi %add3A_2169, %add3A_2288 : vector<16xi32>
          %gather3A_2290 = tpu.vector_load_idx %arg5[%add3A_2289] : memref<81920xi32, #tpu.memory_space<vmem>>[vector<16xi32>], vector<16xi32>,
          %shift_left3A_2291 = arith.constant 16 : i32
          %shift_left3A_2292 = vector.broadcast %shift_left3A_2291 : i32 to vector<16xi32>
          %shift_left3A_2293 = arith.shli %gather3A_2290, %shift_left3A_2292 : vector<16xi32>
          %bitcast3A_2294 = vector.bitcast %shift_left3A_2293 : vector<16xi32> to vector<16xf32>
          %and3A_2295 = arith.constant -65536 : i32
          %and3A_2296 = vector.broadcast %and3A_2295 : i32 to vector<16xi32>
          %and3A_2297 = arith.andi %gather3A_2290, %and3A_2296 : vector<16xi32>
          %bitcast3A_2298 = vector.bitcast %and3A_2297 : vector<16xi32> to vector<16xf32>
          %mul3A_2299 = arith.mulf %select_n3A_2174, %bitcast3A_2294 : vector<16xf32>
          %add3A_2300 = arith.addf %add3A_2035, %mul3A_2299 : vector<16xf32>
          %mul3A_2301 = arith.mulf %select_n3A_2174, %bitcast3A_2298 : vector<16xf32>
          %add3A_2302 = arith.addf %add3A_2037, %mul3A_2301 : vector<16xf32>
          %add3A_2303 = arith.constant 40960 : i32
          %add3A_2304 = vector.broadcast %add3A_2303 : i32 to vector<16xi32>
          %add3A_2305 = arith.addi %add3A_2169, %add3A_2304 : vector<16xi32>
          %gather3A_2306 = tpu.vector_load_idx %arg5[%add3A_2305] : memref<81920xi32, #tpu.memory_space<vmem>>[vector<16xi32>], vector<16xi32>,
          %shift_left3A_2307 = arith.constant 16 : i32
          %shift_left3A_2308 = vector.broadcast %shift_left3A_2307 : i32 to vector<16xi32>
          %shift_left3A_2309 = arith.shli %gather3A_2306, %shift_left3A_2308 : vector<16xi32>
          %bitcast3A_2310 = vector.bitcast %shift_left3A_2309 : vector<16xi32> to vector<16xf32>
          %and3A_2311 = arith.constant -65536 : i32
          %and3A_2312 = vector.broadcast %and3A_2311 : i32 to vector<16xi32>
          %and3A_2313 = arith.andi %gather3A_2306, %and3A_2312 : vector<16xi32>
          %bitcast3A_2314 = vector.bitcast %and3A_2313 : vector<16xi32> to vector<16xf32>
          %mul3A_2315 = arith.mulf %select_n3A_2174, %bitcast3A_2310 : vector<16xf32>
          %add3A_2316 = arith.addf %add3A_2051, %mul3A_2315 : vector<16xf32>
          %mul3A_2317 = arith.mulf %select_n3A_2174, %bitcast3A_2314 : vector<16xf32>
          %add3A_2318 = arith.addf %add3A_2053, %mul3A_2317 : vector<16xf32>
          %add3A_2319 = arith.constant 46080 : i32
          %add3A_2320 = vector.broadcast %add3A_2319 : i32 to vector<16xi32>
          %add3A_2321 = arith.addi %add3A_2169, %add3A_2320 : vector<16xi32>
          %gather3A_2322 = tpu.vector_load_idx %arg5[%add3A_2321] : memref<81920xi32, #tpu.memory_space<vmem>>[vector<16xi32>], vector<16xi32>,
          %shift_left3A_2323 = arith.constant 16 : i32
          %shift_left3A_2324 = vector.broadcast %shift_left3A_2323 : i32 to vector<16xi32>
          %shift_left3A_2325 = arith.shli %gather3A_2322, %shift_left3A_2324 : vector<16xi32>
          %bitcast3A_2326 = vector.bitcast %shift_left3A_2325 : vector<16xi32> to vector<16xf32>
          %and3A_2327 = arith.constant -65536 : i32
          %and3A_2328 = vector.broadcast %and3A_2327 : i32 to vector<16xi32>
          %and3A_2329 = arith.andi %gather3A_2322, %and3A_2328 : vector<16xi32>
          %bitcast3A_2330 = vector.bitcast %and3A_2329 : vector<16xi32> to vector<16xf32>
          %mul3A_2331 = arith.mulf %select_n3A_2174, %bitcast3A_2326 : vector<16xf32>
          %add3A_2332 = arith.addf %add3A_2067, %mul3A_2331 : vector<16xf32>
          %mul3A_2333 = arith.mulf %select_n3A_2174, %bitcast3A_2330 : vector<16xf32>
          %add3A_2334 = arith.addf %add3A_2069, %mul3A_2333 : vector<16xf32>
          %add3A_2335 = arith.constant 51200 : i32
          %add3A_2336 = vector.broadcast %add3A_2335 : i32 to vector<16xi32>
          %add3A_2337 = arith.addi %add3A_2169, %add3A_2336 : vector<16xi32>
          %gather3A_2338 = tpu.vector_load_idx %arg5[%add3A_2337] : memref<81920xi32, #tpu.memory_space<vmem>>[vector<16xi32>], vector<16xi32>,
          %shift_left3A_2339 = arith.constant 16 : i32
          %shift_left3A_2340 = vector.broadcast %shift_left3A_2339 : i32 to vector<16xi32>
          %shift_left3A_2341 = arith.shli %gather3A_2338, %shift_left3A_2340 : vector<16xi32>
          %bitcast3A_2342 = vector.bitcast %shift_left3A_2341 : vector<16xi32> to vector<16xf32>
          %and3A_2343 = arith.constant -65536 : i32
          %and3A_2344 = vector.broadcast %and3A_2343 : i32 to vector<16xi32>
          %and3A_2345 = arith.andi %gather3A_2338, %and3A_2344 : vector<16xi32>
          %bitcast3A_2346 = vector.bitcast %and3A_2345 : vector<16xi32> to vector<16xf32>
          %mul3A_2347 = arith.mulf %select_n3A_2174, %bitcast3A_2342 : vector<16xf32>
          %add3A_2348 = arith.addf %add3A_2083, %mul3A_2347 : vector<16xf32>
          %mul3A_2349 = arith.mulf %select_n3A_2174, %bitcast3A_2346 : vector<16xf32>
          %add3A_2350 = arith.addf %add3A_2085, %mul3A_2349 : vector<16xf32>
          %add3A_2351 = arith.constant 56320 : i32
          %add3A_2352 = vector.broadcast %add3A_2351 : i32 to vector<16xi32>
          %add3A_2353 = arith.addi %add3A_2169, %add3A_2352 : vector<16xi32>
          %gather3A_2354 = tpu.vector_load_idx %arg5[%add3A_2353] : memref<81920xi32, #tpu.memory_space<vmem>>[vector<16xi32>], vector<16xi32>,
          %shift_left3A_2355 = arith.constant 16 : i32
          %shift_left3A_2356 = vector.broadcast %shift_left3A_2355 : i32 to vector<16xi32>
          %shift_left3A_2357 = arith.shli %gather3A_2354, %shift_left3A_2356 : vector<16xi32>
          %bitcast3A_2358 = vector.bitcast %shift_left3A_2357 : vector<16xi32> to vector<16xf32>
          %and3A_2359 = arith.constant -65536 : i32
          %and3A_2360 = vector.broadcast %and3A_2359 : i32 to vector<16xi32>
          %and3A_2361 = arith.andi %gather3A_2354, %and3A_2360 : vector<16xi32>
          %bitcast3A_2362 = vector.bitcast %and3A_2361 : vector<16xi32> to vector<16xf32>
          %mul3A_2363 = arith.mulf %select_n3A_2174, %bitcast3A_2358 : vector<16xf32>
          %add3A_2364 = arith.addf %add3A_2099, %mul3A_2363 : vector<16xf32>
          %mul3A_2365 = arith.mulf %select_n3A_2174, %bitcast3A_2362 : vector<16xf32>
          %add3A_2366 = arith.addf %add3A_2101, %mul3A_2365 : vector<16xf32>
          %add3A_2367 = arith.constant 61440 : i32
          %add3A_2368 = vector.broadcast %add3A_2367 : i32 to vector<16xi32>
          %add3A_2369 = arith.addi %add3A_2169, %add3A_2368 : vector<16xi32>
          %gather3A_2370 = tpu.vector_load_idx %arg5[%add3A_2369] : memref<81920xi32, #tpu.memory_space<vmem>>[vector<16xi32>], vector<16xi32>,
          %shift_left3A_2371 = arith.constant 16 : i32
          %shift_left3A_2372 = vector.broadcast %shift_left3A_2371 : i32 to vector<16xi32>
          %shift_left3A_2373 = arith.shli %gather3A_2370, %shift_left3A_2372 : vector<16xi32>
          %bitcast3A_2374 = vector.bitcast %shift_left3A_2373 : vector<16xi32> to vector<16xf32>
          %and3A_2375 = arith.constant -65536 : i32
          %and3A_2376 = vector.broadcast %and3A_2375 : i32 to vector<16xi32>
          %and3A_2377 = arith.andi %gather3A_2370, %and3A_2376 : vector<16xi32>
          %bitcast3A_2378 = vector.bitcast %and3A_2377 : vector<16xi32> to vector<16xf32>
          %mul3A_2379 = arith.mulf %select_n3A_2174, %bitcast3A_2374 : vector<16xf32>
          %add3A_2380 = arith.addf %add3A_2115, %mul3A_2379 : vector<16xf32>
          %mul3A_2381 = arith.mulf %select_n3A_2174, %bitcast3A_2378 : vector<16xf32>
          %add3A_2382 = arith.addf %add3A_2117, %mul3A_2381 : vector<16xf32>
          %add3A_2383 = arith.constant 66560 : i32
          %add3A_2384 = vector.broadcast %add3A_2383 : i32 to vector<16xi32>
          %add3A_2385 = arith.addi %add3A_2169, %add3A_2384 : vector<16xi32>
          %gather3A_2386 = tpu.vector_load_idx %arg5[%add3A_2385] : memref<81920xi32, #tpu.memory_space<vmem>>[vector<16xi32>], vector<16xi32>,
          %shift_left3A_2387 = arith.constant 16 : i32
          %shift_left3A_2388 = vector.broadcast %shift_left3A_2387 : i32 to vector<16xi32>
          %shift_left3A_2389 = arith.shli %gather3A_2386, %shift_left3A_2388 : vector<16xi32>
          %bitcast3A_2390 = vector.bitcast %shift_left3A_2389 : vector<16xi32> to vector<16xf32>
          %and3A_2391 = arith.constant -65536 : i32
          %and3A_2392 = vector.broadcast %and3A_2391 : i32 to vector<16xi32>
          %and3A_2393 = arith.andi %gather3A_2386, %and3A_2392 : vector<16xi32>
          %bitcast3A_2394 = vector.bitcast %and3A_2393 : vector<16xi32> to vector<16xf32>
          %mul3A_2395 = arith.mulf %select_n3A_2174, %bitcast3A_2390 : vector<16xf32>
          %add3A_2396 = arith.addf %add3A_2131, %mul3A_2395 : vector<16xf32>
          %mul3A_2397 = arith.mulf %select_n3A_2174, %bitcast3A_2394 : vector<16xf32>
          %add3A_2398 = arith.addf %add3A_2133, %mul3A_2397 : vector<16xf32>
          %add3A_2399 = arith.constant 71680 : i32
          %add3A_2400 = vector.broadcast %add3A_2399 : i32 to vector<16xi32>
          %add3A_2401 = arith.addi %add3A_2169, %add3A_2400 : vector<16xi32>
          %gather3A_2402 = tpu.vector_load_idx %arg5[%add3A_2401] : memref<81920xi32, #tpu.memory_space<vmem>>[vector<16xi32>], vector<16xi32>,
          %shift_left3A_2403 = arith.constant 16 : i32
          %shift_left3A_2404 = vector.broadcast %shift_left3A_2403 : i32 to vector<16xi32>
          %shift_left3A_2405 = arith.shli %gather3A_2402, %shift_left3A_2404 : vector<16xi32>
          %bitcast3A_2406 = vector.bitcast %shift_left3A_2405 : vector<16xi32> to vector<16xf32>
          %and3A_2407 = arith.constant -65536 : i32
          %and3A_2408 = vector.broadcast %and3A_2407 : i32 to vector<16xi32>
          %and3A_2409 = arith.andi %gather3A_2402, %and3A_2408 : vector<16xi32>
          %bitcast3A_2410 = vector.bitcast %and3A_2409 : vector<16xi32> to vector<16xf32>
          %mul3A_2411 = arith.mulf %select_n3A_2174, %bitcast3A_2406 : vector<16xf32>
          %add3A_2412 = arith.addf %add3A_2147, %mul3A_2411 : vector<16xf32>
          %mul3A_2413 = arith.mulf %select_n3A_2174, %bitcast3A_2410 : vector<16xf32>
          %add3A_2414 = arith.addf %add3A_2149, %mul3A_2413 : vector<16xf32>
          %add3A_2415 = arith.constant 76800 : i32
          %add3A_2416 = vector.broadcast %add3A_2415 : i32 to vector<16xi32>
          %add3A_2417 = arith.addi %add3A_2169, %add3A_2416 : vector<16xi32>
          %gather3A_2418 = tpu.vector_load_idx %arg5[%add3A_2417] : memref<81920xi32, #tpu.memory_space<vmem>>[vector<16xi32>], vector<16xi32>,
          %shift_left3A_2419 = arith.constant 16 : i32
          %shift_left3A_2420 = vector.broadcast %shift_left3A_2419 : i32 to vector<16xi32>
          %shift_left3A_2421 = arith.shli %gather3A_2418, %shift_left3A_2420 : vector<16xi32>
          %bitcast3A_2422 = vector.bitcast %shift_left3A_2421 : vector<16xi32> to vector<16xf32>
          %and3A_2423 = arith.constant -65536 : i32
          %and3A_2424 = vector.broadcast %and3A_2423 : i32 to vector<16xi32>
          %and3A_2425 = arith.andi %gather3A_2418, %and3A_2424 : vector<16xi32>
          %bitcast3A_2426 = vector.bitcast %and3A_2425 : vector<16xi32> to vector<16xf32>
          %mul3A_2427 = arith.mulf %select_n3A_2174, %bitcast3A_2422 : vector<16xf32>
          %add3A_2428 = arith.addf %add3A_2163, %mul3A_2427 : vector<16xf32>
          %mul3A_2429 = arith.mulf %select_n3A_2174, %bitcast3A_2426 : vector<16xf32>
          %add3A_2430 = arith.addf %add3A_2165, %mul3A_2429 : vector<16xf32>
          %add3A_2431 = arith.addi %add3A_2166, %min3A_549 : vector<16xi32>
          %and3A_2432 = arith.andi %and3A_2167, %and3A_509 : vector<16xi1>
          %mul3A_2433 = arith.mulf %mul3A_2168, %sub3A_435 : vector<16xf32>
          %jit3A_2434 = arith.constant 0.000000e+00 : f32
          %broadcast_in_dim3A_2435 = vector.broadcast %jit3A_2434 : f32 to vector<16xf32>
          %select_n3A_2436 = arith.select %and3A_2432, %mul3A_2433, %broadcast_in_dim3A_2435 : vector<16xi1>, vector<16xf32>
          %add3A_2437 = arith.constant 0 : i32
          %add3A_2438 = vector.broadcast %add3A_2437 : i32 to vector<16xi32>
          %add3A_2439 = arith.addi %add3A_2431, %add3A_2438 : vector<16xi32>
          %gather3A_2440 = tpu.vector_load_idx %arg5[%add3A_2439] : memref<81920xi32, #tpu.memory_space<vmem>>[vector<16xi32>], vector<16xi32>,
          %shift_left3A_2441 = arith.constant 16 : i32
          %shift_left3A_2442 = vector.broadcast %shift_left3A_2441 : i32 to vector<16xi32>
          %shift_left3A_2443 = arith.shli %gather3A_2440, %shift_left3A_2442 : vector<16xi32>
          %bitcast3A_2444 = vector.bitcast %shift_left3A_2443 : vector<16xi32> to vector<16xf32>
          %and3A_2445 = arith.constant -65536 : i32
          %and3A_2446 = vector.broadcast %and3A_2445 : i32 to vector<16xi32>
          %and3A_2447 = arith.andi %gather3A_2440, %and3A_2446 : vector<16xi32>
          %bitcast3A_2448 = vector.bitcast %and3A_2447 : vector<16xi32> to vector<16xf32>
          %mul3A_2449 = arith.mulf %select_n3A_2436, %bitcast3A_2444 : vector<16xf32>
          %add3A_2450 = arith.addf %add3A_2188, %mul3A_2449 : vector<16xf32>
          %mul3A_2451 = arith.mulf %select_n3A_2436, %bitcast3A_2448 : vector<16xf32>
          %add3A_2452 = arith.addf %add3A_2190, %mul3A_2451 : vector<16xf32>
          %add3A_2453 = arith.constant 5120 : i32
          %add3A_2454 = vector.broadcast %add3A_2453 : i32 to vector<16xi32>
          %add3A_2455 = arith.addi %add3A_2431, %add3A_2454 : vector<16xi32>
          %gather3A_2456 = tpu.vector_load_idx %arg5[%add3A_2455] : memref<81920xi32, #tpu.memory_space<vmem>>[vector<16xi32>], vector<16xi32>,
          %shift_left3A_2457 = arith.constant 16 : i32
          %shift_left3A_2458 = vector.broadcast %shift_left3A_2457 : i32 to vector<16xi32>
          %shift_left3A_2459 = arith.shli %gather3A_2456, %shift_left3A_2458 : vector<16xi32>
          %bitcast3A_2460 = vector.bitcast %shift_left3A_2459 : vector<16xi32> to vector<16xf32>
          %and3A_2461 = arith.constant -65536 : i32
          %and3A_2462 = vector.broadcast %and3A_2461 : i32 to vector<16xi32>
          %and3A_2463 = arith.andi %gather3A_2456, %and3A_2462 : vector<16xi32>
          %bitcast3A_2464 = vector.bitcast %and3A_2463 : vector<16xi32> to vector<16xf32>
          %mul3A_2465 = arith.mulf %select_n3A_2436, %bitcast3A_2460 : vector<16xf32>
          %add3A_2466 = arith.addf %add3A_2204, %mul3A_2465 : vector<16xf32>
          %mul3A_2467 = arith.mulf %select_n3A_2436, %bitcast3A_2464 : vector<16xf32>
          %add3A_2468 = arith.addf %add3A_2206, %mul3A_2467 : vector<16xf32>
          %add3A_2469 = arith.constant 10240 : i32
          %add3A_2470 = vector.broadcast %add3A_2469 : i32 to vector<16xi32>
          %add3A_2471 = arith.addi %add3A_2431, %add3A_2470 : vector<16xi32>
          %gather3A_2472 = tpu.vector_load_idx %arg5[%add3A_2471] : memref<81920xi32, #tpu.memory_space<vmem>>[vector<16xi32>], vector<16xi32>,
          %shift_left3A_2473 = arith.constant 16 : i32
          %shift_left3A_2474 = vector.broadcast %shift_left3A_2473 : i32 to vector<16xi32>
          %shift_left3A_2475 = arith.shli %gather3A_2472, %shift_left3A_2474 : vector<16xi32>
          %bitcast3A_2476 = vector.bitcast %shift_left3A_2475 : vector<16xi32> to vector<16xf32>
          %and3A_2477 = arith.constant -65536 : i32
          %and3A_2478 = vector.broadcast %and3A_2477 : i32 to vector<16xi32>
          %and3A_2479 = arith.andi %gather3A_2472, %and3A_2478 : vector<16xi32>
          %bitcast3A_2480 = vector.bitcast %and3A_2479 : vector<16xi32> to vector<16xf32>
          %mul3A_2481 = arith.mulf %select_n3A_2436, %bitcast3A_2476 : vector<16xf32>
          %add3A_2482 = arith.addf %add3A_2220, %mul3A_2481 : vector<16xf32>
          %mul3A_2483 = arith.mulf %select_n3A_2436, %bitcast3A_2480 : vector<16xf32>
          %add3A_2484 = arith.addf %add3A_2222, %mul3A_2483 : vector<16xf32>
          %add3A_2485 = arith.constant 15360 : i32
          %add3A_2486 = vector.broadcast %add3A_2485 : i32 to vector<16xi32>
          %add3A_2487 = arith.addi %add3A_2431, %add3A_2486 : vector<16xi32>
          %gather3A_2488 = tpu.vector_load_idx %arg5[%add3A_2487] : memref<81920xi32, #tpu.memory_space<vmem>>[vector<16xi32>], vector<16xi32>,
          %shift_left3A_2489 = arith.constant 16 : i32
          %shift_left3A_2490 = vector.broadcast %shift_left3A_2489 : i32 to vector<16xi32>
          %shift_left3A_2491 = arith.shli %gather3A_2488, %shift_left3A_2490 : vector<16xi32>
          %bitcast3A_2492 = vector.bitcast %shift_left3A_2491 : vector<16xi32> to vector<16xf32>
          %and3A_2493 = arith.constant -65536 : i32
          %and3A_2494 = vector.broadcast %and3A_2493 : i32 to vector<16xi32>
          %and3A_2495 = arith.andi %gather3A_2488, %and3A_2494 : vector<16xi32>
          %bitcast3A_2496 = vector.bitcast %and3A_2495 : vector<16xi32> to vector<16xf32>
          %mul3A_2497 = arith.mulf %select_n3A_2436, %bitcast3A_2492 : vector<16xf32>
          %add3A_2498 = arith.addf %add3A_2236, %mul3A_2497 : vector<16xf32>
          %mul3A_2499 = arith.mulf %select_n3A_2436, %bitcast3A_2496 : vector<16xf32>
          %add3A_2500 = arith.addf %add3A_2238, %mul3A_2499 : vector<16xf32>
          %add3A_2501 = arith.constant 20480 : i32
          %add3A_2502 = vector.broadcast %add3A_2501 : i32 to vector<16xi32>
          %add3A_2503 = arith.addi %add3A_2431, %add3A_2502 : vector<16xi32>
          %gather3A_2504 = tpu.vector_load_idx %arg5[%add3A_2503] : memref<81920xi32, #tpu.memory_space<vmem>>[vector<16xi32>], vector<16xi32>,
          %shift_left3A_2505 = arith.constant 16 : i32
          %shift_left3A_2506 = vector.broadcast %shift_left3A_2505 : i32 to vector<16xi32>
          %shift_left3A_2507 = arith.shli %gather3A_2504, %shift_left3A_2506 : vector<16xi32>
          %bitcast3A_2508 = vector.bitcast %shift_left3A_2507 : vector<16xi32> to vector<16xf32>
          %and3A_2509 = arith.constant -65536 : i32
          %and3A_2510 = vector.broadcast %and3A_2509 : i32 to vector<16xi32>
          %and3A_2511 = arith.andi %gather3A_2504, %and3A_2510 : vector<16xi32>
          %bitcast3A_2512 = vector.bitcast %and3A_2511 : vector<16xi32> to vector<16xf32>
          %mul3A_2513 = arith.mulf %select_n3A_2436, %bitcast3A_2508 : vector<16xf32>
          %add3A_2514 = arith.addf %add3A_2252, %mul3A_2513 : vector<16xf32>
          %mul3A_2515 = arith.mulf %select_n3A_2436, %bitcast3A_2512 : vector<16xf32>
          %add3A_2516 = arith.addf %add3A_2254, %mul3A_2515 : vector<16xf32>
          %add3A_2517 = arith.constant 25600 : i32
          %add3A_2518 = vector.broadcast %add3A_2517 : i32 to vector<16xi32>
          %add3A_2519 = arith.addi %add3A_2431, %add3A_2518 : vector<16xi32>
          %gather3A_2520 = tpu.vector_load_idx %arg5[%add3A_2519] : memref<81920xi32, #tpu.memory_space<vmem>>[vector<16xi32>], vector<16xi32>,
          %shift_left3A_2521 = arith.constant 16 : i32
          %shift_left3A_2522 = vector.broadcast %shift_left3A_2521 : i32 to vector<16xi32>
          %shift_left3A_2523 = arith.shli %gather3A_2520, %shift_left3A_2522 : vector<16xi32>
          %bitcast3A_2524 = vector.bitcast %shift_left3A_2523 : vector<16xi32> to vector<16xf32>
          %and3A_2525 = arith.constant -65536 : i32
          %and3A_2526 = vector.broadcast %and3A_2525 : i32 to vector<16xi32>
          %and3A_2527 = arith.andi %gather3A_2520, %and3A_2526 : vector<16xi32>
          %bitcast3A_2528 = vector.bitcast %and3A_2527 : vector<16xi32> to vector<16xf32>
          %mul3A_2529 = arith.mulf %select_n3A_2436, %bitcast3A_2524 : vector<16xf32>
          %add3A_2530 = arith.addf %add3A_2268, %mul3A_2529 : vector<16xf32>
          %mul3A_2531 = arith.mulf %select_n3A_2436, %bitcast3A_2528 : vector<16xf32>
          %add3A_2532 = arith.addf %add3A_2270, %mul3A_2531 : vector<16xf32>
          %add3A_2533 = arith.constant 30720 : i32
          %add3A_2534 = vector.broadcast %add3A_2533 : i32 to vector<16xi32>
          %add3A_2535 = arith.addi %add3A_2431, %add3A_2534 : vector<16xi32>
          %gather3A_2536 = tpu.vector_load_idx %arg5[%add3A_2535] : memref<81920xi32, #tpu.memory_space<vmem>>[vector<16xi32>], vector<16xi32>,
          %shift_left3A_2537 = arith.constant 16 : i32
          %shift_left3A_2538 = vector.broadcast %shift_left3A_2537 : i32 to vector<16xi32>
          %shift_left3A_2539 = arith.shli %gather3A_2536, %shift_left3A_2538 : vector<16xi32>
          %bitcast3A_2540 = vector.bitcast %shift_left3A_2539 : vector<16xi32> to vector<16xf32>
          %and3A_2541 = arith.constant -65536 : i32
          %and3A_2542 = vector.broadcast %and3A_2541 : i32 to vector<16xi32>
          %and3A_2543 = arith.andi %gather3A_2536, %and3A_2542 : vector<16xi32>
          %bitcast3A_2544 = vector.bitcast %and3A_2543 : vector<16xi32> to vector<16xf32>
          %mul3A_2545 = arith.mulf %select_n3A_2436, %bitcast3A_2540 : vector<16xf32>
          %add3A_2546 = arith.addf %add3A_2284, %mul3A_2545 : vector<16xf32>
          %mul3A_2547 = arith.mulf %select_n3A_2436, %bitcast3A_2544 : vector<16xf32>
          %add3A_2548 = arith.addf %add3A_2286, %mul3A_2547 : vector<16xf32>
          %add3A_2549 = arith.constant 35840 : i32
          %add3A_2550 = vector.broadcast %add3A_2549 : i32 to vector<16xi32>
          %add3A_2551 = arith.addi %add3A_2431, %add3A_2550 : vector<16xi32>
          %gather3A_2552 = tpu.vector_load_idx %arg5[%add3A_2551] : memref<81920xi32, #tpu.memory_space<vmem>>[vector<16xi32>], vector<16xi32>,
          %shift_left3A_2553 = arith.constant 16 : i32
          %shift_left3A_2554 = vector.broadcast %shift_left3A_2553 : i32 to vector<16xi32>
          %shift_left3A_2555 = arith.shli %gather3A_2552, %shift_left3A_2554 : vector<16xi32>
          %bitcast3A_2556 = vector.bitcast %shift_left3A_2555 : vector<16xi32> to vector<16xf32>
          %and3A_2557 = arith.constant -65536 : i32
          %and3A_2558 = vector.broadcast %and3A_2557 : i32 to vector<16xi32>
          %and3A_2559 = arith.andi %gather3A_2552, %and3A_2558 : vector<16xi32>
          %bitcast3A_2560 = vector.bitcast %and3A_2559 : vector<16xi32> to vector<16xf32>
          %mul3A_2561 = arith.mulf %select_n3A_2436, %bitcast3A_2556 : vector<16xf32>
          %add3A_2562 = arith.addf %add3A_2300, %mul3A_2561 : vector<16xf32>
          %mul3A_2563 = arith.mulf %select_n3A_2436, %bitcast3A_2560 : vector<16xf32>
          %add3A_2564 = arith.addf %add3A_2302, %mul3A_2563 : vector<16xf32>
          %add3A_2565 = arith.constant 40960 : i32
          %add3A_2566 = vector.broadcast %add3A_2565 : i32 to vector<16xi32>
          %add3A_2567 = arith.addi %add3A_2431, %add3A_2566 : vector<16xi32>
          %gather3A_2568 = tpu.vector_load_idx %arg5[%add3A_2567] : memref<81920xi32, #tpu.memory_space<vmem>>[vector<16xi32>], vector<16xi32>,
          %shift_left3A_2569 = arith.constant 16 : i32
          %shift_left3A_2570 = vector.broadcast %shift_left3A_2569 : i32 to vector<16xi32>
          %shift_left3A_2571 = arith.shli %gather3A_2568, %shift_left3A_2570 : vector<16xi32>
          %bitcast3A_2572 = vector.bitcast %shift_left3A_2571 : vector<16xi32> to vector<16xf32>
          %and3A_2573 = arith.constant -65536 : i32
          %and3A_2574 = vector.broadcast %and3A_2573 : i32 to vector<16xi32>
          %and3A_2575 = arith.andi %gather3A_2568, %and3A_2574 : vector<16xi32>
          %bitcast3A_2576 = vector.bitcast %and3A_2575 : vector<16xi32> to vector<16xf32>
          %mul3A_2577 = arith.mulf %select_n3A_2436, %bitcast3A_2572 : vector<16xf32>
          %add3A_2578 = arith.addf %add3A_2316, %mul3A_2577 : vector<16xf32>
          %mul3A_2579 = arith.mulf %select_n3A_2436, %bitcast3A_2576 : vector<16xf32>
          %add3A_2580 = arith.addf %add3A_2318, %mul3A_2579 : vector<16xf32>
          %add3A_2581 = arith.constant 46080 : i32
          %add3A_2582 = vector.broadcast %add3A_2581 : i32 to vector<16xi32>
          %add3A_2583 = arith.addi %add3A_2431, %add3A_2582 : vector<16xi32>
          %gather3A_2584 = tpu.vector_load_idx %arg5[%add3A_2583] : memref<81920xi32, #tpu.memory_space<vmem>>[vector<16xi32>], vector<16xi32>,
          %shift_left3A_2585 = arith.constant 16 : i32
          %shift_left3A_2586 = vector.broadcast %shift_left3A_2585 : i32 to vector<16xi32>
          %shift_left3A_2587 = arith.shli %gather3A_2584, %shift_left3A_2586 : vector<16xi32>
          %bitcast3A_2588 = vector.bitcast %shift_left3A_2587 : vector<16xi32> to vector<16xf32>
          %and3A_2589 = arith.constant -65536 : i32
          %and3A_2590 = vector.broadcast %and3A_2589 : i32 to vector<16xi32>
          %and3A_2591 = arith.andi %gather3A_2584, %and3A_2590 : vector<16xi32>
          %bitcast3A_2592 = vector.bitcast %and3A_2591 : vector<16xi32> to vector<16xf32>
          %mul3A_2593 = arith.mulf %select_n3A_2436, %bitcast3A_2588 : vector<16xf32>
          %add3A_2594 = arith.addf %add3A_2332, %mul3A_2593 : vector<16xf32>
          %mul3A_2595 = arith.mulf %select_n3A_2436, %bitcast3A_2592 : vector<16xf32>
          %add3A_2596 = arith.addf %add3A_2334, %mul3A_2595 : vector<16xf32>
          %add3A_2597 = arith.constant 51200 : i32
          %add3A_2598 = vector.broadcast %add3A_2597 : i32 to vector<16xi32>
          %add3A_2599 = arith.addi %add3A_2431, %add3A_2598 : vector<16xi32>
          %gather3A_2600 = tpu.vector_load_idx %arg5[%add3A_2599] : memref<81920xi32, #tpu.memory_space<vmem>>[vector<16xi32>], vector<16xi32>,
          %shift_left3A_2601 = arith.constant 16 : i32
          %shift_left3A_2602 = vector.broadcast %shift_left3A_2601 : i32 to vector<16xi32>
          %shift_left3A_2603 = arith.shli %gather3A_2600, %shift_left3A_2602 : vector<16xi32>
          %bitcast3A_2604 = vector.bitcast %shift_left3A_2603 : vector<16xi32> to vector<16xf32>
          %and3A_2605 = arith.constant -65536 : i32
          %and3A_2606 = vector.broadcast %and3A_2605 : i32 to vector<16xi32>
          %and3A_2607 = arith.andi %gather3A_2600, %and3A_2606 : vector<16xi32>
          %bitcast3A_2608 = vector.bitcast %and3A_2607 : vector<16xi32> to vector<16xf32>
          %mul3A_2609 = arith.mulf %select_n3A_2436, %bitcast3A_2604 : vector<16xf32>
          %add3A_2610 = arith.addf %add3A_2348, %mul3A_2609 : vector<16xf32>
          %mul3A_2611 = arith.mulf %select_n3A_2436, %bitcast3A_2608 : vector<16xf32>
          %add3A_2612 = arith.addf %add3A_2350, %mul3A_2611 : vector<16xf32>
          %add3A_2613 = arith.constant 56320 : i32
          %add3A_2614 = vector.broadcast %add3A_2613 : i32 to vector<16xi32>
          %add3A_2615 = arith.addi %add3A_2431, %add3A_2614 : vector<16xi32>
          %gather3A_2616 = tpu.vector_load_idx %arg5[%add3A_2615] : memref<81920xi32, #tpu.memory_space<vmem>>[vector<16xi32>], vector<16xi32>,
          %shift_left3A_2617 = arith.constant 16 : i32
          %shift_left3A_2618 = vector.broadcast %shift_left3A_2617 : i32 to vector<16xi32>
          %shift_left3A_2619 = arith.shli %gather3A_2616, %shift_left3A_2618 : vector<16xi32>
          %bitcast3A_2620 = vector.bitcast %shift_left3A_2619 : vector<16xi32> to vector<16xf32>
          %and3A_2621 = arith.constant -65536 : i32
          %and3A_2622 = vector.broadcast %and3A_2621 : i32 to vector<16xi32>
          %and3A_2623 = arith.andi %gather3A_2616, %and3A_2622 : vector<16xi32>
          %bitcast3A_2624 = vector.bitcast %and3A_2623 : vector<16xi32> to vector<16xf32>
          %mul3A_2625 = arith.mulf %select_n3A_2436, %bitcast3A_2620 : vector<16xf32>
          %add3A_2626 = arith.addf %add3A_2364, %mul3A_2625 : vector<16xf32>
          %mul3A_2627 = arith.mulf %select_n3A_2436, %bitcast3A_2624 : vector<16xf32>
          %add3A_2628 = arith.addf %add3A_2366, %mul3A_2627 : vector<16xf32>
          %add3A_2629 = arith.constant 61440 : i32
          %add3A_2630 = vector.broadcast %add3A_2629 : i32 to vector<16xi32>
          %add3A_2631 = arith.addi %add3A_2431, %add3A_2630 : vector<16xi32>
          %gather3A_2632 = tpu.vector_load_idx %arg5[%add3A_2631] : memref<81920xi32, #tpu.memory_space<vmem>>[vector<16xi32>], vector<16xi32>,
          %shift_left3A_2633 = arith.constant 16 : i32
          %shift_left3A_2634 = vector.broadcast %shift_left3A_2633 : i32 to vector<16xi32>
          %shift_left3A_2635 = arith.shli %gather3A_2632, %shift_left3A_2634 : vector<16xi32>
          %bitcast3A_2636 = vector.bitcast %shift_left3A_2635 : vector<16xi32> to vector<16xf32>
          %and3A_2637 = arith.constant -65536 : i32
          %and3A_2638 = vector.broadcast %and3A_2637 : i32 to vector<16xi32>
          %and3A_2639 = arith.andi %gather3A_2632, %and3A_2638 : vector<16xi32>
          %bitcast3A_2640 = vector.bitcast %and3A_2639 : vector<16xi32> to vector<16xf32>
          %mul3A_2641 = arith.mulf %select_n3A_2436, %bitcast3A_2636 : vector<16xf32>
          %add3A_2642 = arith.addf %add3A_2380, %mul3A_2641 : vector<16xf32>
          %mul3A_2643 = arith.mulf %select_n3A_2436, %bitcast3A_2640 : vector<16xf32>
          %add3A_2644 = arith.addf %add3A_2382, %mul3A_2643 : vector<16xf32>
          %add3A_2645 = arith.constant 66560 : i32
          %add3A_2646 = vector.broadcast %add3A_2645 : i32 to vector<16xi32>
          %add3A_2647 = arith.addi %add3A_2431, %add3A_2646 : vector<16xi32>
          %gather3A_2648 = tpu.vector_load_idx %arg5[%add3A_2647] : memref<81920xi32, #tpu.memory_space<vmem>>[vector<16xi32>], vector<16xi32>,
          %shift_left3A_2649 = arith.constant 16 : i32
          %shift_left3A_2650 = vector.broadcast %shift_left3A_2649 : i32 to vector<16xi32>
          %shift_left3A_2651 = arith.shli %gather3A_2648, %shift_left3A_2650 : vector<16xi32>
          %bitcast3A_2652 = vector.bitcast %shift_left3A_2651 : vector<16xi32> to vector<16xf32>
          %and3A_2653 = arith.constant -65536 : i32
          %and3A_2654 = vector.broadcast %and3A_2653 : i32 to vector<16xi32>
          %and3A_2655 = arith.andi %gather3A_2648, %and3A_2654 : vector<16xi32>
          %bitcast3A_2656 = vector.bitcast %and3A_2655 : vector<16xi32> to vector<16xf32>
          %mul3A_2657 = arith.mulf %select_n3A_2436, %bitcast3A_2652 : vector<16xf32>
          %add3A_2658 = arith.addf %add3A_2396, %mul3A_2657 : vector<16xf32>
          %mul3A_2659 = arith.mulf %select_n3A_2436, %bitcast3A_2656 : vector<16xf32>
          %add3A_2660 = arith.addf %add3A_2398, %mul3A_2659 : vector<16xf32>
          %add3A_2661 = arith.constant 71680 : i32
          %add3A_2662 = vector.broadcast %add3A_2661 : i32 to vector<16xi32>
          %add3A_2663 = arith.addi %add3A_2431, %add3A_2662 : vector<16xi32>
          %gather3A_2664 = tpu.vector_load_idx %arg5[%add3A_2663] : memref<81920xi32, #tpu.memory_space<vmem>>[vector<16xi32>], vector<16xi32>,
          %shift_left3A_2665 = arith.constant 16 : i32
          %shift_left3A_2666 = vector.broadcast %shift_left3A_2665 : i32 to vector<16xi32>
          %shift_left3A_2667 = arith.shli %gather3A_2664, %shift_left3A_2666 : vector<16xi32>
          %bitcast3A_2668 = vector.bitcast %shift_left3A_2667 : vector<16xi32> to vector<16xf32>
          %and3A_2669 = arith.constant -65536 : i32
          %and3A_2670 = vector.broadcast %and3A_2669 : i32 to vector<16xi32>
          %and3A_2671 = arith.andi %gather3A_2664, %and3A_2670 : vector<16xi32>
          %bitcast3A_2672 = vector.bitcast %and3A_2671 : vector<16xi32> to vector<16xf32>
          %mul3A_2673 = arith.mulf %select_n3A_2436, %bitcast3A_2668 : vector<16xf32>
          %add3A_2674 = arith.addf %add3A_2412, %mul3A_2673 : vector<16xf32>
          %mul3A_2675 = arith.mulf %select_n3A_2436, %bitcast3A_2672 : vector<16xf32>
          %add3A_2676 = arith.addf %add3A_2414, %mul3A_2675 : vector<16xf32>
          %add3A_2677 = arith.constant 76800 : i32
          %add3A_2678 = vector.broadcast %add3A_2677 : i32 to vector<16xi32>
          %add3A_2679 = arith.addi %add3A_2431, %add3A_2678 : vector<16xi32>
          %gather3A_2680 = tpu.vector_load_idx %arg5[%add3A_2679] : memref<81920xi32, #tpu.memory_space<vmem>>[vector<16xi32>], vector<16xi32>,
          %shift_left3A_2681 = arith.constant 16 : i32
          %shift_left3A_2682 = vector.broadcast %shift_left3A_2681 : i32 to vector<16xi32>
          %shift_left3A_2683 = arith.shli %gather3A_2680, %shift_left3A_2682 : vector<16xi32>
          %bitcast3A_2684 = vector.bitcast %shift_left3A_2683 : vector<16xi32> to vector<16xf32>
          %and3A_2685 = arith.constant -65536 : i32
          %and3A_2686 = vector.broadcast %and3A_2685 : i32 to vector<16xi32>
          %and3A_2687 = arith.andi %gather3A_2680, %and3A_2686 : vector<16xi32>
          %bitcast3A_2688 = vector.bitcast %and3A_2687 : vector<16xi32> to vector<16xf32>
          %mul3A_2689 = arith.mulf %select_n3A_2436, %bitcast3A_2684 : vector<16xf32>
          %add3A_2690 = arith.addf %add3A_2428, %mul3A_2689 : vector<16xf32>
          %mul3A_2691 = arith.mulf %select_n3A_2436, %bitcast3A_2688 : vector<16xf32>
          %add3A_2692 = arith.addf %add3A_2430, %mul3A_2691 : vector<16xf32>
          scf.yield %add3A_2450, %add3A_2452, %add3A_2466, %add3A_2468, %add3A_2482, %add3A_2484, %add3A_2498, %add3A_2500, %add3A_2514, %add3A_2516, %add3A_2530, %add3A_2532, %add3A_2546, %add3A_2548, %add3A_2562, %add3A_2564, %add3A_2578, %add3A_2580, %add3A_2594, %add3A_2596, %add3A_2610, %add3A_2612, %add3A_2626, %add3A_2628, %add3A_2642, %add3A_2644, %add3A_2658, %add3A_2660, %add3A_2674, %add3A_2676, %add3A_2690, %add3A_2692 : vector<16xf32>, vector<16xf32>, vector<16xf32>, vector<16xf32>, vector<16xf32>, vector<16xf32>, vector<16xf32>, vector<16xf32>, vector<16xf32>, vector<16xf32>, vector<16xf32>, vector<16xf32>, vector<16xf32>, vector<16xf32>, vector<16xf32>, vector<16xf32>, vector<16xf32>, vector<16xf32>, vector<16xf32>, vector<16xf32>, vector<16xf32>, vector<16xf32>, vector<16xf32>, vector<16xf32>, vector<16xf32>, vector<16xf32>, vector<16xf32>, vector<16xf32>, vector<16xf32>, vector<16xf32>, vector<16xf32>, vector<16xf32>
        }
        %scan3A_236 = arith.constant 12 : i32
        %swap3A_237 = arith.constant 0 : i32
        %swap3A_238 = arith.index_cast %swap3A_237 : i32 to index
        %swap3A_239 = arith.index_cast %mul3A_52 : i32 to index
        %swap3A_240 = tpu.vector_load %arg8[%swap3A_238, %swap3A_239] {strides = array<i32>} : memref<32x256xf32, #tpu.memory_space<vmem>>, vector<16xf32>,
        tpu.vector_store %arg8[%swap3A_238, %swap3A_239], %scan3A_235#0 {strides = array<i32>} : memref<32x256xf32, #tpu.memory_space<vmem>>, vector<16xf32>,
        %swap3A_241 = arith.constant 1 : i32
        %swap3A_242 = arith.index_cast %swap3A_241 : i32 to index
        %swap3A_243 = arith.index_cast %mul3A_52 : i32 to index
        %swap3A_244 = tpu.vector_load %arg8[%swap3A_242, %swap3A_243] {strides = array<i32>} : memref<32x256xf32, #tpu.memory_space<vmem>>, vector<16xf32>,
        tpu.vector_store %arg8[%swap3A_242, %swap3A_243], %scan3A_235#1 {strides = array<i32>} : memref<32x256xf32, #tpu.memory_space<vmem>>, vector<16xf32>,
        %swap3A_245 = arith.constant 2 : i32
        %swap3A_246 = arith.index_cast %swap3A_245 : i32 to index
        %swap3A_247 = arith.index_cast %mul3A_52 : i32 to index
        %swap3A_248 = tpu.vector_load %arg8[%swap3A_246, %swap3A_247] {strides = array<i32>} : memref<32x256xf32, #tpu.memory_space<vmem>>, vector<16xf32>,
        tpu.vector_store %arg8[%swap3A_246, %swap3A_247], %scan3A_235#2 {strides = array<i32>} : memref<32x256xf32, #tpu.memory_space<vmem>>, vector<16xf32>,
        %swap3A_249 = arith.constant 3 : i32
        %swap3A_250 = arith.index_cast %swap3A_249 : i32 to index
        %swap3A_251 = arith.index_cast %mul3A_52 : i32 to index
        %swap3A_252 = tpu.vector_load %arg8[%swap3A_250, %swap3A_251] {strides = array<i32>} : memref<32x256xf32, #tpu.memory_space<vmem>>, vector<16xf32>,
        tpu.vector_store %arg8[%swap3A_250, %swap3A_251], %scan3A_235#3 {strides = array<i32>} : memref<32x256xf32, #tpu.memory_space<vmem>>, vector<16xf32>,
        %swap3A_253 = arith.constant 4 : i32
        %swap3A_254 = arith.index_cast %swap3A_253 : i32 to index
        %swap3A_255 = arith.index_cast %mul3A_52 : i32 to index
        %swap3A_256 = tpu.vector_load %arg8[%swap3A_254, %swap3A_255] {strides = array<i32>} : memref<32x256xf32, #tpu.memory_space<vmem>>, vector<16xf32>,
        tpu.vector_store %arg8[%swap3A_254, %swap3A_255], %scan3A_235#4 {strides = array<i32>} : memref<32x256xf32, #tpu.memory_space<vmem>>, vector<16xf32>,
        %swap3A_257 = arith.constant 5 : i32
        %swap3A_258 = arith.index_cast %swap3A_257 : i32 to index
        %swap3A_259 = arith.index_cast %mul3A_52 : i32 to index
        %swap3A_260 = tpu.vector_load %arg8[%swap3A_258, %swap3A_259] {strides = array<i32>} : memref<32x256xf32, #tpu.memory_space<vmem>>, vector<16xf32>,
        tpu.vector_store %arg8[%swap3A_258, %swap3A_259], %scan3A_235#5 {strides = array<i32>} : memref<32x256xf32, #tpu.memory_space<vmem>>, vector<16xf32>,
        %swap3A_261 = arith.constant 6 : i32
        %swap3A_262 = arith.index_cast %swap3A_261 : i32 to index
        %swap3A_263 = arith.index_cast %mul3A_52 : i32 to index
        %swap3A_264 = tpu.vector_load %arg8[%swap3A_262, %swap3A_263] {strides = array<i32>} : memref<32x256xf32, #tpu.memory_space<vmem>>, vector<16xf32>,
        tpu.vector_store %arg8[%swap3A_262, %swap3A_263], %scan3A_235#6 {strides = array<i32>} : memref<32x256xf32, #tpu.memory_space<vmem>>, vector<16xf32>,
        %swap3A_265 = arith.constant 7 : i32
        %swap3A_266 = arith.index_cast %swap3A_265 : i32 to index
        %swap3A_267 = arith.index_cast %mul3A_52 : i32 to index
        %swap3A_268 = tpu.vector_load %arg8[%swap3A_266, %swap3A_267] {strides = array<i32>} : memref<32x256xf32, #tpu.memory_space<vmem>>, vector<16xf32>,
        tpu.vector_store %arg8[%swap3A_266, %swap3A_267], %scan3A_235#7 {strides = array<i32>} : memref<32x256xf32, #tpu.memory_space<vmem>>, vector<16xf32>,
        %swap3A_269 = arith.constant 8 : i32
        %swap3A_270 = arith.index_cast %swap3A_269 : i32 to index
        %swap3A_271 = arith.index_cast %mul3A_52 : i32 to index
        %swap3A_272 = tpu.vector_load %arg8[%swap3A_270, %swap3A_271] {strides = array<i32>} : memref<32x256xf32, #tpu.memory_space<vmem>>, vector<16xf32>,
        tpu.vector_store %arg8[%swap3A_270, %swap3A_271], %scan3A_235#8 {strides = array<i32>} : memref<32x256xf32, #tpu.memory_space<vmem>>, vector<16xf32>,
        %swap3A_273 = arith.constant 9 : i32
        %swap3A_274 = arith.index_cast %swap3A_273 : i32 to index
        %swap3A_275 = arith.index_cast %mul3A_52 : i32 to index
        %swap3A_276 = tpu.vector_load %arg8[%swap3A_274, %swap3A_275] {strides = array<i32>} : memref<32x256xf32, #tpu.memory_space<vmem>>, vector<16xf32>,
        tpu.vector_store %arg8[%swap3A_274, %swap3A_275], %scan3A_235#9 {strides = array<i32>} : memref<32x256xf32, #tpu.memory_space<vmem>>, vector<16xf32>,
        %swap3A_277 = arith.constant 10 : i32
        %swap3A_278 = arith.index_cast %swap3A_277 : i32 to index
        %swap3A_279 = arith.index_cast %mul3A_52 : i32 to index
        %swap3A_280 = tpu.vector_load %arg8[%swap3A_278, %swap3A_279] {strides = array<i32>} : memref<32x256xf32, #tpu.memory_space<vmem>>, vector<16xf32>,
        tpu.vector_store %arg8[%swap3A_278, %swap3A_279], %scan3A_235#10 {strides = array<i32>} : memref<32x256xf32, #tpu.memory_space<vmem>>, vector<16xf32>,
        %swap3A_281 = arith.constant 11 : i32
        %swap3A_282 = arith.index_cast %swap3A_281 : i32 to index
        %swap3A_283 = arith.index_cast %mul3A_52 : i32 to index
        %swap3A_284 = tpu.vector_load %arg8[%swap3A_282, %swap3A_283] {strides = array<i32>} : memref<32x256xf32, #tpu.memory_space<vmem>>, vector<16xf32>,
        tpu.vector_store %arg8[%swap3A_282, %swap3A_283], %scan3A_235#11 {strides = array<i32>} : memref<32x256xf32, #tpu.memory_space<vmem>>, vector<16xf32>,
        %swap3A_285 = arith.constant 12 : i32
        %swap3A_286 = arith.index_cast %swap3A_285 : i32 to index
        %swap3A_287 = arith.index_cast %mul3A_52 : i32 to index
        %swap3A_288 = tpu.vector_load %arg8[%swap3A_286, %swap3A_287] {strides = array<i32>} : memref<32x256xf32, #tpu.memory_space<vmem>>, vector<16xf32>,
        tpu.vector_store %arg8[%swap3A_286, %swap3A_287], %scan3A_235#12 {strides = array<i32>} : memref<32x256xf32, #tpu.memory_space<vmem>>, vector<16xf32>,
        %swap3A_289 = arith.constant 13 : i32
        %swap3A_290 = arith.index_cast %swap3A_289 : i32 to index
        %swap3A_291 = arith.index_cast %mul3A_52 : i32 to index
        %swap3A_292 = tpu.vector_load %arg8[%swap3A_290, %swap3A_291] {strides = array<i32>} : memref<32x256xf32, #tpu.memory_space<vmem>>, vector<16xf32>,
        tpu.vector_store %arg8[%swap3A_290, %swap3A_291], %scan3A_235#13 {strides = array<i32>} : memref<32x256xf32, #tpu.memory_space<vmem>>, vector<16xf32>,
        %swap3A_293 = arith.constant 14 : i32
        %swap3A_294 = arith.index_cast %swap3A_293 : i32 to index
        %swap3A_295 = arith.index_cast %mul3A_52 : i32 to index
        %swap3A_296 = tpu.vector_load %arg8[%swap3A_294, %swap3A_295] {strides = array<i32>} : memref<32x256xf32, #tpu.memory_space<vmem>>, vector<16xf32>,
        tpu.vector_store %arg8[%swap3A_294, %swap3A_295], %scan3A_235#14 {strides = array<i32>} : memref<32x256xf32, #tpu.memory_space<vmem>>, vector<16xf32>,
        %swap3A_297 = arith.constant 15 : i32
        %swap3A_298 = arith.index_cast %swap3A_297 : i32 to index
        %swap3A_299 = arith.index_cast %mul3A_52 : i32 to index
        %swap3A_300 = tpu.vector_load %arg8[%swap3A_298, %swap3A_299] {strides = array<i32>} : memref<32x256xf32, #tpu.memory_space<vmem>>, vector<16xf32>,
        tpu.vector_store %arg8[%swap3A_298, %swap3A_299], %scan3A_235#15 {strides = array<i32>} : memref<32x256xf32, #tpu.memory_space<vmem>>, vector<16xf32>,
        %swap3A_301 = arith.constant 16 : i32
        %swap3A_302 = arith.index_cast %swap3A_301 : i32 to index
        %swap3A_303 = arith.index_cast %mul3A_52 : i32 to index
        %swap3A_304 = tpu.vector_load %arg8[%swap3A_302, %swap3A_303] {strides = array<i32>} : memref<32x256xf32, #tpu.memory_space<vmem>>, vector<16xf32>,
        tpu.vector_store %arg8[%swap3A_302, %swap3A_303], %scan3A_235#16 {strides = array<i32>} : memref<32x256xf32, #tpu.memory_space<vmem>>, vector<16xf32>,
        %swap3A_305 = arith.constant 17 : i32
        %swap3A_306 = arith.index_cast %swap3A_305 : i32 to index
        %swap3A_307 = arith.index_cast %mul3A_52 : i32 to index
        %swap3A_308 = tpu.vector_load %arg8[%swap3A_306, %swap3A_307] {strides = array<i32>} : memref<32x256xf32, #tpu.memory_space<vmem>>, vector<16xf32>,
        tpu.vector_store %arg8[%swap3A_306, %swap3A_307], %scan3A_235#17 {strides = array<i32>} : memref<32x256xf32, #tpu.memory_space<vmem>>, vector<16xf32>,
        %swap3A_309 = arith.constant 18 : i32
        %swap3A_310 = arith.index_cast %swap3A_309 : i32 to index
        %swap3A_311 = arith.index_cast %mul3A_52 : i32 to index
        %swap3A_312 = tpu.vector_load %arg8[%swap3A_310, %swap3A_311] {strides = array<i32>} : memref<32x256xf32, #tpu.memory_space<vmem>>, vector<16xf32>,
        tpu.vector_store %arg8[%swap3A_310, %swap3A_311], %scan3A_235#18 {strides = array<i32>} : memref<32x256xf32, #tpu.memory_space<vmem>>, vector<16xf32>,
        %swap3A_313 = arith.constant 19 : i32
        %swap3A_314 = arith.index_cast %swap3A_313 : i32 to index
        %swap3A_315 = arith.index_cast %mul3A_52 : i32 to index
        %swap3A_316 = tpu.vector_load %arg8[%swap3A_314, %swap3A_315] {strides = array<i32>} : memref<32x256xf32, #tpu.memory_space<vmem>>, vector<16xf32>,
        tpu.vector_store %arg8[%swap3A_314, %swap3A_315], %scan3A_235#19 {strides = array<i32>} : memref<32x256xf32, #tpu.memory_space<vmem>>, vector<16xf32>,
        %swap3A_317 = arith.constant 20 : i32
        %swap3A_318 = arith.index_cast %swap3A_317 : i32 to index
        %swap3A_319 = arith.index_cast %mul3A_52 : i32 to index
        %swap3A_320 = tpu.vector_load %arg8[%swap3A_318, %swap3A_319] {strides = array<i32>} : memref<32x256xf32, #tpu.memory_space<vmem>>, vector<16xf32>,
        tpu.vector_store %arg8[%swap3A_318, %swap3A_319], %scan3A_235#20 {strides = array<i32>} : memref<32x256xf32, #tpu.memory_space<vmem>>, vector<16xf32>,
        %swap3A_321 = arith.constant 21 : i32
        %swap3A_322 = arith.index_cast %swap3A_321 : i32 to index
        %swap3A_323 = arith.index_cast %mul3A_52 : i32 to index
        %swap3A_324 = tpu.vector_load %arg8[%swap3A_322, %swap3A_323] {strides = array<i32>} : memref<32x256xf32, #tpu.memory_space<vmem>>, vector<16xf32>,
        tpu.vector_store %arg8[%swap3A_322, %swap3A_323], %scan3A_235#21 {strides = array<i32>} : memref<32x256xf32, #tpu.memory_space<vmem>>, vector<16xf32>,
        %swap3A_325 = arith.constant 22 : i32
        %swap3A_326 = arith.index_cast %swap3A_325 : i32 to index
        %swap3A_327 = arith.index_cast %mul3A_52 : i32 to index
        %swap3A_328 = tpu.vector_load %arg8[%swap3A_326, %swap3A_327] {strides = array<i32>} : memref<32x256xf32, #tpu.memory_space<vmem>>, vector<16xf32>,
        tpu.vector_store %arg8[%swap3A_326, %swap3A_327], %scan3A_235#22 {strides = array<i32>} : memref<32x256xf32, #tpu.memory_space<vmem>>, vector<16xf32>,
        %swap3A_329 = arith.constant 23 : i32
        %swap3A_330 = arith.index_cast %swap3A_329 : i32 to index
        %swap3A_331 = arith.index_cast %mul3A_52 : i32 to index
        %swap3A_332 = tpu.vector_load %arg8[%swap3A_330, %swap3A_331] {strides = array<i32>} : memref<32x256xf32, #tpu.memory_space<vmem>>, vector<16xf32>,
        tpu.vector_store %arg8[%swap3A_330, %swap3A_331], %scan3A_235#23 {strides = array<i32>} : memref<32x256xf32, #tpu.memory_space<vmem>>, vector<16xf32>,
        %swap3A_333 = arith.constant 24 : i32
        %swap3A_334 = arith.index_cast %swap3A_333 : i32 to index
        %swap3A_335 = arith.index_cast %mul3A_52 : i32 to index
        %swap3A_336 = tpu.vector_load %arg8[%swap3A_334, %swap3A_335] {strides = array<i32>} : memref<32x256xf32, #tpu.memory_space<vmem>>, vector<16xf32>,
        tpu.vector_store %arg8[%swap3A_334, %swap3A_335], %scan3A_235#24 {strides = array<i32>} : memref<32x256xf32, #tpu.memory_space<vmem>>, vector<16xf32>,
        %swap3A_337 = arith.constant 25 : i32
        %swap3A_338 = arith.index_cast %swap3A_337 : i32 to index
        %swap3A_339 = arith.index_cast %mul3A_52 : i32 to index
        %swap3A_340 = tpu.vector_load %arg8[%swap3A_338, %swap3A_339] {strides = array<i32>} : memref<32x256xf32, #tpu.memory_space<vmem>>, vector<16xf32>,
        tpu.vector_store %arg8[%swap3A_338, %swap3A_339], %scan3A_235#25 {strides = array<i32>} : memref<32x256xf32, #tpu.memory_space<vmem>>, vector<16xf32>,
        %swap3A_341 = arith.constant 26 : i32
        %swap3A_342 = arith.index_cast %swap3A_341 : i32 to index
        %swap3A_343 = arith.index_cast %mul3A_52 : i32 to index
        %swap3A_344 = tpu.vector_load %arg8[%swap3A_342, %swap3A_343] {strides = array<i32>} : memref<32x256xf32, #tpu.memory_space<vmem>>, vector<16xf32>,
        tpu.vector_store %arg8[%swap3A_342, %swap3A_343], %scan3A_235#26 {strides = array<i32>} : memref<32x256xf32, #tpu.memory_space<vmem>>, vector<16xf32>,
        %swap3A_345 = arith.constant 27 : i32
        %swap3A_346 = arith.index_cast %swap3A_345 : i32 to index
        %swap3A_347 = arith.index_cast %mul3A_52 : i32 to index
        %swap3A_348 = tpu.vector_load %arg8[%swap3A_346, %swap3A_347] {strides = array<i32>} : memref<32x256xf32, #tpu.memory_space<vmem>>, vector<16xf32>,
        tpu.vector_store %arg8[%swap3A_346, %swap3A_347], %scan3A_235#27 {strides = array<i32>} : memref<32x256xf32, #tpu.memory_space<vmem>>, vector<16xf32>,
        %swap3A_349 = arith.constant 28 : i32
        %swap3A_350 = arith.index_cast %swap3A_349 : i32 to index
        %swap3A_351 = arith.index_cast %mul3A_52 : i32 to index
        %swap3A_352 = tpu.vector_load %arg8[%swap3A_350, %swap3A_351] {strides = array<i32>} : memref<32x256xf32, #tpu.memory_space<vmem>>, vector<16xf32>,
        tpu.vector_store %arg8[%swap3A_350, %swap3A_351], %scan3A_235#28 {strides = array<i32>} : memref<32x256xf32, #tpu.memory_space<vmem>>, vector<16xf32>,
        %swap3A_353 = arith.constant 29 : i32
        %swap3A_354 = arith.index_cast %swap3A_353 : i32 to index
        %swap3A_355 = arith.index_cast %mul3A_52 : i32 to index
        %swap3A_356 = tpu.vector_load %arg8[%swap3A_354, %swap3A_355] {strides = array<i32>} : memref<32x256xf32, #tpu.memory_space<vmem>>, vector<16xf32>,
        tpu.vector_store %arg8[%swap3A_354, %swap3A_355], %scan3A_235#29 {strides = array<i32>} : memref<32x256xf32, #tpu.memory_space<vmem>>, vector<16xf32>,
        %swap3A_357 = arith.constant 30 : i32
        %swap3A_358 = arith.index_cast %swap3A_357 : i32 to index
        %swap3A_359 = arith.index_cast %mul3A_52 : i32 to index
        %swap3A_360 = tpu.vector_load %arg8[%swap3A_358, %swap3A_359] {strides = array<i32>} : memref<32x256xf32, #tpu.memory_space<vmem>>, vector<16xf32>,
        tpu.vector_store %arg8[%swap3A_358, %swap3A_359], %scan3A_235#30 {strides = array<i32>} : memref<32x256xf32, #tpu.memory_space<vmem>>, vector<16xf32>,
        %swap3A_361 = arith.constant 31 : i32
        %swap3A_362 = arith.index_cast %swap3A_361 : i32 to index
        %swap3A_363 = arith.index_cast %mul3A_52 : i32 to index
        %swap3A_364 = tpu.vector_load %arg8[%swap3A_362, %swap3A_363] {strides = array<i32>} : memref<32x256xf32, #tpu.memory_space<vmem>>, vector<16xf32>,
        tpu.vector_store %arg8[%swap3A_362, %swap3A_363], %scan3A_235#31 {strides = array<i32>} : memref<32x256xf32, #tpu.memory_space<vmem>>, vector<16xf32>,
      }
      %scan3A_49 = arith.constant 16 : i32
      "tpu.region"() ({
        %run_scoped3A = tpu.sem_alloc : memref<!tpu.dma_semaphore, #tpu.memory_space<semaphore_mem>>
        %dma_start3A = arith.constant 0 : i32
        %dma_start3A_50 = arith.constant 0 : i32
        %dma_start3A_51 = tpu.memref_slice %arg4[%select_n3A, %select_n3A_41, %dma_start3A, %dma_start3A_50] : memref<72x4x32x256xf32, #tpu.memory_space<hbm>> -> memref<1x1x32x256xf32, #tpu.memory_space<hbm>>
        %dma_start3A_52 = tpu.memref_squeeze %dma_start3A_51 : memref<1x1x32x256xf32, #tpu.memory_space<hbm>> -> memref<32x256xf32, #tpu.memory_space<hbm>>
        %dma_start3A_53 = arith.constant 0 : i32
        %dma_start3A_54 = arith.constant 0 : i32
        %dma_start3A_55 = tpu.memref_slice %arg4[%select_n3A, %select_n3A_41, %dma_start3A_53, %dma_start3A_54] : memref<72x4x32x256xf32, #tpu.memory_space<hbm>> -> memref<1x1x32x256xf32, #tpu.memory_space<hbm>>
        %dma_start3A_56 = tpu.memref_squeeze %dma_start3A_55 : memref<1x1x32x256xf32, #tpu.memory_space<hbm>> -> memref<32x256xf32, #tpu.memory_space<hbm>>
        tpu.enqueue_dma source(%arg8 : memref<32x256xf32, #tpu.memory_space<vmem>>) target(%dma_start3A_56 : memref<32x256xf32, #tpu.memory_space<hbm>>) target_semaphore(%run_scoped3A : memref<!tpu.dma_semaphore, #tpu.memory_space<semaphore_mem>>)
        %dma_wait3A = arith.constant 0 : i32
        %dma_wait3A_57 = arith.constant 0 : i32
        %dma_wait3A_58 = tpu.memref_slice %arg4[%select_n3A, %select_n3A_41, %dma_wait3A, %dma_wait3A_57] : memref<72x4x32x256xf32, #tpu.memory_space<hbm>> -> memref<1x1x32x256xf32, #tpu.memory_space<hbm>>
        %dma_wait3A_59 = tpu.memref_squeeze %dma_wait3A_58 : memref<1x1x32x256xf32, #tpu.memory_space<hbm>> -> memref<32x256xf32, #tpu.memory_space<hbm>>
        %dma_wait3A_60 = arith.constant 0 : i32
        %dma_wait3A_61 = arith.constant 0 : i32
        %dma_wait3A_62 = tpu.memref_slice %arg4[%select_n3A, %select_n3A_41, %dma_wait3A_60, %dma_wait3A_61] : memref<72x4x32x256xf32, #tpu.memory_space<hbm>> -> memref<1x1x32x256xf32, #tpu.memory_space<hbm>>
        %dma_wait3A_63 = tpu.memref_squeeze %dma_wait3A_62 : memref<1x1x32x256xf32, #tpu.memory_space<hbm>> -> memref<32x256xf32, #tpu.memory_space<hbm>>
        tpu.wait_dma2 semaphore(%run_scoped3A : memref<!tpu.dma_semaphore, #tpu.memory_space<semaphore_mem>>) src(%arg8 : memref<32x256xf32, #tpu.memory_space<vmem>>) dst(%dma_wait3A_63 : memref<32x256xf32, #tpu.memory_space<hbm>>)
        tpu.yield
      }) : () -> ()
      scf.yield %select_n3A : i32
    }
    %scan3A_8 = arith.constant 9 : i32
    return
  }
}

module attributes {stable_mosaic.version = 14 : i64} {
  func.func @body(%arg0: i32, %arg1: memref<2048x576xf32, #tpu.memory_space<vmem>>, %arg2: memref<576x576xf32, #tpu.memory_space<vmem>>, %arg3: memref<1x576xf32, #tpu.memory_space<vmem>>, %arg4: memref<2048x576xbf16, #tpu.memory_space<vmem>>) attributes {dimension_semantics = [#tpu.dimension_semantics<arbitrary>], iteration_bounds = array<i64: 10>, scalar_prefetch = 0 : i64, scratch_operands = 0 : i64, tpu.core_type = #tpu.core_type<tc>, window_params = [{transform_indices = @transform_0, window_bounds = array<i64: 2048, 576>}, {pipeline_mode = #tpu.pipeline_mode<synchronous>, transform_indices = @transform_1, window_bounds = array<i64: 576, 576>}, {pipeline_mode = #tpu.pipeline_mode<synchronous>, transform_indices = @transform_2, window_bounds = array<i64: 1, 576>}, {transform_indices = @transform_3, window_bounds = array<i64: 2048, 576>}]} {
    %get3A = arith.constant 0 : index
    %get3A_0 = arith.constant 0 : index
    %get3A_1 = vector.load %arg1[%get3A, %get3A_0] : memref<2048x576xf32, #tpu.memory_space<vmem>>, vector<2048x576xf32>
    %get3A_2 = arith.constant 0 : index
    %get3A_3 = arith.constant 0 : index
    %get3A_4 = vector.load %arg2[%get3A_2, %get3A_3] : memref<576x576xf32, #tpu.memory_space<vmem>>, vector<576x576xf32>
    %dot_general3A = arith.constant dense<0.000000e+00> : vector<2048x576xf32>
    %dot_general3A_5 = tpu.matmul %get3A_1, %get3A_4, %dot_general3A {dimension_numbers = #tpu.dot_dimension_numbers<[1], [0], [0], [1], [0, 0, 1, 1], [], []>, transpose_lhs_hint = false} : vector<2048x576xf32>, vector<576x576xf32>, vector<2048x576xf32> -> vector<2048x576xf32>
    %get3A_6 = arith.constant 0 : index
    %get3A_7 = arith.constant 0 : index
    %get3A_8 = vector.load %arg3[%get3A_6, %get3A_7] : memref<1x576xf32, #tpu.memory_space<vmem>>, vector<1x576xf32>
    %add3A = vector.broadcast %get3A_8 : vector<1x576xf32> to vector<2048x576xf32>
    %add3A_9 = arith.addf %dot_general3A_5, %add3A : vector<2048x576xf32>
    %convert_element_type3A = arith.truncf %add3A_9 : vector<2048x576xf32> to vector<2048x576xbf16>
    %swap3A = arith.constant 0 : index
    %swap3A_10 = arith.constant 0 : index
    %swap3A_11 = vector.load %arg4[%swap3A, %swap3A_10] : memref<2048x576xbf16, #tpu.memory_space<vmem>>, vector<2048x576xbf16>
    tpu.vector_store %arg4[%swap3A, %swap3A_10], %convert_element_type3A {strides = array<i32>} : memref<2048x576xbf16, #tpu.memory_space<vmem>>, vector<2048x576xbf16>,
    return
  }
  func.func @transform_0(%arg0: i32) -> (i32, i32) {
    %c0_i32 = arith.constant 0 : i32
    %c0_i32_0 = arith.constant 0 : i32
    return %arg0, %c0_i32 : i32, i32
  }
  func.func @transform_1(%arg0: i32) -> (i32, i32) {
    %c0_i32 = arith.constant 0 : i32
    %c0_i32_0 = arith.constant 0 : i32
    %c0_i32_1 = arith.constant 0 : i32
    return %c0_i32, %c0_i32_0 : i32, i32
  }
  func.func @transform_2(%arg0: i32) -> (i32, i32) {
    %c0_i32 = arith.constant 0 : i32
    %c0_i32_0 = arith.constant 0 : i32
    %c0_i32_1 = arith.constant 0 : i32
    return %c0_i32, %c0_i32_0 : i32, i32
  }
  func.func @transform_3(%arg0: i32) -> (i32, i32) {
    %c0_i32 = arith.constant 0 : i32
    %c0_i32_0 = arith.constant 0 : i32
    return %arg0, %c0_i32 : i32, i32
  }
}

module attributes {stable_mosaic.version = 14 : i64} {
  func.func @_add_mm_kernel(%arg0: i32, %arg1: memref<1024x576xf32, #tpu.memory_space<vmem>>, %arg2: memref<1024x576xf32, #tpu.memory_space<vmem>>, %arg3: memref<576x864xf32, #tpu.memory_space<vmem>>, %arg4: memref<1x864xf32, #tpu.memory_space<vmem>>, %arg5: memref<1024x864xf32, #tpu.memory_space<vmem>>) attributes {dimension_semantics = [#tpu.dimension_semantics<arbitrary>], iteration_bounds = array<i64: 4>, scalar_prefetch = 0 : i64, scratch_operands = 0 : i64, tpu.core_type = #tpu.core_type<tc>, window_params = [{transform_indices = @transform_0, window_bounds = array<i64: 1024, 576>}, {transform_indices = @transform_1, window_bounds = array<i64: 1024, 576>}, {pipeline_mode = #tpu.pipeline_mode<synchronous>, transform_indices = @transform_2, window_bounds = array<i64: 576, 864>}, {pipeline_mode = #tpu.pipeline_mode<synchronous>, transform_indices = @transform_3, window_bounds = array<i64: 1, 864>}, {transform_indices = @transform_4, window_bounds = array<i64: 1024, 864>}]} {
    %get3A = arith.constant 0 : index
    %get3A_0 = arith.constant 0 : index
    %get3A_1 = vector.load %arg1[%get3A, %get3A_0] : memref<1024x576xf32, #tpu.memory_space<vmem>>, vector<1024x576xf32>
    %get3A_2 = arith.constant 0 : index
    %get3A_3 = arith.constant 0 : index
    %get3A_4 = vector.load %arg2[%get3A_2, %get3A_3] : memref<1024x576xf32, #tpu.memory_space<vmem>>, vector<1024x576xf32>
    %add3A = arith.addf %get3A_1, %get3A_4 : vector<1024x576xf32>
    %get3A_5 = arith.constant 0 : index
    %get3A_6 = arith.constant 0 : index
    %get3A_7 = vector.load %arg3[%get3A_5, %get3A_6] : memref<576x864xf32, #tpu.memory_space<vmem>>, vector<576x864xf32>
    %dot_general3A = arith.constant dense<0.000000e+00> : vector<1024x864xf32>
    %dot_general3A_8 = tpu.matmul %add3A, %get3A_7, %dot_general3A {dimension_numbers = #tpu.dot_dimension_numbers<[1], [0], [0], [1], [0, 0, 1, 1], [], []>, transpose_lhs_hint = false} : vector<1024x576xf32>, vector<576x864xf32>, vector<1024x864xf32> -> vector<1024x864xf32>
    %get3A_9 = arith.constant 0 : index
    %get3A_10 = arith.constant 0 : index
    %get3A_11 = vector.load %arg4[%get3A_9, %get3A_10] : memref<1x864xf32, #tpu.memory_space<vmem>>, vector<1x864xf32>
    %add3A_12 = vector.broadcast %get3A_11 : vector<1x864xf32> to vector<1024x864xf32>
    %add3A_13 = arith.addf %dot_general3A_8, %add3A_12 : vector<1024x864xf32>
    %swap3A = arith.constant 0 : index
    %swap3A_14 = arith.constant 0 : index
    %swap3A_15 = vector.load %arg5[%swap3A, %swap3A_14] : memref<1024x864xf32, #tpu.memory_space<vmem>>, vector<1024x864xf32>
    tpu.vector_store %arg5[%swap3A, %swap3A_14], %add3A_13 {strides = array<i32>} : memref<1024x864xf32, #tpu.memory_space<vmem>>, vector<1024x864xf32>,
    return
  }
  func.func @transform_0(%arg0: i32) -> (i32, i32) {
    %c0_i32 = arith.constant 0 : i32
    %c0_i32_0 = arith.constant 0 : i32
    return %arg0, %c0_i32 : i32, i32
  }
  func.func @transform_1(%arg0: i32) -> (i32, i32) {
    %c0_i32 = arith.constant 0 : i32
    %c0_i32_0 = arith.constant 0 : i32
    return %arg0, %c0_i32 : i32, i32
  }
  func.func @transform_2(%arg0: i32) -> (i32, i32) {
    %c0_i32 = arith.constant 0 : i32
    %c0_i32_0 = arith.constant 0 : i32
    %c0_i32_1 = arith.constant 0 : i32
    return %c0_i32, %c0_i32_0 : i32, i32
  }
  func.func @transform_3(%arg0: i32) -> (i32, i32) {
    %c0_i32 = arith.constant 0 : i32
    %c0_i32_0 = arith.constant 0 : i32
    %c0_i32_1 = arith.constant 0 : i32
    return %c0_i32, %c0_i32_0 : i32, i32
  }
  func.func @transform_4(%arg0: i32) -> (i32, i32) {
    %c0_i32 = arith.constant 0 : i32
    %c0_i32_0 = arith.constant 0 : i32
    return %arg0, %c0_i32 : i32, i32
  }
}

module attributes {stable_mosaic.version = 14 : i64} {
  func.func @body(%arg0: i32, %arg1: memref<1024x576xf32, #tpu.memory_space<vmem>>, %arg2: memref<576x576xf32, #tpu.memory_space<vmem>>, %arg3: memref<1x576xf32, #tpu.memory_space<vmem>>, %arg4: memref<1024x576xf32, #tpu.memory_space<vmem>>) attributes {dimension_semantics = [#tpu.dimension_semantics<arbitrary>], iteration_bounds = array<i64: 4>, scalar_prefetch = 0 : i64, scratch_operands = 0 : i64, tpu.core_type = #tpu.core_type<tc>, window_params = [{transform_indices = @transform_0, window_bounds = array<i64: 1024, 576>}, {pipeline_mode = #tpu.pipeline_mode<synchronous>, transform_indices = @transform_1, window_bounds = array<i64: 576, 576>}, {pipeline_mode = #tpu.pipeline_mode<synchronous>, transform_indices = @transform_2, window_bounds = array<i64: 1, 576>}, {transform_indices = @transform_3, window_bounds = array<i64: 1024, 576>}]} {
    %get3A = arith.constant 0 : index
    %get3A_0 = arith.constant 0 : index
    %get3A_1 = vector.load %arg1[%get3A, %get3A_0] : memref<1024x576xf32, #tpu.memory_space<vmem>>, vector<1024x576xf32>
    %get3A_2 = arith.constant 0 : index
    %get3A_3 = arith.constant 0 : index
    %get3A_4 = vector.load %arg2[%get3A_2, %get3A_3] : memref<576x576xf32, #tpu.memory_space<vmem>>, vector<576x576xf32>
    %dot_general3A = arith.constant dense<0.000000e+00> : vector<1024x576xf32>
    %dot_general3A_5 = tpu.matmul %get3A_1, %get3A_4, %dot_general3A {dimension_numbers = #tpu.dot_dimension_numbers<[1], [0], [0], [1], [0, 0, 1, 1], [], []>, transpose_lhs_hint = false} : vector<1024x576xf32>, vector<576x576xf32>, vector<1024x576xf32> -> vector<1024x576xf32>
    %get3A_6 = arith.constant 0 : index
    %get3A_7 = arith.constant 0 : index
    %get3A_8 = vector.load %arg3[%get3A_6, %get3A_7] : memref<1x576xf32, #tpu.memory_space<vmem>>, vector<1x576xf32>
    %add3A = vector.broadcast %get3A_8 : vector<1x576xf32> to vector<1024x576xf32>
    %add3A_9 = arith.addf %dot_general3A_5, %add3A : vector<1024x576xf32>
    %swap3A = arith.constant 0 : index
    %swap3A_10 = arith.constant 0 : index
    %swap3A_11 = vector.load %arg4[%swap3A, %swap3A_10] : memref<1024x576xf32, #tpu.memory_space<vmem>>, vector<1024x576xf32>
    tpu.vector_store %arg4[%swap3A, %swap3A_10], %add3A_9 {strides = array<i32>} : memref<1024x576xf32, #tpu.memory_space<vmem>>, vector<1024x576xf32>,
    return
  }
  func.func @transform_0(%arg0: i32) -> (i32, i32) {
    %c0_i32 = arith.constant 0 : i32
    %c0_i32_0 = arith.constant 0 : i32
    return %arg0, %c0_i32 : i32, i32
  }
  func.func @transform_1(%arg0: i32) -> (i32, i32) {
    %c0_i32 = arith.constant 0 : i32
    %c0_i32_0 = arith.constant 0 : i32
    %c0_i32_1 = arith.constant 0 : i32
    return %c0_i32, %c0_i32_0 : i32, i32
  }
  func.func @transform_2(%arg0: i32) -> (i32, i32) {
    %c0_i32 = arith.constant 0 : i32
    %c0_i32_0 = arith.constant 0 : i32
    %c0_i32_1 = arith.constant 0 : i32
    return %c0_i32, %c0_i32_0 : i32, i32
  }
  func.func @transform_3(%arg0: i32) -> (i32, i32) {
    %c0_i32 = arith.constant 0 : i32
    %c0_i32_0 = arith.constant 0 : i32
    return %arg0, %c0_i32 : i32, i32
  }
}

</mosaic_0001>

<sc_bundles>
// kernel: kernel.6.cloned.1.call-start
scs
__scs_entry_jumppad:
0x0: {  	(pc) =	sbr.rel $0x88, $3  }
0x1: {  	(tag) =	ssettag $0x0;
	lr =	simm.s32 $0x1  }
0x2: {  	[smem:$0x3F96] =	sst lr;
	_ =	strace $0xD0000000  }
0x3: {  	_ = 	snop  }
0x4: {  	_ = 	snop  }
0x5: {  	_ = 	snop  }
0x6: {  	_ = 	snop  }
0x7: {  	_ = 	snop  }
__scs_overlays_trampoline_lowered:
0x8: {  	[smem:$0x3FA5] =	sst s0  }
0x9: {  	[smem:$0x3FA6] =	sst s1  }
0xa: {  	[smem:$0x3FA7] =	sst s2  }
0xb: {  	[smem:$0x3FA8] =	sst s3  }
0xc: {  	[smem:$0x3FA9] =	sst s4  }
0xd: {  	[smem:$0x3FAA] =	sst s5  }
0xe: {  	[smem:$0x3FAB] =	sst s6  }
0xf: {  	[smem:$0x3FAC] =	sst s7  }
0x10: {  	[smem:$0x3FAD] =	sst s8  }
0x11: {  	[smem:$0x3FAE] =	sst s9;
	s0 =	simm.s32 @!p0 $0x0  }
0x12: {  	s1 =	sld [smem:$0x3F94];
	s0 =	simm.s32 @p0 $0x1  }
0x13: {  	[smem:$0x3FAF] =	sst s0;
	s0 =	simm.s32 @!p1 $0x0  }
0x14: {  	s2 =	sld [smem:$0x3F93];
	s0 =	simm.s32 @p1 $0x1  }
0x15: {  	[smem:$0x3FB0] =	sst s0;
	s0 =	simm.s32 @!p2 $0x0  }
0x16: {  	s3 =	sld [smem:$0x3FDB];
	s0 =	simm.s32 @p2 $0x1  }
0x17: {  	s4 =	simm.s32 $0x1BF5;
	[smem:$0x3FB2] =	sst s0  }
0x18: {  	s0 =	sld [smem:$0x3F95];
	_ =	swait.ge [sflag:s4], $0x0  }
0x19: {  	s7 =	sld [smem:$0x3F96]  }
0x1a: {  	s8 =	sadd.s32 $0xFFFFE003, lr  }
0x1b: {  	s9 =	sadd.s32 $0xFFFFFEF7, lr;
	s5 =	simm.s32 $0xFFFFFFFF;
	p2 =	slt.u32 s8, $0xFFFFF086  }
0x1c: {  	p1 =	slt.u32 s9, $0xF7A;
	s5 =	simm.s32 @!p2 $0x0  }
0x1d: {  	s5 =	simm.s32 @p1 $0x1;
	p0 =	seq.s32 s7, s2  }
0x1e: {  	s7 =	smul.u32 @!p0 $0xF7A, s2;
	p2 =	seq.s32 @!p0 s5, $0x0  }
0x1f: {  	s9 =	smul.u32 $0xF7A, s1;
	s8 =	simm.s32 @!p0 $0x1BF5;
	p2 =	por !p2, p0  }
0x20: {  	[sflag:s8] =	ssyncset.s32 @!p0 $0xFFFFF086;
	s6 =	sadd.s32 @!p0 s3, s7;
	s7 =	simm.s32 @!p0 $0x108  }
0x21: {  	s3 =	sadd.s32 s3, s9;
	s6 =	sadd.s32 @!p0 $0x88, s6;
	s7 =	simm.s32 @p2 $0x1082  }
0x22: {  	[simem:s7], [sflag:s8] =	dma.local @!p0 [hbm:s6], $0xF7A  }
0x23: {  	s9 =	sor.u32 $0xD0000000, s2;
	s6 =	simm.s32 $0x108;
	_ =	swait.ge @!p0 [sflag:s8], $0x0  }
0x24: {  	s3 =	sadd.s32 $0x88, s3;
	s6 =	simm.s32 @!p1 $0x1082;
	[sflag:s4] =	ssyncset.s32 $0xFFFFF086  }
0x25: {  	[simem:s6], [sflag:s4] =	dma.local [hbm:s3], $0xF7A  }
0x26: {  	[smem:$0x3F96] =	sst s1;
	(tag) =	ssettag s2;
	_ =	strace s9  }
0x27: {  	s1 =	sld [smem:$0x3FA6]  }
0x28: {  	s2 =	sld [smem:$0x3FA7]  }
0x29: {  	s4 =	sld [smem:$0x3FA9]  }
0x2a: {  	p0 =	seq.s32 s5, $0x0;
	s5 =	sld [smem:$0x3FAA]  }
0x2b: {  	s6 =	sld [smem:$0x3FAB]  }
0x2c: {  	s7 =	sld [smem:$0x3FAC]  }
0x2d: {  	s3 =	simm.s32 $0x108;
	s8 =	sld [smem:$0x3FAD]  }
0x2e: {  	s3 =	simm.s32 @!p0 $0x1082;
	s9 =	sld [smem:$0x3FAE]  }
0x2f: {  	lr =	sadd.s32 s0, s3;
	s0 =	sld [smem:$0x3FA5]  }
0x30: {  	s3 =	sld [smem:$0x3FA8]  }
0x31: {  	[smem:$0x3FB1] =	sst s10  }
0x32: {  	s10 =	sld [smem:$0x3FAF];
	_ =	sdelay $0x3  }
0x33: {  	p0 =	seq.s32 s10, $0x1;
	s10 =	sld [smem:$0x3FB1];
	_ =	sdelay $0x3  }
0x34: {  	[smem:$0x3FB1] =	sst s10  }
0x35: {  	s10 =	sld [smem:$0x3FB0];
	_ =	sdelay $0x3  }
0x36: {  	p1 =	seq.s32 s10, $0x1;
	s10 =	sld [smem:$0x3FB1];
	_ =	sdelay $0x3  }
0x37: {  	[smem:$0x3FB1] =	sst s10  }
0x38: {  	s10 =	sld [smem:$0x3FB2]  }
0x39: {  	_ = 	snop;
	(pc) =	sbr.ind lr, $3  }
0x3a: {  	_ = 	snop  }
0x3b: {  	_ = 	snop  }
0x3c: {  	p2 =	seq.s32 s10, $0x1;
	s10 =	sld [smem:$0x3FB1]  }
0x3d: {  	_ =	shalt  }
0x3e: {  	_ =	shalt  }
0x3f: {  	_ =	shalt  }
0x40: {  	_ =	shalt  }
0x41: {  	_ =	shalt  }
0x42: {  	_ =	shalt  }
0x43: {  	_ =	shalt  }
0x44: {  	_ =	shalt  }
0x45: {  	_ =	shalt  }
0x46: {  	_ =	shalt  }
0x47: {  	_ =	shalt  }
0x48: {  	_ =	shalt  }
0x49: {  	_ =	shalt  }
0x4a: {  	_ =	shalt  }
0x4b: {  	_ =	shalt  }
0x4c: {  	_ =	shalt  }
0x4d: {  	_ =	shalt  }
0x4e: {  	_ =	shalt  }
0x4f: {  	_ =	shalt  }
0x50: {  	_ =	shalt  }
0x51: {  	_ =	shalt  }
0x52: {  	_ =	shalt  }
0x53: {  	_ =	shalt  }
0x54: {  	_ =	shalt  }
0x55: {  	_ =	shalt  }
0x56: {  	_ =	shalt  }
0x57: {  	_ =	shalt  }
0x58: {  	_ =	shalt  }
0x59: {  	_ =	shalt  }
0x5a: {  	_ =	shalt  }
0x5b: {  	_ =	shalt  }
0x5c: {  	_ =	shalt  }
0x5d: {  	_ =	shalt  }
0x5e: {  	_ =	shalt  }
0x5f: {  	_ =	shalt  }
0x60: {  	_ =	shalt  }
0x61: {  	_ =	shalt  }
0x62: {  	_ =	shalt  }
0x63: {  	_ =	shalt  }
0x64: {  	_ =	shalt  }
0x65: {  	_ =	shalt  }
0x66: {  	_ =	shalt  }
0x67: {  	_ =	shalt  }
0x68: {  	_ =	shalt  }
0x69: {  	_ =	shalt  }
0x6a: {  	_ =	shalt  }
0x6b: {  	_ =	shalt  }
0x6c: {  	_ =	shalt  }
0x6d: {  	_ =	shalt  }
0x6e: {  	_ =	shalt  }
0x6f: {  	_ =	shalt  }
0x70: {  	_ =	shalt  }
0x71: {  	_ =	shalt  }
0x72: {  	_ =	shalt  }
0x73: {  	_ =	shalt  }
0x74: {  	_ =	shalt  }
0x75: {  	_ =	shalt  }
0x76: {  	_ =	shalt  }
0x77: {  	_ =	shalt  }
0x78: {  	_ =	shalt  }
0x79: {  	_ =	shalt  }
0x7a: {  	_ =	shalt  }
0x7b: {  	_ =	shalt  }
0x7c: {  	_ =	shalt  }
0x7d: {  	_ =	shalt  }
0x7e: {  	_ =	shalt  }
0x7f: {  	_ =	shalt  }
0x80: {  	_ =	shalt  }
0x81: {  	_ =	shalt  }
0x82: {  	_ =	shalt  }
0x83: {  	_ =	shalt  }
0x84: {  	_ =	shalt  }
0x85: {  	_ =	shalt  }
0x86: {  	_ =	shalt  }
0x87: {  	_ =	shalt  }
.Lfunc_end0:
.L_simem_size_0:
called_computation.2_lowered:
.L_overlay_start_0:
0x88: {  	s2 =	sld [smem:$0x3FD9]  }
0x89: {  	s3 =	sld [smem:$0x3FFE];
	_ =	sdelay $0x1  }
0x8a: {  	s1 =	srdreg.scid  }
0x8b: {  	s0 =	sand.u32 $0x1, s1  }
0x8c: {  	s17 =	sshll.u32 s0, $0xA;
	s2 =	sadd.s32 s3, s2  }
0x8d: {  	s2 =	sadd.s32 s2, s17  }
0x8e: {  	[smem:$0x3FBD] =	sst s2  }
0x8f: {  	_ = 	snop  }
0x90: {  	s2 =	sld [smem:$0x3FD0];
	(tm) =	ssettm $0x1  }
0x91: {  	s18 =	sld [smem:$0x3FFB];
	_ =	sdelay $0x3  }
0x92: {  	_ =	strace s18  }
0x93: {  	s3 =	sld [smem:$0x3FFC];
	_ =	sdelay $0x3  }
0x94: {  	_ =	strace s3  }
0x95: {  	s3 =	sld [smem:$0x3FFD];
	_ =	sdelay $0x3  }
0x96: {  	_ =	strace s3  }
0x97: {  	_ =	strace $0x8FFFFFFF  }
0x98: {  	s19 =	sld [smem:$0x3FDB];
	_ =	sdelay $0x1  }
0x99: {  	s4 =	simm.s32 $_scs_section_size  }
0x9a: {  	s5 =	simm.s32 $_size__tile_overlayer_lowered;
	s6 =	simm.s32 $_tile_overlayer_lowered  }
0x9b: {  	s22 =	simm.s32 $0x1BFF;
	s21 =	sshll.u32 s6, $0x1;
	s3 =	sadd.s32 s4, s19  }
0x9c: {  	s7 =	simm.s32 $0x0;
	s20 =	sshll.u32 s5, $0x1;
	s5 =	sadd.s32 s21, s3  }
0x9d: {  	[timem:s7], [sflag:s22] =	dma.local [hbm:s5], s20  }
0x9e: {  	_ =	swait.ge [sflag:s22], s20  }
0x9f: {  	s4 =	ssub.s32 $0x0, s20;
	[sflag:s22] =	ssyncset.done $0x0  }
0xa0: {  	[sflag:s22] =	ssyncadd.s32 s4;
	_ =	sdelay $0x1  }
0xa1: {  	s23 =	simm.s32 $0x1B8B  }
0xa2: {  	_ =	swait.ge [sflag:s23], $0x1  }
0xa3: {  	[sflag:s23] =	ssyncset.done $0x0  }
0xa4: {  	s25 =	simm.s32 $0x1B8E;
	s24 =	sld [smem:$0x3FFE];
	[sflag:s23] =	ssyncadd.s32 $0xFFFFFFFF  }
0xa5: {  	s26 =	simm.s32 $execute0_lowered;
	[smem:$0x3FD2] =	sst s25  }
0xa6: {  	s5 =	sshll.u32 s26, $0x1;
	_ =	strace $0x8000004C;
	[dreg:$0x1] =	wrdreg $0xFFFFFFFF  }
0xa7: {  	s28 =	simm.s32 $_size_execute0_lowered;
	s3 =	sadd.s32 s3, s5;
	[dreg:$0x0] =	wrdreg $0x0  }
0xa8: {  	s5 =	sshll.u32 s28, $0x1;
	[dreg:$0x2] =	wrdreg s3  }
0xa9: {  	[dreg:$0x3] =	wrdreg s5  }
0xaa: {  	[dreg:$0x4] =	wrdreg $0xC0  }
0xab: {  	_ =	task [dreg:s7], $0x5FFFF  }
0xac: {  	[dreg:$0x1] =	wrdreg $0xFFFFFFFF  }
0xad: {  	[dreg:$0x0] =	wrdreg $0x60  }
0xae: {  	[dreg:$0x2] =	wrdreg s24  }
0xaf: {  	[dreg:$0x3] =	wrdreg s2  }
0xb0: {  	[dreg:$0x4] =	wrdreg $0x9  }
0xb1: {  	_ =	task.clear_ibuf [dreg:s7], $0x5FFFF;
	_ =	strace $0x9000004C  }
0xb2: {  	s29 =	simm.s32 $0x9;
	_ =	strace $0x8000004E  }
0xb3: {  	_ =	swait.ge [sflag:s29], $0x1  }
0xb4: {  	[sflag:s29] =	ssyncadd.s32 $0xFFFFFFFF  }
0xb5: {  	_ =	strace $0x9000004E  }
0xb6: {  	_ =	sfence  }
0xb7: {  	s30 =	sld [smem:$0x0];
	_ =	sdelay $0x2  }
0xb8: {  	s31 =	sshll.u32 s1, $0xD;
	s1 =	sshrl.u32 s1, $0x2  }
0xb9: {  	s3 =	sand.u32 $0x4000, s31;
	s1 =	sadd.s32 s1, s30  }
0xba: {  	s0 =	sor.u32 s3, s0;
	s1 =	sshll.u32 s1, $0x11  }
0xbb: {  	s0 =	sor.u32 s1, s0  }
0xbc: {  	s0 =	sadd.s32 $0x8F2B, s0  }
0xbd: {  	[sflag:s0] =	ssyncadd.remote.s32 $0x1  }
0xbe: {  	_ =	sfence.sel $0xFFFF  }
0xbf: {  	[dreg:$0x0] =	wrdreg $0xFFFFFFFF;
	(pc) =	sbr.abs _section_cstart, $3  }
0xc0: {  	[dreg:$0x1] =	wrdreg $0xFFFFFFFF  }
0xc1: {  	_ =	task.clear_ibuf [dreg:s7], $0x2FFFF;
	_ =	strace $0x9FFFFFFF  }
0xc2: {  	(tm) =	ssettm $0x7FFFFFFF  }
0xc3: {  	_ =	shalt  }
tec
execute0_lowered:
.L_overlay_start_1:
0x0: {  	(tag) =	ssettag $0x1  }
0x1: {  	s5 =	rddreg [dreg:$0x0]  }
0x2: {  	s1 =	rddreg [dreg:$0x1]  }
0x3: {  	s0 =	rddreg [dreg:$0x2];
	s2 =	simm.s32 $0x0  }
0x4: {  	s3 =	srdreg.scid;
	s10 =	simm.s32 $0x18800;
	s11 =	simm.s32 $0x0  }
0x5: {  	[smem:$0x7FF] =	sst s2;
	s6 =	sand.u32 $0x1, s3;
	s3 =	stileid.u32  }
0x6: {  	s4 =	sadd.s32 $0x2D3A00, s5;
	s5 =	sadd.s32 $0xB7A00, s5;
	s7 =	ssub.s32 $0x2, s6  }
0x7: {  	_ =	strace $0x8000004D;
	s9 =	sshll.u32 s3, $0x1;
	s8 =	sshrl.u32 s7, $0x1  }
0x8: {  	s6 =	sor.u32 s6, s9;
	s9 =	simm.s32 $0x1;
	s7 =	ssub.s32 s7, s8  }
0x9: {  	v13 =	vimm.s32 $0x0;
	v14 =	vimm.f32 $0.0e+00;
	s6 =	smul.u32 $0x9, s6;
	s8 =	simm.s32 $0x14000;
	s7 =	smax.u32 s7, $0x1  }
.LBB2_1:
0xa: {  	s13 =	simm.s32 $0xFFFFFFFF;
	s12 =	simm.s32 $0x0  }
.LBB2_2:
0xb: {  	s15 =	sadd.s32 s6, s12  }
0xc: {  	s14 =	smov.u32 s13;
	s13 =	sshrl.u32 s15, $0x2  }
0xd: {  	p0 =	seq.s32 s13, s14  }
0xe: {  	s14 =	sshrl.u32 @!p0 s15, $0x5  }
0xf: {  	s16 =	sshll.u32 @!p0 s13, $0x7;
	s14 =	smul.u32 @!p0 $0xA0000, s14  }
0x10: {  	s16 =	sand.u32 @!p0 $0x380, s16  }
0x11: {  	s14 =	sor.u32 @!p0 s14, s16  }
0x12: {  	s17 =	simm.s32 @!p0 $0x400;
	s14 =	sshrl.u32 @!p0 s14, $0x3  }
0x13: {  	s18 =	simm.s32 @!p0 $0x0;
	s16 =	simm.s32 @!p0 $0x80;
	s14 =	sadd.s32 @!p0 s5, s14  }
0x14: {  	[tilespmem:s18], [sflag:$0x1] =	stream.strided.gather @!p0 [hbm4b:s14+s16], $0x14000, s17, s16, $0x38;
	[tilespmem:$0x1A800] =	vst v63  }
0x15: {  	s14 =	sand.u32 $0x3, s15;
	s15 =	simm.s32 @!p0 $0x1  }
0x16: {  	_ =	swait.ge @!p0 [sflag:s15], $0x14000;
	s30 =	sshll.u32 s14, $0xB  }
0x17: {  	s31 =	sshll.u32 s13, $0xD;
	[sflag:s15] =	ssyncset.done @!p0 $0x0;
	s16 =	sadd.s32 s4, s30  }
0x18: {  	[sflag:s15] =	ssyncadd.s32 @!p0 $0xFFFEC000;
	s16 =	sadd.s32 s31, s16;
	s15 =	simm.s32 $0x0  }
0x19: {  	[tilespmem:s8], [sflag:$0x1] =	stream.linear.gather [hbm4b:s16+s15], $0x4000, $0x38;
	[tilespmem:$0x1A800] =	vst v63  }
0x1a: {  	_ =	swait.ge [sflag:s9], $0x4000  }
0x1b: {  	[sflag:s9] =	ssyncset.done $0x0  }
0x1c: {  	[sflag:s9] =	ssyncadd.s32 $0xFFFFC000  }
.LBB2_3:
0x1d: {  	s16 =	sshll.u32 s15, $0x4;
	s17 =	sshll.u32 s15, $0x7  }
0x1e: {  	s18 =	sand.u32 $0x70, s16;
	s19 =	sand.u32 $0x400, s17  }
0x1f: {  	s20 =	sor.u32 s18, s19  }
0x20: {  	v0 =	vld [tilespmem:s20+$0x17000]  }
0x21: {  	v1 =	vld [tilespmem:s20+$0x17080]  }
0x22: {  	v2 =	vld [tilespmem:s20+$0x17100]  }
0x23: {  	v3 =	vld [tilespmem:s20+$0x17180]  }
0x24: {  	v4 =	vld [tilespmem:s20+$0x17200]  }
0x25: {  	v5 =	vld [tilespmem:s20+$0x17280]  }
0x26: {  	v6 =	vld [tilespmem:s20+$0x17300];
	v7 =	vmax.f32 v0, v1  }
0x27: {  	v8 =	vld [tilespmem:s20+$0x17380];
	v7 =	vmax.f32 v7, v2  }
0x28: {  	v9 =	vld [tilespmem:s20+$0x17800];
	v7 =	vmax.f32 v7, v3  }
0x29: {  	v10 =	vld [tilespmem:s20+$0x17880];
	v7 =	vmax.f32 v7, v4  }
0x2a: {  	v11 =	vld [tilespmem:s20+$0x17900];
	v7 =	vmax.f32 v7, v5  }
0x2b: {  	v12 =	vld [tilespmem:s20+$0x17980];
	v7 =	vmax.f32 v7, v6  }
0x2c: {  	v7 =	vmax.f32 v7, v8  }
0x2d: {  	v7 =	vmax.f32 v7, v9  }
0x2e: {  	v7 =	vmax.f32 v7, v10  }
0x2f: {  	v7 =	vmax.f32 v7, v11  }
0x30: {  	v7 =	vmax.f32 v7, v12  }
0x31: {  	v0 =	vsub.f32 v0, v7  }
0x32: {  	v1 =	vsub.f32 v1, v7  }
0x33: {  	v0 =	vmul.f32 $1.442695020e+00, v0  }
0x34: {  	v1 =	vmul.f32 $1.442695020e+00, v1  }
0x35: {  	v2 =	vsub.f32 v2, v7;
	(erf) = vpow2.f32 v0  }
0x36: {  	(erf) = vpow2.f32 v1  }
0x37: {  	v44 =	vsub.f32 v3, v7;
	v43 =	vmul.f32 $1.442695020e+00, v2;
	_ =	sdelay $0x1  }
0x38: {  	v46 =	vsub.f32 v4, v7;
	v45 =	vmul.f32 $1.442695020e+00, v44;
	(erf) = vpow2.f32 v43;
	_ =	sdelay $0x1  }
0x39: {  	v48 =	vsub.f32 v5, v7;
	v47 =	vmul.f32 $1.442695020e+00, v46;
	(erf) = vpow2.f32 v45;
	_ =	sdelay $0x1  }
0x3a: {  	v49 =	vsub.f32 v6, v7;
	v50 =	vmul.f32 $1.442695020e+00, v48;
	(erf) = vpow2.f32 v47  }
0x3b: {  	v52 =	vpop (erf)  }
0x3c: {  	v53 =	vsub.f32 v8, v7;
	v51 =	vmul.f32 $1.442695020e+00, v49;
	(erf) = vpow2.f32 v50;
	v54 =	vpop (erf)  }
0x3d: {  	v4 =	vadd.f32 v54, v52  }
0x3e: {  	v55 =	vsub.f32 v9, v7;
	v0 =	vmul.f32 $1.442695020e+00, v53;
	(erf) = vpow2.f32 v51  }
0x3f: {  	v6 =	vsub.f32 v10, v7;
	v5 =	vpop (erf)  }
0x40: {  	v56 =	vmul.f32 $1.442695020e+00, v55;
	(erf) = vpow2.f32 v0;
	v57 =	vadd.f32 v4, v5  }
0x41: {  	v6 =	vmul.f32 $1.442695020e+00, v6;
	v4 =	vpop (erf)  }
0x42: {  	v58 =	vsub.f32 v11, v7;
	(erf) = vpow2.f32 v56;
	v1 =	vadd.f32 v57, v4  }
0x43: {  	v8 =	vpop (erf);
	(erf) = vpow2.f32 v6;
	v6 =	vsub.f32 v12, v7  }
0x44: {  	v0 =	vmul.f32 $1.442695020e+00, v58;
	v1 =	vadd.f32 v1, v8  }
0x45: {  	v7 =	vpop (erf)  }
0x46: {  	(erf) = vpow2.f32 v0;
	v59 =	vmul.f32 $1.442695020e+00, v6;
	v1 =	vadd.f32 v1, v7  }
0x47: {  	v6 =	vpop (erf)  }
0x48: {  	(erf) = vpow2.f32 v59;
	v60 =	vadd.f32 v1, v6  }
0x49: {  	v61 =	vpop (erf)  }
0x4a: {  	v0 =	vadd.f32 v60, v61  }
0x4b: {  	v9 =	vpop (erf)  }
0x4c: {  	v0 =	vadd.f32 v0, v9  }
0x4d: {  	v10 =	vpop (erf)  }
0x4e: {  	v0 =	vadd.f32 v0, v10  }
0x4f: {  	v11 =	vpop (erf)  }
0x50: {  	v0 =	vadd.f32 v0, v11  }
0x51: {  	v12 =	vpop (erf)  }
0x52: {  	v0 =	vadd.f32 v0, v12;
	_ =	sdelay $0x1  }
0x53: {  	(erf) = vrcp.f32 v0;
	_ =	sdelay $0x8  }
0x54: {  	v15 =	vimm.f32 $0.0e+00;
	v16 =	vimm.f32 $0.0e+00;
	v17 =	vimm.f32 $0.0e+00;
	v0 =	vpop (erf)  }
0x55: {  	v19 =	vimm.f32 $0.0e+00;
	v63 =	vmov s18;
	v2 =	vmul.f32 v0, v52  }
0x56: {  	v20 =	vimm.f32 $0.0e+00;
	v22 =	vimm.f32 $0.0e+00;
	[tilespmem:$0x1FFF0] =	vst v63;
	v3 =	vmul.f32 v0, v54  }
0x57: {  	v23 =	vimm.f32 $0.0e+00;
	v24 =	vimm.f32 $0.0e+00;
	v5 =	vmul.f32 v0, v5;
	[tilespmem:$0x18000] =	vst v2  }
0x58: {  	v25 =	vimm.f32 $0.0e+00;
	v27 =	vimm.f32 $0.0e+00;
	v4 =	vmul.f32 v0, v4;
	[tilespmem:$0x18080] =	vst v3  }
0x59: {  	v28 =	vimm.f32 $0.0e+00;
	v29 =	vimm.f32 $0.0e+00;
	v8 =	vmul.f32 v0, v8;
	[tilespmem:$0x18100] =	vst v5  }
0x5a: {  	v26 =	vimm.f32 $0.0e+00;
	v32 =	vimm.f32 $0.0e+00;
	v7 =	vmul.f32 v0, v7;
	[tilespmem:$0x18180] =	vst v4  }
0x5b: {  	v33 =	vimm.f32 $0.0e+00;
	v34 =	vimm.f32 $0.0e+00;
	v18 =	vmul.f32 v0, v6;
	[tilespmem:$0x18200] =	vst v8  }
0x5c: {  	v30 =	vimm.f32 $0.0e+00;
	v31 =	vimm.f32 $0.0e+00;
	v1 =	vmul.f32 v0, v61;
	[tilespmem:$0x18280] =	vst v7  }
0x5d: {  	v35 =	vimm.f32 $0.0e+00;
	v36 =	vimm.f32 $0.0e+00;
	v9 =	vmul.f32 v0, v9;
	[tilespmem:$0x18300] =	vst v18  }
0x5e: {  	v39 =	vimm.f32 $0.0e+00;
	v37 =	vimm.f32 $0.0e+00;
	v10 =	vmul.f32 v0, v10;
	[tilespmem:$0x18380] =	vst v1  }
0x5f: {  	v40 =	vimm.f32 $0.0e+00;
	v41 =	vimm.f32 $0.0e+00;
	v62 =	vmul.f32 v0, v11;
	[tilespmem:$0x18400] =	vst v9  }
0x60: {  	v42 =	vimm.f32 $0.0e+00;
	v38 =	vimm.f32 $0.0e+00;
	v0 =	vmul.f32 v0, v12;
	[tilespmem:$0x18480] =	vst v10  }
0x61: {  	v44 =	vimm.f32 $0.0e+00;
	v46 =	vimm.f32 $0.0e+00;
	v45 =	vimm.f32 $0.0e+00;
	[tilespmem:$0x18500] =	vst v62  }
0x62: {  	s21 =	simm.s32 $0x0;
	s22 =	simm.s32 $0x0;
	s20 =	simm.s32 $0x18000;
	v58 =	vimm.f32 $0.0e+00;
	v11 =	vimm.f32 $0.0e+00;
	v6 =	vimm.f32 $0.0e+00;
	[tilespmem:$0x18580] =	vst v0  }
.LBB2_4:
0x63: {  	v2 =	vld [tilespmem:$0x1FFF0];
	_ =	sdelay $0x4  }
0x64: {  	s23 =	sand.u32 $0x800, s22  }
0x65: {  	s24 =	sand.u32 $0x380, s21;
	s23 =	sor.u32 s19, s23  }
0x66: {  	s23 =	sadd.s32 s24, s23  }
0x67: {  	v0 =	vld.idx.msk [tilespmem:v2+s23+$0x14000 ss:$0x1], $0xffff  }
0x68: {  	v1 =	vld.idx.msk [tilespmem:v2+s23+$0x15000 ss:$0x1], $0xffff  }
0x69: {  	v2 =	vld.idx.msk [tilespmem:v2+s23+$0x16000 ss:$0x1], $0xffff;
	_ =	sdelay $0x3  }
0x6a: {  	v0 =	vmax.f32 v0, $-1.000000000e+00;
	v1 =	vmax.f32 v1, $-1.000000000e+00  }
0x6b: {  	v2 =	vmax.f32 v2, $-1.000000000e+00;
	v0 =	vmin.f32 v0, $3.200000000e+01;
	v1 =	vmin.f32 v1, $3.200000000e+01  }
0x6c: {  	v2 =	vmin.f32 v2, $5.000000000e+00;
	v3 =	vtrunc.f32 v0;
	v5 =	vtrunc.f32 v1  }
0x6d: {  	v7 =	vtrunc.f32 v2;
	v3 =	vcvt.f32.s32 v3  }
0x6e: {  	v5 =	vcvt.f32.s32 v5;
	v7 =	vcvt.f32.s32 v7  }
0x6f: {  	v4 =	vcvt.s32.f32 v3  }
0x70: {  	v9 =	vcvt.s32.f32 v5;
	v10 =	vcvt.s32.f32 v7  }
0x71: {  	vm0 =	vlt.f32 v0, v4  }
0x72: {  	vm5 =	vlt.f32 v1, v9;
	vm1 =	vlt.f32 v2, v10;
	v8 =	vsel vm0, $0xFFFFFFFF, v13  }
0x73: {  	v52 =	vsel vm0, $0x3F800000, v14;
	v12 =	vsel vm1, $0xFFFFFFFF, v13;
	v48 =	vadd.s32 v3, v8  }
0x74: {  	v3 =	vsub.f32 v4, v52;
	v4 =	vsel vm5, $0xFFFFFFFF, v13;
	v8 =	vsel vm5, $0x3F800000, v14  }
0x75: {  	v12 =	vadd.s32 v7, v12;
	v43 =	vadd.s32 v5, v4;
	v4 =	vsub.f32 v9, v8  }
0x76: {  	v5 =	vsel vm1, $0x3F800000, v14;
	vm7 =	vgt.s32 v12, $0x0;
	vm6 =	vgt.s32 v43, $0x0  }
0x77: {  	vm8 =	vgt.s32 v48, $0x0;
	v8 =	vnsel vm7, $0x0, v12;
	v7 =	vnsel vm6, $0x0, v43  }
0x78: {  	v5 =	vsub.f32 v10, v5;
	v8 =	vmin.u32 v8, $0x4;
	v7 =	vmin.u32 v7, $0x1F  }
0x79: {  	v9 =	vnsel vm8, $0x0, v48;
	v10 =	vshll.u32 v7, $0x5;
	v7 =	vshll.u32 v8, $0xA  }
0x7a: {  	[tilespmem:$0x1FEE0] =	vst v11;
	v11 =	vld [tilespmem:s20+$0x0];
	v53 =	vmin.u32 v9, $0x1F;
	v59 =	vor.u32 v10, v7  }
0x7b: {  	v5 =	vsub.f32 v2, v5;
	v54 =	vor.u32 v53, v59;
	v55 =	vadd.s32 $0x1400, v59  }
0x7c: {  	v8 =	vsub.f32 v1, v4;
	v57 =	vand.u32 $0x3F80, v55;
	v4 =	vand.u32 $0x7F, v54  }
0x7d: {  	[tilespmem:$0x1FF20] =	vst v5;
	v5 =	vsub.f32 $1.000000000e+00, v5;
	v60 =	vor.u32 v4, v57  }
0x7e: {  	vm1 =	vlt.u32 v48, $0x20;
	vm4 =	vlt.u32 v12, $0x5;
	v56 =	vsub.f32 v0, v3  }
0x7f: {  	[tilespmem:$0x1FFA0] =	vst v8;
	v8 =	vsub.f32 $1.000000000e+00, v8;
	v61 =	vadd.s32 $0x2800, v59;
	v9 =	vmul.f32 v5, v11  }
0x80: {  	vm3 =	vlt.u32 v43, $0x20;
	[tilespmem:$0x1FF60] =	vst v53;
	v3 =	vsub.f32 $1.000000000e+00, v56;
	v53 =	vand.u32 $0x7F80, v61;
	v1 =	vld.idx.msk [tilespmem:v54+s2+$0x0], $0xffff  }
0x81: {  	[tilespmem:$0x1FF70] =	vst v8;
	v2 =	vor.u32 v4, v53;
	v47 =	vmul.f32 v9, v8;
	v8 =	vadd.s32 $0x3C00, v59  }
0x82: {  	v48 =	vadd.s32 $0x1, v48;
	vm2 =	vmand vm3, vm4;
	v54 =	vand.u32 $0x7F80, v8;
	v0 =	vld.idx.msk [tilespmem:v60+s2+$0x0], $0xffff  }
0x83: {  	vm5 =	vgt.s32 v48, $0x0;
	[tilespmem:$0x1FEF0] =	vst v9;
	v9 =	vmul.f32 v47, v3;
	v8 =	vor.u32 v4, v54  }
0x84: {  	vm9 =	vmand vm1, vm2;
	[tilespmem:$0x1FF50] =	vst v10;
	v10 =	vadd.s32 $0x5000, v59;
	v50 =	vadd.s32 $0x6400, v59  }
0x85: {  	v62 =	vadd.s32 $0x8C00, v59;
	v49 =	vnsel vm9, $0x0, v9;
	v9 =	vshll.u32 v1, $0x10  }
0x86: {  	v51 =	vand.u32 $0x7F80, v10;
	v2 =	vld.idx.msk [tilespmem:v2+s2+$0x0], $0xffff;
	v1 =	vand.u32 $0xFFFF0000, v1;
	v9 =	vmul.f32 v9, v49  }
0x87: {  	v52 =	vor.u32 v4, v51;
	v1 =	vmul.f32 v1, v49;
	v10 =	vshll.u32 v0, $0x10  }
0x88: {  	v55 =	vand.u32 $0xFF80, v50;
	v8 =	vld.idx.msk [tilespmem:v8+s2+$0x0], $0xffff;
	v46 =	vadd.f32 v9, v46;
	v9 =	vmul.f32 v10, v49  }
0x89: {  	v0 =	vand.u32 $0xFFFF0000, v0;
	v45 =	vadd.f32 v1, v45;
	v1 =	vor.u32 v4, v55  }
0x8a: {  	v0 =	vmul.f32 v0, v49;
	v50 =	vadd.f32 v9, v44;
	v9 =	vadd.s32 $0x7800, v59  }
0x8b: {  	v10 =	vshll.u32 v2, $0x10;
	v2 =	vand.u32 $0xFFFF0000, v2;
	v44 =	vand.u32 $0xFF80, v9  }
0x8c: {  	v9 =	vmul.f32 v10, v49;
	v10 =	vld.idx.msk [tilespmem:v52+s2+$0x0], $0xffff;
	v52 =	vand.u32 $0xBF80, v62;
	v60 =	vor.u32 v4, v44  }
0x8d: {  	[tilespmem:$0x1FFE0] =	vst v56;
	v5 =	vmovc v56;
	v2 =	vmul.f32 v2, v49;
	v56 =	vshll.u32 v8, $0x10;
	v61 =	vor.u32 v4, v52  }
0x8e: {  	[tilespmem:$0x1FFC0] =	vst v3;
	v3 =	vadd.f32 v0, v38;
	v8 =	vand.u32 $0xFFFF0000, v8;
	v56 =	vmul.f32 v56, v49;
	v1 =	vld.idx.msk [tilespmem:v1+s2+$0x0], $0xffff  }
0x8f: {  	v62 =	vand.u32 $0x1F80, v59;
	v63 =	vmul.f32 v8, v49;
	v38 =	vadd.f32 v9, v42  }
0x90: {  	v42 =	vadd.f32 v2, v41;
	v41 =	vor.u32 $0xA000, v62;
	v40 =	vadd.f32 v56, v40  }
0x91: {  	v56 =	vadd.f32 v63, v37;
	v9 =	vor.u32 v4, v41;
	v63 =	vshll.u32 v10, $0x10;
	v8 =	vld.idx.msk [tilespmem:v60+s2+$0x0], $0xffff  }
0x92: {  	v37 =	vand.u32 $0xFFFF0000, v10;
	v0 =	vmul.f32 v63, v49;
	v62 =	vld.idx.msk [tilespmem:v61+s2+$0x0], $0xffff;
	v60 =	vadd.s32 $0xB400, v59  }
0x93: {  	v2 =	vmul.f32 v37, v49;
	v10 =	vshll.u32 v1, $0x10;
	v60 =	vand.u32 $0xFF80, v60  }
0x94: {  	v1 =	vand.u32 $0xFFFF0000, v1;
	v37 =	vadd.f32 v0, v39;
	v0 =	vmul.f32 v10, v49  }
0x95: {  	v36 =	vadd.f32 v2, v36;
	v2 =	vor.u32 v4, v60;
	v39 =	vmul.f32 v1, v49  }
0x96: {  	v9 =	vld.idx.msk [tilespmem:v9+s2+$0x0], $0xffff;
	v10 =	vadd.s32 $0xC800, v59;
	v35 =	vadd.f32 v0, v35;
	v61 =	vshll.u32 v8, $0x10  }
0x97: {  	v8 =	vand.u32 $0xFFFF0000, v8;
	v63 =	vand.u32 $0xFFFF0000, v62;
	v1 =	vmul.f32 v61, v49  }
0x98: {  	v8 =	vmul.f32 v8, v49;
	v61 =	vand.u32 $0xFF80, v10;
	v10 =	vshll.u32 v62, $0x10  }
0x99: {  	[tilespmem:$0x1FF30] =	vst v11;
	v62 =	vadd.f32 v39, v31;
	v10 =	vmul.f32 v10, v49;
	v11 =	vor.u32 v4, v61  }
0x9a: {  	v63 =	vmul.f32 v63, v49;
	v39 =	vadd.f32 v1, v30;
	v1 =	vld.idx.msk [tilespmem:v2+s2+$0x0], $0xffff;
	v30 =	vadd.f32 v8, v34  }
0x9b: {  	v34 =	vadd.s32 $0xDC00, v59;
	v8 =	vand.u32 $0xFFFF0000, v9;
	v31 =	vadd.f32 v10, v33  }
0x9c: {  	v33 =	vshll.u32 v9, $0x10;
	v2 =	vand.u32 $0xFF80, v34;
	v9 =	vadd.s32 $0xF000, v59  }
0x9d: {  	v8 =	vmul.f32 v8, v49;
	v0 =	vmul.f32 v33, v49;
	v9 =	vand.u32 $0x1FF80, v9  }
0x9e: {  	v32 =	vadd.f32 v63, v32;
	v34 =	vor.u32 v4, v9;
	v10 =	vld.idx.msk [tilespmem:v11+s2+$0x0], $0xffff;
	v11 =	vor.u32 v4, v2  }
0x9f: {  	v29 =	vadd.f32 v8, v29;
	v26 =	vadd.f32 v0, v26;
	v63 =	vshll.u32 v1, $0x10  }
0xa0: {  	v1 =	vand.u32 $0xFFFF0000, v1;
	v33 =	vmul.f32 v63, v49;
	v63 =	vadd.s32 $0x10400, v59  }
0xa1: {  	v0 =	vmul.f32 v1, v49;
	v1 =	vadd.s32 $0x11800, v59;
	v63 =	vand.u32 $0x13F80, v63  }
0xa2: {  	v1 =	vand.u32 $0x13F80, v1;
	v33 =	vadd.f32 v33, v28;
	v8 =	vor.u32 v4, v63  }
0xa3: {  	v27 =	vadd.f32 v0, v27;
	v11 =	vld.idx.msk [tilespmem:v11+s2+$0x0], $0xffff;
	v0 =	vshll.u32 v10, $0x10;
	v10 =	vand.u32 $0xFFFF0000, v10  }
0xa4: {  	v28 =	vld.idx.msk [tilespmem:v34+s2+$0x0], $0xffff;
	v34 =	vadd.s32 $0x12C00, v59;
	v0 =	vmul.f32 v0, v49;
	v10 =	vmul.f32 v10, v49  }
0xa5: {  	vm10 =	vlt.u32 v48, $0x20;
	v18 =	vor.u32 v4, v1;
	v34 =	vand.u32 $0x17F80, v34  }
0xa6: {  	v0 =	vadd.f32 v0, v25;
	v25 =	vadd.f32 v10, v6;
	v6 =	vnsel vm5, $0x0, v48  }
0xa7: {  	vm2 =	vmand vm10, vm2;
	v4 =	vor.u32 v4, v34;
	v21 =	vld.idx.msk [tilespmem:v8+s2+$0x0], $0xffff;
	v6 =	vmin.u32 v6, $0x1F  }
0xa8: {  	v8 =	vshll.u32 v11, $0x10;
	v10 =	vand.u32 $0xFFFF0000, v11;
	v48 =	vor.u32 v6, v59  }
0xa9: {  	v8 =	vmul.f32 v8, v49;
	v11 =	vmul.f32 v10, v49;
	v10 =	vshll.u32 v28, $0x10  }
0xaa: {  	v18 =	vld.idx.msk [tilespmem:v18+s2+$0x0], $0xffff;
	v28 =	vand.u32 $0xFFFF0000, v28;
	v59 =	vmul.f32 v10, v49;
	v10 =	vand.u32 $0x7F, v48  }
0xab: {  	v13 =	vmul.f32 v28, v49;
	v57 =	vor.u32 v10, v57;
	v24 =	vadd.f32 v8, v24  }
0xac: {  	v14 =	vld.idx.msk [tilespmem:v4+s2+$0x0], $0xffff;
	v28 =	vadd.f32 v11, v23;
	v23 =	vor.u32 v10, v54;
	v4 =	vshll.u32 v21, $0x10  }
0xad: {  	v52 =	vor.u32 v10, v52;
	v60 =	vor.u32 v10, v60;
	v4 =	vmul.f32 v4, v49  }
0xae: {  	v2 =	vor.u32 v10, v2;
	v8 =	vadd.f32 v13, v20;
	v11 =	vand.u32 $0xFFFF0000, v21  }
0xaf: {  	v19 =	vadd.f32 v4, v19;
	v4 =	vmul.f32 v11, v49;
	v11 =	vshll.u32 v18, $0x10  }
0xb0: {  	v13 =	vand.u32 $0xFFFF0000, v18;
	v21 =	vor.u32 v10, v53;
	v18 =	vld.idx.msk [tilespmem:v48+s2+$0x0], $0xffff;
	v11 =	vmul.f32 v11, v49  }
0xb1: {  	v13 =	vmul.f32 v13, v49;
	v4 =	vadd.f32 v4, v17;
	v17 =	vshll.u32 v14, $0x10  }
0xb2: {  	v9 =	vor.u32 v10, v9;
	v48 =	vld.idx.msk [tilespmem:v57+s2+$0x0], $0xffff;
	v16 =	vadd.f32 v11, v16;
	v11 =	vmul.f32 v17, v49  }
0xb3: {  	v17 =	vadd.f32 v13, v15;
	v13 =	vand.u32 $0xFFFF0000, v14;
	v14 =	vmul.f32 v47, v5;
	v5 =	vld [tilespmem:$0x1FEE0]  }
0xb4: {  	v1 =	vor.u32 v10, v1;
	v22 =	vadd.f32 v59, v22;
	v57 =	vld.idx.msk [tilespmem:v23+s2+$0x0], $0xffff;
	v20 =	vadd.f32 v11, v58  }
0xb5: {  	v15 =	vld.idx.msk [tilespmem:v21+s2+$0x0], $0xffff;
	v11 =	vmul.f32 v13, v49;
	v59 =	vnsel vm2, $0x0, v14;
	v13 =	vshll.u32 v18, $0x10  }
0xb6: {  	v14 =	vand.u32 $0xFFFF0000, v18;
	v18 =	vor.u32 v10, v51;
	v13 =	vmul.f32 v13, v59  }
0xb7: {  	v58 =	vor.u32 v10, v55;
	v21 =	vshll.u32 v48, $0x10;
	v14 =	vmul.f32 v14, v59  }
0xb8: {  	v21 =	vmul.f32 v21, v59;
	v47 =	vadd.f32 v11, v5;
	v23 =	vadd.f32 v13, v46  }
0xb9: {  	v13 =	vadd.s32 $0x1, v43;
	v53 =	vadd.f32 v14, v45;
	v11 =	vand.u32 $0xFFFF0000, v48  }
0xba: {  	v14 =	vshll.u32 v15, $0x10;
	v15 =	vand.u32 $0xFFFF0000, v15;
	v43 =	vshll.u32 v57, $0x10  }
0xbb: {  	v57 =	vand.u32 $0xFFFF0000, v57;
	v45 =	vadd.f32 v21, v50;
	v11 =	vmul.f32 v11, v59  }
0xbc: {  	v14 =	vmul.f32 v14, v59;
	v15 =	vmul.f32 v15, v59;
	v21 =	vor.u32 v10, v44;
	v18 =	vld.idx.msk [tilespmem:v18+s2+$0x0], $0xffff  }
0xbd: {  	v54 =	vmul.f32 v43, v59;
	v55 =	vmul.f32 v57, v59;
	vm12 =	vgt.s32 v13, $0x0;
	v58 =	vld.idx.msk [tilespmem:v58+s2+$0x0], $0xffff  }
0xbe: {  	vm11 =	vlt.u32 v13, $0x20;
	v13 =	vnsel vm12, $0x0, v13;
	v51 =	vadd.f32 v11, v3  }
0xbf: {  	v57 =	vld.idx.msk [tilespmem:v52+s2+$0x0], $0xffff;
	v48 =	vadd.f32 v14, v38;
	v46 =	vadd.f32 v55, v56;
	v55 =	vor.u32 v10, v61  }
0xc0: {  	vm13 =	vmand vm4, vm11;
	v49 =	vadd.f32 v15, v42;
	v11 =	vadd.f32 v54, v40  }
0xc1: {  	v15 =	vld.idx.msk [tilespmem:v21+s2+$0x0], $0xffff;
	v56 =	vshll.u32 v18, $0x10;
	v14 =	vand.u32 $0xFFFF0000, v18;
	v18 =	vor.u32 v10, v41  }
0xc2: {  	v13 =	vmin.u32 v13, $0x1F;
	v21 =	vshll.u32 v58, $0x10;
	v3 =	vmul.f32 v56, v59  }
0xc3: {  	v2 =	vld.idx.msk [tilespmem:v2+s2+$0x0], $0xffff;
	vm4 =	vmand vm1, vm13;
	v14 =	vmul.f32 v14, v59;
	v21 =	vmul.f32 v21, v59  }
0xc4: {  	v38 =	vand.u32 $0xFFFF0000, v57;
	v50 =	vand.u32 $0xFFFF0000, v58;
	v61 =	vld.idx.msk [tilespmem:v55+s2+$0x0], $0xffff;
	v54 =	vadd.f32 v3, v37  }
0xc5: {  	v52 =	vmul.f32 v50, v59;
	v36 =	vadd.f32 v14, v36;
	v43 =	vadd.f32 v21, v35;
	v21 =	vld.idx.msk [tilespmem:v60+s2+$0x0], $0xffff  }
0xc6: {  	v60 =	vmul.f32 v38, v59;
	v58 =	vshll.u32 v15, $0x10;
	v14 =	vand.u32 $0xFFFF0000, v15;
	v15 =	vld.idx.msk [tilespmem:v18+s2+$0x0], $0xffff  }
0xc7: {  	v3 =	vmul.f32 v58, v59;
	v18 =	vshll.u32 v57, $0x10;
	v14 =	vmul.f32 v14, v59  }
0xc8: {  	v35 =	vadd.f32 v52, v62;
	v37 =	vadd.f32 v60, v32;
	v18 =	vmul.f32 v18, v59  }
0xc9: {  	v57 =	vadd.f32 v3, v39;
	v58 =	vadd.f32 v14, v30;
	v30 =	vshll.u32 v61, $0x10  }
0xca: {  	v39 =	vshll.u32 v2, $0x10;
	v2 =	vand.u32 $0xFFFF0000, v2;
	v40 =	vadd.f32 v18, v31  }
0xcb: {  	v18 =	vor.u32 v10, v63;
	v63 =	vmul.f32 v30, v59;
	v62 =	vshll.u32 v15, $0x10  }
0xcc: {  	v9 =	vld.idx.msk [tilespmem:v9+s2+$0x0], $0xffff;
	v14 =	vand.u32 $0xFFFF0000, v15;
	v15 =	vshll.u32 v21, $0x10;
	v3 =	vmul.f32 v62, v59  }
0xcd: {  	v21 =	vand.u32 $0xFFFF0000, v21;
	v14 =	vmul.f32 v14, v59;
	v15 =	vmul.f32 v15, v59  }
0xce: {  	v10 =	vor.u32 v10, v34;
	v21 =	vmul.f32 v21, v59;
	v38 =	vadd.f32 v3, v26  }
0xcf: {  	v1 =	vld.idx.msk [tilespmem:v1+s2+$0x0], $0xffff;
	v2 =	vmul.f32 v2, v59;
	v29 =	vadd.f32 v14, v29;
	v31 =	vadd.f32 v15, v33  }
0xd0: {  	v50 =	vld [tilespmem:$0x1FF60];
	v32 =	vadd.f32 v21, v27;
	v14 =	vand.u32 $0xFFFF0000, v61;
	v3 =	vmul.f32 v39, v59  }
0xd1: {  	[tilespmem:$0x1FF00] =	vst v12;
	v21 =	vshll.u32 v9, $0x10;
	v9 =	vand.u32 $0xFFFF0000, v9;
	v33 =	vmul.f32 v14, v59  }
0xd2: {  	v15 =	vadd.f32 v63, v0;
	v18 =	vld.idx.msk [tilespmem:v18+s2+$0x0], $0xffff;
	v41 =	vmul.f32 v21, v59;
	v21 =	vmul.f32 v9, v59  }
0xd3: {  	[tilespmem:$0x1FFD0] =	vst v6;
	v6 =	vshll.u32 v13, $0x5;
	v62 =	vld [tilespmem:$0x1FEF0];
	v30 =	vadd.f32 v3, v24;
	v24 =	vadd.f32 v2, v28  }
0xd4: {  	v12 =	vadd.f32 v33, v25;
	v27 =	vadd.f32 v21, v8;
	v8 =	vld.idx.msk [tilespmem:v10+s2+$0x0], $0xffff;
	v33 =	vor.u32 v6, v7  }
0xd5: {  	[tilespmem:$0x1FF80] =	vst v6;
	v7 =	vshll.u32 v1, $0x10;
	v1 =	vand.u32 $0xFFFF0000, v1;
	v6 =	vld [tilespmem:$0x1FFA0];
	v10 =	vor.u32 v50, v33  }
0xd6: {  	v25 =	vadd.f32 v41, v22;
	v52 =	vmul.f32 v7, v59;
	v55 =	vmul.f32 v1, v59  }
0xd7: {  	v14 =	vld [tilespmem:$0x1FFC0];
	v56 =	vadd.s32 $0x1400, v33;
	v42 =	vshll.u32 v18, $0x10;
	v44 =	vand.u32 $0xFFFF0000, v18  }
0xd8: {  	v41 =	vand.u32 $0x3F80, v56;
	v1 =	vand.u32 $0x7F, v10;
	v26 =	vadd.f32 v52, v16  }
0xd9: {  	v16 =	vadd.f32 v55, v17;
	v61 =	vor.u32 v1, v41;
	v60 =	vshll.u32 v8, $0x10  }
0xda: {  	v7 =	vand.u32 $0xFFFF0000, v8;
	v17 =	vmul.f32 v62, v6;
	v8 =	vadd.s32 $0x2800, v33;
	v5 =	vld.idx.msk [tilespmem:v10+s2+$0x0], $0xffff  }
0xdb: {  	v2 =	vmul.f32 v42, v59;
	v3 =	vmul.f32 v44, v59;
	v44 =	vand.u32 $0x7F80, v8  }
0xdc: {  	v13 =	vadd.s32 $0x3C00, v33;
	v8 =	vmul.f32 v17, v14;
	v10 =	vor.u32 v1, v44  }
0xdd: {  	v42 =	vand.u32 $0x7F80, v13;
	v13 =	vadd.s32 $0x5000, v33;
	v19 =	vadd.f32 v2, v19  }
0xde: {  	v4 =	vadd.f32 v3, v4;
	v3 =	vld.idx.msk [tilespmem:v61+s2+$0x0], $0xffff;
	v18 =	vnsel vm4, $0x0, v8;
	v8 =	vor.u32 v1, v42  }
0xdf: {  	v2 =	vmul.f32 v60, v59;
	v7 =	vmul.f32 v7, v59;
	v21 =	vshll.u32 v5, $0x10  }
0xe0: {  	v34 =	vand.u32 $0x7F80, v13;
	v5 =	vand.u32 $0xFFFF0000, v5;
	v13 =	vmul.f32 v21, v18  }
0xe1: {  	v52 =	vadd.f32 v2, v20;
	v22 =	vadd.f32 v7, v47;
	v5 =	vmul.f32 v5, v18;
	v63 =	vld.idx.msk [tilespmem:v10+s2+$0x0], $0xffff  }
0xe2: {  	v20 =	vadd.s32 $0x8C00, v33;
	v21 =	vor.u32 v1, v34;
	v50 =	vadd.f32 v13, v23  }
0xe3: {  	v23 =	vadd.f32 v5, v53;
	v5 =	vshll.u32 v3, $0x10;
	v7 =	vld.idx.msk [tilespmem:v8+s2+$0x0], $0xffff;
	v8 =	vadd.s32 $0x6400, v33  }
0xe4: {  	v3 =	vand.u32 $0xFFFF0000, v3;
	v5 =	vmul.f32 v5, v18;
	[tilespmem:$0x1FF10] =	vst v50;
	v50 =	vand.u32 $0xFF80, v8  }
0xe5: {  	v3 =	vmul.f32 v3, v18;
	v8 =	vadd.s32 $0x7800, v33;
	v13 =	vor.u32 v1, v50  }
0xe6: {  	v39 =	vand.u32 $0xFF80, v8;
	v47 =	vadd.f32 v5, v45;
	v5 =	vshll.u32 v63, $0x10  }
0xe7: {  	v10 =	vld.idx.msk [tilespmem:v21+s2+$0x0], $0xffff;
	v45 =	vadd.f32 v3, v51;
	v2 =	vand.u32 $0xFFFF0000, v63;
	v51 =	vand.u32 $0xBF80, v20  }
0xe8: {  	v8 =	vor.u32 v1, v39;
	v55 =	vmul.f32 v5, v18;
	v2 =	vmul.f32 v2, v18  }
0xe9: {  	v21 =	vor.u32 v1, v51;
	v5 =	vshll.u32 v7, $0x10;
	v7 =	vand.u32 $0xFFFF0000, v7  }
0xea: {  	v5 =	vmul.f32 v5, v18;
	v7 =	vmul.f32 v7, v18  }
0xeb: {  	v48 =	vadd.f32 v55, v48;
	v49 =	vadd.f32 v2, v49;
	v13 =	vld.idx.msk [tilespmem:v13+s2+$0x0], $0xffff  }
0xec: {  	v20 =	vshll.u32 v10, $0x10;
	v53 =	vadd.f32 v5, v11;
	v46 =	vadd.f32 v7, v46  }
0xed: {  	v5 =	vand.u32 $0x1F80, v33;
	v7 =	vand.u32 $0xFFFF0000, v10;
	v56 =	vmul.f32 v20, v18;
	v59 =	vld.idx.msk [tilespmem:v8+s2+$0x0], $0xffff  }
0xee: {  	v61 =	vor.u32 $0xA000, v5;
	v63 =	vmul.f32 v7, v18;
	v7 =	vadd.s32 $0xB400, v33;
	v11 =	vld.idx.msk [tilespmem:v21+s2+$0x0], $0xffff  }
0xef: {  	v20 =	vadd.s32 $0x11800, v33;
	v5 =	vor.u32 v1, v61;
	v55 =	vand.u32 $0xFF80, v7  }
0xf0: {  	v62 =	vadd.f32 v56, v54;
	v54 =	vadd.f32 v63, v36;
	v8 =	vshll.u32 v13, $0x10  }
0xf1: {  	v10 =	vand.u32 $0xFFFF0000, v13;
	v13 =	vor.u32 v1, v55;
	v7 =	vmul.f32 v8, v18  }
0xf2: {  	v8 =	vshll.u32 v59, $0x10;
	v10 =	vmul.f32 v10, v18;
	v3 =	vand.u32 $0xFFFF0000, v59  }
0xf3: {  	v59 =	vshll.u32 v11, $0x10;
	v8 =	vmul.f32 v8, v18;
	v36 =	vmul.f32 v3, v18  }
0xf4: {  	v3 =	vld.idx.msk [tilespmem:v5+s2+$0x0], $0xffff;
	v5 =	vadd.s32 $0xC800, v33;
	v2 =	vmul.f32 v59, v18;
	v43 =	vadd.f32 v7, v43  }
0xf5: {  	v56 =	vadd.f32 v10, v35;
	v63 =	vand.u32 $0xFF80, v5;
	v5 =	vand.u32 $0xFFFF0000, v11  }
0xf6: {  	v10 =	vadd.s32 $0xDC00, v33;
	v35 =	vadd.f32 v8, v57;
	v8 =	vor.u32 v1, v63  }
0xf7: {  	[tilespmem:$0x1FF40] =	vst v62;
	v36 =	vadd.f32 v36, v58;
	v62 =	vand.u32 $0xFF80, v10;
	v10 =	vadd.s32 $0xF000, v33;
	v7 =	vld.idx.msk [tilespmem:v13+s2+$0x0], $0xffff  }
0xf8: {  	v5 =	vmul.f32 v5, v18;
	v58 =	vand.u32 $0x1FF80, v10;
	v10 =	vor.u32 v1, v62  }
0xf9: {  	v59 =	vand.u32 $0x13F80, v20;
	v11 =	vor.u32 v1, v58  }
0xfa: {  	v40 =	vadd.f32 v2, v40;
	v57 =	vadd.f32 v5, v37;
	v60 =	vshll.u32 v3, $0x10  }
0xfb: {  	v3 =	vand.u32 $0xFFFF0000, v3;
	v5 =	vmul.f32 v60, v18;
	v60 =	vadd.s32 $0x10400, v33;
	v13 =	vld.idx.msk [tilespmem:v8+s2+$0x0], $0xffff  }
0xfc: {  	v3 =	vmul.f32 v3, v18;
	v2 =	vand.u32 $0x13F80, v60;
	v8 =	vshll.u32 v7, $0x10  }
0xfd: {  	v7 =	vand.u32 $0xFFFF0000, v7;
	v10 =	vld.idx.msk [tilespmem:v10+s2+$0x0], $0xffff;
	v20 =	vor.u32 v1, v2;
	v21 =	vmul.f32 v8, v18  }
0xfe: {  	v8 =	vadd.f32 v5, v38;
	v5 =	vmul.f32 v7, v18;
	v7 =	vld.idx.msk [tilespmem:v11+s2+$0x0], $0xffff;
	v11 =	vor.u32 v1, v59  }
0xff: {  	v38 =	vadd.f32 v3, v29;
	v60 =	vadd.f32 v21, v31  }
0x100: {  	v29 =	vadd.f32 v5, v32;
	v32 =	vshll.u32 v13, $0x10;
	v5 =	vand.u32 $0xFFFF0000, v13  }
0x101: {  	v9 =	vld [tilespmem:$0x1FFD0];
	v13 =	vadd.s32 $0x12C00, v33;
	v3 =	vmul.f32 v32, v18;
	v5 =	vmul.f32 v5, v18  }
0x102: {  	v21 =	vshll.u32 v10, $0x10;
	v10 =	vand.u32 $0xFFFF0000, v10;
	v32 =	vld.idx.msk [tilespmem:v20+s2+$0x0], $0xffff;
	v31 =	vand.u32 $0x17F80, v13  }
0x103: {  	v13 =	vmul.f32 v21, v18;
	v11 =	vld.idx.msk [tilespmem:v11+s2+$0x0], $0xffff;
	v21 =	vor.u32 v1, v31;
	v1 =	vshll.u32 v7, $0x10  }
0x104: {  	v37 =	vmul.f32 v10, v18;
	v20 =	vadd.f32 v3, v15;
	v15 =	vmul.f32 v1, v18  }
0x105: {  	v10 =	vadd.f32 v5, v12;
	v5 =	vand.u32 $0xFFFF0000, v7;
	v0 =	vadd.f32 v13, v30  }
0x106: {  	v1 =	vadd.f32 v37, v24;
	v37 =	vmul.f32 v5, v18;
	v13 =	vor.u32 v9, v33  }
0x107: {  	v15 =	vadd.f32 v15, v25;
	v33 =	vand.u32 $0x7F, v13;
	v5 =	vshll.u32 v32, $0x10  }
0x108: {  	v7 =	vand.u32 $0xFFFF0000, v32;
	v5 =	vmul.f32 v5, v18;
	v25 =	vld.idx.msk [tilespmem:v21+s2+$0x0], $0xffff;
	v21 =	vshll.u32 v11, $0x10  }
0x109: {  	v7 =	vmul.f32 v7, v18;
	v24 =	vmul.f32 v21, v18;
	v21 =	vadd.f32 v37, v27;
	v37 =	vld [tilespmem:$0x1FF00]  }
0x10a: {  	v41 =	vor.u32 v33, v41;
	v27 =	vld [tilespmem:$0x1FFE0]  }
0x10b: {  	v19 =	vadd.f32 v5, v19;
	v28 =	vadd.f32 v7, v4;
	v4 =	vand.u32 $0xFFFF0000, v11;
	v5 =	vld.idx.msk [tilespmem:v13+s2+$0x0], $0xffff  }
0x10c: {  	vm5 =	vmand vm10, vm13;
	v7 =	vor.u32 v33, v44;
	v4 =	vmul.f32 v4, v18  }
0x10d: {  	v30 =	vadd.f32 v24, v26;
	v26 =	vor.u32 v33, v42;
	v11 =	vshll.u32 v25, $0x10  }
0x10e: {  	v24 =	vadd.f32 v4, v16;
	v4 =	vand.u32 $0xFFFF0000, v25;
	v11 =	vmul.f32 v11, v18  }
0x10f: {  	v12 =	vld.idx.msk [tilespmem:v41+s2+$0x0], $0xffff;
	v3 =	vadd.s32 $0x1, v37;
	v41 =	vmul.f32 v17, v27;
	v4 =	vmul.f32 v4, v18  }
0x110: {  	vm14 =	vlt.u32 v3, $0x5;
	vm6 =	vgt.s32 v3, $0x0;
	v42 =	vshll.u32 v5, $0x10  }
0x111: {  	v7 =	vld.idx.msk [tilespmem:v7+s2+$0x0], $0xffff;
	v5 =	vand.u32 $0xFFFF0000, v5;
	v25 =	vadd.f32 v11, v52;
	v11 =	vor.u32 v33, v34  }
0x112: {  	v3 =	vnsel vm6, $0x0, v3;
	v16 =	vnsel vm5, $0x0, v41;
	v18 =	vld.idx.msk [tilespmem:v26+s2+$0x0], $0xffff;
	v26 =	vor.u32 v33, v50  }
0x113: {  	v32 =	vadd.f32 v4, v22;
	v4 =	vld [tilespmem:$0x1FF10];
	v22 =	vor.u32 v33, v51;
	v3 =	vmin.u32 v3, $0x4  }
0x114: {  	v5 =	vmul.f32 v5, v16;
	v17 =	vshll.u32 v12, $0x10;
	v12 =	vand.u32 $0xFFFF0000, v12  }
0x115: {  	v6 =	vshll.u32 v3, $0xA;
	v3 =	vmul.f32 v42, v16;
	v17 =	vmul.f32 v17, v16  }
0x116: {  	v44 =	vmul.f32 v12, v16;
	v12 =	vor.u32 v33, v39;
	v52 =	vadd.f32 v5, v23;
	v11 =	vld.idx.msk [tilespmem:v11+s2+$0x0], $0xffff  }
0x117: {  	v23 =	vor.u32 v33, v61;
	v37 =	vadd.f32 v17, v47;
	v5 =	vshll.u32 v7, $0x10;
	v17 =	vld.idx.msk [tilespmem:v26+s2+$0x0], $0xffff  }
0x118: {  	v50 =	vand.u32 $0xFFFF0000, v7;
	v4 =	vadd.f32 v3, v4;
	v7 =	vshll.u32 v18, $0x10  }
0x119: {  	v5 =	vmul.f32 v5, v16;
	v18 =	vand.u32 $0xFFFF0000, v18;
	v7 =	vmul.f32 v7, v16  }
0x11a: {  	v13 =	vld [tilespmem:$0x1FF30];
	v3 =	vmul.f32 v50, v16;
	v51 =	vmul.f32 v18, v16;
	v18 =	vor.u32 v33, v55  }
0x11b: {  	v55 =	vor.u32 v33, v63;
	v41 =	vadd.f32 v5, v48;
	v12 =	vld.idx.msk [tilespmem:v12+s2+$0x0], $0xffff;
	v34 =	vadd.f32 v7, v53  }
0x11c: {  	v23 =	vld.idx.msk [tilespmem:v23+s2+$0x0], $0xffff;
	v5 =	vshll.u32 v11, $0x10;
	v7 =	vand.u32 $0xFFFF0000, v11;
	v11 =	vand.u32 $0xFFFF0000, v17  }
0x11d: {  	v53 =	vmul.f32 v5, v16;
	v5 =	vmul.f32 v7, v16;
	v7 =	vshll.u32 v17, $0x10;
	v17 =	vld.idx.msk [tilespmem:v22+s2+$0x0], $0xffff  }
0x11e: {  	v49 =	vadd.f32 v3, v49;
	v22 =	vmul.f32 v11, v16;
	v11 =	vld [tilespmem:$0x1FF20];
	v7 =	vmul.f32 v7, v16  }
0x11f: {  	v2 =	vor.u32 v33, v2;
	v42 =	vadd.f32 v51, v46;
	v51 =	vadd.f32 v5, v54  }
0x120: {  	v63 =	vadd.f32 v22, v56;
	v26 =	vadd.f32 v7, v43;
	v7 =	vor.u32 v33, v62  }
0x121: {  	v56 =	vshll.u32 v12, $0x10;
	v5 =	vand.u32 $0xFFFF0000, v12;
	v22 =	vshll.u32 v23, $0x10  }
0x122: {  	v61 =	vld.idx.msk [tilespmem:v55+s2+$0x0], $0xffff;
	v3 =	vmul.f32 v56, v16;
	v5 =	vmul.f32 v5, v16;
	v62 =	vor.u32 v33, v58  }
0x123: {  	v18 =	vld.idx.msk [tilespmem:v18+s2+$0x0], $0xffff;
	v47 =	vmul.f32 v11, v13;
	v12 =	vshll.u32 v17, $0x10;
	v17 =	vand.u32 $0xFFFF0000, v17  }
0x124: {  	v11 =	vld [tilespmem:$0x1FF40];
	v46 =	vadd.f32 v3, v35;
	v50 =	vadd.f32 v5, v36;
	v12 =	vmul.f32 v12, v16  }
0x125: {  	v5 =	vand.u32 $0xFFFF0000, v23;
	v35 =	vmul.f32 v17, v16;
	v17 =	vmul.f32 v22, v16;
	v7 =	vld.idx.msk [tilespmem:v7+s2+$0x0], $0xffff  }
0x126: {  	v39 =	vadd.f32 v44, v45;
	v5 =	vmul.f32 v5, v16;
	v36 =	vadd.f32 v12, v40  }
0x127: {  	v22 =	vand.u32 $0xFFFF0000, v61;
	v3 =	vadd.f32 v35, v57;
	v57 =	vadd.f32 v17, v8  }
0x128: {  	v2 =	vld.idx.msk [tilespmem:v2+s2+$0x0], $0xffff;
	v8 =	vshll.u32 v18, $0x10;
	v56 =	vadd.f32 v5, v38;
	v5 =	vmul.f32 v22, v16  }
0x129: {  	v12 =	vand.u32 $0xFFFF0000, v18;
	v8 =	vmul.f32 v8, v16;
	v44 =	vadd.f32 v53, v11  }
0x12a: {  	v18 =	vld.idx.msk [tilespmem:v62+s2+$0x0], $0xffff;
	v53 =	vor.u32 v33, v59;
	v62 =	vadd.f32 v5, v10;
	v5 =	vand.u32 $0xFFFF0000, v7  }
0x12b: {  	v17 =	vshll.u32 v61, $0x10;
	v12 =	vmul.f32 v12, v16;
	v5 =	vmul.f32 v5, v16  }
0x12c: {  	vm3 =	vmand vm3, vm14;
	v17 =	vmul.f32 v17, v16;
	v61 =	vadd.f32 v8, v60  }
0x12d: {  	v22 =	vadd.f32 v12, v29;
	v60 =	vld [tilespmem:$0x1FF50];
	v10 =	vadd.f32 v5, v1;
	v5 =	vshll.u32 v2, $0x10  }
0x12e: {  	v13 =	vld [tilespmem:$0x1FF60];
	v23 =	vadd.f32 v17, v20;
	v8 =	vshll.u32 v7, $0x10;
	v5 =	vmul.f32 v5, v16  }
0x12f: {  	v29 =	vor.u32 v33, v31;
	v33 =	vand.u32 $0xFFFF0000, v2;
	v7 =	vmul.f32 v8, v16;
	v20 =	vld.idx.msk [tilespmem:v53+s2+$0x0], $0xffff  }
0x130: {  	v8 =	vshll.u32 v18, $0x10;
	v11 =	vadd.f32 v5, v19;
	v5 =	vmul.f32 v33, v16  }
0x131: {  	v8 =	vmul.f32 v8, v16;
	v12 =	vadd.f32 v7, v0;
	v7 =	vand.u32 $0xFFFF0000, v18  }
0x132: {  	v35 =	vor.u32 v60, v6;
	v59 =	vmul.f32 v7, v16;
	v19 =	vadd.f32 v5, v28;
	v5 =	vld [tilespmem:$0x1FF70]  }
0x133: {  	v15 =	vadd.f32 v8, v15;
	v38 =	vor.u32 v13, v35;
	v45 =	vadd.s32 $0x1400, v35  }
0x134: {  	v7 =	vld.idx.msk [tilespmem:v29+s2+$0x0], $0xffff;
	v1 =	vand.u32 $0x7F, v38;
	v43 =	vshll.u32 v20, $0x10;
	v8 =	vand.u32 $0xFFFF0000, v20  }
0x135: {  	v18 =	vmul.f32 v43, v16;
	v8 =	vmul.f32 v8, v16;
	v43 =	vand.u32 $0x3F80, v45  }
0x136: {  	vm15 =	vmand vm1, vm3;
	v48 =	vor.u32 v1, v43  }
0x137: {  	v24 =	vadd.f32 v8, v24;
	v8 =	vmul.f32 v47, v5;
	v5 =	vadd.s32 $0x2800, v35  }
0x138: {  	v17 =	vadd.f32 v59, v21;
	v2 =	vld.idx.msk [tilespmem:v38+s2+$0x0], $0xffff;
	v55 =	vadd.f32 v18, v30;
	v40 =	vand.u32 $0x7F80, v5  }
0x139: {  	v18 =	vshll.u32 v7, $0x10;
	v7 =	vand.u32 $0xFFFF0000, v7;
	v20 =	vor.u32 v1, v40  }
0x13a: {  	v21 =	vadd.s32 $0x3C00, v35;
	v18 =	vmul.f32 v18, v16;
	v7 =	vmul.f32 v7, v16  }
0x13b: {  	[tilespmem:$0x1FFB0] =	vst v47;
	v47 =	vand.u32 $0x7F80, v21;
	v21 =	vadd.s32 $0x5000, v35;
	v5 =	vmul.f32 v8, v14  }
0x13c: {  	v25 =	vadd.f32 v18, v25;
	v29 =	vadd.f32 v7, v32;
	v0 =	vld.idx.msk [tilespmem:v48+s2+$0x0], $0xffff;
	v16 =	vor.u32 v1, v47  }
0x13d: {  	v38 =	vand.u32 $0x7F80, v21;
	v30 =	vnsel vm15, $0x0, v5;
	v5 =	vshll.u32 v2, $0x10  }
0x13e: {  	v7 =	vadd.s32 $0x7800, v35;
	v5 =	vmul.f32 v5, v30;
	v18 =	vld.idx.msk [tilespmem:v20+s2+$0x0], $0xffff;
	v20 =	vor.u32 v1, v38  }
0x13f: {  	v45 =	vand.u32 $0xFF80, v7;
	v2 =	vand.u32 $0xFFFF0000, v2  }
0x140: {  	v2 =	vmul.f32 v2, v30;
	v31 =	vadd.f32 v5, v4;
	v4 =	vadd.s32 $0x6400, v35  }
0x141: {  	v53 =	vshll.u32 v0, $0x10;
	v0 =	vand.u32 $0xFFFF0000, v0;
	v5 =	vld.idx.msk [tilespmem:v16+s2+$0x0], $0xffff;
	v48 =	vand.u32 $0xFF80, v4  }
0x142: {  	v32 =	vadd.f32 v2, v52;
	v2 =	vmul.f32 v53, v30;
	v4 =	vor.u32 v1, v48  }
0x143: {  	v0 =	vmul.f32 v0, v30;
	v16 =	vshll.u32 v18, $0x10;
	v18 =	vand.u32 $0xFFFF0000, v18;
	v20 =	vld.idx.msk [tilespmem:v20+s2+$0x0], $0xffff  }
0x144: {  	v7 =	vmul.f32 v16, v30;
	v16 =	vmul.f32 v18, v30;
	v18 =	vor.u32 v1, v45  }
0x145: {  	vm3 =	vmand vm10, vm3;
	v52 =	vadd.f32 v2, v37;
	v39 =	vadd.f32 v0, v39  }
0x146: {  	v54 =	vshll.u32 v5, $0x10;
	v58 =	vand.u32 $0xFFFF0000, v5;
	v5 =	vadd.s32 $0x8C00, v35  }
0x147: {  	v0 =	vmul.f32 v54, v30;
	v2 =	vmul.f32 v58, v30;
	v53 =	vand.u32 $0xBF80, v5;
	v4 =	vld.idx.msk [tilespmem:v4+s2+$0x0], $0xffff  }
0x148: {  	v41 =	vadd.f32 v7, v41;
	v37 =	vadd.f32 v16, v49;
	v7 =	vshll.u32 v20, $0x10  }
0x149: {  	v5 =	vand.u32 $0xFFFF0000, v20;
	v20 =	vand.u32 $0x1F80, v35;
	v16 =	vld.idx.msk [tilespmem:v18+s2+$0x0], $0xffff;
	v18 =	vor.u32 v1, v53  }
0x14a: {  	v54 =	vadd.f32 v0, v34;
	v5 =	vmul.f32 v5, v30;
	v49 =	vor.u32 $0xA000, v20  }
0x14b: {  	v34 =	vadd.f32 v2, v42;
	v7 =	vmul.f32 v7, v30;
	v59 =	vor.u32 v1, v49  }
0x14c: {  	v60 =	vshll.u32 v4, $0x10;
	v42 =	vadd.f32 v5, v51;
	v5 =	vadd.s32 $0xB400, v35  }
0x14d: {  	v4 =	vand.u32 $0xFFFF0000, v4;
	v44 =	vadd.f32 v7, v44;
	v51 =	vand.u32 $0xFF80, v5  }
0x14e: {  	v2 =	vmul.f32 v60, v30;
	v7 =	vmul.f32 v4, v30;
	v20 =	vor.u32 v1, v51;
	v18 =	vld.idx.msk [tilespmem:v18+s2+$0x0], $0xffff  }
0x14f: {  	v4 =	vshll.u32 v16, $0x10;
	v5 =	vand.u32 $0xFFFF0000, v16;
	v16 =	vadd.s32 $0xC800, v35  }
0x150: {  	v21 =	vmul.f32 v4, v30;
	v5 =	vmul.f32 v5, v30;
	v33 =	vld.idx.msk [tilespmem:v59+s2+$0x0], $0xffff;
	v0 =	vand.u32 $0xFF80, v16  }
0x151: {  	v4 =	vadd.f32 v2, v26;
	v16 =	vadd.f32 v7, v63;
	v7 =	vor.u32 v1, v0  }
0x152: {  	[tilespmem:$0x1FF90] =	vst v6;
	v8 =	vmul.f32 v8, v27;
	v6 =	vadd.f32 v21, v46;
	v46 =	vadd.f32 v5, v50  }
0x153: {  	v63 =	vshll.u32 v18, $0x10;
	v5 =	vand.u32 $0xFFFF0000, v18;
	v18 =	vadd.s32 $0xDC00, v35  }
0x154: {  	v26 =	vadd.s32 $0xF000, v35;
	v20 =	vld.idx.msk [tilespmem:v20+s2+$0x0], $0xffff;
	v2 =	vmul.f32 v63, v30;
	v59 =	vand.u32 $0xFF80, v18  }
0x155: {  	v5 =	vmul.f32 v5, v30;
	v18 =	vshll.u32 v33, $0x10;
	v21 =	vor.u32 v1, v59  }
0x156: {  	v60 =	vand.u32 $0x1FF80, v26;
	v50 =	vand.u32 $0xFFFF0000, v33;
	v18 =	vmul.f32 v18, v30;
	v7 =	vld.idx.msk [tilespmem:v7+s2+$0x0], $0xffff  }
0x157: {  	v2 =	vadd.f32 v2, v36;
	v36 =	vadd.f32 v5, v3;
	v5 =	vor.u32 v1, v60  }
0x158: {  	v3 =	vmul.f32 v50, v30;
	v28 =	vadd.f32 v18, v57;
	v18 =	vadd.s32 $0x10400, v35  }
0x159: {  	v26 =	vshll.u32 v20, $0x10;
	v20 =	vand.u32 $0xFFFF0000, v20;
	v58 =	vand.u32 $0x13F80, v18  }
0x15a: {  	v18 =	vmul.f32 v26, v30;
	v33 =	vor.u32 v1, v58;
	v26 =	vld.idx.msk [tilespmem:v21+s2+$0x0], $0xffff;
	v21 =	vadd.s32 $0x11800, v35  }
0x15b: {  	v20 =	vmul.f32 v20, v30;
	v57 =	vand.u32 $0x13F80, v21;
	v21 =	vshll.u32 v7, $0x10  }
0x15c: {  	v7 =	vand.u32 $0xFFFF0000, v7;
	v5 =	vld.idx.msk [tilespmem:v5+s2+$0x0], $0xffff;
	v21 =	vmul.f32 v21, v30;
	v50 =	vor.u32 v1, v57  }
0x15d: {  	v63 =	vadd.f32 v3, v56;
	v61 =	vadd.f32 v18, v61;
	v56 =	vmul.f32 v7, v30  }
0x15e: {  	v18 =	vadd.f32 v20, v22;
	v7 =	vadd.s32 $0x12C00, v35;
	v20 =	vadd.f32 v21, v23  }
0x15f: {  	v21 =	vadd.f32 v56, v62;
	v22 =	vld.idx.msk [tilespmem:v33+s2+$0x0], $0xffff;
	v23 =	vand.u32 $0x17F80, v7;
	v33 =	vor.u32 v9, v35  }
0x160: {  	v62 =	vshll.u32 v26, $0x10;
	v7 =	vand.u32 $0xFFFF0000, v26;
	v1 =	vor.u32 v1, v23  }
0x161: {  	v3 =	vmul.f32 v62, v30;
	v7 =	vmul.f32 v7, v30;
	v26 =	vld.idx.msk [tilespmem:v50+s2+$0x0], $0xffff;
	v50 =	vshll.u32 v5, $0x10  }
0x162: {  	v5 =	vand.u32 $0xFFFF0000, v5;
	v35 =	vmul.f32 v50, v30;
	v50 =	vand.u32 $0x7F, v33  }
0x163: {  	v62 =	vadd.f32 v3, v12;
	v56 =	vmul.f32 v5, v30;
	v5 =	vor.u32 v50, v43  }
0x164: {  	v7 =	vadd.f32 v7, v10;
	v12 =	vshll.u32 v22, $0x10;
	v43 =	vand.u32 $0xFFFF0000, v22;
	v22 =	vld.idx.msk [tilespmem:v33+s2+$0x0], $0xffff  }
0x165: {  	v33 =	vnsel vm3, $0x0, v8;
	v14 =	vadd.f32 v35, v15;
	v56 =	vadd.f32 v56, v17;
	v1 =	vld.idx.msk [tilespmem:v1+s2+$0x0], $0xffff  }
0x166: {  	v12 =	vmul.f32 v12, v30;
	v3 =	vmul.f32 v43, v30;
	v15 =	vshll.u32 v26, $0x10  }
0x167: {  	v17 =	vand.u32 $0xFFFF0000, v26;
	v26 =	vor.u32 v50, v40;
	v15 =	vmul.f32 v15, v30  }
0x168: {  	v10 =	vadd.f32 v12, v11;
	v12 =	vadd.f32 v3, v19;
	v17 =	vmul.f32 v17, v30;
	v3 =	vld.idx.msk [tilespmem:v5+s2+$0x0], $0xffff  }
0x169: {  	v5 =	vor.u32 v50, v47;
	v8 =	vshll.u32 v22, $0x10;
	v15 =	vadd.f32 v15, v55  }
0x16a: {  	v55 =	vadd.f32 v17, v24;
	v17 =	vshll.u32 v1, $0x10;
	v24 =	vor.u32 v50, v38  }
0x16b: {  	v19 =	vand.u32 $0xFFFF0000, v22;
	v1 =	vand.u32 $0xFFFF0000, v1;
	v17 =	vmul.f32 v17, v30  }
0x16c: {  	v8 =	vmul.f32 v8, v33;
	v1 =	vmul.f32 v1, v30;
	v30 =	vor.u32 v50, v48;
	v22 =	vld.idx.msk [tilespmem:v26+s2+$0x0], $0xffff  }
0x16d: {  	v38 =	vadd.f32 v17, v25;
	v17 =	vmul.f32 v19, v33;
	v26 =	vshll.u32 v3, $0x10  }
0x16e: {  	v0 =	vor.u32 v50, v0;
	v29 =	vadd.f32 v1, v29;
	v5 =	vld.idx.msk [tilespmem:v5+s2+$0x0], $0xffff;
	v19 =	vmul.f32 v26, v33  }
0x16f: {  	v1 =	vadd.f32 v8, v31;
	v3 =	vand.u32 $0xFFFF0000, v3;
	v43 =	vadd.f32 v17, v32;
	v17 =	vld.idx.msk [tilespmem:v24+s2+$0x0], $0xffff  }
0x170: {  	v3 =	vmul.f32 v3, v33;
	v26 =	vadd.f32 v19, v52;
	v19 =	vor.u32 v50, v45  }
0x171: {  	v31 =	vor.u32 v50, v49;
	v25 =	vld.idx.msk [tilespmem:v30+s2+$0x0], $0xffff;
	v30 =	vor.u32 v50, v53;
	v8 =	vshll.u32 v22, $0x10  }
0x172: {  	v22 =	vand.u32 $0xFFFF0000, v22;
	v47 =	vadd.f32 v3, v39;
	v8 =	vmul.f32 v8, v33  }
0x173: {  	v22 =	vmul.f32 v22, v33;
	v24 =	vshll.u32 v5, $0x10;
	v5 =	vand.u32 $0xFFFF0000, v5  }
0x174: {  	v24 =	vmul.f32 v24, v33;
	v48 =	vadd.f32 v8, v41;
	v8 =	vshll.u32 v17, $0x10  }
0x175: {  	v3 =	vadd.f32 v22, v37;
	v5 =	vmul.f32 v5, v33;
	v8 =	vmul.f32 v8, v33;
	v19 =	vld.idx.msk [tilespmem:v19+s2+$0x0], $0xffff  }
0x176: {  	v22 =	vadd.f32 v24, v54;
	v24 =	vshll.u32 v25, $0x10;
	v25 =	vand.u32 $0xFFFF0000, v25  }
0x177: {  	v0 =	vld.idx.msk [tilespmem:v0+s2+$0x0], $0xffff;
	v40 =	vadd.f32 v5, v34;
	v24 =	vmul.f32 v24, v33;
	v5 =	vmul.f32 v25, v33  }
0x178: {  	v52 =	vor.u32 v50, v51;
	v30 =	vld.idx.msk [tilespmem:v30+s2+$0x0], $0xffff;
	v35 =	vadd.f32 v8, v44  }
0x179: {  	v17 =	vand.u32 $0xFFFF0000, v17;
	v39 =	vadd.f32 v24, v4;
	v24 =	vadd.f32 v5, v16  }
0x17a: {  	v5 =	vld.idx.msk [tilespmem:v31+s2+$0x0], $0xffff;
	v4 =	vshll.u32 v19, $0x10;
	v8 =	vand.u32 $0xFFFF0000, v19;
	v19 =	vor.u32 v50, v59  }
0x17b: {  	v17 =	vmul.f32 v17, v33  }
0x17c: {  	vm2 =	vmand vm11, vm14;
	v54 =	vshll.u32 v0, $0x10;
	v0 =	vand.u32 $0xFFFF0000, v0  }
0x17d: {  	v41 =	vadd.f32 v17, v42;
	v16 =	vshll.u32 v30, $0x10;
	v4 =	vmul.f32 v4, v33  }
0x17e: {  	v25 =	vld.idx.msk [tilespmem:v52+s2+$0x0], $0xffff;
	v17 =	vand.u32 $0xFFFF0000, v30;
	v30 =	vor.u32 v50, v60;
	v8 =	vmul.f32 v8, v33  }
0x17f: {  	v42 =	vadd.f32 v4, v6;
	v53 =	vshll.u32 v5, $0x10;
	v4 =	vand.u32 $0xFFFF0000, v5;
	v5 =	vld.idx.msk [tilespmem:v19+s2+$0x0], $0xffff  }
0x180: {  	v16 =	vmul.f32 v16, v33;
	v37 =	vadd.f32 v8, v46;
	v8 =	vor.u32 v50, v58  }
0x181: {  	vm1 =	vmand vm1, vm2;
	v0 =	vmul.f32 v0, v33  }
0x182: {  	v17 =	vmul.f32 v17, v33;
	v16 =	vadd.f32 v16, v2;
	v4 =	vmul.f32 v4, v33  }
0x183: {  	v2 =	vmul.f32 v53, v33;
	v27 =	vld.idx.msk [tilespmem:v30+s2+$0x0], $0xffff;
	v30 =	vor.u32 v50, v57;
	v19 =	vshll.u32 v25, $0x10  }
0x184: {  	v32 =	vadd.f32 v4, v63;
	v4 =	vshll.u32 v5, $0x10;
	v5 =	vand.u32 $0xFFFF0000, v5  }
0x185: {  	v25 =	vand.u32 $0xFFFF0000, v25;
	v19 =	vmul.f32 v19, v33;
	v8 =	vld.idx.msk [tilespmem:v8+s2+$0x0], $0xffff;
	v5 =	vmul.f32 v5, v33  }
0x186: {  	v6 =	vld [tilespmem:$0x1FF90];
	v25 =	vmul.f32 v25, v33;
	v31 =	vadd.f32 v2, v28;
	v28 =	vor.u32 v50, v23  }
0x187: {  	v2 =	vmul.f32 v54, v33;
	v59 =	vadd.f32 v19, v61;
	v61 =	vadd.f32 v5, v7;
	v5 =	vld [tilespmem:$0x1FF80]  }
0x188: {  	v60 =	vadd.f32 v25, v18;
	v18 =	vshll.u32 v27, $0x10;
	v4 =	vmul.f32 v4, v33  }
0x189: {  	v17 =	vadd.f32 v17, v36;
	v19 =	vadd.f32 v2, v20;
	v25 =	vld.idx.msk [tilespmem:v30+s2+$0x0], $0xffff;
	v57 =	vmul.f32 v18, v33  }
0x18a: {  	v20 =	vadd.f32 v0, v21;
	v21 =	vadd.f32 v4, v62;
	v4 =	vand.u32 $0xFFFF0000, v8  }
0x18b: {  	v58 =	vand.u32 $0xFFFF0000, v27;
	v27 =	vld.idx.msk [tilespmem:v28+s2+$0x0], $0xffff;
	v14 =	vadd.f32 v57, v14;
	v4 =	vmul.f32 v4, v33  }
0x18c: {  	v62 =	vmul.f32 v58, v33;
	v63 =	vshll.u32 v8, $0x10;
	v23 =	vor.u32 v5, v6  }
0x18d: {  	v2 =	vmul.f32 v63, v33;
	v7 =	vadd.f32 v4, v12;
	v6 =	vld [tilespmem:$0x1FFB0];
	v4 =	vadd.s32 $0x1400, v23  }
0x18e: {  	v36 =	vand.u32 $0xFFFF0000, v25;
	v5 =	vshll.u32 v25, $0x10;
	v30 =	vand.u32 $0x3F80, v4;
	v4 =	vld [tilespmem:$0x1FFA0]  }
0x18f: {  	v9 =	vor.u32 v13, v23;
	v34 =	vmul.f32 v5, v33;
	v5 =	vadd.s32 $0x2800, v23  }
0x190: {  	v12 =	vand.u32 $0xFFFF0000, v27;
	v46 =	vand.u32 $0x7F, v9;
	v25 =	vand.u32 $0x7F80, v5;
	v5 =	vld [tilespmem:$0x1FFC0]  }
0x191: {  	v13 =	vadd.f32 v2, v10;
	v10 =	vshll.u32 v27, $0x10;
	v45 =	vor.u32 v46, v30  }
0x192: {  	v12 =	vmul.f32 v12, v33;
	v49 =	vmul.f32 v10, v33;
	v10 =	vor.u32 v46, v25  }
0x193: {  	v18 =	vadd.f32 v62, v56;
	v44 =	vmul.f32 v36, v33;
	v4 =	vmul.f32 v6, v4  }
0x194: {  	v50 =	vadd.s32 $0x3C00, v23;
	v27 =	vadd.s32 $0x5000, v23;
	v33 =	vadd.f32 v12, v29;
	v11 =	vld.idx.msk [tilespmem:v9+s2+$0x0], $0xffff  }
0x195: {  	v29 =	vand.u32 $0x7F80, v27;
	v8 =	vadd.f32 v34, v15;
	v15 =	vmul.f32 v4, v5  }
0x196: {  	v28 =	vor.u32 v46, v29;
	v2 =	vld.idx.msk [tilespmem:v45+s2+$0x0], $0xffff;
	v5 =	vadd.f32 v49, v38;
	v38 =	vand.u32 $0x7F80, v50  }
0x197: {  	v27 =	vadd.s32 $0x6400, v23;
	v10 =	vld.idx.msk [tilespmem:v10+s2+$0x0], $0xffff;
	v34 =	vnsel vm1, $0x0, v15;
	v15 =	vor.u32 v46, v38  }
0x198: {  	v57 =	vadd.s32 $0x7800, v23;
	v36 =	vand.u32 $0xFF80, v27;
	v9 =	vadd.f32 v44, v55  }
0x199: {  	v45 =	vand.u32 $0xFF80, v57;
	v51 =	vshll.u32 v11, $0x10;
	v12 =	vand.u32 $0xFFFF0000, v11  }
0x19a: {  	v62 =	vor.u32 v46, v45;
	v0 =	vmul.f32 v51, v34;
	v52 =	vmul.f32 v12, v34  }
0x19b: {  	v58 =	vld.idx.msk [tilespmem:v28+s2+$0x0], $0xffff;
	v12 =	vor.u32 v46, v36;
	v53 =	vshll.u32 v2, $0x10;
	v2 =	vand.u32 $0xFFFF0000, v2  }
0x19c: {  	v11 =	vadd.f32 v0, v1;
	v54 =	vmul.f32 v53, v34;
	v56 =	vld.idx.msk [tilespmem:v15+s2+$0x0], $0xffff;
	v15 =	vshll.u32 v10, $0x10  }
0x19d: {  	v55 =	vmul.f32 v2, v34;
	v10 =	vand.u32 $0xFFFF0000, v10;
	v15 =	vmul.f32 v15, v34  }
0x19e: {  	v27 =	vadd.f32 v52, v43;
	v44 =	vadd.f32 v54, v26;
	v10 =	vmul.f32 v10, v34  }
0x19f: {  	v47 =	vadd.f32 v55, v47;
	v28 =	vadd.f32 v15, v48  }
0x1a0: {  	v63 =	vld.idx.msk [tilespmem:v12+s2+$0x0], $0xffff;
	v26 =	vadd.f32 v10, v3;
	v10 =	vadd.s32 $0x8C00, v23;
	v15 =	vand.u32 $0x1F80, v23  }
0x1a1: {  	v48 =	vand.u32 $0xBF80, v10;
	v10 =	vshll.u32 v58, $0x10;
	v50 =	vor.u32 $0xA000, v15  }
0x1a2: {  	v55 =	vshll.u32 v56, $0x10;
	v2 =	vand.u32 $0xFFFF0000, v56;
	v12 =	vor.u32 v46, v48  }
0x1a3: {  	v0 =	vld.idx.msk [tilespmem:v62+s2+$0x0], $0xffff;
	v56 =	vand.u32 $0xFFFF0000, v58;
	v10 =	vmul.f32 v10, v34;
	v3 =	vmul.f32 v55, v34  }
0x1a4: {  	v58 =	vor.u32 v46, v50;
	v2 =	vmul.f32 v2, v34;
	v15 =	vmul.f32 v56, v34  }
0x1a5: {  	v57 =	vshll.u32 v63, $0x10;
	v1 =	vand.u32 $0xFFFF0000, v63;
	v55 =	vadd.s32 $0xB400, v23  }
0x1a6: {  	v56 =	vadd.s32 $0xC800, v23;
	v62 =	vmul.f32 v57, v34;
	v51 =	vadd.f32 v3, v22  }
0x1a7: {  	v1 =	vmul.f32 v1, v34;
	v52 =	vadd.f32 v2, v40;
	v22 =	vadd.f32 v10, v35  }
0x1a8: {  	v35 =	vadd.f32 v15, v41;
	v10 =	vshll.u32 v0, $0x10;
	v0 =	vand.u32 $0xFFFF0000, v0;
	v63 =	vld.idx.msk [tilespmem:v12+s2+$0x0], $0xffff  }
0x1a9: {  	v2 =	vand.u32 $0xFF80, v55;
	v43 =	vadd.f32 v62, v39;
	v10 =	vmul.f32 v10, v34;
	v12 =	vld.idx.msk [tilespmem:v58+s2+$0x0], $0xffff  }
0x1aa: {  	v15 =	vor.u32 v46, v2;
	v49 =	vadd.f32 v1, v24;
	v57 =	vmul.f32 v0, v34  }
0x1ab: {  	v39 =	vand.u32 $0xFF80, v56;
	v58 =	vadd.s32 $0xDC00, v23;
	v0 =	vadd.f32 v10, v42  }
0x1ac: {  	v10 =	vor.u32 v46, v39;
	v24 =	vadd.f32 v57, v37;
	v53 =	vand.u32 $0xFF80, v58  }
0x1ad: {  	v6 =	vld [tilespmem:$0x1FFD0];
	v57 =	vadd.s32 $0xF000, v23;
	v58 =	vadd.s32 $0x10400, v23;
	v62 =	vshll.u32 v63, $0x10  }
0x1ae: {  	v3 =	vand.u32 $0xFFFF0000, v63;
	v63 =	vor.u32 v46, v53;
	v56 =	vshll.u32 v12, $0x10  }
0x1af: {  	v3 =	vmul.f32 v3, v34;
	v40 =	vmul.f32 v56, v34;
	v56 =	vand.u32 $0x1FF80, v57  }
0x1b0: {  	v15 =	vld.idx.msk [tilespmem:v15+s2+$0x0], $0xffff;
	v12 =	vand.u32 $0xFFFF0000, v12;
	v57 =	vand.u32 $0x13F80, v58;
	v41 =	vor.u32 v46, v56  }
0x1b1: {  	v1 =	vmul.f32 v62, v34;
	v10 =	vld.idx.msk [tilespmem:v10+s2+$0x0], $0xffff;
	v17 =	vadd.f32 v3, v17;
	v3 =	vor.u32 v46, v57  }
0x1b2: {  	v6 =	vor.u32 v6, v23;
	v12 =	vmul.f32 v12, v34;
	v62 =	vadd.s32 $0x12C00, v23  }
0x1b3: {  	v62 =	vand.u32 $0x17F80, v62;
	v54 =	vadd.f32 v1, v16;
	v55 =	vadd.f32 v40, v31  }
0x1b4: {  	v16 =	vadd.f32 v12, v32;
	v31 =	vadd.s32 $0x11800, v23;
	v1 =	vld.idx.msk [tilespmem:v63+s2+$0x0], $0xffff;
	v63 =	vor.u32 v46, v62  }
0x1b5: {  	v12 =	vshll.u32 v15, $0x10;
	v15 =	vand.u32 $0xFFFF0000, v15;
	v58 =	vand.u32 $0x13F80, v31;
	v32 =	vld.idx.msk [tilespmem:v41+s2+$0x0], $0xffff  }
0x1b6: {  	v12 =	vmul.f32 v12, v34;
	v15 =	vmul.f32 v15, v34;
	v31 =	vshll.u32 v10, $0x10;
	v3 =	vld.idx.msk [tilespmem:v3+s2+$0x0], $0xffff  }
0x1b7: {  	v37 =	vor.u32 v46, v58;
	v10 =	vand.u32 $0xFFFF0000, v10;
	v31 =	vmul.f32 v31, v34  }
0x1b8: {  	v40 =	vmul.f32 v10, v34;
	v10 =	vadd.f32 v15, v60;
	v60 =	vand.u32 $0x7F, v6  }
0x1b9: {  	v59 =	vadd.f32 v12, v59;
	v30 =	vor.u32 v60, v30;
	v19 =	vadd.f32 v31, v19;
	v42 =	vld.idx.msk [tilespmem:v63+s2+$0x0], $0xffff  }
0x1ba: {  	v12 =	vadd.f32 v40, v20;
	v41 =	vshll.u32 v1, $0x10;
	v31 =	vand.u32 $0xFFFF0000, v32  }
0x1bb: {  	v15 =	vmul.f32 v41, v34;
	v23 =	vmul.f32 v31, v34;
	v31 =	vshll.u32 v3, $0x10  }
0x1bc: {  	v20 =	vand.u32 $0xFFFF0000, v1;
	v3 =	vand.u32 $0xFFFF0000, v3;
	v31 =	vmul.f32 v31, v34  }
0x1bd: {  	v1 =	vadd.f32 v15, v21;
	v15 =	vmul.f32 v20, v34;
	v21 =	vld.idx.msk [tilespmem:v37+s2+$0x0], $0xffff;
	v3 =	vmul.f32 v3, v34  }
0x1be: {  	v20 =	vshll.u32 v32, $0x10;
	v13 =	vadd.f32 v31, v13;
	v31 =	vand.u32 $0xFFFF0000, v42  }
0x1bf: {  	v20 =	vmul.f32 v20, v34;
	v3 =	vadd.f32 v3, v7;
	v7 =	vmul.f32 v31, v34;
	v31 =	vld [tilespmem:$0x1FFE0]  }
0x1c0: {  	v25 =	vor.u32 v60, v25;
	v46 =	vor.u32 v60, v38  }
0x1c1: {  	v6 =	vld.idx.msk [tilespmem:v6+s2+$0x0], $0xffff;
	v18 =	vadd.f32 v23, v18;
	v23 =	vshll.u32 v42, $0x10;
	v14 =	vadd.f32 v20, v14  }
0x1c2: {  	v23 =	vmul.f32 v23, v34;
	v20 =	vshll.u32 v21, $0x10;
	v21 =	vand.u32 $0xFFFF0000, v21  }
0x1c3: {  	v30 =	vld.idx.msk [tilespmem:v30+s2+$0x0], $0xffff;
	v20 =	vmul.f32 v20, v34;
	v21 =	vmul.f32 v21, v34  }
0x1c4: {  	v5 =	vadd.f32 v23, v5;
	v4 =	vmul.f32 v4, v31  }
0x1c5: {  	vm0 =	vmand vm10, vm2;
	v8 =	vadd.f32 v20, v8;
	v9 =	vadd.f32 v21, v9;
	v21 =	vld.idx.msk [tilespmem:v25+s2+$0x0], $0xffff  }
0x1c6: {  	v20 =	vshll.u32 v6, $0x10;
	v31 =	vor.u32 v60, v36;
	v4 =	vnsel vm0, $0x0, v4  }
0x1c7: {  	v23 =	vor.u32 v60, v29;
	v29 =	vld.idx.msk [tilespmem:v46+s2+$0x0], $0xffff;
	v6 =	vand.u32 $0xFFFF0000, v6;
	v20 =	vmul.f32 v20, v4  }
0x1c8: {  	v25 =	vshll.u32 v30, $0x10;
	v30 =	vand.u32 $0xFFFF0000, v30;
	v6 =	vmul.f32 v6, v4  }
0x1c9: {  	v25 =	vmul.f32 v25, v4;
	v46 =	vadd.f32 v20, v11;
	v11 =	vmul.f32 v30, v4  }
0x1ca: {  	v20 =	vor.u32 v60, v45;
	v45 =	vadd.f32 v6, v27;
	v6 =	vshll.u32 v21, $0x10  }
0x1cb: {  	v2 =	vor.u32 v60, v2;
	v44 =	vadd.f32 v25, v44;
	v25 =	vld.idx.msk [tilespmem:v31+s2+$0x0], $0xffff;
	v6 =	vmul.f32 v6, v4  }
0x1cc: {  	v38 =	vadd.f32 v11, v47;
	v11 =	vand.u32 $0xFFFF0000, v21;
	v21 =	vld.idx.msk [tilespmem:v23+s2+$0x0], $0xffff;
	v23 =	vshll.u32 v29, $0x10  }
0x1cd: {  	v27 =	vand.u32 $0xFFFF0000, v29;
	v29 =	vor.u32 v60, v48;
	v23 =	vmul.f32 v23, v4  }
0x1ce: {  	v42 =	vadd.f32 v6, v28;
	v6 =	vmul.f32 v27, v4;
	v27 =	vor.u32 v60, v50  }
0x1cf: {  	v53 =	vor.u32 v60, v53;
	v15 =	vadd.f32 v15, v61;
	v11 =	vmul.f32 v11, v4;
	v20 =	vld.idx.msk [tilespmem:v20+s2+$0x0], $0xffff  }
0x1d0: {  	v7 =	vadd.f32 v7, v33;
	v40 =	vadd.f32 v23, v51;
	v23 =	vand.u32 $0xFFFF0000, v25  }
0x1d1: {  	v41 =	vadd.f32 v11, v26;
	v37 =	vadd.f32 v6, v52;
	v23 =	vmul.f32 v23, v4  }
0x1d2: {  	v6 =	vshll.u32 v21, $0x10;
	v11 =	vand.u32 $0xFFFF0000, v21;
	v21 =	vshll.u32 v25, $0x10;
	v25 =	vld.idx.msk [tilespmem:v29+s2+$0x0], $0xffff  }
0x1d3: {  	v28 =	vor.u32 v60, v39;
	v6 =	vmul.f32 v6, v4;
	v11 =	vmul.f32 v11, v4;
	v27 =	vld.idx.msk [tilespmem:v27+s2+$0x0], $0xffff  }
0x1d4: {  	v21 =	vmul.f32 v21, v4;
	v31 =	vadd.f32 v23, v49;
	v26 =	vshll.u32 v20, $0x10  }
0x1d5: {  	v23 =	vor.u32 v60, v56;
	v39 =	vadd.f32 v6, v22;
	v6 =	vmul.f32 v26, v4  }
0x1d6: {  	v36 =	vadd.f32 v11, v35;
	v35 =	vadd.f32 v21, v43;
	v11 =	vand.u32 $0xFFFF0000, v20  }
0x1d7: {  	v2 =	vld.idx.msk [tilespmem:v2+s2+$0x0], $0xffff;
	v20 =	vand.u32 $0xFFFF0000, v25;
	v30 =	vadd.f32 v6, v0;
	v6 =	vmul.f32 v11, v4  }
0x1d8: {  	v22 =	vld.idx.msk [tilespmem:v28+s2+$0x0], $0xffff;
	v11 =	vshll.u32 v25, $0x10;
	v21 =	vshll.u32 v27, $0x10;
	v20 =	vmul.f32 v20, v4  }
0x1d9: {  	v25 =	vor.u32 v60, v57;
	v11 =	vmul.f32 v11, v4;
	v21 =	vmul.f32 v21, v4  }
0x1da: {  	v0 =	vld.idx.msk [tilespmem:v53+s2+$0x0], $0xffff;
	v34 =	vadd.f32 v6, v24;
	v6 =	vand.u32 $0xFFFF0000, v27;
	v32 =	vadd.f32 v20, v17  }
0x1db: {  	v17 =	vor.u32 v60, v58;
	v20 =	vor.u32 v60, v62;
	v33 =	vadd.f32 v11, v54  }
0x1dc: {  	v23 =	vld.idx.msk [tilespmem:v23+s2+$0x0], $0xffff;
	v26 =	vadd.f32 v21, v55;
	v6 =	vmul.f32 v6, v4;
	v11 =	vshll.u32 v2, $0x10  }
0x1dd: {  	v2 =	vand.u32 $0xFFFF0000, v2;
	v21 =	vshll.u32 v22, $0x10;
	v11 =	vmul.f32 v11, v4  }
0x1de: {  	v22 =	vand.u32 $0xFFFF0000, v22;
	v2 =	vmul.f32 v2, v4;
	v21 =	vmul.f32 v21, v4  }
0x1df: {  	v29 =	vadd.f32 v6, v16;
	v6 =	vmul.f32 v22, v4;
	v57 =	vshll.u32 v0, $0x10  }
0x1e0: {  	v56 =	vld.idx.msk [tilespmem:v25+s2+$0x0], $0xffff;
	v0 =	vand.u32 $0xFFFF0000, v0;
	v28 =	vadd.f32 v11, v59;
	v27 =	vadd.f32 v2, v10  }
0x1e1: {  	v2 =	vmul.f32 v57, v4;
	v0 =	vmul.f32 v0, v4;
	v11 =	vshll.u32 v23, $0x10;
	v10 =	vld.idx.msk [tilespmem:v17+s2+$0x0], $0xffff  }
0x1e2: {  	v6 =	vadd.f32 v6, v12;
	v12 =	vand.u32 $0xFFFF0000, v23;
	v11 =	vmul.f32 v11, v4;
	v17 =	vld.idx.msk [tilespmem:v20+s2+$0x0], $0xffff  }
0x1e3: {  	v25 =	vadd.f32 v21, v19;
	v12 =	vmul.f32 v12, v4;
	v24 =	vadd.f32 v2, v1  }
0x1e4: {  	v23 =	vadd.f32 v0, v15;
	v22 =	vadd.f32 v11, v14  }
0x1e5: {  	v16 =	vshll.u32 v56, $0x10;
	v20 =	vadd.f32 v12, v18;
	v59 =	vand.u32 $0xFFFF0000, v56  }
0x1e6: {  	p0 =	sne.s32 s22, $0xB00;
	v58 =	vmul.f32 v16, v4;
	v1 =	vmul.f32 v59, v4;
	v60 =	vshll.u32 v10, $0x10  }
.Ltmp0:
0x1e7: {  	v61 =	vand.u32 $0xFFFF0000, v10;
	v10 =	vshll.u32 v17, $0x10;
	v11 =	vand.u32 $0xFFFF0000, v17;
	(pc) =	sbr.rel @p0 .LBB2_4-.Ltmp0, $4  }
0x1e8: {  	v19 =	vadd.f32 v58, v13;
	v0 =	vmul.f32 v60, v4;
	v2 =	vmul.f32 v61, v4  }
0x1e9: {  	v17 =	vadd.f32 v1, v3;
	v62 =	vmul.f32 v10, v4;
	v63 =	vmul.f32 v11, v4  }
0x1ea: {  	v14 =	vimm.f32 $0.0e+00;
	v16 =	vadd.f32 v0, v8;
	v15 =	vadd.f32 v2, v9  }
0x1eb: {  	s21 =	sadd.s32 $0x80, s21;
	s22 =	sadd.s32 $0x100, s22;
	s20 =	sadd.s32 $0x80, s20;
	v13 =	vimm.s32 $0x0;
	v58 =	vadd.f32 v62, v5;
	v11 =	vadd.f32 v63, v7  }
0x1ec: {  	s18 =	sadd.s32 s18, s19  }
0x1ed: {  	s19 =	sadd.s32 $0x18800, s18;
	[tilespmem:s18+$0x18800] =	vst v46  }
0x1ee: {  	[tilespmem:s19+$0x80] =	vst v45  }
0x1ef: {  	[tilespmem:s19+$0x100] =	vst v44  }
0x1f0: {  	[tilespmem:s19+$0x180] =	vst v38  }
0x1f1: {  	[tilespmem:s19+$0x200] =	vst v42  }
0x1f2: {  	s16 =	sor.u32 s17, s16;
	[tilespmem:s19+$0x280] =	vst v41  }
0x1f3: {  	s16 =	sor.u32 $0x380, s16;
	[tilespmem:s19+$0x300] =	vst v40  }
0x1f4: {  	[tilespmem:s16+$0x18800] =	vst v37  }
0x1f5: {  	[tilespmem:s18+$0x19000] =	vst v39  }
0x1f6: {  	[tilespmem:s18+$0x19080] =	vst v36  }
0x1f7: {  	[tilespmem:s18+$0x19100] =	vst v35  }
0x1f8: {  	[tilespmem:s18+$0x19180] =	vst v31  }
0x1f9: {  	[tilespmem:s18+$0x19200] =	vst v30  }
0x1fa: {  	[tilespmem:s18+$0x19280] =	vst v34  }
0x1fb: {  	[tilespmem:s18+$0x19300] =	vst v33  }
0x1fc: {  	[tilespmem:s18+$0x19380] =	vst v32  }
0x1fd: {  	[tilespmem:s18+$0x19800] =	vst v26  }
0x1fe: {  	[tilespmem:s18+$0x19880] =	vst v29  }
0x1ff: {  	[tilespmem:s18+$0x19900] =	vst v28  }
0x200: {  	[tilespmem:s18+$0x19980] =	vst v27  }
0x201: {  	[tilespmem:s18+$0x19A00] =	vst v25  }
0x202: {  	[tilespmem:s18+$0x19A80] =	vst v6  }
0x203: {  	[tilespmem:s18+$0x19B00] =	vst v24  }
0x204: {  	[tilespmem:s18+$0x19B80] =	vst v23  }
0x205: {  	[tilespmem:s18+$0x1A000] =	vst v22  }
0x206: {  	s15 =	sadd.s32 $0x1, s15;
	[tilespmem:s18+$0x1A080] =	vst v20  }
0x207: {  	p0 =	sne.s32 s15, $0x10;
	[tilespmem:s18+$0x1A100] =	vst v19  }
.Ltmp1:
0x208: {  	[tilespmem:s18+$0x1A180] =	vst v17;
	(pc) =	sbr.rel @p0 .LBB2_3-.Ltmp1, $4  }
0x209: {  	[tilespmem:s18+$0x1A200] =	vst v16  }
0x20a: {  	[tilespmem:s18+$0x1A280] =	vst v15  }
0x20b: {  	[tilespmem:s18+$0x1A300] =	vst v58  }
0x20c: {  	[tilespmem:s18+$0x1A380] =	vst v11  }
0x20d: {  	s14 =	sshll.u32 s14, $0xA;
	s12 =	sadd.s32 $0x1, s12  }
0x20e: {  	s15 =	sshll.u32 s13, $0xC;
	s14 =	sadd.s32 s1, s14;
	p0 =	sne.s32 s12, $0x9  }
.Ltmp2:
0x20f: {  	s14 =	sadd.s32 s15, s14;
	(pc) =	sbr.rel @p0 .LBB2_2-.Ltmp2, $4  }
0x210: {  	[hbm4b:s14+s2] =	stream.linear.scatter [tilespmem:s10], [sflag:$0x1], $0x2000, $0x38;
	[tilespmem:$0x1A800] =	vst v63  }
0x211: {  	_ =	swait.ge [sflag:s9], $0x2000  }
0x212: {  	[sflag:s9] =	ssyncset.done $0x0  }
0x213: {  	[sflag:s9] =	ssyncadd.s32 $0xFFFFE000  }
0x214: {  	s11 =	sadd.s32 $0x1, s11  }
0x215: {  	p0 =	sne.s32 s11, s7  }
.Ltmp3:
0x216: {  	_ = 	snop;
	(pc) =	sbr.rel @p0 .LBB2_1-.Ltmp3, $1  }
0x217: {  	_ =	sdelay $0x3  }
0x218: {  	_ =	sfence.sel $0x180000  }
0x219: {  	[bflag:$0x0] =	sbarrier.arrive $0xFFFF  }
0x21a: {  	p0 =	sne.s32 s3, $0x0;
	_ =	strace $0x9000004D  }
0x21b: {  	s0 =	sadd.s32 @!p0 $0x100000, s0;
	[bflag:$0x2] =	sbarrier.arrive $0xFFFF  }
0x21c: {  	[sflag:s0] =	ssyncadd.tile.s32 @!p0 $0x1;
	_ =	shalt  }
.Lfunc_end2:
_tile_overlayer_lowered:
.L_overlay_start_2:
0x21d: {  	(tag) =	ssettag $0x2  }
0x21e: {  	s0 =	rddreg [dreg:$0x0];
	s2 =	stileid.u32  }
0x21f: {  	s1 =	rddreg [dreg:$0x1];
	p0 =	sne.s32 s2, $0x0  }
0x220: {  	s3 =	rddreg [dreg:$0x2];
	[bflag:$0x3] =	sbarrier.arrive $0xFFFF;
	s2 =	simm.s32 @!p0 $0x1C01  }
0x221: {  	[timem:s3], [sflag:s2] =	dma.local @!p0 [hbm:s0], s1  }
0x222: {  	s0 =	simm.s32 @!p0 $0x1  }
0x223: {  	_ =	swait.ge @!p0 [sflag:s0], s1  }
0x224: {  	s1 =	ssub.s32 @!p0 $0x0, s1;
	[sflag:s0] =	ssyncset.done @!p0 $0x0  }
0x225: {  	[sflag:s0] =	ssyncadd.s32 @!p0 s1  }
0x226: {  	[bflag:$0x3] =	sbarrier.arrive $0xFFFF  }
0x227: {  	_ =	shalt  }

// kernel: sparse-core-data-format-call.1.cloned.1.call-start
scs
called_computation.1_lowered:
.L_overlay_start_0:
0x0: {  	s1 =	sld [smem:$0x3FD9]  }
0x1: {  	s2 =	sld [smem:$0x3FFE];
	_ =	sdelay $0x1  }
0x2: {  	s3 =	srdreg.scid  }
0x3: {  	s0 =	sand.u32 $0x1, s3  }
0x4: {  	s17 =	sshll.u32 s0, $0xA;
	s1 =	sadd.s32 s2, s1  }
0x5: {  	s1 =	sadd.s32 s1, s17  }
0x6: {  	[smem:$0x3FBD] =	sst s1  }
0x7: {  	_ = 	snop  }
0x8: {  	(tm) =	ssettm $0x1  }
0x9: {  	s18 =	sld [smem:$0x3FFB];
	_ =	sdelay $0x3  }
0xa: {  	_ =	strace s18  }
0xb: {  	s1 =	sld [smem:$0x3FFC];
	_ =	sdelay $0x3  }
0xc: {  	_ =	strace s1  }
0xd: {  	s1 =	sld [smem:$0x3FFD];
	_ =	sdelay $0x3  }
0xe: {  	_ =	strace s1  }
0xf: {  	_ =	strace $0x8FFFFFFF  }
0x10: {  	s19 =	sld [smem:$0x3FDB];
	_ =	sdelay $0x1  }
0x11: {  	s20 =	simm.s32 $_scs_section_size  }
0x12: {  	s4 =	simm.s32 $_size__tile_overlayer_lowered;
	s5 =	simm.s32 $_tile_overlayer_lowered  }
0x13: {  	s23 =	simm.s32 $0x1BFF;
	s22 =	sshll.u32 s5, $0x1;
	s1 =	sadd.s32 s20, s19  }
0x14: {  	s6 =	simm.s32 $0x0;
	s21 =	sshll.u32 s4, $0x1;
	s4 =	sadd.s32 s22, s1  }
0x15: {  	[timem:s6], [sflag:s23] =	dma.local [hbm:s4], s21  }
0x16: {  	_ =	swait.ge [sflag:s23], s21  }
0x17: {  	s2 =	ssub.s32 $0x0, s21;
	[sflag:s23] =	ssyncset.done $0x0  }
0x18: {  	[sflag:s23] =	ssyncadd.s32 s2;
	_ =	sdelay $0x1  }
0x19: {  	s24 =	simm.s32 $0x1B8B  }
0x1a: {  	_ =	swait.ge [sflag:s24], $0x1  }
0x1b: {  	[sflag:s24] =	ssyncset.done $0x0  }
0x1c: {  	s26 =	simm.s32 $0x1B8E;
	s25 =	sld [smem:$0x3FFE];
	[sflag:s24] =	ssyncadd.s32 $0xFFFFFFFF  }
0x1d: {  	s27 =	simm.s32 $execute0_lowered;
	[smem:$0x3FD2] =	sst s26  }
0x1e: {  	s4 =	sshll.u32 s27, $0x1;
	_ =	strace $0x80000046;
	[dreg:$0x1] =	wrdreg $0xFFFFFFFF  }
0x1f: {  	s28 =	simm.s32 $_size_execute0_lowered;
	s1 =	sadd.s32 s1, s4;
	[dreg:$0x0] =	wrdreg $0x0  }
0x20: {  	s4 =	sshll.u32 s28, $0x1;
	[dreg:$0x2] =	wrdreg s1  }
0x21: {  	[dreg:$0x3] =	wrdreg s4  }
0x22: {  	[dreg:$0x4] =	wrdreg $0xC0  }
0x23: {  	_ =	task [dreg:s6], $0x5FFFF  }
0x24: {  	[dreg:$0x1] =	wrdreg $0xFFFFFFFF  }
0x25: {  	[dreg:$0x0] =	wrdreg $0x60  }
0x26: {  	[dreg:$0x2] =	wrdreg s25  }
0x27: {  	[dreg:$0x3] =	wrdreg $0x9  }
0x28: {  	_ =	task.clear_ibuf [dreg:s6], $0x4FFFF;
	_ =	strace $0x90000046  }
0x29: {  	s29 =	simm.s32 $0x9;
	_ =	strace $0x80000048  }
0x2a: {  	_ =	swait.ge [sflag:s29], $0x1  }
0x2b: {  	[sflag:s29] =	ssyncadd.s32 $0xFFFFFFFF  }
0x2c: {  	_ =	strace $0x90000048  }
0x2d: {  	_ =	sfence  }
0x2e: {  	s30 =	sld [smem:$0x0];
	_ =	sdelay $0x2  }
0x2f: {  	s31 =	sshll.u32 s3, $0xD;
	s3 =	sshrl.u32 s3, $0x2  }
0x30: {  	s2 =	sand.u32 $0x4000, s31;
	s1 =	sadd.s32 s3, s30  }
0x31: {  	s0 =	sor.u32 s2, s0;
	s1 =	sshll.u32 s1, $0x11  }
0x32: {  	s0 =	sor.u32 s1, s0  }
0x33: {  	s0 =	sadd.s32 $0x8F2B, s0  }
0x34: {  	[sflag:s0] =	ssyncadd.remote.s32 $0x1  }
0x35: {  	_ =	sfence.sel $0xFFFF  }
0x36: {  	[dreg:$0x0] =	wrdreg $0xFFFFFFFF;
	(pc) =	sbr.abs _section_cstart, $3  }
0x37: {  	[dreg:$0x1] =	wrdreg $0xFFFFFFFF  }
0x38: {  	_ =	task.clear_ibuf [dreg:s6], $0x2FFFF;
	_ =	strace $0x9FFFFFFF  }
0x39: {  	(tm) =	ssettm $0x7FFFFFFF  }
tec
execute0_lowered:
.L_overlay_start_1:
0x0: {  	(tag) =	ssettag $0x1  }
0x1: {  	s0 =	srdreg.scid  }
0x2: {  	s1 =	sshll.u32 s0, $0x4  }
0x3: {  	s0 =	stileid.u32;
	s1 =	sand.u32 $0x10, s1  }
0x4: {  	s6 =	rddreg [dreg:$0x0];
	s4 =	simm.s32 $0x1;
	s1 =	sor.u32 s0, s1  }
0x5: {  	s7 =	simm.s32 $0x2;
	s15 =	simm.s32 $0x0;
	s2 =	sshll.u32 s1, $0x7  }
0x6: {  	s8 =	simm.s32 $0x28000;
	s14 =	simm.s32 $0x0;
	s3 =	ssub.s32 $0x5000, s2  }
0x7: {  	s9 =	simm.s32 $0x0;
	s10 =	simm.s32 $0x0;
	s31 =	sand.u32 $0xF80, s3  }
0x8: {  	s11 =	simm.s32 $0x0;
	s1 =	rddreg [dreg:$0x1];
	p0 =	sne.s32 s31, $0x0  }
.Ltmp0:
0x9: {  	s5 =	sshrl.u32 s3, $0xC;
	s4 =	simm.s32 @!p0 $0x0;
	(pc) =	sbr.rel .LBB1_1-.Ltmp0, $4  }
0xa: {  	_ =	strace $0x80000047;
	s3 =	simm.s32 $0x1;
	s4 =	sadd.s32 s4, s5  }
0xb: {  	s13 =	simm.s32 $0x0;
	[sflag:s3] =	ssyncpa.u1 $0x0;
	s4 =	smul.u32 $0x5, s4  }
0xc: {  	s12 =	smov.u32 s2;
	[sflag:s7] =	ssyncpa.u1 $0x0;
	p0 =	por $0x0, $0x0  }
0xd: {  	s5 =	sadd.s32 $0x3A00, s6;
	s6 =	sadd.s32 $0x193A00, s6;
	s7 =	sadd.s32 $0x1, s4  }
.LBB1_4:
0xe: {  	s21 =	sshrl.u32 s9, $0x3;
	s22 =	sshll.u32 s10, $0x3;
	s23 =	sshll.u32 s9, $0x7  }
0xf: {  	s24 =	sand.u32 $0x7F, s10;
	s20 =	sshra.s32 s20, $0x2;
	p1 =	sgt.s32 s9, $0x1C0  }
0x10: {  	s27 =	sshra.s32 s9, $0x1F;
	s21 =	smul.u32 $0x28000, s21;
	s22 =	sand.u32 $0xFFFFFC00, s22  }
0x11: {  	s23 =	sand.u32 $0x380, s23;
	s19 =	sadd.s32 s20, s19;
	s20 =	smov.u32 s9  }
0x12: {  	s25 =	sor.u32 s24, s23;
	s20 =	simm.s32 @!p1 $0x1C0;
	s21 =	sadd.s32 s22, s21  }
0x13: {  	v5 =	vld [tilespmem:s17+$0xFFFFFFD0];
	[tilespmem:s18+$0x2040 ss:$0x81] =	vst.msk $0xffff, v4;
	s24 =	sand.u32 s27, s9;
	s22 =	sor.u32 s21, s25;
	s21 =	smulhi.u32 $0xCCCCCCCD, s21  }
0x14: {  	v58 =	vld [tilespmem:s17+$0xFFFFFFE0];
	[tilespmem:s18+$0x2850 ss:$0x81] =	vst.msk $0xffff, v3;
	p1 =	sgt.s32 s10, $0x4F80;
	s20 =	ssub.s32 s20, s24;
	s26 =	smulhi.u32 $0xCCCCCCCD, s22  }
0x15: {  	v59 =	vld [tilespmem:s17+$0xFFFFFFF0];
	[tilespmem:s18+$0x3060 ss:$0x81] =	vst.msk $0xffff, v2;
	s25 =	smov.u32 s10;
	s31 =	sadd.s32 $0xFFFFFE40, s20;
	s28 =	sshrl.u32 s21, $0xE  }
0x16: {  	v60 =	vld [tilespmem:s17+$0x0];
	[tilespmem:s18+$0x0 ss:$0x81] =	vst.msk $0xffff, v0;
	s23 =	sshrl.u32 s26, $0xE;
	s26 =	sshra.s32 s10, $0x1F;
	s30 =	smulhi.u32 $0x71C71D, s28  }
0x17: {  	v61 =	vld [tilespmem:s17+$0x10];
	[tilespmem:s19+$0x3870 ss:$0x81] =	vst.msk $0xffff, v1;
	s20 =	ssub.s32 $0x240, s20;
	s25 =	simm.s32 @!p1 $0x4F80;
	s26 =	sand.u32 s26, s10  }
0x18: {  	v62 =	vld [tilespmem:s17+$0x20];
	p1 =	sgt.s32 s31, $0x7F;
	[tilespmem:s19+$0x810 ss:$0x81] =	vst.msk $0xffff, v5;
	s29 =	ssub.s32 s25, s26;
	s27 =	smul.u32 $0x240, s30  }
0x19: {  	v63 =	vld [tilespmem:s17+$0xFFFFFFC0];
	[tilespmem:s19+$0x1020 ss:$0x81] =	vst.msk $0xffff, v58;
	s20 =	simm.s32 @p1 $0x0;
	s23 =	smul.u32 $0x5000, s23;
	s26 =	sadd.s32 $0xFFFFB080, s29  }
0x1a: {  	[tilespmem:s19+$0x1830 ss:$0x81] =	vst.msk $0xffff, v59;
	s21 =	ssub.s32 $0x5000, s29;
	p2 =	sgt.s32 s26, $0x7F;
	s17 =	ssub.s32 s28, s27  }
0x1b: {  	[tilespmem:s19+$0x2040 ss:$0x81] =	vst.msk $0xffff, v60;
	s22 =	ssub.s32 s22, s23;
	s21 =	simm.s32 @p2 $0x0;
	s17 =	smul.u32 $0xA00, s17  }
0x1c: {  	[tilespmem:s19+$0x2850 ss:$0x81] =	vst.msk $0xffff, v61;
	s29 =	sshrl.u32 s22, $0x3;
	s30 =	sand.u32 $0x7, s22;
	s28 =	smul.u32 s21, s20  }
0x1d: {  	[tilespmem:s19+$0x3060 ss:$0x81] =	vst.msk $0xffff, v62;
	s20 =	sadd.s32 s6, s29;
	s21 =	sshll.u32 s30, $0x12  }
0x1e: {  	[tilespmem:s19+$0x0 ss:$0x81] =	vst.msk $0xffff, v63;
	s17 =	sadd.s32 s17, s20;
	s31 =	sor.u32 $0x400, s21;
	s18 =	sand.u32 $0x3FFFFFFF, s28  }
0x1f: {  	[hbm4b:s17+s31] =	stream.strided.scatter [tilespmem:s16], [sflag:$0x2], s18, s8, s31, $0x20;
	[tilespmem:$0x10100] =	vst v63  }
.LBB1_5:
0x20: {  	p1 =	slt.u32 s13, $0x2  }
0x21: {  	s17 =	smov.u32 s15;
	p2 =	sgt.s32 @!p1 s15, $0x1C0;
	s16 =	sshra.s32 @!p1 s15, $0x1F  }
0x22: {  	p3 =	sgt.s32 @!p1 s14, $0x4F80;
	s18 =	sshra.s32 @!p1 s14, $0x1F;
	p2 =	por !p2, p1  }
0x23: {  	s15 =	sand.u32 @!p1 s16, s15;
	p3 =	por !p3, p1;
	s16 =	smov.u32 s14  }
0x24: {  	s14 =	sand.u32 @!p1 s18, s14;
	s17 =	simm.s32 @p2 $0x1C0;
	s16 =	simm.s32 @p3 $0x4F80  }
0x25: {  	s15 =	ssub.s32 @!p1 s17, s15;
	s14 =	ssub.s32 @!p1 s16, s14  }
0x26: {  	s18 =	smov.u32 s12;
	s16 =	sadd.s32 @!p1 $0xFFFFFE40, s15;
	s17 =	sadd.s32 @!p1 $0xFFFFB080, s14  }
0x27: {  	s15 =	ssub.s32 @!p1 $0x240, s15;
	p2 =	sgt.s32 @!p1 s16, $0x7F;
	p3 =	sgt.s32 @!p1 s17, $0x7F  }
0x28: {  	s14 =	ssub.s32 @!p1 $0x5000, s14;
	p2 =	por !p2, p1;
	p3 =	por !p3, p1  }
0x29: {  	s16 =	sadd.s32 $0x80, s11;
	s15 =	simm.s32 @!p2 $0x0;
	s14 =	simm.s32 @!p3 $0x0  }
0x2a: {  	p2 =	sgt.s32 s16, $0x23F;
	s14 =	smul.u32 @!p1 s14, s15;
	s15 =	sadd.s32 $0x1000, s12  }
0x2b: {  	s18 =	smov.u32 @p2 s15  }
0x2c: {  	s16 =	simm.s32 @p2 $0x0;
	p2 =	sgt.s32 s18, $0x4FFF  }
0x2d: {  	s18 =	smov.u32 @p2 s2;
	p2 =	sne.s32 s13, s7  }
.Ltmp1:
0x2e: {  	p0 =	por !p0, !p0;
	s17 =	simm.s32 @!p1 $0x2;
	(pc) =	sbr.rel @!p2 .LBB1_6-.Ltmp1, $4  }
0x2f: {  	s15 =	smov.u32 s9;
	s9 =	smov.u32 s11;
	s14 =	sand.u32 @!p1 $0x3FFFFFFF, s14  }
0x30: {  	s11 =	smov.u32 s16;
	_ =	swait.ge @!p1 [sflag:s17], s14;
	s19 =	ssub.s32 @!p1 $0x0, s14  }
0x31: {  	s14 =	smov.u32 s10;
	s13 =	sadd.s32 $0x1, s13;
	[sflag:s17] =	ssyncset.done @!p1 $0x0  }
0x32: {  	s10 =	smov.u32 s12;
	s12 =	smov.u32 s18;
	[sflag:s17] =	ssyncadd.s32 @!p1 s19  }
.LBB1_1:
0x33: {  	p1 =	sge.u32 s13, s4  }
0x34: {  	s16 =	sshrl.u32 @!p1 s12, $0x3  }
0x35: {  	s17 =	sshll.u32 @!p1 s11, $0x3;
	s16 =	smul.u32 @!p1 $0x1400, s16  }
0x36: {  	s18 =	sshll.u32 @!p1 s12, $0x7;
	s17 =	sand.u32 @!p1 $0xFFFFFC00, s17  }
0x37: {  	s16 =	sadd.s32 @!p1 s16, s17;
	s17 =	sand.u32 @!p1 $0x380, s18  }
0x38: {  	s16 =	sor.u32 @!p1 s17, s16  }
0x39: {  	s17 =	sand.u32 @!p1 $0x7F, s11;
	s18 =	smulhi.u32 @!p1 $0xCCCCCCCD, s16  }
0x3a: {  	s16 =	sor.u32 @!p1 s17, s16  }
0x3b: {  	s17 =	smulhi.u32 @!p1 $0xCCCCCCCD, s16;
	s18 =	sshrl.u32 @!p1 s18, $0x9  }
0x3c: {  	s19 =	smulhi.u32 @!p1 $0x666667, s18  }
0x3d: {  	s17 =	sshrl.u32 @!p1 s17, $0x9  }
0x3e: {  	s17 =	smul.u32 @!p1 $0x280, s17;
	s19 =	sshrl.u32 @!p1 s19, $0x5  }
0x3f: {  	s19 =	smul.u32 @!p1 $0x5000, s19  }
0x40: {  	s31 =	sadd.s32 $0xFFFFFFFF, s13;
	s20 =	sxor.u32 @!p1 $0xFFFFFFFF, s13  }
0x41: {  	s16 =	ssub.s32 @!p1 s16, s17;
	s17 =	sshll.u32 @!p1 s20, $0xE;
	s18 =	ssub.s32 @!p1 s18, s19  }
0x42: {  	s19 =	sshrl.u32 @!p1 s16, $0x3;
	s16 =	sand.u32 @!p1 $0x7, s16;
	s18 =	smul.u32 @!p1 $0x50, s18  }
0x43: {  	s17 =	sand.u32 @!p1 $0x4000, s17;
	s19 =	sadd.s32 @!p1 s5, s19;
	s16 =	sshll.u32 @!p1 s16, $0x12  }
0x44: {  	s16 =	sor.u32 @!p1 $0x400, s16;
	s18 =	sadd.s32 @!p1 s18, s19;
	s19 =	simm.s32 @!p1 $0x1400  }
0x45: {  	[tilespmem:s17], [sflag:$0x1] =	stream.strided.gather @!p1 [hbm4b:s18+s16], $0x4000, s19, s16, $0x38;
	[tilespmem:$0x10100] =	vst v63  }
0x46: {  	p1 =	sge.u32 s31, s4  }
.Ltmp2:
0x47: {  	_ = 	snop;
	(pc) =	sbr.rel @p1 .LBB1_5-.Ltmp2, $1  }
0x48: {  	_ =	sdelay $0x3  }
0x49: {  	s16 =	simm.s32 $0x1  }
0x4a: {  	_ =	swait.ge [sflag:s3], $0x4000;
	s16 =	simm.s32 @!p0 $0x0  }
0x4b: {  	[sflag:s3] =	ssyncset.done $0x0;
	s17 =	sshll.u32 s16, $0xE  }
0x4c: {  	[sflag:s3] =	ssyncadd.s32 $0xFFFFC000;
	s17 =	sor.u32 $0x40, s17  }
0x4d: {  	s16 =	smul.u32 $0x10200, s16;
	v0 =	vld [tilespmem:s17+$0x30]  }
0x4e: {  	v1 =	vld [tilespmem:s17+$0xFFFFFFD0]  }
0x4f: {  	s16 =	sshrl.u32 s16, $0x2;
	v5 =	vld [tilespmem:s17+$0xFFFFFFE0]  }
0x50: {  	v6 =	vld [tilespmem:s17+$0xFFFFFFF0];
	s19 =	sor.u32 $0x8000, s16  }
0x51: {  	s31 =	sand.u32 $0x1, s13;
	v4 =	vld [tilespmem:s17+$0x0];
	s18 =	sadd.s32 $0x0, s19  }
0x52: {  	v3 =	vld [tilespmem:s17+$0x10];
	s16 =	smul.u32 $0x10200, s31;
	[tilespmem:s18+$0x3870 ss:$0x81] =	vst.msk $0xffff, v0  }
0x53: {  	v2 =	vld [tilespmem:s17+$0x20];
	[tilespmem:s18+$0x810 ss:$0x81] =	vst.msk $0xffff, v1  }
0x54: {  	s16 =	sshrl.u32 s16, $0x2;
	v0 =	vld [tilespmem:s17+$0xFFFFFFC0];
	[tilespmem:s18+$0x1020 ss:$0x81] =	vst.msk $0xffff, v5;
	s17 =	sadd.s32 $0x80, s17  }
0x55: {  	s20 =	simm.s32 $0x4;
	s21 =	simm.s32 $0x8;
	s16 =	sor.u32 $0x8000, s16;
	[tilespmem:s18+$0x1830 ss:$0x81] =	vst.msk $0xffff, v6;
	v1 =	vld [tilespmem:s17+$0x30]  }
.LBB1_3:
0x56: {  	p1 =	sne.s32 s21, $0x1FC;
	v5 =	vld [tilespmem:s17+$0xFFFFFFD0];
	[tilespmem:s18+$0x2040 ss:$0x81] =	vst.msk $0xffff, v4  }
0x57: {  	v6 =	vld [tilespmem:s17+$0xFFFFFFE0];
	[tilespmem:s18+$0x2850 ss:$0x81] =	vst.msk $0xffff, v3  }
0x58: {  	s22 =	sshra.s32 s20, $0x2;
	s20 =	smov.u32 s21;
	v7 =	vld [tilespmem:s17+$0xFFFFFFF0];
	[tilespmem:s18+$0x3060 ss:$0x81] =	vst.msk $0xffff, v2  }
.Ltmp3:
0x59: {  	v4 =	vld [tilespmem:s17+$0x0];
	[tilespmem:s18+$0x0 ss:$0x81] =	vst.msk $0xffff, v0;
	s18 =	sadd.s32 s22, s19;
	(pc) =	sbr.rel @p1 .LBB1_3-.Ltmp3, $4  }
0x5a: {  	v3 =	vld [tilespmem:s17+$0x10];
	[tilespmem:s18+$0x3870 ss:$0x81] =	vst.msk $0xffff, v1  }
0x5b: {  	[tilespmem:s18+$0x810 ss:$0x81] =	vst.msk $0xffff, v5;
	v2 =	vld [tilespmem:s17+$0x20]  }
0x5c: {  	v0 =	vld [tilespmem:s17+$0xFFFFFFC0];
	[tilespmem:s18+$0x1020 ss:$0x81] =	vst.msk $0xffff, v6;
	s17 =	sadd.s32 $0x80, s17  }
0x5d: {  	s21 =	sadd.s32 $0x4, s21;
	v1 =	vld [tilespmem:s17+$0x30];
	[tilespmem:s18+$0x1830 ss:$0x81] =	vst.msk $0xffff, v7  }
.Ltmp4:
0x5e: {  	_ = 	snop;
	(pc) =	sbr.rel .LBB1_4-.Ltmp4, $1  }
0x5f: {  	_ =	sdelay $0x3  }
.LBB1_6:
0x60: {  	_ =	sfence.sel $0x180000  }
0x61: {  	s2 =	simm.s32 $0x1;
	[bflag:$0x0] =	sbarrier.arrive $0xFFFF  }
0x62: {  	s31 =	simm.s32 $0x2;
	[sflag:s2] =	ssyncpa.u1 $0x1  }
0x63: {  	[sflag:s31] =	ssyncpa.u1 $0x1  }
0x64: {  	p0 =	sne.s32 s0, $0x0;
	_ =	strace $0x90000047  }
0x65: {  	s0 =	sadd.s32 @!p0 $0x100000, s1;
	[bflag:$0x2] =	sbarrier.arrive $0xFFFF  }
0x66: {  	[sflag:s0] =	ssyncadd.tile.s32 @!p0 $0x1;
	_ =	shalt  }
.Lfunc_end1:
_tile_overlayer_lowered:
.L_overlay_start_2:
0x67: {  	(tag) =	ssettag $0x2  }
0x68: {  	s0 =	rddreg [dreg:$0x0];
	s2 =	stileid.u32  }
0x69: {  	s1 =	rddreg [dreg:$0x1];
	p0 =	sne.s32 s2, $0x0  }
0x6a: {  	s3 =	rddreg [dreg:$0x2];
	[bflag:$0x3] =	sbarrier.arrive $0xFFFF;
	s2 =	simm.s32 @!p0 $0x1C01  }
0x6b: {  	[timem:s3], [sflag:s2] =	dma.local @!p0 [hbm:s0], s1  }
0x6c: {  	s0 =	simm.s32 @!p0 $0x1  }
0x6d: {  	_ =	swait.ge @!p0 [sflag:s0], s1  }
0x6e: {  	s1 =	ssub.s32 @!p0 $0x0, s1;
	[sflag:s0] =	ssyncset.done @!p0 $0x0  }
0x6f: {  	[sflag:s0] =	ssyncadd.s32 @!p0 s1  }
0x70: {  	[bflag:$0x3] =	sbarrier.arrive $0xFFFF  }
0x71: {  	_ =	shalt  }

// kernel: sparse-core-data-format-call.cloned.1.call-start
scs
called_computation_lowered:
.L_overlay_start_0:
0x0: {  	s1 =	sld [smem:$0x3FD9]  }
0x1: {  	s2 =	sld [smem:$0x3FFE];
	_ =	sdelay $0x1  }
0x2: {  	s3 =	srdreg.scid  }
0x3: {  	s0 =	sand.u32 $0x1, s3  }
0x4: {  	s17 =	sshll.u32 s0, $0xA;
	s1 =	sadd.s32 s2, s1  }
0x5: {  	s1 =	sadd.s32 s1, s17  }
0x6: {  	[smem:$0x3FBD] =	sst s1  }
0x7: {  	_ = 	snop  }
0x8: {  	(tm) =	ssettm $0x1  }
0x9: {  	s18 =	sld [smem:$0x3FFB];
	_ =	sdelay $0x3  }
0xa: {  	_ =	strace s18  }
0xb: {  	s1 =	sld [smem:$0x3FFC];
	_ =	sdelay $0x3  }
0xc: {  	_ =	strace s1  }
0xd: {  	s1 =	sld [smem:$0x3FFD];
	_ =	sdelay $0x3  }
0xe: {  	_ =	strace s1  }
0xf: {  	_ =	strace $0x8FFFFFFF  }
0x10: {  	s19 =	sld [smem:$0x3FDB];
	_ =	sdelay $0x1  }
0x11: {  	s20 =	simm.s32 $_scs_section_size  }
0x12: {  	s4 =	simm.s32 $_size__tile_overlayer_lowered;
	s5 =	simm.s32 $_tile_overlayer_lowered  }
0x13: {  	s23 =	simm.s32 $0x1BFF;
	s22 =	sshll.u32 s5, $0x1;
	s1 =	sadd.s32 s20, s19  }
0x14: {  	s6 =	simm.s32 $0x0;
	s21 =	sshll.u32 s4, $0x1;
	s4 =	sadd.s32 s22, s1  }
0x15: {  	[timem:s6], [sflag:s23] =	dma.local [hbm:s4], s21  }
0x16: {  	_ =	swait.ge [sflag:s23], s21  }
0x17: {  	s2 =	ssub.s32 $0x0, s21;
	[sflag:s23] =	ssyncset.done $0x0  }
0x18: {  	[sflag:s23] =	ssyncadd.s32 s2;
	_ =	sdelay $0x1  }
0x19: {  	s24 =	simm.s32 $0x1B8B  }
0x1a: {  	_ =	swait.ge [sflag:s24], $0x1  }
0x1b: {  	[sflag:s24] =	ssyncset.done $0x0  }
0x1c: {  	s26 =	simm.s32 $0x1B8E;
	s25 =	sld [smem:$0x3FFE];
	[sflag:s24] =	ssyncadd.s32 $0xFFFFFFFF  }
0x1d: {  	s27 =	simm.s32 $execute0_lowered;
	[smem:$0x3FD2] =	sst s26  }
0x1e: {  	s4 =	sshll.u32 s27, $0x1;
	_ =	strace $0x80000049;
	[dreg:$0x1] =	wrdreg $0xFFFFFFFF  }
0x1f: {  	s28 =	simm.s32 $_size_execute0_lowered;
	s1 =	sadd.s32 s1, s4;
	[dreg:$0x0] =	wrdreg $0x0  }
0x20: {  	s4 =	sshll.u32 s28, $0x1;
	[dreg:$0x2] =	wrdreg s1  }
0x21: {  	[dreg:$0x3] =	wrdreg s4  }
0x22: {  	[dreg:$0x4] =	wrdreg $0xC0  }
0x23: {  	_ =	task [dreg:s6], $0x5FFFF  }
0x24: {  	[dreg:$0x1] =	wrdreg $0xFFFFFFFF  }
0x25: {  	[dreg:$0x0] =	wrdreg $0x60  }
0x26: {  	[dreg:$0x2] =	wrdreg s25  }
0x27: {  	[dreg:$0x3] =	wrdreg $0x9  }
0x28: {  	_ =	task.clear_ibuf [dreg:s6], $0x4FFFF;
	_ =	strace $0x90000049  }
0x29: {  	s29 =	simm.s32 $0x9;
	_ =	strace $0x8000004B  }
0x2a: {  	_ =	swait.ge [sflag:s29], $0x1  }
0x2b: {  	[sflag:s29] =	ssyncadd.s32 $0xFFFFFFFF  }
0x2c: {  	_ =	strace $0x9000004B  }
0x2d: {  	_ =	sfence  }
0x2e: {  	s30 =	sld [smem:$0x0];
	_ =	sdelay $0x2  }
0x2f: {  	s31 =	sshll.u32 s3, $0xD;
	s3 =	sshrl.u32 s3, $0x2  }
0x30: {  	s2 =	sand.u32 $0x4000, s31;
	s1 =	sadd.s32 s3, s30  }
0x31: {  	s0 =	sor.u32 s2, s0;
	s1 =	sshll.u32 s1, $0x11  }
0x32: {  	s0 =	sor.u32 s1, s0  }
0x33: {  	s0 =	sadd.s32 $0x8F2B, s0  }
0x34: {  	[sflag:s0] =	ssyncadd.remote.s32 $0x1  }
0x35: {  	_ =	sfence.sel $0xFFFF  }
0x36: {  	[dreg:$0x0] =	wrdreg $0xFFFFFFFF;
	(pc) =	sbr.abs _section_cstart, $3  }
0x37: {  	[dreg:$0x1] =	wrdreg $0xFFFFFFFF  }
0x38: {  	_ =	task.clear_ibuf [dreg:s6], $0x2FFFF;
	_ =	strace $0x9FFFFFFF  }
0x39: {  	(tm) =	ssettm $0x7FFFFFFF  }
tec
execute0_lowered:
.L_overlay_start_1:
0x0: {  	(tag) =	ssettag $0x1  }
0x1: {  	s0 =	stileid.u32  }
0x2: {  	s1 =	srdreg.scid;
	s7 =	rddreg [dreg:$0x0];
	s8 =	simm.s32 $0x2  }
0x3: {  	s2 =	sshll.u32 s0, $0x3;
	s3 =	sshll.u32 s0, $0x7;
	s4 =	sshll.u32 s1, $0xB  }
0x4: {  	s18 =	simm.s32 $0x0;
	s1 =	sand.u32 $0x18, s2;
	s28 =	sor.u32 s3, s4  }
0x5: {  	s9 =	simm.s32 $0x2D0000;
	s2 =	sand.u32 $0xE00, s28;
	s29 =	ssub.s32 $0x20, s1  }
0x6: {  	s10 =	simm.s32 $0x0;
	s30 =	sand.u32 $0x18, s29;
	s5 =	ssub.s32 $0x1400, s2  }
0x7: {  	s4 =	simm.s32 $0x1;
	p0 =	sne.s32 s30, $0x0;
	s6 =	sand.u32 $0xE00, s5  }
0x8: {  	s4 =	simm.s32 @!p0 $0x0;
	p0 =	sne.s32 s6, $0x0;
	s6 =	simm.s32 $0x1  }
0x9: {  	s3 =	sshrl.u32 s29, $0x5;
	s5 =	sshrl.u32 s5, $0xC;
	s6 =	simm.s32 @!p0 $0x0  }
0xa: {  	s16 =	simm.s32 $0x0;
	s3 =	sadd.s32 s4, s3;
	s31 =	sadd.s32 s6, s5  }
0xb: {  	s19 =	simm.s32 $0x0;
	s17 =	simm.s32 $0x0;
	s5 =	smul.u32 s31, s3  }
.Ltmp0:
0xc: {  	s12 =	simm.s32 $0x0;
	s14 =	simm.s32 $0x0;
	(pc) =	sbr.rel .LBB1_1-.Ltmp0, $4  }
0xd: {  	s15 =	simm.s32 $0x0;
	s13 =	smov.u32 s1;
	s4 =	simm.s32 $0x1  }
0xe: {  	s3 =	rddreg [dreg:$0x1];
	_ =	strace $0x8000004A;
	s5 =	smul.u32 $0x12, s5  }
0xf: {  	s11 =	smov.u32 s2;
	s6 =	sadd.s32 $0x3A00, s7;
	[sflag:s4] =	ssyncpa.u1 $0x0  }
0x10: {  	s7 =	sadd.s32 $0x16BA00, s7;
	[sflag:s8] =	ssyncpa.u1 $0x0;
	s8 =	sor.u32 $0x1, s5  }
.LBB1_7:
0x11: {  	s20 =	sadd.s32 $0x1000, s11  }
0x12: {  	s16 =	sadd.s32 $0x4, s12;
	s21 =	smov.u32 s12;
	p1 =	sgt.s32 s20, $0x13FF  }
0x13: {  	s21 =	smov.u32 @p1 s16  }
0x14: {  	s22 =	smov.u32 s13;
	s16 =	sadd.s32 $0x20, s13;
	p2 =	sgt.s32 s21, $0x3  }
0x15: {  	s22 =	smov.u32 @p2 s16  }
0x16: {  	s16 =	simm.s32 $0x1;
	p3 =	sgt.s32 s22, $0x1F  }
0x17: {  	s16 =	simm.s32 @!p3 $0x0  }
0x18: {  	p0 =	slt.u32 s15, $0x2;
	s24 =	sadd.s32 s16, s14  }
0x19: {  	s18 =	smov.u32 s11;
	s20 =	smov.u32 @p1 s2;
	p1 =	sgt.s32 s24, $0x11  }
0x1a: {  	s23 =	simm.s32 @!p0 $0x2;
	s24 =	simm.s32 @p1 $0x0;
	p1 =	sne.s32 s15, s8  }
.Ltmp1:
0x1b: {  	s19 =	smov.u32 s13;
	_ =	swait.ge @!p0 [sflag:s23], $0x4000;
	(pc) =	sbr.rel @!p1 .LBB1_8-.Ltmp1, $4  }
0x1c: {  	s17 =	smov.u32 s14;
	s10 =	sadd.s32 $0x4000, s10;
	[sflag:s23] =	ssyncset.done @!p0 $0x0  }
0x1d: {  	s11 =	smov.u32 s20;
	s21 =	simm.s32 @p2 $0x0;
	[sflag:s23] =	ssyncadd.s32 @!p0 $0xFFFFC000  }
0x1e: {  	s22 =	smov.u32 @p3 s1;
	s16 =	smov.u32 s12;
	s12 =	smov.u32 s21  }
0x1f: {  	s13 =	smov.u32 s22;
	s15 =	sadd.s32 $0x1, s15;
	s14 =	smov.u32 s24  }
.LBB1_1:
0x20: {  	p0 =	sge.u32 s15, s5  }
0x21: {  	s20 =	sshrl.u32 @!p0 s12, $0x2  }
0x22: {  	s21 =	sshll.u32 @!p0 s11, $0x2;
	s22 =	sshll.u32 @!p0 s12, $0x7;
	s20 =	smul.u32 @!p0 $0x5000, s20  }
0x23: {  	s23 =	sand.u32 @!p0 $0x7F, s11;
	s21 =	sand.u32 @!p0 $0xFFFFFE00, s21;
	s22 =	sand.u32 @!p0 $0x180, s22  }
0x24: {  	s20 =	sadd.s32 @!p0 s20, s21;
	s21 =	sor.u32 @!p0 s23, s22  }
0x25: {  	s21 =	sor.u32 @!p0 s20, s21  }
0x26: {  	s22 =	smulhi.u32 @!p0 $0xCCCCCCCD, s21  }
0x27: {  	s20 =	smulhi.u32 @!p0 $0xCCCCCCCD, s20  }
0x28: {  	s31 =	sadd.s32 $0xFFFFFFFF, s15;
	s24 =	smul.u32 @!p0 $0x14000, s14;
	s22 =	sshrl.u32 @!p0 s22, $0xC  }
0x29: {  	s23 =	sxor.u32 @!p0 $0xFFFFFFFF, s15;
	s20 =	sshrl.u32 @!p0 s20, $0xC;
	s22 =	smul.u32 @!p0 $0x1400, s22  }
0x2a: {  	s25 =	smul.u32 @!p0 $0xA00, s13;
	s23 =	sshll.u32 @!p0 s23, $0xE;
	s20 =	sand.u32 @!p0 $0x3, s20  }
0x2b: {  	s20 =	smul.u32 @!p0 $0x280, s20;
	s21 =	ssub.s32 @!p0 s21, s22;
	s22 =	sadd.s32 @!p0 s6, s24  }
0x2c: {  	s23 =	sand.u32 @!p0 $0x4000, s23;
	s22 =	sadd.s32 @!p0 s25, s22;
	s24 =	sand.u32 @!p0 $0x7, s21  }
0x2d: {  	s21 =	sshrl.u32 @!p0 s21, $0x3;
	s20 =	sadd.s32 @!p0 s20, s22;
	s22 =	sshll.u32 @!p0 s24, $0x12  }
0x2e: {  	s20 =	sadd.s32 @!p0 s21, s20;
	s21 =	sor.u32 @!p0 $0x800, s22;
	s22 =	simm.s32 @!p0 $0x5000  }
0x2f: {  	[tilespmem:s23], [sflag:$0x1] =	stream.strided.gather @!p0 [hbm4b:s20+s21], $0x4000, s22, s21, $0x38;
	[tilespmem:$0x10000] =	vst v63  }
0x30: {  	p0 =	sge.u32 s31, s5  }
.Ltmp2:
0x31: {  	_ = 	snop;
	(pc) =	sbr.rel @p0 .LBB1_7-.Ltmp2, $1  }
0x32: {  	_ =	sdelay $0x3  }
0x33: {  	s20 =	sshll.u32 s10, $0x2;
	_ =	swait.ge [sflag:s4], $0x4000;
	s31 =	sshll.u32 s15, $0xE  }
0x34: {  	s24 =	simm.s32 $0x0;
	s25 =	simm.s32 $0x0;
	s20 =	sand.u32 $0x10000, s20  }
0x35: {  	s26 =	simm.s32 $0x0;
	[sflag:s4] =	ssyncset.done $0x0;
	s23 =	sshrl.u32 s20, $0x2  }
0x36: {  	s20 =	sand.u32 $0x4000, s31;
	[sflag:s4] =	ssyncadd.s32 $0xFFFFC000;
	s21 =	sor.u32 $0x400, s23  }
0x37: {  	s22 =	sor.u32 $0x8000, s23;
	s20 =	sor.u32 $0x8000, s20;
	s23 =	sadd.s32 $0x8C00, s23  }
.LBB1_3:
0x38: {  	v0 =	vmov s22;
	v1 =	vld [tilespmem:s21+$0x270]  }
0x39: {  	v2 =	vld [tilespmem:s21+$0xFFFFFC10]  }
0x3a: {  	v3 =	vld [tilespmem:s21+$0xFFFFFC20]  }
0x3b: {  	s27 =	sshll.u32 s25, $0x2;
	s28 =	sand.u32 $0x3, s24;
	v4 =	vld [tilespmem:s21+$0xFFFFFC30]  }
0x3c: {  	v5 =	vld [tilespmem:s21+$0xFFFFFC40];
	s29 =	sand.u32 $0xFFFFF800, s27;
	s28 =	sshll.u32 s28, $0x9;
	s27 =	simm.s32 $0x0  }
0x3d: {  	v6 =	vld [tilespmem:s21+$0xFFFFFC50];
	s28 =	sor.u32 s28, s29;
	[tilespmem:v0+s27+$0xC70 ss:$0x1] =	vst.idx.msk $0xffff, v1  }
0x3e: {  	v7 =	vld [tilespmem:s21+$0x220];
	s28 =	sshrl.u32 s28, $0x2;
	[tilespmem:v0+s27+$0x10 ss:$0x1] =	vst.idx.msk $0xffff, v2  }
0x3f: {  	v8 =	vld [tilespmem:s21+$0x230];
	s28 =	sadd.s32 s28, s23;
	[tilespmem:v0+s27+$0x20 ss:$0x1] =	vst.idx.msk $0xffff, v3  }
0x40: {  	v1 =	vmov s28;
	[tilespmem:v0+s27+$0x30 ss:$0x1] =	vst.idx.msk $0xffff, v4;
	v4 =	vld [tilespmem:s21+$0xFFFFFE00]  }
0x41: {  	[tilespmem:v0+s27+$0x40 ss:$0x1] =	vst.idx.msk $0xffff, v5;
	v5 =	vld [tilespmem:s21+$0xFFFFFE10]  }
0x42: {  	[tilespmem:v0+s27+$0x50 ss:$0x1] =	vst.idx.msk $0xffff, v6;
	v6 =	vld [tilespmem:s21+$0xFFFFFE20]  }
0x43: {  	v2 =	vld [tilespmem:s21+$0xFFFFFC60];
	[tilespmem:v0+s27+$0xC20 ss:$0x1] =	vst.idx.msk $0xffff, v7  }
0x44: {  	v3 =	vld [tilespmem:s21+$0xFFFFFC70];
	[tilespmem:v0+s27+$0xC30 ss:$0x1] =	vst.idx.msk $0xffff, v8  }
0x45: {  	[tilespmem:v1+s27+$0xFFFFF800 ss:$0x1] =	vst.idx.msk $0xffff, v4;
	v4 =	vld [tilespmem:s21+$0xFFFFFE50]  }
0x46: {  	[tilespmem:v0+s27+$0x410 ss:$0x1] =	vst.idx.msk $0xffff, v5;
	v5 =	vld [tilespmem:s21+$0xFFFFFE60]  }
0x47: {  	[tilespmem:v0+s27+$0x420 ss:$0x1] =	vst.idx.msk $0xffff, v6;
	v6 =	vld [tilespmem:s21+$0xFFFFFE70]  }
0x48: {  	[tilespmem:v0+s27+$0x60 ss:$0x1] =	vst.idx.msk $0xffff, v2;
	v2 =	vld [tilespmem:s21+$0xFFFFFE30]  }
0x49: {  	[tilespmem:v0+s27+$0x70 ss:$0x1] =	vst.idx.msk $0xffff, v3;
	v3 =	vld [tilespmem:s21+$0xFFFFFE40]  }
0x4a: {  	[tilespmem:v0+s27+$0x450 ss:$0x1] =	vst.idx.msk $0xffff, v4;
	v4 =	vld [tilespmem:s21+$0x20]  }
0x4b: {  	[tilespmem:v0+s27+$0x460 ss:$0x1] =	vst.idx.msk $0xffff, v5;
	v5 =	vld [tilespmem:s21+$0x30]  }
0x4c: {  	[tilespmem:v0+s27+$0x470 ss:$0x1] =	vst.idx.msk $0xffff, v6;
	v6 =	vld [tilespmem:s21+$0x40]  }
0x4d: {  	[tilespmem:v0+s27+$0x430 ss:$0x1] =	vst.idx.msk $0xffff, v2;
	v2 =	vld [tilespmem:s21+$0x0]  }
0x4e: {  	[tilespmem:v0+s27+$0x440 ss:$0x1] =	vst.idx.msk $0xffff, v3;
	v3 =	vld [tilespmem:s21+$0x10]  }
0x4f: {  	[tilespmem:v0+s27+$0x820 ss:$0x1] =	vst.idx.msk $0xffff, v4;
	v4 =	vld [tilespmem:s21+$0x70]  }
0x50: {  	[tilespmem:v0+s27+$0x830 ss:$0x1] =	vst.idx.msk $0xffff, v5;
	v5 =	vld [tilespmem:s21+$0x200]  }
0x51: {  	[tilespmem:v0+s27+$0x840 ss:$0x1] =	vst.idx.msk $0xffff, v6;
	v6 =	vld [tilespmem:s21+$0x210]  }
0x52: {  	[tilespmem:v1+s27+$0xFFFFFC00 ss:$0x1] =	vst.idx.msk $0xffff, v2;
	v2 =	vld [tilespmem:s21+$0x50]  }
0x53: {  	[tilespmem:v0+s27+$0x810 ss:$0x1] =	vst.idx.msk $0xffff, v3;
	v3 =	vld [tilespmem:s21+$0x60]  }
0x54: {  	[tilespmem:v0+s27+$0x870 ss:$0x1] =	vst.idx.msk $0xffff, v4;
	v4 =	vld [tilespmem:s21+$0x240]  }
0x55: {  	[tilespmem:v1+s27+$0x0 ss:$0x1] =	vst.idx.msk $0xffff, v5;
	v5 =	vld [tilespmem:s21+$0x250]  }
0x56: {  	[tilespmem:v0+s27+$0xC10 ss:$0x1] =	vst.idx.msk $0xffff, v6;
	v6 =	vld [tilespmem:s21+$0x260]  }
0x57: {  	s28 =	sadd.s32 $0x80, s21;
	[tilespmem:v0+s27+$0x850 ss:$0x1] =	vst.idx.msk $0xffff, v2;
	v2 =	vld [tilespmem:s21+$0xFFFFFC00]  }
0x58: {  	s30 =	simm.s32 $0x8000;
	s29 =	simm.s32 $0x4000;
	[tilespmem:v0+s27+$0x860 ss:$0x1] =	vst.idx.msk $0xffff, v3;
	v3 =	vld [tilespmem:s28+$0x270]  }
.LBB1_4:
0x59: {  	p0 =	sne.s32 s30, $0xC000;
	v7 =	vld [tilespmem:s28+$0xFFFFFC10];
	[tilespmem:v0+s27+$0xC40 ss:$0x1] =	vst.idx.msk $0xffff, v4  }
0x5a: {  	v4 =	vld [tilespmem:s28+$0xFFFFFC20];
	[tilespmem:v0+s27+$0xC50 ss:$0x1] =	vst.idx.msk $0xffff, v5  }
0x5b: {  	v5 =	vld [tilespmem:s28+$0xFFFFFC30];
	[tilespmem:v0+s27+$0xC60 ss:$0x1] =	vst.idx.msk $0xffff, v6  }
0x5c: {  	v6 =	vld [tilespmem:s28+$0xFFFFFC40];
	[tilespmem:v0+s27+$0x0 ss:$0x1] =	vst.idx.msk $0xffff, v2;
	s27 =	sshra.s32 s29, $0x2;
	s29 =	smov.u32 s30  }
0x5d: {  	v2 =	vld [tilespmem:s28+$0xFFFFFC50];
	[tilespmem:v0+s27+$0xC70 ss:$0x1] =	vst.idx.msk $0xffff, v3  }
0x5e: {  	[tilespmem:v0+s27+$0x10 ss:$0x1] =	vst.idx.msk $0xffff, v7;
	v3 =	vld [tilespmem:s28+$0xFFFFFC60]  }
0x5f: {  	[tilespmem:v0+s27+$0x20 ss:$0x1] =	vst.idx.msk $0xffff, v4;
	v4 =	vld [tilespmem:s28+$0xFFFFFC70]  }
0x60: {  	[tilespmem:v0+s27+$0x30 ss:$0x1] =	vst.idx.msk $0xffff, v5;
	v5 =	vld [tilespmem:s28+$0xFFFFFE00]  }
0x61: {  	[tilespmem:v0+s27+$0x40 ss:$0x1] =	vst.idx.msk $0xffff, v6;
	v6 =	vld [tilespmem:s28+$0xFFFFFE10]  }
0x62: {  	[tilespmem:v0+s27+$0x50 ss:$0x1] =	vst.idx.msk $0xffff, v2;
	v2 =	vld [tilespmem:s28+$0xFFFFFE20]  }
0x63: {  	[tilespmem:v0+s27+$0x60 ss:$0x1] =	vst.idx.msk $0xffff, v3;
	v3 =	vld [tilespmem:s28+$0xFFFFFE30]  }
0x64: {  	[tilespmem:v0+s27+$0x70 ss:$0x1] =	vst.idx.msk $0xffff, v4;
	v4 =	vld [tilespmem:s28+$0xFFFFFE40]  }
0x65: {  	[tilespmem:v1+s27+$0xFFFFF800 ss:$0x1] =	vst.idx.msk $0xffff, v5;
	v5 =	vld [tilespmem:s28+$0xFFFFFE50]  }
0x66: {  	[tilespmem:v0+s27+$0x410 ss:$0x1] =	vst.idx.msk $0xffff, v6;
	v6 =	vld [tilespmem:s28+$0xFFFFFE60]  }
0x67: {  	[tilespmem:v0+s27+$0x420 ss:$0x1] =	vst.idx.msk $0xffff, v2;
	v2 =	vld [tilespmem:s28+$0xFFFFFE70]  }
0x68: {  	[tilespmem:v0+s27+$0x430 ss:$0x1] =	vst.idx.msk $0xffff, v3;
	v3 =	vld [tilespmem:s28+$0x0]  }
0x69: {  	[tilespmem:v0+s27+$0x440 ss:$0x1] =	vst.idx.msk $0xffff, v4;
	v4 =	vld [tilespmem:s28+$0x10]  }
0x6a: {  	[tilespmem:v0+s27+$0x450 ss:$0x1] =	vst.idx.msk $0xffff, v5;
	v5 =	vld [tilespmem:s28+$0x20]  }
0x6b: {  	[tilespmem:v0+s27+$0x460 ss:$0x1] =	vst.idx.msk $0xffff, v6;
	v6 =	vld [tilespmem:s28+$0x30]  }
0x6c: {  	[tilespmem:v0+s27+$0x470 ss:$0x1] =	vst.idx.msk $0xffff, v2;
	v2 =	vld [tilespmem:s28+$0x40]  }
0x6d: {  	[tilespmem:v1+s27+$0xFFFFFC00 ss:$0x1] =	vst.idx.msk $0xffff, v3;
	v3 =	vld [tilespmem:s28+$0x50]  }
0x6e: {  	[tilespmem:v0+s27+$0x810 ss:$0x1] =	vst.idx.msk $0xffff, v4;
	v4 =	vld [tilespmem:s28+$0x60]  }
0x6f: {  	[tilespmem:v0+s27+$0x820 ss:$0x1] =	vst.idx.msk $0xffff, v5;
	v5 =	vld [tilespmem:s28+$0x70]  }
0x70: {  	[tilespmem:v0+s27+$0x830 ss:$0x1] =	vst.idx.msk $0xffff, v6;
	v6 =	vld [tilespmem:s28+$0x200]  }
0x71: {  	[tilespmem:v0+s27+$0x840 ss:$0x1] =	vst.idx.msk $0xffff, v2;
	v2 =	vld [tilespmem:s28+$0x210]  }
0x72: {  	[tilespmem:v0+s27+$0x850 ss:$0x1] =	vst.idx.msk $0xffff, v3;
	v3 =	vld [tilespmem:s28+$0x220]  }
0x73: {  	[tilespmem:v0+s27+$0x860 ss:$0x1] =	vst.idx.msk $0xffff, v4;
	v7 =	vld [tilespmem:s28+$0x230]  }
.Ltmp3:
0x74: {  	[tilespmem:v0+s27+$0x870 ss:$0x1] =	vst.idx.msk $0xffff, v5;
	v4 =	vld [tilespmem:s28+$0x240];
	(pc) =	sbr.rel @p0 .LBB1_4-.Ltmp3, $4  }
0x75: {  	[tilespmem:v1+s27+$0x0 ss:$0x1] =	vst.idx.msk $0xffff, v6;
	v5 =	vld [tilespmem:s28+$0x250]  }
0x76: {  	[tilespmem:v0+s27+$0xC10 ss:$0x1] =	vst.idx.msk $0xffff, v2;
	v6 =	vld [tilespmem:s28+$0x260]  }
0x77: {  	v2 =	vld [tilespmem:s28+$0xFFFFFC00];
	[tilespmem:v0+s27+$0xC20 ss:$0x1] =	vst.idx.msk $0xffff, v3;
	s28 =	sadd.s32 $0x80, s28  }
0x78: {  	s30 =	sadd.s32 $0x4000, s30;
	v3 =	vld [tilespmem:s28+$0x270];
	[tilespmem:v0+s27+$0xC30 ss:$0x1] =	vst.idx.msk $0xffff, v7  }
0x79: {  	_ =	sdelay $0x3  }
0x7a: {  	v7 =	vld [tilespmem:s28+$0xFFFFFC10];
	[tilespmem:v0+s27+$0xC40 ss:$0x1] =	vst.idx.msk $0xffff, v4  }
0x7b: {  	v34 =	vld [tilespmem:s28+$0xFFFFFC20];
	[tilespmem:v0+s27+$0xC50 ss:$0x1] =	vst.idx.msk $0xffff, v5  }
0x7c: {  	v35 =	vld [tilespmem:s28+$0xFFFFFC30];
	[tilespmem:v0+s27+$0xC60 ss:$0x1] =	vst.idx.msk $0xffff, v6  }
0x7d: {  	s29 =	sshra.s32 s29, $0x2;
	v36 =	vld [tilespmem:s28+$0xFFFFFC40];
	[tilespmem:v0+s27+$0x0 ss:$0x1] =	vst.idx.msk $0xffff, v2  }
0x7e: {  	v37 =	vld [tilespmem:s28+$0xFFFFFC50];
	[tilespmem:v0+s29+$0xC70 ss:$0x1] =	vst.idx.msk $0xffff, v3  }
0x7f: {  	v38 =	vld [tilespmem:s28+$0xFFFFFC60];
	[tilespmem:v0+s29+$0x10 ss:$0x1] =	vst.idx.msk $0xffff, v7  }
0x80: {  	v39 =	vld [tilespmem:s28+$0xFFFFFC70];
	[tilespmem:v0+s29+$0x20 ss:$0x1] =	vst.idx.msk $0xffff, v34  }
0x81: {  	v40 =	vld [tilespmem:s28+$0xFFFFFE00];
	[tilespmem:v0+s29+$0x30 ss:$0x1] =	vst.idx.msk $0xffff, v35  }
0x82: {  	v41 =	vld [tilespmem:s28+$0xFFFFFE10];
	[tilespmem:v0+s29+$0x40 ss:$0x1] =	vst.idx.msk $0xffff, v36  }
0x83: {  	v42 =	vld [tilespmem:s28+$0xFFFFFE20];
	[tilespmem:v0+s29+$0x50 ss:$0x1] =	vst.idx.msk $0xffff, v37  }
0x84: {  	v43 =	vld [tilespmem:s28+$0xFFFFFE30];
	[tilespmem:v0+s29+$0x60 ss:$0x1] =	vst.idx.msk $0xffff, v38  }
0x85: {  	v44 =	vld [tilespmem:s28+$0xFFFFFE40];
	[tilespmem:v0+s29+$0x70 ss:$0x1] =	vst.idx.msk $0xffff, v39  }
0x86: {  	v45 =	vld [tilespmem:s28+$0xFFFFFE50];
	[tilespmem:v1+s29+$0xFFFFF800 ss:$0x1] =	vst.idx.msk $0xffff, v40  }
0x87: {  	v46 =	vld [tilespmem:s28+$0xFFFFFE60];
	[tilespmem:v0+s29+$0x410 ss:$0x1] =	vst.idx.msk $0xffff, v41  }
0x88: {  	v47 =	vld [tilespmem:s28+$0xFFFFFE70];
	[tilespmem:v0+s29+$0x420 ss:$0x1] =	vst.idx.msk $0xffff, v42  }
0x89: {  	v48 =	vld [tilespmem:s28+$0x0];
	[tilespmem:v0+s29+$0x430 ss:$0x1] =	vst.idx.msk $0xffff, v43  }
0x8a: {  	v49 =	vld [tilespmem:s28+$0x10];
	[tilespmem:v0+s29+$0x440 ss:$0x1] =	vst.idx.msk $0xffff, v44  }
0x8b: {  	v50 =	vld [tilespmem:s28+$0x20];
	[tilespmem:v0+s29+$0x450 ss:$0x1] =	vst.idx.msk $0xffff, v45  }
0x8c: {  	v51 =	vld [tilespmem:s28+$0x30];
	[tilespmem:v0+s29+$0x460 ss:$0x1] =	vst.idx.msk $0xffff, v46  }
0x8d: {  	v52 =	vld [tilespmem:s28+$0x40];
	[tilespmem:v0+s29+$0x470 ss:$0x1] =	vst.idx.msk $0xffff, v47  }
0x8e: {  	v53 =	vld [tilespmem:s28+$0x50];
	[tilespmem:v1+s29+$0xFFFFFC00 ss:$0x1] =	vst.idx.msk $0xffff, v48  }
0x8f: {  	v54 =	vld [tilespmem:s28+$0x60];
	[tilespmem:v0+s29+$0x810 ss:$0x1] =	vst.idx.msk $0xffff, v49  }
0x90: {  	v55 =	vld [tilespmem:s28+$0x70];
	[tilespmem:v0+s29+$0x820 ss:$0x1] =	vst.idx.msk $0xffff, v50  }
0x91: {  	v56 =	vld [tilespmem:s28+$0x200];
	[tilespmem:v0+s29+$0x830 ss:$0x1] =	vst.idx.msk $0xffff, v51  }
0x92: {  	v57 =	vld [tilespmem:s28+$0x210];
	[tilespmem:v0+s29+$0x840 ss:$0x1] =	vst.idx.msk $0xffff, v52  }
0x93: {  	v58 =	vld [tilespmem:s28+$0x220];
	[tilespmem:v0+s29+$0x850 ss:$0x1] =	vst.idx.msk $0xffff, v53  }
0x94: {  	v59 =	vld [tilespmem:s28+$0x230];
	[tilespmem:v0+s29+$0x860 ss:$0x1] =	vst.idx.msk $0xffff, v54  }
0x95: {  	v60 =	vld [tilespmem:s28+$0x240];
	[tilespmem:v0+s29+$0x870 ss:$0x1] =	vst.idx.msk $0xffff, v55  }
0x96: {  	v61 =	vld [tilespmem:s28+$0x250];
	[tilespmem:v1+s29+$0x0 ss:$0x1] =	vst.idx.msk $0xffff, v56  }
0x97: {  	v62 =	vld [tilespmem:s28+$0x260];
	s26 =	sadd.s32 $0x1, s26;
	[tilespmem:v0+s29+$0xC10 ss:$0x1] =	vst.idx.msk $0xffff, v57  }
0x98: {  	v63 =	vld [tilespmem:s28+$0xFFFFFC00];
	p0 =	sne.s32 s26, $0x8;
	[tilespmem:v0+s29+$0xC20 ss:$0x1] =	vst.idx.msk $0xffff, v58  }
.Ltmp4:
0x99: {  	[tilespmem:v0+s29+$0xC30 ss:$0x1] =	vst.idx.msk $0xffff, v59;
	(pc) =	sbr.rel @p0 .LBB1_3-.Ltmp4, $4  }
0x9a: {  	[tilespmem:v0+s29+$0xC40 ss:$0x1] =	vst.idx.msk $0xffff, v60  }
0x9b: {  	[tilespmem:v0+s29+$0xC50 ss:$0x1] =	vst.idx.msk $0xffff, v61  }
0x9c: {  	s21 =	sadd.s32 $0x800, s21;
	[tilespmem:v0+s29+$0xC60 ss:$0x1] =	vst.idx.msk $0xffff, v62  }
0x9d: {  	s25 =	sadd.s32 $0x80, s25;
	s24 =	sadd.s32 $0x1, s24;
	s22 =	sadd.s32 $0x80, s22;
	[tilespmem:v0+s29+$0x0 ss:$0x1] =	vst.idx.msk $0xffff, v63  }
0x9e: {  	s21 =	sshrl.u32 s19, $0x3  }
0x9f: {  	s22 =	sshll.u32 s18, $0x3;
	s27 =	sshll.u32 s19, $0x7;
	s21 =	smul.u32 $0xA000, s21  }
0xa0: {  	s28 =	sand.u32 $0x7F, s18;
	s22 =	sand.u32 $0xFFFFFC00, s22;
	s19 =	sand.u32 $0x380, s27  }
0xa1: {  	s18 =	sor.u32 s19, s28;
	s21 =	sadd.s32 s21, s22  }
0xa2: {  	s18 =	sor.u32 s21, s18;
	s21 =	smulhi.u32 $0xCCCCCCCD, s21  }
0xa3: {  	s29 =	smulhi.u32 $0xCCCCCCCD, s18  }
0xa4: {  	s17 =	smul.u32 $0x5000, s17  }
0xa5: {  	s16 =	smul.u32 $0x5A000, s16;
	s21 =	sshrl.u32 s21, $0xC;
	s19 =	sshrl.u32 s29, $0xC  }
0xa6: {  	s21 =	sand.u32 $0x1F, s21;
	s19 =	smul.u32 $0x1400, s19  }
0xa7: {  	s30 =	smul.u32 $0x280, s21  }
.Ltmp5:
0xa8: {  	s17 =	sadd.s32 s7, s17;
	s18 =	ssub.s32 s18, s19;
	(pc) =	sbr.rel .LBB1_7-.Ltmp5, $4  }
0xa9: {  	s16 =	sadd.s32 s16, s17;
	s31 =	sand.u32 $0x7, s18  }
0xaa: {  	s16 =	sadd.s32 s30, s16;
	s18 =	sshrl.u32 s18, $0x3;
	s17 =	sshll.u32 s31, $0x12  }
0xab: {  	s16 =	sadd.s32 s18, s16;
	s17 =	sor.u32 $0x1000, s17  }
0xac: {  	[hbm4b:s16+s17] =	stream.strided.scatter [tilespmem:s20], [sflag:$0x2], $0x4000, s9, s17, $0x38;
	[tilespmem:$0x10000] =	vst v63  }
.LBB1_8:
0xad: {  	_ =	sfence.sel $0x180000  }
0xae: {  	s1 =	simm.s32 $0x1;
	[bflag:$0x0] =	sbarrier.arrive $0xFFFF  }
0xaf: {  	s31 =	simm.s32 $0x2;
	[sflag:s1] =	ssyncpa.u1 $0x1  }
0xb0: {  	[sflag:s31] =	ssyncpa.u1 $0x1  }
0xb1: {  	p0 =	sne.s32 s0, $0x0;
	_ =	strace $0x9000004A  }
0xb2: {  	s0 =	sadd.s32 @!p0 $0x100000, s3;
	[bflag:$0x2] =	sbarrier.arrive $0xFFFF  }
0xb3: {  	[sflag:s0] =	ssyncadd.tile.s32 @!p0 $0x1;
	_ =	shalt  }
.Lfunc_end1:
_tile_overlayer_lowered:
.L_overlay_start_2:
0xb4: {  	(tag) =	ssettag $0x2  }
0xb5: {  	s0 =	rddreg [dreg:$0x0];
	s2 =	stileid.u32  }
0xb6: {  	s1 =	rddreg [dreg:$0x1];
	p0 =	sne.s32 s2, $0x0  }
0xb7: {  	s3 =	rddreg [dreg:$0x2];
	[bflag:$0x3] =	sbarrier.arrive $0xFFFF;
	s2 =	simm.s32 @!p0 $0x1C01  }
0xb8: {  	[timem:s3], [sflag:s2] =	dma.local @!p0 [hbm:s0], s1  }
0xb9: {  	s0 =	simm.s32 @!p0 $0x1  }
0xba: {  	_ =	swait.ge @!p0 [sflag:s0], s1  }
0xbb: {  	s1 =	ssub.s32 @!p0 $0x0, s1;
	[sflag:s0] =	ssyncset.done @!p0 $0x0  }
0xbc: {  	[sflag:s0] =	ssyncadd.s32 @!p0 s1  }
0xbd: {  	[bflag:$0x3] =	sbarrier.arrive $0xFFFF  }
0xbe: {  	_ =	shalt  }

</sc_bundles>
